<compile_context>
chip_gen: v7x
topology: tpu7x:2x2x1
jax: 0.10.2.dev20260603
libtpu: 0.0.44.dev20260713+nightly
codegen_flags: <defaults>
</compile_context>

<pallas_src>
import functools

import jax
import jax.numpy as jnp
from jax import lax
from jax.experimental import pallas as pl
from jax.experimental.pallas import tpu as pltpu
from jax.experimental.pallas import tpu_sc as plsc

BATCH = 16384
D = 64
CR = 128


def kernel(user, item_i, item_j, embed_user, embed_item):
    info = plsc.get_sparse_core_info()
    NC, NS = info.num_cores, info.num_subcores
    NW = NC * NS
    BPW = BATCH // NW
    NCHK = BPW // CR

    u2 = user.reshape(NW, BPW)
    i2 = item_i.reshape(NW, BPW)
    j2 = item_j.reshape(NW, BPW)

    eu_b = embed_user.astype(jnp.bfloat16)
    ei_b = embed_item.astype(jnp.bfloat16)

    mesh = plsc.VectorSubcoreMesh(core_axis_name="c", subcore_axis_name="s")

    @functools.partial(
        pl.kernel,
        out_type=(jax.ShapeDtypeStruct((BATCH,), jnp.float32),
                  jax.ShapeDtypeStruct((BATCH,), jnp.float32)),
        mesh=mesh,
        compiler_params=pltpu.CompilerParams(needs_layout_passes=False),
        scratch_types=[
            pltpu.VMEM((BPW,), jnp.int32),
            pltpu.VMEM((BPW,), jnp.int32),
            pltpu.VMEM((BPW,), jnp.int32),
            pltpu.VMEM((CR, D), jnp.int32),
            pltpu.VMEM((CR, D), jnp.int32),
            pltpu.VMEM((CR, D), jnp.int32),
            pltpu.VMEM((BPW,), jnp.float32),
            pltpu.VMEM((BPW,), jnp.float32),
            pltpu.SemaphoreType.DMA,
        ],
    )
    def bprmf(u_hbm, ii_hbm, ij_hbm, eu_hbm, ei_hbm, oi_hbm, oj_hbm,
              ru_v, ri_v, rj_v, gu_v, gi_v, gj_v, oi_v, oj_v, sem):
        wid = lax.axis_index("s") * NC + lax.axis_index("c")
        pltpu.sync_copy(u_hbm.at[wid], ru_v)
        pltpu.sync_copy(ii_hbm.at[wid], ri_v)
        pltpu.sync_copy(ij_hbm.at[wid], rj_v)

        eu_w = eu_hbm.bitcast(jnp.int32)
        ei_w = ei_hbm.bitcast(jnp.int32)

        iota16 = lax.iota(jnp.int32, 16)

        def chunk_body(c, carry):
            def fire_body(g, carry2):
                base = pl.multiple_of(c * CR + g * 16, 16)
                uvec = ru_v[pl.ds(base, 16)] >> 1
                ivec = ri_v[pl.ds(base, 16)] >> 1
                jvec = rj_v[pl.ds(base, 16)] >> 1
                for l in range(16):
                    k = g * 16 + l
                    pltpu.async_copy(eu_w.at[uvec[l]], gu_v.at[k], sem)
                    pltpu.async_copy(ei_w.at[ivec[l]], gi_v.at[k], sem)
                    pltpu.async_copy(ei_w.at[jvec[l]], gj_v.at[k], sem)
                return carry2

            lax.fori_loop(0, CR // 16, fire_body, 0)
            pltpu.make_async_copy(eu_w.at[pl.ds(0, CR)], gu_v, sem).wait()
            pltpu.make_async_copy(eu_w.at[pl.ds(0, CR)], gi_v, sem).wait()
            pltpu.make_async_copy(eu_w.at[pl.ds(0, CR)], gj_v, sem).wait()

            himask = jnp.full((16,), -65536, jnp.int32)

            def group_body(g, carry2):
                off = pl.multiple_of(c * CR + g * 16, 16)
                uodd = (ru_v[pl.ds(off, 16)] & 1) == 1
                iodd = (ri_v[pl.ds(off, 16)] & 1) == 1
                jodd = (rj_v[pl.ds(off, 16)] & 1) == 1
                items = g * 16 + iota16
                acc_i = jnp.zeros((16,), jnp.float32)
                acc_j = jnp.zeros((16,), jnp.float32)
                for d in range(D):
                    cols = jnp.full((16,), d, jnp.int32)
                    pu = plsc.load_gather(gu_v, [items, cols])
                    pi = plsc.load_gather(gi_v, [items, cols])
                    pj = plsc.load_gather(gj_v, [items, cols])
                    uu = plsc.bitcast(
                        jnp.where(uodd, pu & himask, pu << 16), jnp.float32)
                    vi = plsc.bitcast(
                        jnp.where(iodd, pi & himask, pi << 16), jnp.float32)
                    vj = plsc.bitcast(
                        jnp.where(jodd, pj & himask, pj << 16), jnp.float32)
                    acc_i = acc_i + uu * vi
                    acc_j = acc_j + uu * vj
                off = pl.multiple_of(c * CR + g * 16, 16)
                oi_v[pl.ds(off, 16)] = acc_i
                oj_v[pl.ds(off, 16)] = acc_j
                return carry2

            lax.fori_loop(0, CR // 16, group_body, 0)
            return carry

        lax.fori_loop(0, NCHK, chunk_body, 0)

        obase = pl.multiple_of(wid * BPW, BPW)
        pltpu.sync_copy(oi_v, oi_hbm.at[pl.ds(obase, BPW)])
        pltpu.sync_copy(oj_v, oj_hbm.at[pl.ds(obase, BPW)])

    return bprmf(u2, i2, j2, eu_b, ei_b)

# --- scband reference (transcript-rebuilt; emitter-appended) ---
"""Pipeline reference for scband-bprmf-31877247271370 (READ-ONLY COPY).

The authoritative reference and input builder live on the scoring server;
editing this copy changes nothing except your own understanding.
"""

import jax, jax.numpy as jnp
import numpy as np

USER_NUM = 1000000
ITEM_NUM = 1000000
FACTOR_NUM = 64
BATCH = 16384

def setup_inputs(seed: int = 0) -> dict:
    key = jax.random.key(seed)
    k1, k2, k3, k4, k5 = jax.random.split(key, 5)
    user = jax.random.randint(k1, (BATCH,), 0, USER_NUM, dtype=jnp.int64 if jax.config.jax_enable_x64 else jnp.int32)
    item_i = jax.random.randint(k2, (BATCH,), 0, ITEM_NUM, dtype=jnp.int64 if jax.config.jax_enable_x64 else jnp.int32)
    item_j = jax.random.randint(k3, (BATCH,), 0, ITEM_NUM, dtype=jnp.int64 if jax.config.jax_enable_x64 else jnp.int32)
    embed_user = jax.random.normal(k4, (USER_NUM, FACTOR_NUM), dtype=jnp.float32) * 0.01
    embed_item = jax.random.normal(k5, (ITEM_NUM, FACTOR_NUM), dtype=jnp.float32) * 0.01
    return {"user": user, "item_i": item_i, "item_j": item_j, "embed_user": embed_user, "embed_item": embed_item}

def reference(user, item_i, item_j, embed_user, embed_item):
    # embedding lookups (gather on SparseCore)
    u = jnp.take(embed_user, user, axis=0)
    vi = jnp.take(embed_item, item_i, axis=0)
    vj = jnp.take(embed_item, item_j, axis=0)
    pred_i = (u * vi).sum(axis=-1)
    pred_j = (u * vj).sum(axis=-1)
    return (pred_i, pred_j)

if __name__ == "__main__":
    import jax
    _d = setup_inputs()
    print(jax.jit(kernel)(*tuple(_d.values())))

</pallas_src>

<mosaic_0001>
#map = affine_map<(d0, d1) -> (0, 0)>
#map1 = affine_map<(d0, d1) -> (0)>
module attributes {stable_mosaic.version = 14 : i64} {
  func.func @bprmf(%arg0: i32, %arg1: i32, %arg2: memref<32x512xi32, #tpu.memory_space<hbm>>, %arg3: memref<32x512xi32, #tpu.memory_space<hbm>>, %arg4: memref<32x512xi32, #tpu.memory_space<hbm>>, %arg5: memref<1000000x64xbf16, #tpu.memory_space<hbm>>, %arg6: memref<1000000x64xbf16, #tpu.memory_space<hbm>>, %arg7: memref<16384xf32, #tpu.memory_space<hbm>>, %arg8: memref<16384xf32, #tpu.memory_space<hbm>>, %arg9: memref<512xi32, #tpu.memory_space<vmem>>, %arg10: memref<512xi32, #tpu.memory_space<vmem>>, %arg11: memref<512xi32, #tpu.memory_space<vmem>>, %arg12: memref<128x64xi32, #tpu.memory_space<vmem>>, %arg13: memref<128x64xi32, #tpu.memory_space<vmem>>, %arg14: memref<128x64xi32, #tpu.memory_space<vmem>>, %arg15: memref<512xf32, #tpu.memory_space<vmem>>, %arg16: memref<512xf32, #tpu.memory_space<vmem>>, %arg17: memref<!tpu.dma_semaphore, #tpu.memory_space<semaphore_mem>>) attributes {dimension_semantics = [#tpu.dimension_semantics<core_parallel>, #tpu.dimension_semantics<subcore_parallel>], iteration_bounds = array<i64: 2, 16>, scalar_prefetch = 0 : i64, scratch_operands = 9 : i64, tpu.core_type = #tpu.core_type<sc_vector_subcore>, window_params = [{transform_indices = #map}, {transform_indices = #map}, {transform_indices = #map}, {transform_indices = #map}, {transform_indices = #map}, {transform_indices = #map1}, {transform_indices = #map1}]} {
    %mul3A = arith.constant 2 : i32
    %mul3A_0 = arith.muli %arg1, %mul3A : i32
    %add3A = arith.addi %mul3A_0, %arg0 : i32
    "tpu.region"() ({
      %run_scoped3A = tpu.sem_alloc : memref<!tpu.dma_semaphore, #tpu.memory_space<semaphore_mem>>
      %dma_start3A = arith.constant 0 : i32
      %dma_start3A_8 = tpu.memref_slice %arg2[%add3A, %dma_start3A] : memref<32x512xi32, #tpu.memory_space<hbm>> -> memref<1x512xi32, #tpu.memory_space<hbm>>
      %dma_start3A_9 = tpu.memref_squeeze %dma_start3A_8 : memref<1x512xi32, #tpu.memory_space<hbm>> -> memref<512xi32, #tpu.memory_space<hbm>>
      %dma_start3A_10 = arith.constant 0 : i32
      %dma_start3A_11 = tpu.memref_slice %arg2[%add3A, %dma_start3A_10] : memref<32x512xi32, #tpu.memory_space<hbm>> -> memref<1x512xi32, #tpu.memory_space<hbm>>
      %dma_start3A_12 = tpu.memref_squeeze %dma_start3A_11 : memref<1x512xi32, #tpu.memory_space<hbm>> -> memref<512xi32, #tpu.memory_space<hbm>>
      tpu.enqueue_dma source(%dma_start3A_12 : memref<512xi32, #tpu.memory_space<hbm>>) target(%arg9 : memref<512xi32, #tpu.memory_space<vmem>>) target_semaphore(%run_scoped3A : memref<!tpu.dma_semaphore, #tpu.memory_space<semaphore_mem>>)
      %dma_wait3A = arith.constant 0 : i32
      %dma_wait3A_13 = tpu.memref_slice %arg2[%add3A, %dma_wait3A] : memref<32x512xi32, #tpu.memory_space<hbm>> -> memref<1x512xi32, #tpu.memory_space<hbm>>
      %dma_wait3A_14 = tpu.memref_squeeze %dma_wait3A_13 : memref<1x512xi32, #tpu.memory_space<hbm>> -> memref<512xi32, #tpu.memory_space<hbm>>
      %dma_wait3A_15 = arith.constant 0 : i32
      %dma_wait3A_16 = tpu.memref_slice %arg2[%add3A, %dma_wait3A_15] : memref<32x512xi32, #tpu.memory_space<hbm>> -> memref<1x512xi32, #tpu.memory_space<hbm>>
      %dma_wait3A_17 = tpu.memref_squeeze %dma_wait3A_16 : memref<1x512xi32, #tpu.memory_space<hbm>> -> memref<512xi32, #tpu.memory_space<hbm>>
      tpu.wait_dma2 semaphore(%run_scoped3A : memref<!tpu.dma_semaphore, #tpu.memory_space<semaphore_mem>>) src(%dma_wait3A_17 : memref<512xi32, #tpu.memory_space<hbm>>) dst(%arg9 : memref<512xi32, #tpu.memory_space<vmem>>)
      tpu.yield
    }) : () -> ()
    "tpu.region"() ({
      %run_scoped3A = tpu.sem_alloc : memref<!tpu.dma_semaphore, #tpu.memory_space<semaphore_mem>>
      %dma_start3A = arith.constant 0 : i32
      %dma_start3A_8 = tpu.memref_slice %arg3[%add3A, %dma_start3A] : memref<32x512xi32, #tpu.memory_space<hbm>> -> memref<1x512xi32, #tpu.memory_space<hbm>>
      %dma_start3A_9 = tpu.memref_squeeze %dma_start3A_8 : memref<1x512xi32, #tpu.memory_space<hbm>> -> memref<512xi32, #tpu.memory_space<hbm>>
      %dma_start3A_10 = arith.constant 0 : i32
      %dma_start3A_11 = tpu.memref_slice %arg3[%add3A, %dma_start3A_10] : memref<32x512xi32, #tpu.memory_space<hbm>> -> memref<1x512xi32, #tpu.memory_space<hbm>>
      %dma_start3A_12 = tpu.memref_squeeze %dma_start3A_11 : memref<1x512xi32, #tpu.memory_space<hbm>> -> memref<512xi32, #tpu.memory_space<hbm>>
      tpu.enqueue_dma source(%dma_start3A_12 : memref<512xi32, #tpu.memory_space<hbm>>) target(%arg10 : memref<512xi32, #tpu.memory_space<vmem>>) target_semaphore(%run_scoped3A : memref<!tpu.dma_semaphore, #tpu.memory_space<semaphore_mem>>)
      %dma_wait3A = arith.constant 0 : i32
      %dma_wait3A_13 = tpu.memref_slice %arg3[%add3A, %dma_wait3A] : memref<32x512xi32, #tpu.memory_space<hbm>> -> memref<1x512xi32, #tpu.memory_space<hbm>>
      %dma_wait3A_14 = tpu.memref_squeeze %dma_wait3A_13 : memref<1x512xi32, #tpu.memory_space<hbm>> -> memref<512xi32, #tpu.memory_space<hbm>>
      %dma_wait3A_15 = arith.constant 0 : i32
      %dma_wait3A_16 = tpu.memref_slice %arg3[%add3A, %dma_wait3A_15] : memref<32x512xi32, #tpu.memory_space<hbm>> -> memref<1x512xi32, #tpu.memory_space<hbm>>
      %dma_wait3A_17 = tpu.memref_squeeze %dma_wait3A_16 : memref<1x512xi32, #tpu.memory_space<hbm>> -> memref<512xi32, #tpu.memory_space<hbm>>
      tpu.wait_dma2 semaphore(%run_scoped3A : memref<!tpu.dma_semaphore, #tpu.memory_space<semaphore_mem>>) src(%dma_wait3A_17 : memref<512xi32, #tpu.memory_space<hbm>>) dst(%arg10 : memref<512xi32, #tpu.memory_space<vmem>>)
      tpu.yield
    }) : () -> ()
    "tpu.region"() ({
      %run_scoped3A = tpu.sem_alloc : memref<!tpu.dma_semaphore, #tpu.memory_space<semaphore_mem>>
      %dma_start3A = arith.constant 0 : i32
      %dma_start3A_8 = tpu.memref_slice %arg4[%add3A, %dma_start3A] : memref<32x512xi32, #tpu.memory_space<hbm>> -> memref<1x512xi32, #tpu.memory_space<hbm>>
      %dma_start3A_9 = tpu.memref_squeeze %dma_start3A_8 : memref<1x512xi32, #tpu.memory_space<hbm>> -> memref<512xi32, #tpu.memory_space<hbm>>
      %dma_start3A_10 = arith.constant 0 : i32
      %dma_start3A_11 = tpu.memref_slice %arg4[%add3A, %dma_start3A_10] : memref<32x512xi32, #tpu.memory_space<hbm>> -> memref<1x512xi32, #tpu.memory_space<hbm>>
      %dma_start3A_12 = tpu.memref_squeeze %dma_start3A_11 : memref<1x512xi32, #tpu.memory_space<hbm>> -> memref<512xi32, #tpu.memory_space<hbm>>
      tpu.enqueue_dma source(%dma_start3A_12 : memref<512xi32, #tpu.memory_space<hbm>>) target(%arg11 : memref<512xi32, #tpu.memory_space<vmem>>) target_semaphore(%run_scoped3A : memref<!tpu.dma_semaphore, #tpu.memory_space<semaphore_mem>>)
      %dma_wait3A = arith.constant 0 : i32
      %dma_wait3A_13 = tpu.memref_slice %arg4[%add3A, %dma_wait3A] : memref<32x512xi32, #tpu.memory_space<hbm>> -> memref<1x512xi32, #tpu.memory_space<hbm>>
      %dma_wait3A_14 = tpu.memref_squeeze %dma_wait3A_13 : memref<1x512xi32, #tpu.memory_space<hbm>> -> memref<512xi32, #tpu.memory_space<hbm>>
      %dma_wait3A_15 = arith.constant 0 : i32
      %dma_wait3A_16 = tpu.memref_slice %arg4[%add3A, %dma_wait3A_15] : memref<32x512xi32, #tpu.memory_space<hbm>> -> memref<1x512xi32, #tpu.memory_space<hbm>>
      %dma_wait3A_17 = tpu.memref_squeeze %dma_wait3A_16 : memref<1x512xi32, #tpu.memory_space<hbm>> -> memref<512xi32, #tpu.memory_space<hbm>>
      tpu.wait_dma2 semaphore(%run_scoped3A : memref<!tpu.dma_semaphore, #tpu.memory_space<semaphore_mem>>) src(%dma_wait3A_17 : memref<512xi32, #tpu.memory_space<hbm>>) dst(%arg11 : memref<512xi32, #tpu.memory_space<vmem>>)
      tpu.yield
    }) : () -> ()
    %iota3A = tpu.iota {dimensions = array<i32: 0>} : vector<16xi32>
    %scan3A = arith.constant 0 : i32
    %scan3A_1 = arith.constant 0 : i32
    %scan3A_2 = arith.constant 4 : i32
    %scan3A_3 = arith.addi %scan3A_1, %scan3A_2 : i32
    %scan3A_4 = arith.constant 1 : i32
    scf.for %scan3A_8 = %scan3A_1 to %scan3A_3 step %scan3A_4  : i32 {
      %scan3A_9 = arith.constant 0 : i32
      %scan3A_10 = arith.constant 0 : i32
      %scan3A_11 = arith.constant 8 : i32
      %scan3A_12 = arith.addi %scan3A_10, %scan3A_11 : i32
      %scan3A_13 = arith.constant 1 : i32
      scf.for %scan3A_45 = %scan3A_10 to %scan3A_12 step %scan3A_13  : i32 {
        %mul3A_46 = arith.constant 128 : i32
        %mul3A_47 = arith.muli %scan3A_8, %mul3A_46 : i32
        %mul3A_48 = arith.constant 16 : i32
        %mul3A_49 = arith.muli %scan3A_45, %mul3A_48 : i32
        %add3A_50 = arith.addi %mul3A_47, %mul3A_49 : i32
        %multiple_of3A_51 = tpu.assume_multiple %add3A_50, 16 : i32
        %get3A = arith.index_cast %multiple_of3A_51 : i32 to index
        %get3A_52 = tpu.vector_load %arg9[%get3A] {strides = array<i32>} : memref<512xi32, #tpu.memory_space<vmem>>, vector<16xi32>,
        %shift_right_arithmetic3A = arith.constant 1 : i32
        %shift_right_arithmetic3A_53 = vector.broadcast %shift_right_arithmetic3A : i32 to vector<16xi32>
        %shift_right_arithmetic3A_54 = arith.shrsi %get3A_52, %shift_right_arithmetic3A_53 : vector<16xi32>
        %get3A_55 = arith.index_cast %multiple_of3A_51 : i32 to index
        %get3A_56 = tpu.vector_load %arg10[%get3A_55] {strides = array<i32>} : memref<512xi32, #tpu.memory_space<vmem>>, vector<16xi32>,
        %shift_right_arithmetic3A_57 = arith.constant 1 : i32
        %shift_right_arithmetic3A_58 = vector.broadcast %shift_right_arithmetic3A_57 : i32 to vector<16xi32>
        %shift_right_arithmetic3A_59 = arith.shrsi %get3A_56, %shift_right_arithmetic3A_58 : vector<16xi32>
        %get3A_60 = arith.index_cast %multiple_of3A_51 : i32 to index
        %get3A_61 = tpu.vector_load %arg11[%get3A_60] {strides = array<i32>} : memref<512xi32, #tpu.memory_space<vmem>>, vector<16xi32>,
        %shift_right_arithmetic3A_62 = arith.constant 1 : i32
        %shift_right_arithmetic3A_63 = vector.broadcast %shift_right_arithmetic3A_62 : i32 to vector<16xi32>
        %shift_right_arithmetic3A_64 = arith.shrsi %get3A_61, %shift_right_arithmetic3A_63 : vector<16xi32>
        %mul3A_65 = arith.constant 16 : i32
        %mul3A_66 = arith.muli %scan3A_45, %mul3A_65 : i32
        %add3A_67 = arith.constant 0 : i32
        %add3A_68 = arith.addi %mul3A_66, %add3A_67 : i32
        %slice3A = vector.extract_strided_slice %shift_right_arithmetic3A_54 {offsets = [0], sizes = [1], strides = [1]} : vector<16xi32> to vector<1xi32>
        %squeeze3A = vector.extract %slice3A[0] : i32 from vector<1xi32>
        %dma_start3A = arith.constant 0 : i32
        %dma_start3A_69 = tpu.memref_slice %arg12[%add3A_68, %dma_start3A] : memref<128x64xi32, #tpu.memory_space<vmem>> -> memref<1x64xi32, #tpu.memory_space<vmem>>
        %dma_start3A_70 = tpu.memref_squeeze %dma_start3A_69 : memref<1x64xi32, #tpu.memory_space<vmem>> -> memref<64xi32, #tpu.memory_space<vmem>>
        %dma_start3A_71 = tpu.memref_bitcast %arg5 : memref<1000000x64xbf16, #tpu.memory_space<hbm>> -> memref<500000x64xi32, #tpu.memory_space<hbm>>
        %dma_start3A_72 = arith.constant 0 : i32
        %dma_start3A_73 = tpu.memref_slice %dma_start3A_71[%squeeze3A, %dma_start3A_72] : memref<500000x64xi32, #tpu.memory_space<hbm>> -> memref<1x64xi32, #tpu.memory_space<hbm>>
        %dma_start3A_74 = tpu.memref_squeeze %dma_start3A_73 : memref<1x64xi32, #tpu.memory_space<hbm>> -> memref<64xi32, #tpu.memory_space<hbm>>
        %dma_start3A_75 = arith.constant 0 : i32
        %dma_start3A_76 = tpu.memref_slice %arg12[%add3A_68, %dma_start3A_75] : memref<128x64xi32, #tpu.memory_space<vmem>> -> memref<1x64xi32, #tpu.memory_space<vmem>>
        %dma_start3A_77 = tpu.memref_squeeze %dma_start3A_76 : memref<1x64xi32, #tpu.memory_space<vmem>> -> memref<64xi32, #tpu.memory_space<vmem>>
        %dma_start3A_78 = tpu.memref_bitcast %arg5 : memref<1000000x64xbf16, #tpu.memory_space<hbm>> -> memref<500000x64xi32, #tpu.memory_space<hbm>>
        %dma_start3A_79 = arith.constant 0 : i32
        %dma_start3A_80 = tpu.memref_slice %dma_start3A_78[%squeeze3A, %dma_start3A_79] : memref<500000x64xi32, #tpu.memory_space<hbm>> -> memref<1x64xi32, #tpu.memory_space<hbm>>
        %dma_start3A_81 = tpu.memref_squeeze %dma_start3A_80 : memref<1x64xi32, #tpu.memory_space<hbm>> -> memref<64xi32, #tpu.memory_space<hbm>>
        tpu.enqueue_dma source(%dma_start3A_81 : memref<64xi32, #tpu.memory_space<hbm>>) target(%dma_start3A_77 : memref<64xi32, #tpu.memory_space<vmem>>) target_semaphore(%arg17 : memref<!tpu.dma_semaphore, #tpu.memory_space<semaphore_mem>>)
        %slice3A_82 = vector.extract_strided_slice %shift_right_arithmetic3A_59 {offsets = [0], sizes = [1], strides = [1]} : vector<16xi32> to vector<1xi32>
        %squeeze3A_83 = vector.extract %slice3A_82[0] : i32 from vector<1xi32>
        %dma_start3A_84 = arith.constant 0 : i32
        %dma_start3A_85 = tpu.memref_slice %arg13[%add3A_68, %dma_start3A_84] : memref<128x64xi32, #tpu.memory_space<vmem>> -> memref<1x64xi32, #tpu.memory_space<vmem>>
        %dma_start3A_86 = tpu.memref_squeeze %dma_start3A_85 : memref<1x64xi32, #tpu.memory_space<vmem>> -> memref<64xi32, #tpu.memory_space<vmem>>
        %dma_start3A_87 = tpu.memref_bitcast %arg6 : memref<1000000x64xbf16, #tpu.memory_space<hbm>> -> memref<500000x64xi32, #tpu.memory_space<hbm>>
        %dma_start3A_88 = arith.constant 0 : i32
        %dma_start3A_89 = tpu.memref_slice %dma_start3A_87[%squeeze3A_83, %dma_start3A_88] : memref<500000x64xi32, #tpu.memory_space<hbm>> -> memref<1x64xi32, #tpu.memory_space<hbm>>
        %dma_start3A_90 = tpu.memref_squeeze %dma_start3A_89 : memref<1x64xi32, #tpu.memory_space<hbm>> -> memref<64xi32, #tpu.memory_space<hbm>>
        %dma_start3A_91 = arith.constant 0 : i32
        %dma_start3A_92 = tpu.memref_slice %arg13[%add3A_68, %dma_start3A_91] : memref<128x64xi32, #tpu.memory_space<vmem>> -> memref<1x64xi32, #tpu.memory_space<vmem>>
        %dma_start3A_93 = tpu.memref_squeeze %dma_start3A_92 : memref<1x64xi32, #tpu.memory_space<vmem>> -> memref<64xi32, #tpu.memory_space<vmem>>
        %dma_start3A_94 = tpu.memref_bitcast %arg6 : memref<1000000x64xbf16, #tpu.memory_space<hbm>> -> memref<500000x64xi32, #tpu.memory_space<hbm>>
        %dma_start3A_95 = arith.constant 0 : i32
        %dma_start3A_96 = tpu.memref_slice %dma_start3A_94[%squeeze3A_83, %dma_start3A_95] : memref<500000x64xi32, #tpu.memory_space<hbm>> -> memref<1x64xi32, #tpu.memory_space<hbm>>
        %dma_start3A_97 = tpu.memref_squeeze %dma_start3A_96 : memref<1x64xi32, #tpu.memory_space<hbm>> -> memref<64xi32, #tpu.memory_space<hbm>>
        tpu.enqueue_dma source(%dma_start3A_97 : memref<64xi32, #tpu.memory_space<hbm>>) target(%dma_start3A_93 : memref<64xi32, #tpu.memory_space<vmem>>) target_semaphore(%arg17 : memref<!tpu.dma_semaphore, #tpu.memory_space<semaphore_mem>>)
        %slice3A_98 = vector.extract_strided_slice %shift_right_arithmetic3A_64 {offsets = [0], sizes = [1], strides = [1]} : vector<16xi32> to vector<1xi32>
        %squeeze3A_99 = vector.extract %slice3A_98[0] : i32 from vector<1xi32>
        %dma_start3A_100 = arith.constant 0 : i32
        %dma_start3A_101 = tpu.memref_slice %arg14[%add3A_68, %dma_start3A_100] : memref<128x64xi32, #tpu.memory_space<vmem>> -> memref<1x64xi32, #tpu.memory_space<vmem>>
        %dma_start3A_102 = tpu.memref_squeeze %dma_start3A_101 : memref<1x64xi32, #tpu.memory_space<vmem>> -> memref<64xi32, #tpu.memory_space<vmem>>
        %dma_start3A_103 = tpu.memref_bitcast %arg6 : memref<1000000x64xbf16, #tpu.memory_space<hbm>> -> memref<500000x64xi32, #tpu.memory_space<hbm>>
        %dma_start3A_104 = arith.constant 0 : i32
        %dma_start3A_105 = tpu.memref_slice %dma_start3A_103[%squeeze3A_99, %dma_start3A_104] : memref<500000x64xi32, #tpu.memory_space<hbm>> -> memref<1x64xi32, #tpu.memory_space<hbm>>
        %dma_start3A_106 = tpu.memref_squeeze %dma_start3A_105 : memref<1x64xi32, #tpu.memory_space<hbm>> -> memref<64xi32, #tpu.memory_space<hbm>>
        %dma_start3A_107 = arith.constant 0 : i32
        %dma_start3A_108 = tpu.memref_slice %arg14[%add3A_68, %dma_start3A_107] : memref<128x64xi32, #tpu.memory_space<vmem>> -> memref<1x64xi32, #tpu.memory_space<vmem>>
        %dma_start3A_109 = tpu.memref_squeeze %dma_start3A_108 : memref<1x64xi32, #tpu.memory_space<vmem>> -> memref<64xi32, #tpu.memory_space<vmem>>
        %dma_start3A_110 = tpu.memref_bitcast %arg6 : memref<1000000x64xbf16, #tpu.memory_space<hbm>> -> memref<500000x64xi32, #tpu.memory_space<hbm>>
        %dma_start3A_111 = arith.constant 0 : i32
        %dma_start3A_112 = tpu.memref_slice %dma_start3A_110[%squeeze3A_99, %dma_start3A_111] : memref<500000x64xi32, #tpu.memory_space<hbm>> -> memref<1x64xi32, #tpu.memory_space<hbm>>
        %dma_start3A_113 = tpu.memref_squeeze %dma_start3A_112 : memref<1x64xi32, #tpu.memory_space<hbm>> -> memref<64xi32, #tpu.memory_space<hbm>>
        tpu.enqueue_dma source(%dma_start3A_113 : memref<64xi32, #tpu.memory_space<hbm>>) target(%dma_start3A_109 : memref<64xi32, #tpu.memory_space<vmem>>) target_semaphore(%arg17 : memref<!tpu.dma_semaphore, #tpu.memory_space<semaphore_mem>>)
        %mul3A_114 = arith.constant 16 : i32
        %mul3A_115 = arith.muli %scan3A_45, %mul3A_114 : i32
        %add3A_116 = arith.constant 1 : i32
        %add3A_117 = arith.addi %mul3A_115, %add3A_116 : i32
        %slice3A_118 = vector.extract_strided_slice %shift_right_arithmetic3A_54 {offsets = [1], sizes = [1], strides = [1]} : vector<16xi32> to vector<1xi32>
        %squeeze3A_119 = vector.extract %slice3A_118[0] : i32 from vector<1xi32>
        %dma_start3A_120 = arith.constant 0 : i32
        %dma_start3A_121 = tpu.memref_slice %arg12[%add3A_117, %dma_start3A_120] : memref<128x64xi32, #tpu.memory_space<vmem>> -> memref<1x64xi32, #tpu.memory_space<vmem>>
        %dma_start3A_122 = tpu.memref_squeeze %dma_start3A_121 : memref<1x64xi32, #tpu.memory_space<vmem>> -> memref<64xi32, #tpu.memory_space<vmem>>
        %dma_start3A_123 = tpu.memref_bitcast %arg5 : memref<1000000x64xbf16, #tpu.memory_space<hbm>> -> memref<500000x64xi32, #tpu.memory_space<hbm>>
        %dma_start3A_124 = arith.constant 0 : i32
        %dma_start3A_125 = tpu.memref_slice %dma_start3A_123[%squeeze3A_119, %dma_start3A_124] : memref<500000x64xi32, #tpu.memory_space<hbm>> -> memref<1x64xi32, #tpu.memory_space<hbm>>
        %dma_start3A_126 = tpu.memref_squeeze %dma_start3A_125 : memref<1x64xi32, #tpu.memory_space<hbm>> -> memref<64xi32, #tpu.memory_space<hbm>>
        %dma_start3A_127 = arith.constant 0 : i32
        %dma_start3A_128 = tpu.memref_slice %arg12[%add3A_117, %dma_start3A_127] : memref<128x64xi32, #tpu.memory_space<vmem>> -> memref<1x64xi32, #tpu.memory_space<vmem>>
        %dma_start3A_129 = tpu.memref_squeeze %dma_start3A_128 : memref<1x64xi32, #tpu.memory_space<vmem>> -> memref<64xi32, #tpu.memory_space<vmem>>
        %dma_start3A_130 = tpu.memref_bitcast %arg5 : memref<1000000x64xbf16, #tpu.memory_space<hbm>> -> memref<500000x64xi32, #tpu.memory_space<hbm>>
        %dma_start3A_131 = arith.constant 0 : i32
        %dma_start3A_132 = tpu.memref_slice %dma_start3A_130[%squeeze3A_119, %dma_start3A_131] : memref<500000x64xi32, #tpu.memory_space<hbm>> -> memref<1x64xi32, #tpu.memory_space<hbm>>
        %dma_start3A_133 = tpu.memref_squeeze %dma_start3A_132 : memref<1x64xi32, #tpu.memory_space<hbm>> -> memref<64xi32, #tpu.memory_space<hbm>>
        tpu.enqueue_dma source(%dma_start3A_133 : memref<64xi32, #tpu.memory_space<hbm>>) target(%dma_start3A_129 : memref<64xi32, #tpu.memory_space<vmem>>) target_semaphore(%arg17 : memref<!tpu.dma_semaphore, #tpu.memory_space<semaphore_mem>>)
        %slice3A_134 = vector.extract_strided_slice %shift_right_arithmetic3A_59 {offsets = [1], sizes = [1], strides = [1]} : vector<16xi32> to vector<1xi32>
        %squeeze3A_135 = vector.extract %slice3A_134[0] : i32 from vector<1xi32>
        %dma_start3A_136 = arith.constant 0 : i32
        %dma_start3A_137 = tpu.memref_slice %arg13[%add3A_117, %dma_start3A_136] : memref<128x64xi32, #tpu.memory_space<vmem>> -> memref<1x64xi32, #tpu.memory_space<vmem>>
        %dma_start3A_138 = tpu.memref_squeeze %dma_start3A_137 : memref<1x64xi32, #tpu.memory_space<vmem>> -> memref<64xi32, #tpu.memory_space<vmem>>
        %dma_start3A_139 = tpu.memref_bitcast %arg6 : memref<1000000x64xbf16, #tpu.memory_space<hbm>> -> memref<500000x64xi32, #tpu.memory_space<hbm>>
        %dma_start3A_140 = arith.constant 0 : i32
        %dma_start3A_141 = tpu.memref_slice %dma_start3A_139[%squeeze3A_135, %dma_start3A_140] : memref<500000x64xi32, #tpu.memory_space<hbm>> -> memref<1x64xi32, #tpu.memory_space<hbm>>
        %dma_start3A_142 = tpu.memref_squeeze %dma_start3A_141 : memref<1x64xi32, #tpu.memory_space<hbm>> -> memref<64xi32, #tpu.memory_space<hbm>>
        %dma_start3A_143 = arith.constant 0 : i32
        %dma_start3A_144 = tpu.memref_slice %arg13[%add3A_117, %dma_start3A_143] : memref<128x64xi32, #tpu.memory_space<vmem>> -> memref<1x64xi32, #tpu.memory_space<vmem>>
        %dma_start3A_145 = tpu.memref_squeeze %dma_start3A_144 : memref<1x64xi32, #tpu.memory_space<vmem>> -> memref<64xi32, #tpu.memory_space<vmem>>
        %dma_start3A_146 = tpu.memref_bitcast %arg6 : memref<1000000x64xbf16, #tpu.memory_space<hbm>> -> memref<500000x64xi32, #tpu.memory_space<hbm>>
        %dma_start3A_147 = arith.constant 0 : i32
        %dma_start3A_148 = tpu.memref_slice %dma_start3A_146[%squeeze3A_135, %dma_start3A_147] : memref<500000x64xi32, #tpu.memory_space<hbm>> -> memref<1x64xi32, #tpu.memory_space<hbm>>
        %dma_start3A_149 = tpu.memref_squeeze %dma_start3A_148 : memref<1x64xi32, #tpu.memory_space<hbm>> -> memref<64xi32, #tpu.memory_space<hbm>>
        tpu.enqueue_dma source(%dma_start3A_149 : memref<64xi32, #tpu.memory_space<hbm>>) target(%dma_start3A_145 : memref<64xi32, #tpu.memory_space<vmem>>) target_semaphore(%arg17 : memref<!tpu.dma_semaphore, #tpu.memory_space<semaphore_mem>>)
        %slice3A_150 = vector.extract_strided_slice %shift_right_arithmetic3A_64 {offsets = [1], sizes = [1], strides = [1]} : vector<16xi32> to vector<1xi32>
        %squeeze3A_151 = vector.extract %slice3A_150[0] : i32 from vector<1xi32>
        %dma_start3A_152 = arith.constant 0 : i32
        %dma_start3A_153 = tpu.memref_slice %arg14[%add3A_117, %dma_start3A_152] : memref<128x64xi32, #tpu.memory_space<vmem>> -> memref<1x64xi32, #tpu.memory_space<vmem>>
        %dma_start3A_154 = tpu.memref_squeeze %dma_start3A_153 : memref<1x64xi32, #tpu.memory_space<vmem>> -> memref<64xi32, #tpu.memory_space<vmem>>
        %dma_start3A_155 = tpu.memref_bitcast %arg6 : memref<1000000x64xbf16, #tpu.memory_space<hbm>> -> memref<500000x64xi32, #tpu.memory_space<hbm>>
        %dma_start3A_156 = arith.constant 0 : i32
        %dma_start3A_157 = tpu.memref_slice %dma_start3A_155[%squeeze3A_151, %dma_start3A_156] : memref<500000x64xi32, #tpu.memory_space<hbm>> -> memref<1x64xi32, #tpu.memory_space<hbm>>
        %dma_start3A_158 = tpu.memref_squeeze %dma_start3A_157 : memref<1x64xi32, #tpu.memory_space<hbm>> -> memref<64xi32, #tpu.memory_space<hbm>>
        %dma_start3A_159 = arith.constant 0 : i32
        %dma_start3A_160 = tpu.memref_slice %arg14[%add3A_117, %dma_start3A_159] : memref<128x64xi32, #tpu.memory_space<vmem>> -> memref<1x64xi32, #tpu.memory_space<vmem>>
        %dma_start3A_161 = tpu.memref_squeeze %dma_start3A_160 : memref<1x64xi32, #tpu.memory_space<vmem>> -> memref<64xi32, #tpu.memory_space<vmem>>
        %dma_start3A_162 = tpu.memref_bitcast %arg6 : memref<1000000x64xbf16, #tpu.memory_space<hbm>> -> memref<500000x64xi32, #tpu.memory_space<hbm>>
        %dma_start3A_163 = arith.constant 0 : i32
        %dma_start3A_164 = tpu.memref_slice %dma_start3A_162[%squeeze3A_151, %dma_start3A_163] : memref<500000x64xi32, #tpu.memory_space<hbm>> -> memref<1x64xi32, #tpu.memory_space<hbm>>
        %dma_start3A_165 = tpu.memref_squeeze %dma_start3A_164 : memref<1x64xi32, #tpu.memory_space<hbm>> -> memref<64xi32, #tpu.memory_space<hbm>>
        tpu.enqueue_dma source(%dma_start3A_165 : memref<64xi32, #tpu.memory_space<hbm>>) target(%dma_start3A_161 : memref<64xi32, #tpu.memory_space<vmem>>) target_semaphore(%arg17 : memref<!tpu.dma_semaphore, #tpu.memory_space<semaphore_mem>>)
        %mul3A_166 = arith.constant 16 : i32
        %mul3A_167 = arith.muli %scan3A_45, %mul3A_166 : i32
        %add3A_168 = arith.constant 2 : i32
        %add3A_169 = arith.addi %mul3A_167, %add3A_168 : i32
        %slice3A_170 = vector.extract_strided_slice %shift_right_arithmetic3A_54 {offsets = [2], sizes = [1], strides = [1]} : vector<16xi32> to vector<1xi32>
        %squeeze3A_171 = vector.extract %slice3A_170[0] : i32 from vector<1xi32>
        %dma_start3A_172 = arith.constant 0 : i32
        %dma_start3A_173 = tpu.memref_slice %arg12[%add3A_169, %dma_start3A_172] : memref<128x64xi32, #tpu.memory_space<vmem>> -> memref<1x64xi32, #tpu.memory_space<vmem>>
        %dma_start3A_174 = tpu.memref_squeeze %dma_start3A_173 : memref<1x64xi32, #tpu.memory_space<vmem>> -> memref<64xi32, #tpu.memory_space<vmem>>
        %dma_start3A_175 = tpu.memref_bitcast %arg5 : memref<1000000x64xbf16, #tpu.memory_space<hbm>> -> memref<500000x64xi32, #tpu.memory_space<hbm>>
        %dma_start3A_176 = arith.constant 0 : i32
        %dma_start3A_177 = tpu.memref_slice %dma_start3A_175[%squeeze3A_171, %dma_start3A_176] : memref<500000x64xi32, #tpu.memory_space<hbm>> -> memref<1x64xi32, #tpu.memory_space<hbm>>
        %dma_start3A_178 = tpu.memref_squeeze %dma_start3A_177 : memref<1x64xi32, #tpu.memory_space<hbm>> -> memref<64xi32, #tpu.memory_space<hbm>>
        %dma_start3A_179 = arith.constant 0 : i32
        %dma_start3A_180 = tpu.memref_slice %arg12[%add3A_169, %dma_start3A_179] : memref<128x64xi32, #tpu.memory_space<vmem>> -> memref<1x64xi32, #tpu.memory_space<vmem>>
        %dma_start3A_181 = tpu.memref_squeeze %dma_start3A_180 : memref<1x64xi32, #tpu.memory_space<vmem>> -> memref<64xi32, #tpu.memory_space<vmem>>
        %dma_start3A_182 = tpu.memref_bitcast %arg5 : memref<1000000x64xbf16, #tpu.memory_space<hbm>> -> memref<500000x64xi32, #tpu.memory_space<hbm>>
        %dma_start3A_183 = arith.constant 0 : i32
        %dma_start3A_184 = tpu.memref_slice %dma_start3A_182[%squeeze3A_171, %dma_start3A_183] : memref<500000x64xi32, #tpu.memory_space<hbm>> -> memref<1x64xi32, #tpu.memory_space<hbm>>
        %dma_start3A_185 = tpu.memref_squeeze %dma_start3A_184 : memref<1x64xi32, #tpu.memory_space<hbm>> -> memref<64xi32, #tpu.memory_space<hbm>>
        tpu.enqueue_dma source(%dma_start3A_185 : memref<64xi32, #tpu.memory_space<hbm>>) target(%dma_start3A_181 : memref<64xi32, #tpu.memory_space<vmem>>) target_semaphore(%arg17 : memref<!tpu.dma_semaphore, #tpu.memory_space<semaphore_mem>>)
        %slice3A_186 = vector.extract_strided_slice %shift_right_arithmetic3A_59 {offsets = [2], sizes = [1], strides = [1]} : vector<16xi32> to vector<1xi32>
        %squeeze3A_187 = vector.extract %slice3A_186[0] : i32 from vector<1xi32>
        %dma_start3A_188 = arith.constant 0 : i32
        %dma_start3A_189 = tpu.memref_slice %arg13[%add3A_169, %dma_start3A_188] : memref<128x64xi32, #tpu.memory_space<vmem>> -> memref<1x64xi32, #tpu.memory_space<vmem>>
        %dma_start3A_190 = tpu.memref_squeeze %dma_start3A_189 : memref<1x64xi32, #tpu.memory_space<vmem>> -> memref<64xi32, #tpu.memory_space<vmem>>
        %dma_start3A_191 = tpu.memref_bitcast %arg6 : memref<1000000x64xbf16, #tpu.memory_space<hbm>> -> memref<500000x64xi32, #tpu.memory_space<hbm>>
        %dma_start3A_192 = arith.constant 0 : i32
        %dma_start3A_193 = tpu.memref_slice %dma_start3A_191[%squeeze3A_187, %dma_start3A_192] : memref<500000x64xi32, #tpu.memory_space<hbm>> -> memref<1x64xi32, #tpu.memory_space<hbm>>
        %dma_start3A_194 = tpu.memref_squeeze %dma_start3A_193 : memref<1x64xi32, #tpu.memory_space<hbm>> -> memref<64xi32, #tpu.memory_space<hbm>>
        %dma_start3A_195 = arith.constant 0 : i32
        %dma_start3A_196 = tpu.memref_slice %arg13[%add3A_169, %dma_start3A_195] : memref<128x64xi32, #tpu.memory_space<vmem>> -> memref<1x64xi32, #tpu.memory_space<vmem>>
        %dma_start3A_197 = tpu.memref_squeeze %dma_start3A_196 : memref<1x64xi32, #tpu.memory_space<vmem>> -> memref<64xi32, #tpu.memory_space<vmem>>
        %dma_start3A_198 = tpu.memref_bitcast %arg6 : memref<1000000x64xbf16, #tpu.memory_space<hbm>> -> memref<500000x64xi32, #tpu.memory_space<hbm>>
        %dma_start3A_199 = arith.constant 0 : i32
        %dma_start3A_200 = tpu.memref_slice %dma_start3A_198[%squeeze3A_187, %dma_start3A_199] : memref<500000x64xi32, #tpu.memory_space<hbm>> -> memref<1x64xi32, #tpu.memory_space<hbm>>
        %dma_start3A_201 = tpu.memref_squeeze %dma_start3A_200 : memref<1x64xi32, #tpu.memory_space<hbm>> -> memref<64xi32, #tpu.memory_space<hbm>>
        tpu.enqueue_dma source(%dma_start3A_201 : memref<64xi32, #tpu.memory_space<hbm>>) target(%dma_start3A_197 : memref<64xi32, #tpu.memory_space<vmem>>) target_semaphore(%arg17 : memref<!tpu.dma_semaphore, #tpu.memory_space<semaphore_mem>>)
        %slice3A_202 = vector.extract_strided_slice %shift_right_arithmetic3A_64 {offsets = [2], sizes = [1], strides = [1]} : vector<16xi32> to vector<1xi32>
        %squeeze3A_203 = vector.extract %slice3A_202[0] : i32 from vector<1xi32>
        %dma_start3A_204 = arith.constant 0 : i32
        %dma_start3A_205 = tpu.memref_slice %arg14[%add3A_169, %dma_start3A_204] : memref<128x64xi32, #tpu.memory_space<vmem>> -> memref<1x64xi32, #tpu.memory_space<vmem>>
        %dma_start3A_206 = tpu.memref_squeeze %dma_start3A_205 : memref<1x64xi32, #tpu.memory_space<vmem>> -> memref<64xi32, #tpu.memory_space<vmem>>
        %dma_start3A_207 = tpu.memref_bitcast %arg6 : memref<1000000x64xbf16, #tpu.memory_space<hbm>> -> memref<500000x64xi32, #tpu.memory_space<hbm>>
        %dma_start3A_208 = arith.constant 0 : i32
        %dma_start3A_209 = tpu.memref_slice %dma_start3A_207[%squeeze3A_203, %dma_start3A_208] : memref<500000x64xi32, #tpu.memory_space<hbm>> -> memref<1x64xi32, #tpu.memory_space<hbm>>
        %dma_start3A_210 = tpu.memref_squeeze %dma_start3A_209 : memref<1x64xi32, #tpu.memory_space<hbm>> -> memref<64xi32, #tpu.memory_space<hbm>>
        %dma_start3A_211 = arith.constant 0 : i32
        %dma_start3A_212 = tpu.memref_slice %arg14[%add3A_169, %dma_start3A_211] : memref<128x64xi32, #tpu.memory_space<vmem>> -> memref<1x64xi32, #tpu.memory_space<vmem>>
        %dma_start3A_213 = tpu.memref_squeeze %dma_start3A_212 : memref<1x64xi32, #tpu.memory_space<vmem>> -> memref<64xi32, #tpu.memory_space<vmem>>
        %dma_start3A_214 = tpu.memref_bitcast %arg6 : memref<1000000x64xbf16, #tpu.memory_space<hbm>> -> memref<500000x64xi32, #tpu.memory_space<hbm>>
        %dma_start3A_215 = arith.constant 0 : i32
        %dma_start3A_216 = tpu.memref_slice %dma_start3A_214[%squeeze3A_203, %dma_start3A_215] : memref<500000x64xi32, #tpu.memory_space<hbm>> -> memref<1x64xi32, #tpu.memory_space<hbm>>
        %dma_start3A_217 = tpu.memref_squeeze %dma_start3A_216 : memref<1x64xi32, #tpu.memory_space<hbm>> -> memref<64xi32, #tpu.memory_space<hbm>>
        tpu.enqueue_dma source(%dma_start3A_217 : memref<64xi32, #tpu.memory_space<hbm>>) target(%dma_start3A_213 : memref<64xi32, #tpu.memory_space<vmem>>) target_semaphore(%arg17 : memref<!tpu.dma_semaphore, #tpu.memory_space<semaphore_mem>>)
        %mul3A_218 = arith.constant 16 : i32
        %mul3A_219 = arith.muli %scan3A_45, %mul3A_218 : i32
        %add3A_220 = arith.constant 3 : i32
        %add3A_221 = arith.addi %mul3A_219, %add3A_220 : i32
        %slice3A_222 = vector.extract_strided_slice %shift_right_arithmetic3A_54 {offsets = [3], sizes = [1], strides = [1]} : vector<16xi32> to vector<1xi32>
        %squeeze3A_223 = vector.extract %slice3A_222[0] : i32 from vector<1xi32>
        %dma_start3A_224 = arith.constant 0 : i32
        %dma_start3A_225 = tpu.memref_slice %arg12[%add3A_221, %dma_start3A_224] : memref<128x64xi32, #tpu.memory_space<vmem>> -> memref<1x64xi32, #tpu.memory_space<vmem>>
        %dma_start3A_226 = tpu.memref_squeeze %dma_start3A_225 : memref<1x64xi32, #tpu.memory_space<vmem>> -> memref<64xi32, #tpu.memory_space<vmem>>
        %dma_start3A_227 = tpu.memref_bitcast %arg5 : memref<1000000x64xbf16, #tpu.memory_space<hbm>> -> memref<500000x64xi32, #tpu.memory_space<hbm>>
        %dma_start3A_228 = arith.constant 0 : i32
        %dma_start3A_229 = tpu.memref_slice %dma_start3A_227[%squeeze3A_223, %dma_start3A_228] : memref<500000x64xi32, #tpu.memory_space<hbm>> -> memref<1x64xi32, #tpu.memory_space<hbm>>
        %dma_start3A_230 = tpu.memref_squeeze %dma_start3A_229 : memref<1x64xi32, #tpu.memory_space<hbm>> -> memref<64xi32, #tpu.memory_space<hbm>>
        %dma_start3A_231 = arith.constant 0 : i32
        %dma_start3A_232 = tpu.memref_slice %arg12[%add3A_221, %dma_start3A_231] : memref<128x64xi32, #tpu.memory_space<vmem>> -> memref<1x64xi32, #tpu.memory_space<vmem>>
        %dma_start3A_233 = tpu.memref_squeeze %dma_start3A_232 : memref<1x64xi32, #tpu.memory_space<vmem>> -> memref<64xi32, #tpu.memory_space<vmem>>
        %dma_start3A_234 = tpu.memref_bitcast %arg5 : memref<1000000x64xbf16, #tpu.memory_space<hbm>> -> memref<500000x64xi32, #tpu.memory_space<hbm>>
        %dma_start3A_235 = arith.constant 0 : i32
        %dma_start3A_236 = tpu.memref_slice %dma_start3A_234[%squeeze3A_223, %dma_start3A_235] : memref<500000x64xi32, #tpu.memory_space<hbm>> -> memref<1x64xi32, #tpu.memory_space<hbm>>
        %dma_start3A_237 = tpu.memref_squeeze %dma_start3A_236 : memref<1x64xi32, #tpu.memory_space<hbm>> -> memref<64xi32, #tpu.memory_space<hbm>>
        tpu.enqueue_dma source(%dma_start3A_237 : memref<64xi32, #tpu.memory_space<hbm>>) target(%dma_start3A_233 : memref<64xi32, #tpu.memory_space<vmem>>) target_semaphore(%arg17 : memref<!tpu.dma_semaphore, #tpu.memory_space<semaphore_mem>>)
        %slice3A_238 = vector.extract_strided_slice %shift_right_arithmetic3A_59 {offsets = [3], sizes = [1], strides = [1]} : vector<16xi32> to vector<1xi32>
        %squeeze3A_239 = vector.extract %slice3A_238[0] : i32 from vector<1xi32>
        %dma_start3A_240 = arith.constant 0 : i32
        %dma_start3A_241 = tpu.memref_slice %arg13[%add3A_221, %dma_start3A_240] : memref<128x64xi32, #tpu.memory_space<vmem>> -> memref<1x64xi32, #tpu.memory_space<vmem>>
        %dma_start3A_242 = tpu.memref_squeeze %dma_start3A_241 : memref<1x64xi32, #tpu.memory_space<vmem>> -> memref<64xi32, #tpu.memory_space<vmem>>
        %dma_start3A_243 = tpu.memref_bitcast %arg6 : memref<1000000x64xbf16, #tpu.memory_space<hbm>> -> memref<500000x64xi32, #tpu.memory_space<hbm>>
        %dma_start3A_244 = arith.constant 0 : i32
        %dma_start3A_245 = tpu.memref_slice %dma_start3A_243[%squeeze3A_239, %dma_start3A_244] : memref<500000x64xi32, #tpu.memory_space<hbm>> -> memref<1x64xi32, #tpu.memory_space<hbm>>
        %dma_start3A_246 = tpu.memref_squeeze %dma_start3A_245 : memref<1x64xi32, #tpu.memory_space<hbm>> -> memref<64xi32, #tpu.memory_space<hbm>>
        %dma_start3A_247 = arith.constant 0 : i32
        %dma_start3A_248 = tpu.memref_slice %arg13[%add3A_221, %dma_start3A_247] : memref<128x64xi32, #tpu.memory_space<vmem>> -> memref<1x64xi32, #tpu.memory_space<vmem>>
        %dma_start3A_249 = tpu.memref_squeeze %dma_start3A_248 : memref<1x64xi32, #tpu.memory_space<vmem>> -> memref<64xi32, #tpu.memory_space<vmem>>
        %dma_start3A_250 = tpu.memref_bitcast %arg6 : memref<1000000x64xbf16, #tpu.memory_space<hbm>> -> memref<500000x64xi32, #tpu.memory_space<hbm>>
        %dma_start3A_251 = arith.constant 0 : i32
        %dma_start3A_252 = tpu.memref_slice %dma_start3A_250[%squeeze3A_239, %dma_start3A_251] : memref<500000x64xi32, #tpu.memory_space<hbm>> -> memref<1x64xi32, #tpu.memory_space<hbm>>
        %dma_start3A_253 = tpu.memref_squeeze %dma_start3A_252 : memref<1x64xi32, #tpu.memory_space<hbm>> -> memref<64xi32, #tpu.memory_space<hbm>>
        tpu.enqueue_dma source(%dma_start3A_253 : memref<64xi32, #tpu.memory_space<hbm>>) target(%dma_start3A_249 : memref<64xi32, #tpu.memory_space<vmem>>) target_semaphore(%arg17 : memref<!tpu.dma_semaphore, #tpu.memory_space<semaphore_mem>>)
        %slice3A_254 = vector.extract_strided_slice %shift_right_arithmetic3A_64 {offsets = [3], sizes = [1], strides = [1]} : vector<16xi32> to vector<1xi32>
        %squeeze3A_255 = vector.extract %slice3A_254[0] : i32 from vector<1xi32>
        %dma_start3A_256 = arith.constant 0 : i32
        %dma_start3A_257 = tpu.memref_slice %arg14[%add3A_221, %dma_start3A_256] : memref<128x64xi32, #tpu.memory_space<vmem>> -> memref<1x64xi32, #tpu.memory_space<vmem>>
        %dma_start3A_258 = tpu.memref_squeeze %dma_start3A_257 : memref<1x64xi32, #tpu.memory_space<vmem>> -> memref<64xi32, #tpu.memory_space<vmem>>
        %dma_start3A_259 = tpu.memref_bitcast %arg6 : memref<1000000x64xbf16, #tpu.memory_space<hbm>> -> memref<500000x64xi32, #tpu.memory_space<hbm>>
        %dma_start3A_260 = arith.constant 0 : i32
        %dma_start3A_261 = tpu.memref_slice %dma_start3A_259[%squeeze3A_255, %dma_start3A_260] : memref<500000x64xi32, #tpu.memory_space<hbm>> -> memref<1x64xi32, #tpu.memory_space<hbm>>
        %dma_start3A_262 = tpu.memref_squeeze %dma_start3A_261 : memref<1x64xi32, #tpu.memory_space<hbm>> -> memref<64xi32, #tpu.memory_space<hbm>>
        %dma_start3A_263 = arith.constant 0 : i32
        %dma_start3A_264 = tpu.memref_slice %arg14[%add3A_221, %dma_start3A_263] : memref<128x64xi32, #tpu.memory_space<vmem>> -> memref<1x64xi32, #tpu.memory_space<vmem>>
        %dma_start3A_265 = tpu.memref_squeeze %dma_start3A_264 : memref<1x64xi32, #tpu.memory_space<vmem>> -> memref<64xi32, #tpu.memory_space<vmem>>
        %dma_start3A_266 = tpu.memref_bitcast %arg6 : memref<1000000x64xbf16, #tpu.memory_space<hbm>> -> memref<500000x64xi32, #tpu.memory_space<hbm>>
        %dma_start3A_267 = arith.constant 0 : i32
        %dma_start3A_268 = tpu.memref_slice %dma_start3A_266[%squeeze3A_255, %dma_start3A_267] : memref<500000x64xi32, #tpu.memory_space<hbm>> -> memref<1x64xi32, #tpu.memory_space<hbm>>
        %dma_start3A_269 = tpu.memref_squeeze %dma_start3A_268 : memref<1x64xi32, #tpu.memory_space<hbm>> -> memref<64xi32, #tpu.memory_space<hbm>>
        tpu.enqueue_dma source(%dma_start3A_269 : memref<64xi32, #tpu.memory_space<hbm>>) target(%dma_start3A_265 : memref<64xi32, #tpu.memory_space<vmem>>) target_semaphore(%arg17 : memref<!tpu.dma_semaphore, #tpu.memory_space<semaphore_mem>>)
        %mul3A_270 = arith.constant 16 : i32
        %mul3A_271 = arith.muli %scan3A_45, %mul3A_270 : i32
        %add3A_272 = arith.constant 4 : i32
        %add3A_273 = arith.addi %mul3A_271, %add3A_272 : i32
        %slice3A_274 = vector.extract_strided_slice %shift_right_arithmetic3A_54 {offsets = [4], sizes = [1], strides = [1]} : vector<16xi32> to vector<1xi32>
        %squeeze3A_275 = vector.extract %slice3A_274[0] : i32 from vector<1xi32>
        %dma_start3A_276 = arith.constant 0 : i32
        %dma_start3A_277 = tpu.memref_slice %arg12[%add3A_273, %dma_start3A_276] : memref<128x64xi32, #tpu.memory_space<vmem>> -> memref<1x64xi32, #tpu.memory_space<vmem>>
        %dma_start3A_278 = tpu.memref_squeeze %dma_start3A_277 : memref<1x64xi32, #tpu.memory_space<vmem>> -> memref<64xi32, #tpu.memory_space<vmem>>
        %dma_start3A_279 = tpu.memref_bitcast %arg5 : memref<1000000x64xbf16, #tpu.memory_space<hbm>> -> memref<500000x64xi32, #tpu.memory_space<hbm>>
        %dma_start3A_280 = arith.constant 0 : i32
        %dma_start3A_281 = tpu.memref_slice %dma_start3A_279[%squeeze3A_275, %dma_start3A_280] : memref<500000x64xi32, #tpu.memory_space<hbm>> -> memref<1x64xi32, #tpu.memory_space<hbm>>
        %dma_start3A_282 = tpu.memref_squeeze %dma_start3A_281 : memref<1x64xi32, #tpu.memory_space<hbm>> -> memref<64xi32, #tpu.memory_space<hbm>>
        %dma_start3A_283 = arith.constant 0 : i32
        %dma_start3A_284 = tpu.memref_slice %arg12[%add3A_273, %dma_start3A_283] : memref<128x64xi32, #tpu.memory_space<vmem>> -> memref<1x64xi32, #tpu.memory_space<vmem>>
        %dma_start3A_285 = tpu.memref_squeeze %dma_start3A_284 : memref<1x64xi32, #tpu.memory_space<vmem>> -> memref<64xi32, #tpu.memory_space<vmem>>
        %dma_start3A_286 = tpu.memref_bitcast %arg5 : memref<1000000x64xbf16, #tpu.memory_space<hbm>> -> memref<500000x64xi32, #tpu.memory_space<hbm>>
        %dma_start3A_287 = arith.constant 0 : i32
        %dma_start3A_288 = tpu.memref_slice %dma_start3A_286[%squeeze3A_275, %dma_start3A_287] : memref<500000x64xi32, #tpu.memory_space<hbm>> -> memref<1x64xi32, #tpu.memory_space<hbm>>
        %dma_start3A_289 = tpu.memref_squeeze %dma_start3A_288 : memref<1x64xi32, #tpu.memory_space<hbm>> -> memref<64xi32, #tpu.memory_space<hbm>>
        tpu.enqueue_dma source(%dma_start3A_289 : memref<64xi32, #tpu.memory_space<hbm>>) target(%dma_start3A_285 : memref<64xi32, #tpu.memory_space<vmem>>) target_semaphore(%arg17 : memref<!tpu.dma_semaphore, #tpu.memory_space<semaphore_mem>>)
        %slice3A_290 = vector.extract_strided_slice %shift_right_arithmetic3A_59 {offsets = [4], sizes = [1], strides = [1]} : vector<16xi32> to vector<1xi32>
        %squeeze3A_291 = vector.extract %slice3A_290[0] : i32 from vector<1xi32>
        %dma_start3A_292 = arith.constant 0 : i32
        %dma_start3A_293 = tpu.memref_slice %arg13[%add3A_273, %dma_start3A_292] : memref<128x64xi32, #tpu.memory_space<vmem>> -> memref<1x64xi32, #tpu.memory_space<vmem>>
        %dma_start3A_294 = tpu.memref_squeeze %dma_start3A_293 : memref<1x64xi32, #tpu.memory_space<vmem>> -> memref<64xi32, #tpu.memory_space<vmem>>
        %dma_start3A_295 = tpu.memref_bitcast %arg6 : memref<1000000x64xbf16, #tpu.memory_space<hbm>> -> memref<500000x64xi32, #tpu.memory_space<hbm>>
        %dma_start3A_296 = arith.constant 0 : i32
        %dma_start3A_297 = tpu.memref_slice %dma_start3A_295[%squeeze3A_291, %dma_start3A_296] : memref<500000x64xi32, #tpu.memory_space<hbm>> -> memref<1x64xi32, #tpu.memory_space<hbm>>
        %dma_start3A_298 = tpu.memref_squeeze %dma_start3A_297 : memref<1x64xi32, #tpu.memory_space<hbm>> -> memref<64xi32, #tpu.memory_space<hbm>>
        %dma_start3A_299 = arith.constant 0 : i32
        %dma_start3A_300 = tpu.memref_slice %arg13[%add3A_273, %dma_start3A_299] : memref<128x64xi32, #tpu.memory_space<vmem>> -> memref<1x64xi32, #tpu.memory_space<vmem>>
        %dma_start3A_301 = tpu.memref_squeeze %dma_start3A_300 : memref<1x64xi32, #tpu.memory_space<vmem>> -> memref<64xi32, #tpu.memory_space<vmem>>
        %dma_start3A_302 = tpu.memref_bitcast %arg6 : memref<1000000x64xbf16, #tpu.memory_space<hbm>> -> memref<500000x64xi32, #tpu.memory_space<hbm>>
        %dma_start3A_303 = arith.constant 0 : i32
        %dma_start3A_304 = tpu.memref_slice %dma_start3A_302[%squeeze3A_291, %dma_start3A_303] : memref<500000x64xi32, #tpu.memory_space<hbm>> -> memref<1x64xi32, #tpu.memory_space<hbm>>
        %dma_start3A_305 = tpu.memref_squeeze %dma_start3A_304 : memref<1x64xi32, #tpu.memory_space<hbm>> -> memref<64xi32, #tpu.memory_space<hbm>>
        tpu.enqueue_dma source(%dma_start3A_305 : memref<64xi32, #tpu.memory_space<hbm>>) target(%dma_start3A_301 : memref<64xi32, #tpu.memory_space<vmem>>) target_semaphore(%arg17 : memref<!tpu.dma_semaphore, #tpu.memory_space<semaphore_mem>>)
        %slice3A_306 = vector.extract_strided_slice %shift_right_arithmetic3A_64 {offsets = [4], sizes = [1], strides = [1]} : vector<16xi32> to vector<1xi32>
        %squeeze3A_307 = vector.extract %slice3A_306[0] : i32 from vector<1xi32>
        %dma_start3A_308 = arith.constant 0 : i32
        %dma_start3A_309 = tpu.memref_slice %arg14[%add3A_273, %dma_start3A_308] : memref<128x64xi32, #tpu.memory_space<vmem>> -> memref<1x64xi32, #tpu.memory_space<vmem>>
        %dma_start3A_310 = tpu.memref_squeeze %dma_start3A_309 : memref<1x64xi32, #tpu.memory_space<vmem>> -> memref<64xi32, #tpu.memory_space<vmem>>
        %dma_start3A_311 = tpu.memref_bitcast %arg6 : memref<1000000x64xbf16, #tpu.memory_space<hbm>> -> memref<500000x64xi32, #tpu.memory_space<hbm>>
        %dma_start3A_312 = arith.constant 0 : i32
        %dma_start3A_313 = tpu.memref_slice %dma_start3A_311[%squeeze3A_307, %dma_start3A_312] : memref<500000x64xi32, #tpu.memory_space<hbm>> -> memref<1x64xi32, #tpu.memory_space<hbm>>
        %dma_start3A_314 = tpu.memref_squeeze %dma_start3A_313 : memref<1x64xi32, #tpu.memory_space<hbm>> -> memref<64xi32, #tpu.memory_space<hbm>>
        %dma_start3A_315 = arith.constant 0 : i32
        %dma_start3A_316 = tpu.memref_slice %arg14[%add3A_273, %dma_start3A_315] : memref<128x64xi32, #tpu.memory_space<vmem>> -> memref<1x64xi32, #tpu.memory_space<vmem>>
        %dma_start3A_317 = tpu.memref_squeeze %dma_start3A_316 : memref<1x64xi32, #tpu.memory_space<vmem>> -> memref<64xi32, #tpu.memory_space<vmem>>
        %dma_start3A_318 = tpu.memref_bitcast %arg6 : memref<1000000x64xbf16, #tpu.memory_space<hbm>> -> memref<500000x64xi32, #tpu.memory_space<hbm>>
        %dma_start3A_319 = arith.constant 0 : i32
        %dma_start3A_320 = tpu.memref_slice %dma_start3A_318[%squeeze3A_307, %dma_start3A_319] : memref<500000x64xi32, #tpu.memory_space<hbm>> -> memref<1x64xi32, #tpu.memory_space<hbm>>
        %dma_start3A_321 = tpu.memref_squeeze %dma_start3A_320 : memref<1x64xi32, #tpu.memory_space<hbm>> -> memref<64xi32, #tpu.memory_space<hbm>>
        tpu.enqueue_dma source(%dma_start3A_321 : memref<64xi32, #tpu.memory_space<hbm>>) target(%dma_start3A_317 : memref<64xi32, #tpu.memory_space<vmem>>) target_semaphore(%arg17 : memref<!tpu.dma_semaphore, #tpu.memory_space<semaphore_mem>>)
        %mul3A_322 = arith.constant 16 : i32
        %mul3A_323 = arith.muli %scan3A_45, %mul3A_322 : i32
        %add3A_324 = arith.constant 5 : i32
        %add3A_325 = arith.addi %mul3A_323, %add3A_324 : i32
        %slice3A_326 = vector.extract_strided_slice %shift_right_arithmetic3A_54 {offsets = [5], sizes = [1], strides = [1]} : vector<16xi32> to vector<1xi32>
        %squeeze3A_327 = vector.extract %slice3A_326[0] : i32 from vector<1xi32>
        %dma_start3A_328 = arith.constant 0 : i32
        %dma_start3A_329 = tpu.memref_slice %arg12[%add3A_325, %dma_start3A_328] : memref<128x64xi32, #tpu.memory_space<vmem>> -> memref<1x64xi32, #tpu.memory_space<vmem>>
        %dma_start3A_330 = tpu.memref_squeeze %dma_start3A_329 : memref<1x64xi32, #tpu.memory_space<vmem>> -> memref<64xi32, #tpu.memory_space<vmem>>
        %dma_start3A_331 = tpu.memref_bitcast %arg5 : memref<1000000x64xbf16, #tpu.memory_space<hbm>> -> memref<500000x64xi32, #tpu.memory_space<hbm>>
        %dma_start3A_332 = arith.constant 0 : i32
        %dma_start3A_333 = tpu.memref_slice %dma_start3A_331[%squeeze3A_327, %dma_start3A_332] : memref<500000x64xi32, #tpu.memory_space<hbm>> -> memref<1x64xi32, #tpu.memory_space<hbm>>
        %dma_start3A_334 = tpu.memref_squeeze %dma_start3A_333 : memref<1x64xi32, #tpu.memory_space<hbm>> -> memref<64xi32, #tpu.memory_space<hbm>>
        %dma_start3A_335 = arith.constant 0 : i32
        %dma_start3A_336 = tpu.memref_slice %arg12[%add3A_325, %dma_start3A_335] : memref<128x64xi32, #tpu.memory_space<vmem>> -> memref<1x64xi32, #tpu.memory_space<vmem>>
        %dma_start3A_337 = tpu.memref_squeeze %dma_start3A_336 : memref<1x64xi32, #tpu.memory_space<vmem>> -> memref<64xi32, #tpu.memory_space<vmem>>
        %dma_start3A_338 = tpu.memref_bitcast %arg5 : memref<1000000x64xbf16, #tpu.memory_space<hbm>> -> memref<500000x64xi32, #tpu.memory_space<hbm>>
        %dma_start3A_339 = arith.constant 0 : i32
        %dma_start3A_340 = tpu.memref_slice %dma_start3A_338[%squeeze3A_327, %dma_start3A_339] : memref<500000x64xi32, #tpu.memory_space<hbm>> -> memref<1x64xi32, #tpu.memory_space<hbm>>
        %dma_start3A_341 = tpu.memref_squeeze %dma_start3A_340 : memref<1x64xi32, #tpu.memory_space<hbm>> -> memref<64xi32, #tpu.memory_space<hbm>>
        tpu.enqueue_dma source(%dma_start3A_341 : memref<64xi32, #tpu.memory_space<hbm>>) target(%dma_start3A_337 : memref<64xi32, #tpu.memory_space<vmem>>) target_semaphore(%arg17 : memref<!tpu.dma_semaphore, #tpu.memory_space<semaphore_mem>>)
        %slice3A_342 = vector.extract_strided_slice %shift_right_arithmetic3A_59 {offsets = [5], sizes = [1], strides = [1]} : vector<16xi32> to vector<1xi32>
        %squeeze3A_343 = vector.extract %slice3A_342[0] : i32 from vector<1xi32>
        %dma_start3A_344 = arith.constant 0 : i32
        %dma_start3A_345 = tpu.memref_slice %arg13[%add3A_325, %dma_start3A_344] : memref<128x64xi32, #tpu.memory_space<vmem>> -> memref<1x64xi32, #tpu.memory_space<vmem>>
        %dma_start3A_346 = tpu.memref_squeeze %dma_start3A_345 : memref<1x64xi32, #tpu.memory_space<vmem>> -> memref<64xi32, #tpu.memory_space<vmem>>
        %dma_start3A_347 = tpu.memref_bitcast %arg6 : memref<1000000x64xbf16, #tpu.memory_space<hbm>> -> memref<500000x64xi32, #tpu.memory_space<hbm>>
        %dma_start3A_348 = arith.constant 0 : i32
        %dma_start3A_349 = tpu.memref_slice %dma_start3A_347[%squeeze3A_343, %dma_start3A_348] : memref<500000x64xi32, #tpu.memory_space<hbm>> -> memref<1x64xi32, #tpu.memory_space<hbm>>
        %dma_start3A_350 = tpu.memref_squeeze %dma_start3A_349 : memref<1x64xi32, #tpu.memory_space<hbm>> -> memref<64xi32, #tpu.memory_space<hbm>>
        %dma_start3A_351 = arith.constant 0 : i32
        %dma_start3A_352 = tpu.memref_slice %arg13[%add3A_325, %dma_start3A_351] : memref<128x64xi32, #tpu.memory_space<vmem>> -> memref<1x64xi32, #tpu.memory_space<vmem>>
        %dma_start3A_353 = tpu.memref_squeeze %dma_start3A_352 : memref<1x64xi32, #tpu.memory_space<vmem>> -> memref<64xi32, #tpu.memory_space<vmem>>
        %dma_start3A_354 = tpu.memref_bitcast %arg6 : memref<1000000x64xbf16, #tpu.memory_space<hbm>> -> memref<500000x64xi32, #tpu.memory_space<hbm>>
        %dma_start3A_355 = arith.constant 0 : i32
        %dma_start3A_356 = tpu.memref_slice %dma_start3A_354[%squeeze3A_343, %dma_start3A_355] : memref<500000x64xi32, #tpu.memory_space<hbm>> -> memref<1x64xi32, #tpu.memory_space<hbm>>
        %dma_start3A_357 = tpu.memref_squeeze %dma_start3A_356 : memref<1x64xi32, #tpu.memory_space<hbm>> -> memref<64xi32, #tpu.memory_space<hbm>>
        tpu.enqueue_dma source(%dma_start3A_357 : memref<64xi32, #tpu.memory_space<hbm>>) target(%dma_start3A_353 : memref<64xi32, #tpu.memory_space<vmem>>) target_semaphore(%arg17 : memref<!tpu.dma_semaphore, #tpu.memory_space<semaphore_mem>>)
        %slice3A_358 = vector.extract_strided_slice %shift_right_arithmetic3A_64 {offsets = [5], sizes = [1], strides = [1]} : vector<16xi32> to vector<1xi32>
        %squeeze3A_359 = vector.extract %slice3A_358[0] : i32 from vector<1xi32>
        %dma_start3A_360 = arith.constant 0 : i32
        %dma_start3A_361 = tpu.memref_slice %arg14[%add3A_325, %dma_start3A_360] : memref<128x64xi32, #tpu.memory_space<vmem>> -> memref<1x64xi32, #tpu.memory_space<vmem>>
        %dma_start3A_362 = tpu.memref_squeeze %dma_start3A_361 : memref<1x64xi32, #tpu.memory_space<vmem>> -> memref<64xi32, #tpu.memory_space<vmem>>
        %dma_start3A_363 = tpu.memref_bitcast %arg6 : memref<1000000x64xbf16, #tpu.memory_space<hbm>> -> memref<500000x64xi32, #tpu.memory_space<hbm>>
        %dma_start3A_364 = arith.constant 0 : i32
        %dma_start3A_365 = tpu.memref_slice %dma_start3A_363[%squeeze3A_359, %dma_start3A_364] : memref<500000x64xi32, #tpu.memory_space<hbm>> -> memref<1x64xi32, #tpu.memory_space<hbm>>
        %dma_start3A_366 = tpu.memref_squeeze %dma_start3A_365 : memref<1x64xi32, #tpu.memory_space<hbm>> -> memref<64xi32, #tpu.memory_space<hbm>>
        %dma_start3A_367 = arith.constant 0 : i32
        %dma_start3A_368 = tpu.memref_slice %arg14[%add3A_325, %dma_start3A_367] : memref<128x64xi32, #tpu.memory_space<vmem>> -> memref<1x64xi32, #tpu.memory_space<vmem>>
        %dma_start3A_369 = tpu.memref_squeeze %dma_start3A_368 : memref<1x64xi32, #tpu.memory_space<vmem>> -> memref<64xi32, #tpu.memory_space<vmem>>
        %dma_start3A_370 = tpu.memref_bitcast %arg6 : memref<1000000x64xbf16, #tpu.memory_space<hbm>> -> memref<500000x64xi32, #tpu.memory_space<hbm>>
        %dma_start3A_371 = arith.constant 0 : i32
        %dma_start3A_372 = tpu.memref_slice %dma_start3A_370[%squeeze3A_359, %dma_start3A_371] : memref<500000x64xi32, #tpu.memory_space<hbm>> -> memref<1x64xi32, #tpu.memory_space<hbm>>
        %dma_start3A_373 = tpu.memref_squeeze %dma_start3A_372 : memref<1x64xi32, #tpu.memory_space<hbm>> -> memref<64xi32, #tpu.memory_space<hbm>>
        tpu.enqueue_dma source(%dma_start3A_373 : memref<64xi32, #tpu.memory_space<hbm>>) target(%dma_start3A_369 : memref<64xi32, #tpu.memory_space<vmem>>) target_semaphore(%arg17 : memref<!tpu.dma_semaphore, #tpu.memory_space<semaphore_mem>>)
        %mul3A_374 = arith.constant 16 : i32
        %mul3A_375 = arith.muli %scan3A_45, %mul3A_374 : i32
        %add3A_376 = arith.constant 6 : i32
        %add3A_377 = arith.addi %mul3A_375, %add3A_376 : i32
        %slice3A_378 = vector.extract_strided_slice %shift_right_arithmetic3A_54 {offsets = [6], sizes = [1], strides = [1]} : vector<16xi32> to vector<1xi32>
        %squeeze3A_379 = vector.extract %slice3A_378[0] : i32 from vector<1xi32>
        %dma_start3A_380 = arith.constant 0 : i32
        %dma_start3A_381 = tpu.memref_slice %arg12[%add3A_377, %dma_start3A_380] : memref<128x64xi32, #tpu.memory_space<vmem>> -> memref<1x64xi32, #tpu.memory_space<vmem>>
        %dma_start3A_382 = tpu.memref_squeeze %dma_start3A_381 : memref<1x64xi32, #tpu.memory_space<vmem>> -> memref<64xi32, #tpu.memory_space<vmem>>
        %dma_start3A_383 = tpu.memref_bitcast %arg5 : memref<1000000x64xbf16, #tpu.memory_space<hbm>> -> memref<500000x64xi32, #tpu.memory_space<hbm>>
        %dma_start3A_384 = arith.constant 0 : i32
        %dma_start3A_385 = tpu.memref_slice %dma_start3A_383[%squeeze3A_379, %dma_start3A_384] : memref<500000x64xi32, #tpu.memory_space<hbm>> -> memref<1x64xi32, #tpu.memory_space<hbm>>
        %dma_start3A_386 = tpu.memref_squeeze %dma_start3A_385 : memref<1x64xi32, #tpu.memory_space<hbm>> -> memref<64xi32, #tpu.memory_space<hbm>>
        %dma_start3A_387 = arith.constant 0 : i32
        %dma_start3A_388 = tpu.memref_slice %arg12[%add3A_377, %dma_start3A_387] : memref<128x64xi32, #tpu.memory_space<vmem>> -> memref<1x64xi32, #tpu.memory_space<vmem>>
        %dma_start3A_389 = tpu.memref_squeeze %dma_start3A_388 : memref<1x64xi32, #tpu.memory_space<vmem>> -> memref<64xi32, #tpu.memory_space<vmem>>
        %dma_start3A_390 = tpu.memref_bitcast %arg5 : memref<1000000x64xbf16, #tpu.memory_space<hbm>> -> memref<500000x64xi32, #tpu.memory_space<hbm>>
        %dma_start3A_391 = arith.constant 0 : i32
        %dma_start3A_392 = tpu.memref_slice %dma_start3A_390[%squeeze3A_379, %dma_start3A_391] : memref<500000x64xi32, #tpu.memory_space<hbm>> -> memref<1x64xi32, #tpu.memory_space<hbm>>
        %dma_start3A_393 = tpu.memref_squeeze %dma_start3A_392 : memref<1x64xi32, #tpu.memory_space<hbm>> -> memref<64xi32, #tpu.memory_space<hbm>>
        tpu.enqueue_dma source(%dma_start3A_393 : memref<64xi32, #tpu.memory_space<hbm>>) target(%dma_start3A_389 : memref<64xi32, #tpu.memory_space<vmem>>) target_semaphore(%arg17 : memref<!tpu.dma_semaphore, #tpu.memory_space<semaphore_mem>>)
        %slice3A_394 = vector.extract_strided_slice %shift_right_arithmetic3A_59 {offsets = [6], sizes = [1], strides = [1]} : vector<16xi32> to vector<1xi32>
        %squeeze3A_395 = vector.extract %slice3A_394[0] : i32 from vector<1xi32>
        %dma_start3A_396 = arith.constant 0 : i32
        %dma_start3A_397 = tpu.memref_slice %arg13[%add3A_377, %dma_start3A_396] : memref<128x64xi32, #tpu.memory_space<vmem>> -> memref<1x64xi32, #tpu.memory_space<vmem>>
        %dma_start3A_398 = tpu.memref_squeeze %dma_start3A_397 : memref<1x64xi32, #tpu.memory_space<vmem>> -> memref<64xi32, #tpu.memory_space<vmem>>
        %dma_start3A_399 = tpu.memref_bitcast %arg6 : memref<1000000x64xbf16, #tpu.memory_space<hbm>> -> memref<500000x64xi32, #tpu.memory_space<hbm>>
        %dma_start3A_400 = arith.constant 0 : i32
        %dma_start3A_401 = tpu.memref_slice %dma_start3A_399[%squeeze3A_395, %dma_start3A_400] : memref<500000x64xi32, #tpu.memory_space<hbm>> -> memref<1x64xi32, #tpu.memory_space<hbm>>
        %dma_start3A_402 = tpu.memref_squeeze %dma_start3A_401 : memref<1x64xi32, #tpu.memory_space<hbm>> -> memref<64xi32, #tpu.memory_space<hbm>>
        %dma_start3A_403 = arith.constant 0 : i32
        %dma_start3A_404 = tpu.memref_slice %arg13[%add3A_377, %dma_start3A_403] : memref<128x64xi32, #tpu.memory_space<vmem>> -> memref<1x64xi32, #tpu.memory_space<vmem>>
        %dma_start3A_405 = tpu.memref_squeeze %dma_start3A_404 : memref<1x64xi32, #tpu.memory_space<vmem>> -> memref<64xi32, #tpu.memory_space<vmem>>
        %dma_start3A_406 = tpu.memref_bitcast %arg6 : memref<1000000x64xbf16, #tpu.memory_space<hbm>> -> memref<500000x64xi32, #tpu.memory_space<hbm>>
        %dma_start3A_407 = arith.constant 0 : i32
        %dma_start3A_408 = tpu.memref_slice %dma_start3A_406[%squeeze3A_395, %dma_start3A_407] : memref<500000x64xi32, #tpu.memory_space<hbm>> -> memref<1x64xi32, #tpu.memory_space<hbm>>
        %dma_start3A_409 = tpu.memref_squeeze %dma_start3A_408 : memref<1x64xi32, #tpu.memory_space<hbm>> -> memref<64xi32, #tpu.memory_space<hbm>>
        tpu.enqueue_dma source(%dma_start3A_409 : memref<64xi32, #tpu.memory_space<hbm>>) target(%dma_start3A_405 : memref<64xi32, #tpu.memory_space<vmem>>) target_semaphore(%arg17 : memref<!tpu.dma_semaphore, #tpu.memory_space<semaphore_mem>>)
        %slice3A_410 = vector.extract_strided_slice %shift_right_arithmetic3A_64 {offsets = [6], sizes = [1], strides = [1]} : vector<16xi32> to vector<1xi32>
        %squeeze3A_411 = vector.extract %slice3A_410[0] : i32 from vector<1xi32>
        %dma_start3A_412 = arith.constant 0 : i32
        %dma_start3A_413 = tpu.memref_slice %arg14[%add3A_377, %dma_start3A_412] : memref<128x64xi32, #tpu.memory_space<vmem>> -> memref<1x64xi32, #tpu.memory_space<vmem>>
        %dma_start3A_414 = tpu.memref_squeeze %dma_start3A_413 : memref<1x64xi32, #tpu.memory_space<vmem>> -> memref<64xi32, #tpu.memory_space<vmem>>
        %dma_start3A_415 = tpu.memref_bitcast %arg6 : memref<1000000x64xbf16, #tpu.memory_space<hbm>> -> memref<500000x64xi32, #tpu.memory_space<hbm>>
        %dma_start3A_416 = arith.constant 0 : i32
        %dma_start3A_417 = tpu.memref_slice %dma_start3A_415[%squeeze3A_411, %dma_start3A_416] : memref<500000x64xi32, #tpu.memory_space<hbm>> -> memref<1x64xi32, #tpu.memory_space<hbm>>
        %dma_start3A_418 = tpu.memref_squeeze %dma_start3A_417 : memref<1x64xi32, #tpu.memory_space<hbm>> -> memref<64xi32, #tpu.memory_space<hbm>>
        %dma_start3A_419 = arith.constant 0 : i32
        %dma_start3A_420 = tpu.memref_slice %arg14[%add3A_377, %dma_start3A_419] : memref<128x64xi32, #tpu.memory_space<vmem>> -> memref<1x64xi32, #tpu.memory_space<vmem>>
        %dma_start3A_421 = tpu.memref_squeeze %dma_start3A_420 : memref<1x64xi32, #tpu.memory_space<vmem>> -> memref<64xi32, #tpu.memory_space<vmem>>
        %dma_start3A_422 = tpu.memref_bitcast %arg6 : memref<1000000x64xbf16, #tpu.memory_space<hbm>> -> memref<500000x64xi32, #tpu.memory_space<hbm>>
        %dma_start3A_423 = arith.constant 0 : i32
        %dma_start3A_424 = tpu.memref_slice %dma_start3A_422[%squeeze3A_411, %dma_start3A_423] : memref<500000x64xi32, #tpu.memory_space<hbm>> -> memref<1x64xi32, #tpu.memory_space<hbm>>
        %dma_start3A_425 = tpu.memref_squeeze %dma_start3A_424 : memref<1x64xi32, #tpu.memory_space<hbm>> -> memref<64xi32, #tpu.memory_space<hbm>>
        tpu.enqueue_dma source(%dma_start3A_425 : memref<64xi32, #tpu.memory_space<hbm>>) target(%dma_start3A_421 : memref<64xi32, #tpu.memory_space<vmem>>) target_semaphore(%arg17 : memref<!tpu.dma_semaphore, #tpu.memory_space<semaphore_mem>>)
        %mul3A_426 = arith.constant 16 : i32
        %mul3A_427 = arith.muli %scan3A_45, %mul3A_426 : i32
        %add3A_428 = arith.constant 7 : i32
        %add3A_429 = arith.addi %mul3A_427, %add3A_428 : i32
        %slice3A_430 = vector.extract_strided_slice %shift_right_arithmetic3A_54 {offsets = [7], sizes = [1], strides = [1]} : vector<16xi32> to vector<1xi32>
        %squeeze3A_431 = vector.extract %slice3A_430[0] : i32 from vector<1xi32>
        %dma_start3A_432 = arith.constant 0 : i32
        %dma_start3A_433 = tpu.memref_slice %arg12[%add3A_429, %dma_start3A_432] : memref<128x64xi32, #tpu.memory_space<vmem>> -> memref<1x64xi32, #tpu.memory_space<vmem>>
        %dma_start3A_434 = tpu.memref_squeeze %dma_start3A_433 : memref<1x64xi32, #tpu.memory_space<vmem>> -> memref<64xi32, #tpu.memory_space<vmem>>
        %dma_start3A_435 = tpu.memref_bitcast %arg5 : memref<1000000x64xbf16, #tpu.memory_space<hbm>> -> memref<500000x64xi32, #tpu.memory_space<hbm>>
        %dma_start3A_436 = arith.constant 0 : i32
        %dma_start3A_437 = tpu.memref_slice %dma_start3A_435[%squeeze3A_431, %dma_start3A_436] : memref<500000x64xi32, #tpu.memory_space<hbm>> -> memref<1x64xi32, #tpu.memory_space<hbm>>
        %dma_start3A_438 = tpu.memref_squeeze %dma_start3A_437 : memref<1x64xi32, #tpu.memory_space<hbm>> -> memref<64xi32, #tpu.memory_space<hbm>>
        %dma_start3A_439 = arith.constant 0 : i32
        %dma_start3A_440 = tpu.memref_slice %arg12[%add3A_429, %dma_start3A_439] : memref<128x64xi32, #tpu.memory_space<vmem>> -> memref<1x64xi32, #tpu.memory_space<vmem>>
        %dma_start3A_441 = tpu.memref_squeeze %dma_start3A_440 : memref<1x64xi32, #tpu.memory_space<vmem>> -> memref<64xi32, #tpu.memory_space<vmem>>
        %dma_start3A_442 = tpu.memref_bitcast %arg5 : memref<1000000x64xbf16, #tpu.memory_space<hbm>> -> memref<500000x64xi32, #tpu.memory_space<hbm>>
        %dma_start3A_443 = arith.constant 0 : i32
        %dma_start3A_444 = tpu.memref_slice %dma_start3A_442[%squeeze3A_431, %dma_start3A_443] : memref<500000x64xi32, #tpu.memory_space<hbm>> -> memref<1x64xi32, #tpu.memory_space<hbm>>
        %dma_start3A_445 = tpu.memref_squeeze %dma_start3A_444 : memref<1x64xi32, #tpu.memory_space<hbm>> -> memref<64xi32, #tpu.memory_space<hbm>>
        tpu.enqueue_dma source(%dma_start3A_445 : memref<64xi32, #tpu.memory_space<hbm>>) target(%dma_start3A_441 : memref<64xi32, #tpu.memory_space<vmem>>) target_semaphore(%arg17 : memref<!tpu.dma_semaphore, #tpu.memory_space<semaphore_mem>>)
        %slice3A_446 = vector.extract_strided_slice %shift_right_arithmetic3A_59 {offsets = [7], sizes = [1], strides = [1]} : vector<16xi32> to vector<1xi32>
        %squeeze3A_447 = vector.extract %slice3A_446[0] : i32 from vector<1xi32>
        %dma_start3A_448 = arith.constant 0 : i32
        %dma_start3A_449 = tpu.memref_slice %arg13[%add3A_429, %dma_start3A_448] : memref<128x64xi32, #tpu.memory_space<vmem>> -> memref<1x64xi32, #tpu.memory_space<vmem>>
        %dma_start3A_450 = tpu.memref_squeeze %dma_start3A_449 : memref<1x64xi32, #tpu.memory_space<vmem>> -> memref<64xi32, #tpu.memory_space<vmem>>
        %dma_start3A_451 = tpu.memref_bitcast %arg6 : memref<1000000x64xbf16, #tpu.memory_space<hbm>> -> memref<500000x64xi32, #tpu.memory_space<hbm>>
        %dma_start3A_452 = arith.constant 0 : i32
        %dma_start3A_453 = tpu.memref_slice %dma_start3A_451[%squeeze3A_447, %dma_start3A_452] : memref<500000x64xi32, #tpu.memory_space<hbm>> -> memref<1x64xi32, #tpu.memory_space<hbm>>
        %dma_start3A_454 = tpu.memref_squeeze %dma_start3A_453 : memref<1x64xi32, #tpu.memory_space<hbm>> -> memref<64xi32, #tpu.memory_space<hbm>>
        %dma_start3A_455 = arith.constant 0 : i32
        %dma_start3A_456 = tpu.memref_slice %arg13[%add3A_429, %dma_start3A_455] : memref<128x64xi32, #tpu.memory_space<vmem>> -> memref<1x64xi32, #tpu.memory_space<vmem>>
        %dma_start3A_457 = tpu.memref_squeeze %dma_start3A_456 : memref<1x64xi32, #tpu.memory_space<vmem>> -> memref<64xi32, #tpu.memory_space<vmem>>
        %dma_start3A_458 = tpu.memref_bitcast %arg6 : memref<1000000x64xbf16, #tpu.memory_space<hbm>> -> memref<500000x64xi32, #tpu.memory_space<hbm>>
        %dma_start3A_459 = arith.constant 0 : i32
        %dma_start3A_460 = tpu.memref_slice %dma_start3A_458[%squeeze3A_447, %dma_start3A_459] : memref<500000x64xi32, #tpu.memory_space<hbm>> -> memref<1x64xi32, #tpu.memory_space<hbm>>
        %dma_start3A_461 = tpu.memref_squeeze %dma_start3A_460 : memref<1x64xi32, #tpu.memory_space<hbm>> -> memref<64xi32, #tpu.memory_space<hbm>>
        tpu.enqueue_dma source(%dma_start3A_461 : memref<64xi32, #tpu.memory_space<hbm>>) target(%dma_start3A_457 : memref<64xi32, #tpu.memory_space<vmem>>) target_semaphore(%arg17 : memref<!tpu.dma_semaphore, #tpu.memory_space<semaphore_mem>>)
        %slice3A_462 = vector.extract_strided_slice %shift_right_arithmetic3A_64 {offsets = [7], sizes = [1], strides = [1]} : vector<16xi32> to vector<1xi32>
        %squeeze3A_463 = vector.extract %slice3A_462[0] : i32 from vector<1xi32>
        %dma_start3A_464 = arith.constant 0 : i32
        %dma_start3A_465 = tpu.memref_slice %arg14[%add3A_429, %dma_start3A_464] : memref<128x64xi32, #tpu.memory_space<vmem>> -> memref<1x64xi32, #tpu.memory_space<vmem>>
        %dma_start3A_466 = tpu.memref_squeeze %dma_start3A_465 : memref<1x64xi32, #tpu.memory_space<vmem>> -> memref<64xi32, #tpu.memory_space<vmem>>
        %dma_start3A_467 = tpu.memref_bitcast %arg6 : memref<1000000x64xbf16, #tpu.memory_space<hbm>> -> memref<500000x64xi32, #tpu.memory_space<hbm>>
        %dma_start3A_468 = arith.constant 0 : i32
        %dma_start3A_469 = tpu.memref_slice %dma_start3A_467[%squeeze3A_463, %dma_start3A_468] : memref<500000x64xi32, #tpu.memory_space<hbm>> -> memref<1x64xi32, #tpu.memory_space<hbm>>
        %dma_start3A_470 = tpu.memref_squeeze %dma_start3A_469 : memref<1x64xi32, #tpu.memory_space<hbm>> -> memref<64xi32, #tpu.memory_space<hbm>>
        %dma_start3A_471 = arith.constant 0 : i32
        %dma_start3A_472 = tpu.memref_slice %arg14[%add3A_429, %dma_start3A_471] : memref<128x64xi32, #tpu.memory_space<vmem>> -> memref<1x64xi32, #tpu.memory_space<vmem>>
        %dma_start3A_473 = tpu.memref_squeeze %dma_start3A_472 : memref<1x64xi32, #tpu.memory_space<vmem>> -> memref<64xi32, #tpu.memory_space<vmem>>
        %dma_start3A_474 = tpu.memref_bitcast %arg6 : memref<1000000x64xbf16, #tpu.memory_space<hbm>> -> memref<500000x64xi32, #tpu.memory_space<hbm>>
        %dma_start3A_475 = arith.constant 0 : i32
        %dma_start3A_476 = tpu.memref_slice %dma_start3A_474[%squeeze3A_463, %dma_start3A_475] : memref<500000x64xi32, #tpu.memory_space<hbm>> -> memref<1x64xi32, #tpu.memory_space<hbm>>
        %dma_start3A_477 = tpu.memref_squeeze %dma_start3A_476 : memref<1x64xi32, #tpu.memory_space<hbm>> -> memref<64xi32, #tpu.memory_space<hbm>>
        tpu.enqueue_dma source(%dma_start3A_477 : memref<64xi32, #tpu.memory_space<hbm>>) target(%dma_start3A_473 : memref<64xi32, #tpu.memory_space<vmem>>) target_semaphore(%arg17 : memref<!tpu.dma_semaphore, #tpu.memory_space<semaphore_mem>>)
        %mul3A_478 = arith.constant 16 : i32
        %mul3A_479 = arith.muli %scan3A_45, %mul3A_478 : i32
        %add3A_480 = arith.constant 8 : i32
        %add3A_481 = arith.addi %mul3A_479, %add3A_480 : i32
        %slice3A_482 = vector.extract_strided_slice %shift_right_arithmetic3A_54 {offsets = [8], sizes = [1], strides = [1]} : vector<16xi32> to vector<1xi32>
        %squeeze3A_483 = vector.extract %slice3A_482[0] : i32 from vector<1xi32>
        %dma_start3A_484 = arith.constant 0 : i32
        %dma_start3A_485 = tpu.memref_slice %arg12[%add3A_481, %dma_start3A_484] : memref<128x64xi32, #tpu.memory_space<vmem>> -> memref<1x64xi32, #tpu.memory_space<vmem>>
        %dma_start3A_486 = tpu.memref_squeeze %dma_start3A_485 : memref<1x64xi32, #tpu.memory_space<vmem>> -> memref<64xi32, #tpu.memory_space<vmem>>
        %dma_start3A_487 = tpu.memref_bitcast %arg5 : memref<1000000x64xbf16, #tpu.memory_space<hbm>> -> memref<500000x64xi32, #tpu.memory_space<hbm>>
        %dma_start3A_488 = arith.constant 0 : i32
        %dma_start3A_489 = tpu.memref_slice %dma_start3A_487[%squeeze3A_483, %dma_start3A_488] : memref<500000x64xi32, #tpu.memory_space<hbm>> -> memref<1x64xi32, #tpu.memory_space<hbm>>
        %dma_start3A_490 = tpu.memref_squeeze %dma_start3A_489 : memref<1x64xi32, #tpu.memory_space<hbm>> -> memref<64xi32, #tpu.memory_space<hbm>>
        %dma_start3A_491 = arith.constant 0 : i32
        %dma_start3A_492 = tpu.memref_slice %arg12[%add3A_481, %dma_start3A_491] : memref<128x64xi32, #tpu.memory_space<vmem>> -> memref<1x64xi32, #tpu.memory_space<vmem>>
        %dma_start3A_493 = tpu.memref_squeeze %dma_start3A_492 : memref<1x64xi32, #tpu.memory_space<vmem>> -> memref<64xi32, #tpu.memory_space<vmem>>
        %dma_start3A_494 = tpu.memref_bitcast %arg5 : memref<1000000x64xbf16, #tpu.memory_space<hbm>> -> memref<500000x64xi32, #tpu.memory_space<hbm>>
        %dma_start3A_495 = arith.constant 0 : i32
        %dma_start3A_496 = tpu.memref_slice %dma_start3A_494[%squeeze3A_483, %dma_start3A_495] : memref<500000x64xi32, #tpu.memory_space<hbm>> -> memref<1x64xi32, #tpu.memory_space<hbm>>
        %dma_start3A_497 = tpu.memref_squeeze %dma_start3A_496 : memref<1x64xi32, #tpu.memory_space<hbm>> -> memref<64xi32, #tpu.memory_space<hbm>>
        tpu.enqueue_dma source(%dma_start3A_497 : memref<64xi32, #tpu.memory_space<hbm>>) target(%dma_start3A_493 : memref<64xi32, #tpu.memory_space<vmem>>) target_semaphore(%arg17 : memref<!tpu.dma_semaphore, #tpu.memory_space<semaphore_mem>>)
        %slice3A_498 = vector.extract_strided_slice %shift_right_arithmetic3A_59 {offsets = [8], sizes = [1], strides = [1]} : vector<16xi32> to vector<1xi32>
        %squeeze3A_499 = vector.extract %slice3A_498[0] : i32 from vector<1xi32>
        %dma_start3A_500 = arith.constant 0 : i32
        %dma_start3A_501 = tpu.memref_slice %arg13[%add3A_481, %dma_start3A_500] : memref<128x64xi32, #tpu.memory_space<vmem>> -> memref<1x64xi32, #tpu.memory_space<vmem>>
        %dma_start3A_502 = tpu.memref_squeeze %dma_start3A_501 : memref<1x64xi32, #tpu.memory_space<vmem>> -> memref<64xi32, #tpu.memory_space<vmem>>
        %dma_start3A_503 = tpu.memref_bitcast %arg6 : memref<1000000x64xbf16, #tpu.memory_space<hbm>> -> memref<500000x64xi32, #tpu.memory_space<hbm>>
        %dma_start3A_504 = arith.constant 0 : i32
        %dma_start3A_505 = tpu.memref_slice %dma_start3A_503[%squeeze3A_499, %dma_start3A_504] : memref<500000x64xi32, #tpu.memory_space<hbm>> -> memref<1x64xi32, #tpu.memory_space<hbm>>
        %dma_start3A_506 = tpu.memref_squeeze %dma_start3A_505 : memref<1x64xi32, #tpu.memory_space<hbm>> -> memref<64xi32, #tpu.memory_space<hbm>>
        %dma_start3A_507 = arith.constant 0 : i32
        %dma_start3A_508 = tpu.memref_slice %arg13[%add3A_481, %dma_start3A_507] : memref<128x64xi32, #tpu.memory_space<vmem>> -> memref<1x64xi32, #tpu.memory_space<vmem>>
        %dma_start3A_509 = tpu.memref_squeeze %dma_start3A_508 : memref<1x64xi32, #tpu.memory_space<vmem>> -> memref<64xi32, #tpu.memory_space<vmem>>
        %dma_start3A_510 = tpu.memref_bitcast %arg6 : memref<1000000x64xbf16, #tpu.memory_space<hbm>> -> memref<500000x64xi32, #tpu.memory_space<hbm>>
        %dma_start3A_511 = arith.constant 0 : i32
        %dma_start3A_512 = tpu.memref_slice %dma_start3A_510[%squeeze3A_499, %dma_start3A_511] : memref<500000x64xi32, #tpu.memory_space<hbm>> -> memref<1x64xi32, #tpu.memory_space<hbm>>
        %dma_start3A_513 = tpu.memref_squeeze %dma_start3A_512 : memref<1x64xi32, #tpu.memory_space<hbm>> -> memref<64xi32, #tpu.memory_space<hbm>>
        tpu.enqueue_dma source(%dma_start3A_513 : memref<64xi32, #tpu.memory_space<hbm>>) target(%dma_start3A_509 : memref<64xi32, #tpu.memory_space<vmem>>) target_semaphore(%arg17 : memref<!tpu.dma_semaphore, #tpu.memory_space<semaphore_mem>>)
        %slice3A_514 = vector.extract_strided_slice %shift_right_arithmetic3A_64 {offsets = [8], sizes = [1], strides = [1]} : vector<16xi32> to vector<1xi32>
        %squeeze3A_515 = vector.extract %slice3A_514[0] : i32 from vector<1xi32>
        %dma_start3A_516 = arith.constant 0 : i32
        %dma_start3A_517 = tpu.memref_slice %arg14[%add3A_481, %dma_start3A_516] : memref<128x64xi32, #tpu.memory_space<vmem>> -> memref<1x64xi32, #tpu.memory_space<vmem>>
        %dma_start3A_518 = tpu.memref_squeeze %dma_start3A_517 : memref<1x64xi32, #tpu.memory_space<vmem>> -> memref<64xi32, #tpu.memory_space<vmem>>
        %dma_start3A_519 = tpu.memref_bitcast %arg6 : memref<1000000x64xbf16, #tpu.memory_space<hbm>> -> memref<500000x64xi32, #tpu.memory_space<hbm>>
        %dma_start3A_520 = arith.constant 0 : i32
        %dma_start3A_521 = tpu.memref_slice %dma_start3A_519[%squeeze3A_515, %dma_start3A_520] : memref<500000x64xi32, #tpu.memory_space<hbm>> -> memref<1x64xi32, #tpu.memory_space<hbm>>
        %dma_start3A_522 = tpu.memref_squeeze %dma_start3A_521 : memref<1x64xi32, #tpu.memory_space<hbm>> -> memref<64xi32, #tpu.memory_space<hbm>>
        %dma_start3A_523 = arith.constant 0 : i32
        %dma_start3A_524 = tpu.memref_slice %arg14[%add3A_481, %dma_start3A_523] : memref<128x64xi32, #tpu.memory_space<vmem>> -> memref<1x64xi32, #tpu.memory_space<vmem>>
        %dma_start3A_525 = tpu.memref_squeeze %dma_start3A_524 : memref<1x64xi32, #tpu.memory_space<vmem>> -> memref<64xi32, #tpu.memory_space<vmem>>
        %dma_start3A_526 = tpu.memref_bitcast %arg6 : memref<1000000x64xbf16, #tpu.memory_space<hbm>> -> memref<500000x64xi32, #tpu.memory_space<hbm>>
        %dma_start3A_527 = arith.constant 0 : i32
        %dma_start3A_528 = tpu.memref_slice %dma_start3A_526[%squeeze3A_515, %dma_start3A_527] : memref<500000x64xi32, #tpu.memory_space<hbm>> -> memref<1x64xi32, #tpu.memory_space<hbm>>
        %dma_start3A_529 = tpu.memref_squeeze %dma_start3A_528 : memref<1x64xi32, #tpu.memory_space<hbm>> -> memref<64xi32, #tpu.memory_space<hbm>>
        tpu.enqueue_dma source(%dma_start3A_529 : memref<64xi32, #tpu.memory_space<hbm>>) target(%dma_start3A_525 : memref<64xi32, #tpu.memory_space<vmem>>) target_semaphore(%arg17 : memref<!tpu.dma_semaphore, #tpu.memory_space<semaphore_mem>>)
        %mul3A_530 = arith.constant 16 : i32
        %mul3A_531 = arith.muli %scan3A_45, %mul3A_530 : i32
        %add3A_532 = arith.constant 9 : i32
        %add3A_533 = arith.addi %mul3A_531, %add3A_532 : i32
        %slice3A_534 = vector.extract_strided_slice %shift_right_arithmetic3A_54 {offsets = [9], sizes = [1], strides = [1]} : vector<16xi32> to vector<1xi32>
        %squeeze3A_535 = vector.extract %slice3A_534[0] : i32 from vector<1xi32>
        %dma_start3A_536 = arith.constant 0 : i32
        %dma_start3A_537 = tpu.memref_slice %arg12[%add3A_533, %dma_start3A_536] : memref<128x64xi32, #tpu.memory_space<vmem>> -> memref<1x64xi32, #tpu.memory_space<vmem>>
        %dma_start3A_538 = tpu.memref_squeeze %dma_start3A_537 : memref<1x64xi32, #tpu.memory_space<vmem>> -> memref<64xi32, #tpu.memory_space<vmem>>
        %dma_start3A_539 = tpu.memref_bitcast %arg5 : memref<1000000x64xbf16, #tpu.memory_space<hbm>> -> memref<500000x64xi32, #tpu.memory_space<hbm>>
        %dma_start3A_540 = arith.constant 0 : i32
        %dma_start3A_541 = tpu.memref_slice %dma_start3A_539[%squeeze3A_535, %dma_start3A_540] : memref<500000x64xi32, #tpu.memory_space<hbm>> -> memref<1x64xi32, #tpu.memory_space<hbm>>
        %dma_start3A_542 = tpu.memref_squeeze %dma_start3A_541 : memref<1x64xi32, #tpu.memory_space<hbm>> -> memref<64xi32, #tpu.memory_space<hbm>>
        %dma_start3A_543 = arith.constant 0 : i32
        %dma_start3A_544 = tpu.memref_slice %arg12[%add3A_533, %dma_start3A_543] : memref<128x64xi32, #tpu.memory_space<vmem>> -> memref<1x64xi32, #tpu.memory_space<vmem>>
        %dma_start3A_545 = tpu.memref_squeeze %dma_start3A_544 : memref<1x64xi32, #tpu.memory_space<vmem>> -> memref<64xi32, #tpu.memory_space<vmem>>
        %dma_start3A_546 = tpu.memref_bitcast %arg5 : memref<1000000x64xbf16, #tpu.memory_space<hbm>> -> memref<500000x64xi32, #tpu.memory_space<hbm>>
        %dma_start3A_547 = arith.constant 0 : i32
        %dma_start3A_548 = tpu.memref_slice %dma_start3A_546[%squeeze3A_535, %dma_start3A_547] : memref<500000x64xi32, #tpu.memory_space<hbm>> -> memref<1x64xi32, #tpu.memory_space<hbm>>
        %dma_start3A_549 = tpu.memref_squeeze %dma_start3A_548 : memref<1x64xi32, #tpu.memory_space<hbm>> -> memref<64xi32, #tpu.memory_space<hbm>>
        tpu.enqueue_dma source(%dma_start3A_549 : memref<64xi32, #tpu.memory_space<hbm>>) target(%dma_start3A_545 : memref<64xi32, #tpu.memory_space<vmem>>) target_semaphore(%arg17 : memref<!tpu.dma_semaphore, #tpu.memory_space<semaphore_mem>>)
        %slice3A_550 = vector.extract_strided_slice %shift_right_arithmetic3A_59 {offsets = [9], sizes = [1], strides = [1]} : vector<16xi32> to vector<1xi32>
        %squeeze3A_551 = vector.extract %slice3A_550[0] : i32 from vector<1xi32>
        %dma_start3A_552 = arith.constant 0 : i32
        %dma_start3A_553 = tpu.memref_slice %arg13[%add3A_533, %dma_start3A_552] : memref<128x64xi32, #tpu.memory_space<vmem>> -> memref<1x64xi32, #tpu.memory_space<vmem>>
        %dma_start3A_554 = tpu.memref_squeeze %dma_start3A_553 : memref<1x64xi32, #tpu.memory_space<vmem>> -> memref<64xi32, #tpu.memory_space<vmem>>
        %dma_start3A_555 = tpu.memref_bitcast %arg6 : memref<1000000x64xbf16, #tpu.memory_space<hbm>> -> memref<500000x64xi32, #tpu.memory_space<hbm>>
        %dma_start3A_556 = arith.constant 0 : i32
        %dma_start3A_557 = tpu.memref_slice %dma_start3A_555[%squeeze3A_551, %dma_start3A_556] : memref<500000x64xi32, #tpu.memory_space<hbm>> -> memref<1x64xi32, #tpu.memory_space<hbm>>
        %dma_start3A_558 = tpu.memref_squeeze %dma_start3A_557 : memref<1x64xi32, #tpu.memory_space<hbm>> -> memref<64xi32, #tpu.memory_space<hbm>>
        %dma_start3A_559 = arith.constant 0 : i32
        %dma_start3A_560 = tpu.memref_slice %arg13[%add3A_533, %dma_start3A_559] : memref<128x64xi32, #tpu.memory_space<vmem>> -> memref<1x64xi32, #tpu.memory_space<vmem>>
        %dma_start3A_561 = tpu.memref_squeeze %dma_start3A_560 : memref<1x64xi32, #tpu.memory_space<vmem>> -> memref<64xi32, #tpu.memory_space<vmem>>
        %dma_start3A_562 = tpu.memref_bitcast %arg6 : memref<1000000x64xbf16, #tpu.memory_space<hbm>> -> memref<500000x64xi32, #tpu.memory_space<hbm>>
        %dma_start3A_563 = arith.constant 0 : i32
        %dma_start3A_564 = tpu.memref_slice %dma_start3A_562[%squeeze3A_551, %dma_start3A_563] : memref<500000x64xi32, #tpu.memory_space<hbm>> -> memref<1x64xi32, #tpu.memory_space<hbm>>
        %dma_start3A_565 = tpu.memref_squeeze %dma_start3A_564 : memref<1x64xi32, #tpu.memory_space<hbm>> -> memref<64xi32, #tpu.memory_space<hbm>>
        tpu.enqueue_dma source(%dma_start3A_565 : memref<64xi32, #tpu.memory_space<hbm>>) target(%dma_start3A_561 : memref<64xi32, #tpu.memory_space<vmem>>) target_semaphore(%arg17 : memref<!tpu.dma_semaphore, #tpu.memory_space<semaphore_mem>>)
        %slice3A_566 = vector.extract_strided_slice %shift_right_arithmetic3A_64 {offsets = [9], sizes = [1], strides = [1]} : vector<16xi32> to vector<1xi32>
        %squeeze3A_567 = vector.extract %slice3A_566[0] : i32 from vector<1xi32>
        %dma_start3A_568 = arith.constant 0 : i32
        %dma_start3A_569 = tpu.memref_slice %arg14[%add3A_533, %dma_start3A_568] : memref<128x64xi32, #tpu.memory_space<vmem>> -> memref<1x64xi32, #tpu.memory_space<vmem>>
        %dma_start3A_570 = tpu.memref_squeeze %dma_start3A_569 : memref<1x64xi32, #tpu.memory_space<vmem>> -> memref<64xi32, #tpu.memory_space<vmem>>
        %dma_start3A_571 = tpu.memref_bitcast %arg6 : memref<1000000x64xbf16, #tpu.memory_space<hbm>> -> memref<500000x64xi32, #tpu.memory_space<hbm>>
        %dma_start3A_572 = arith.constant 0 : i32
        %dma_start3A_573 = tpu.memref_slice %dma_start3A_571[%squeeze3A_567, %dma_start3A_572] : memref<500000x64xi32, #tpu.memory_space<hbm>> -> memref<1x64xi32, #tpu.memory_space<hbm>>
        %dma_start3A_574 = tpu.memref_squeeze %dma_start3A_573 : memref<1x64xi32, #tpu.memory_space<hbm>> -> memref<64xi32, #tpu.memory_space<hbm>>
        %dma_start3A_575 = arith.constant 0 : i32
        %dma_start3A_576 = tpu.memref_slice %arg14[%add3A_533, %dma_start3A_575] : memref<128x64xi32, #tpu.memory_space<vmem>> -> memref<1x64xi32, #tpu.memory_space<vmem>>
        %dma_start3A_577 = tpu.memref_squeeze %dma_start3A_576 : memref<1x64xi32, #tpu.memory_space<vmem>> -> memref<64xi32, #tpu.memory_space<vmem>>
        %dma_start3A_578 = tpu.memref_bitcast %arg6 : memref<1000000x64xbf16, #tpu.memory_space<hbm>> -> memref<500000x64xi32, #tpu.memory_space<hbm>>
        %dma_start3A_579 = arith.constant 0 : i32
        %dma_start3A_580 = tpu.memref_slice %dma_start3A_578[%squeeze3A_567, %dma_start3A_579] : memref<500000x64xi32, #tpu.memory_space<hbm>> -> memref<1x64xi32, #tpu.memory_space<hbm>>
        %dma_start3A_581 = tpu.memref_squeeze %dma_start3A_580 : memref<1x64xi32, #tpu.memory_space<hbm>> -> memref<64xi32, #tpu.memory_space<hbm>>
        tpu.enqueue_dma source(%dma_start3A_581 : memref<64xi32, #tpu.memory_space<hbm>>) target(%dma_start3A_577 : memref<64xi32, #tpu.memory_space<vmem>>) target_semaphore(%arg17 : memref<!tpu.dma_semaphore, #tpu.memory_space<semaphore_mem>>)
        %mul3A_582 = arith.constant 16 : i32
        %mul3A_583 = arith.muli %scan3A_45, %mul3A_582 : i32
        %add3A_584 = arith.constant 10 : i32
        %add3A_585 = arith.addi %mul3A_583, %add3A_584 : i32
        %slice3A_586 = vector.extract_strided_slice %shift_right_arithmetic3A_54 {offsets = [10], sizes = [1], strides = [1]} : vector<16xi32> to vector<1xi32>
        %squeeze3A_587 = vector.extract %slice3A_586[0] : i32 from vector<1xi32>
        %dma_start3A_588 = arith.constant 0 : i32
        %dma_start3A_589 = tpu.memref_slice %arg12[%add3A_585, %dma_start3A_588] : memref<128x64xi32, #tpu.memory_space<vmem>> -> memref<1x64xi32, #tpu.memory_space<vmem>>
        %dma_start3A_590 = tpu.memref_squeeze %dma_start3A_589 : memref<1x64xi32, #tpu.memory_space<vmem>> -> memref<64xi32, #tpu.memory_space<vmem>>
        %dma_start3A_591 = tpu.memref_bitcast %arg5 : memref<1000000x64xbf16, #tpu.memory_space<hbm>> -> memref<500000x64xi32, #tpu.memory_space<hbm>>
        %dma_start3A_592 = arith.constant 0 : i32
        %dma_start3A_593 = tpu.memref_slice %dma_start3A_591[%squeeze3A_587, %dma_start3A_592] : memref<500000x64xi32, #tpu.memory_space<hbm>> -> memref<1x64xi32, #tpu.memory_space<hbm>>
        %dma_start3A_594 = tpu.memref_squeeze %dma_start3A_593 : memref<1x64xi32, #tpu.memory_space<hbm>> -> memref<64xi32, #tpu.memory_space<hbm>>
        %dma_start3A_595 = arith.constant 0 : i32
        %dma_start3A_596 = tpu.memref_slice %arg12[%add3A_585, %dma_start3A_595] : memref<128x64xi32, #tpu.memory_space<vmem>> -> memref<1x64xi32, #tpu.memory_space<vmem>>
        %dma_start3A_597 = tpu.memref_squeeze %dma_start3A_596 : memref<1x64xi32, #tpu.memory_space<vmem>> -> memref<64xi32, #tpu.memory_space<vmem>>
        %dma_start3A_598 = tpu.memref_bitcast %arg5 : memref<1000000x64xbf16, #tpu.memory_space<hbm>> -> memref<500000x64xi32, #tpu.memory_space<hbm>>
        %dma_start3A_599 = arith.constant 0 : i32
        %dma_start3A_600 = tpu.memref_slice %dma_start3A_598[%squeeze3A_587, %dma_start3A_599] : memref<500000x64xi32, #tpu.memory_space<hbm>> -> memref<1x64xi32, #tpu.memory_space<hbm>>
        %dma_start3A_601 = tpu.memref_squeeze %dma_start3A_600 : memref<1x64xi32, #tpu.memory_space<hbm>> -> memref<64xi32, #tpu.memory_space<hbm>>
        tpu.enqueue_dma source(%dma_start3A_601 : memref<64xi32, #tpu.memory_space<hbm>>) target(%dma_start3A_597 : memref<64xi32, #tpu.memory_space<vmem>>) target_semaphore(%arg17 : memref<!tpu.dma_semaphore, #tpu.memory_space<semaphore_mem>>)
        %slice3A_602 = vector.extract_strided_slice %shift_right_arithmetic3A_59 {offsets = [10], sizes = [1], strides = [1]} : vector<16xi32> to vector<1xi32>
        %squeeze3A_603 = vector.extract %slice3A_602[0] : i32 from vector<1xi32>
        %dma_start3A_604 = arith.constant 0 : i32
        %dma_start3A_605 = tpu.memref_slice %arg13[%add3A_585, %dma_start3A_604] : memref<128x64xi32, #tpu.memory_space<vmem>> -> memref<1x64xi32, #tpu.memory_space<vmem>>
        %dma_start3A_606 = tpu.memref_squeeze %dma_start3A_605 : memref<1x64xi32, #tpu.memory_space<vmem>> -> memref<64xi32, #tpu.memory_space<vmem>>
        %dma_start3A_607 = tpu.memref_bitcast %arg6 : memref<1000000x64xbf16, #tpu.memory_space<hbm>> -> memref<500000x64xi32, #tpu.memory_space<hbm>>
        %dma_start3A_608 = arith.constant 0 : i32
        %dma_start3A_609 = tpu.memref_slice %dma_start3A_607[%squeeze3A_603, %dma_start3A_608] : memref<500000x64xi32, #tpu.memory_space<hbm>> -> memref<1x64xi32, #tpu.memory_space<hbm>>
        %dma_start3A_610 = tpu.memref_squeeze %dma_start3A_609 : memref<1x64xi32, #tpu.memory_space<hbm>> -> memref<64xi32, #tpu.memory_space<hbm>>
        %dma_start3A_611 = arith.constant 0 : i32
        %dma_start3A_612 = tpu.memref_slice %arg13[%add3A_585, %dma_start3A_611] : memref<128x64xi32, #tpu.memory_space<vmem>> -> memref<1x64xi32, #tpu.memory_space<vmem>>
        %dma_start3A_613 = tpu.memref_squeeze %dma_start3A_612 : memref<1x64xi32, #tpu.memory_space<vmem>> -> memref<64xi32, #tpu.memory_space<vmem>>
        %dma_start3A_614 = tpu.memref_bitcast %arg6 : memref<1000000x64xbf16, #tpu.memory_space<hbm>> -> memref<500000x64xi32, #tpu.memory_space<hbm>>
        %dma_start3A_615 = arith.constant 0 : i32
        %dma_start3A_616 = tpu.memref_slice %dma_start3A_614[%squeeze3A_603, %dma_start3A_615] : memref<500000x64xi32, #tpu.memory_space<hbm>> -> memref<1x64xi32, #tpu.memory_space<hbm>>
        %dma_start3A_617 = tpu.memref_squeeze %dma_start3A_616 : memref<1x64xi32, #tpu.memory_space<hbm>> -> memref<64xi32, #tpu.memory_space<hbm>>
        tpu.enqueue_dma source(%dma_start3A_617 : memref<64xi32, #tpu.memory_space<hbm>>) target(%dma_start3A_613 : memref<64xi32, #tpu.memory_space<vmem>>) target_semaphore(%arg17 : memref<!tpu.dma_semaphore, #tpu.memory_space<semaphore_mem>>)
        %slice3A_618 = vector.extract_strided_slice %shift_right_arithmetic3A_64 {offsets = [10], sizes = [1], strides = [1]} : vector<16xi32> to vector<1xi32>
        %squeeze3A_619 = vector.extract %slice3A_618[0] : i32 from vector<1xi32>
        %dma_start3A_620 = arith.constant 0 : i32
        %dma_start3A_621 = tpu.memref_slice %arg14[%add3A_585, %dma_start3A_620] : memref<128x64xi32, #tpu.memory_space<vmem>> -> memref<1x64xi32, #tpu.memory_space<vmem>>
        %dma_start3A_622 = tpu.memref_squeeze %dma_start3A_621 : memref<1x64xi32, #tpu.memory_space<vmem>> -> memref<64xi32, #tpu.memory_space<vmem>>
        %dma_start3A_623 = tpu.memref_bitcast %arg6 : memref<1000000x64xbf16, #tpu.memory_space<hbm>> -> memref<500000x64xi32, #tpu.memory_space<hbm>>
        %dma_start3A_624 = arith.constant 0 : i32
        %dma_start3A_625 = tpu.memref_slice %dma_start3A_623[%squeeze3A_619, %dma_start3A_624] : memref<500000x64xi32, #tpu.memory_space<hbm>> -> memref<1x64xi32, #tpu.memory_space<hbm>>
        %dma_start3A_626 = tpu.memref_squeeze %dma_start3A_625 : memref<1x64xi32, #tpu.memory_space<hbm>> -> memref<64xi32, #tpu.memory_space<hbm>>
        %dma_start3A_627 = arith.constant 0 : i32
        %dma_start3A_628 = tpu.memref_slice %arg14[%add3A_585, %dma_start3A_627] : memref<128x64xi32, #tpu.memory_space<vmem>> -> memref<1x64xi32, #tpu.memory_space<vmem>>
        %dma_start3A_629 = tpu.memref_squeeze %dma_start3A_628 : memref<1x64xi32, #tpu.memory_space<vmem>> -> memref<64xi32, #tpu.memory_space<vmem>>
        %dma_start3A_630 = tpu.memref_bitcast %arg6 : memref<1000000x64xbf16, #tpu.memory_space<hbm>> -> memref<500000x64xi32, #tpu.memory_space<hbm>>
        %dma_start3A_631 = arith.constant 0 : i32
        %dma_start3A_632 = tpu.memref_slice %dma_start3A_630[%squeeze3A_619, %dma_start3A_631] : memref<500000x64xi32, #tpu.memory_space<hbm>> -> memref<1x64xi32, #tpu.memory_space<hbm>>
        %dma_start3A_633 = tpu.memref_squeeze %dma_start3A_632 : memref<1x64xi32, #tpu.memory_space<hbm>> -> memref<64xi32, #tpu.memory_space<hbm>>
        tpu.enqueue_dma source(%dma_start3A_633 : memref<64xi32, #tpu.memory_space<hbm>>) target(%dma_start3A_629 : memref<64xi32, #tpu.memory_space<vmem>>) target_semaphore(%arg17 : memref<!tpu.dma_semaphore, #tpu.memory_space<semaphore_mem>>)
        %mul3A_634 = arith.constant 16 : i32
        %mul3A_635 = arith.muli %scan3A_45, %mul3A_634 : i32
        %add3A_636 = arith.constant 11 : i32
        %add3A_637 = arith.addi %mul3A_635, %add3A_636 : i32
        %slice3A_638 = vector.extract_strided_slice %shift_right_arithmetic3A_54 {offsets = [11], sizes = [1], strides = [1]} : vector<16xi32> to vector<1xi32>
        %squeeze3A_639 = vector.extract %slice3A_638[0] : i32 from vector<1xi32>
        %dma_start3A_640 = arith.constant 0 : i32
        %dma_start3A_641 = tpu.memref_slice %arg12[%add3A_637, %dma_start3A_640] : memref<128x64xi32, #tpu.memory_space<vmem>> -> memref<1x64xi32, #tpu.memory_space<vmem>>
        %dma_start3A_642 = tpu.memref_squeeze %dma_start3A_641 : memref<1x64xi32, #tpu.memory_space<vmem>> -> memref<64xi32, #tpu.memory_space<vmem>>
        %dma_start3A_643 = tpu.memref_bitcast %arg5 : memref<1000000x64xbf16, #tpu.memory_space<hbm>> -> memref<500000x64xi32, #tpu.memory_space<hbm>>
        %dma_start3A_644 = arith.constant 0 : i32
        %dma_start3A_645 = tpu.memref_slice %dma_start3A_643[%squeeze3A_639, %dma_start3A_644] : memref<500000x64xi32, #tpu.memory_space<hbm>> -> memref<1x64xi32, #tpu.memory_space<hbm>>
        %dma_start3A_646 = tpu.memref_squeeze %dma_start3A_645 : memref<1x64xi32, #tpu.memory_space<hbm>> -> memref<64xi32, #tpu.memory_space<hbm>>
        %dma_start3A_647 = arith.constant 0 : i32
        %dma_start3A_648 = tpu.memref_slice %arg12[%add3A_637, %dma_start3A_647] : memref<128x64xi32, #tpu.memory_space<vmem>> -> memref<1x64xi32, #tpu.memory_space<vmem>>
        %dma_start3A_649 = tpu.memref_squeeze %dma_start3A_648 : memref<1x64xi32, #tpu.memory_space<vmem>> -> memref<64xi32, #tpu.memory_space<vmem>>
        %dma_start3A_650 = tpu.memref_bitcast %arg5 : memref<1000000x64xbf16, #tpu.memory_space<hbm>> -> memref<500000x64xi32, #tpu.memory_space<hbm>>
        %dma_start3A_651 = arith.constant 0 : i32
        %dma_start3A_652 = tpu.memref_slice %dma_start3A_650[%squeeze3A_639, %dma_start3A_651] : memref<500000x64xi32, #tpu.memory_space<hbm>> -> memref<1x64xi32, #tpu.memory_space<hbm>>
        %dma_start3A_653 = tpu.memref_squeeze %dma_start3A_652 : memref<1x64xi32, #tpu.memory_space<hbm>> -> memref<64xi32, #tpu.memory_space<hbm>>
        tpu.enqueue_dma source(%dma_start3A_653 : memref<64xi32, #tpu.memory_space<hbm>>) target(%dma_start3A_649 : memref<64xi32, #tpu.memory_space<vmem>>) target_semaphore(%arg17 : memref<!tpu.dma_semaphore, #tpu.memory_space<semaphore_mem>>)
        %slice3A_654 = vector.extract_strided_slice %shift_right_arithmetic3A_59 {offsets = [11], sizes = [1], strides = [1]} : vector<16xi32> to vector<1xi32>
        %squeeze3A_655 = vector.extract %slice3A_654[0] : i32 from vector<1xi32>
        %dma_start3A_656 = arith.constant 0 : i32
        %dma_start3A_657 = tpu.memref_slice %arg13[%add3A_637, %dma_start3A_656] : memref<128x64xi32, #tpu.memory_space<vmem>> -> memref<1x64xi32, #tpu.memory_space<vmem>>
        %dma_start3A_658 = tpu.memref_squeeze %dma_start3A_657 : memref<1x64xi32, #tpu.memory_space<vmem>> -> memref<64xi32, #tpu.memory_space<vmem>>
        %dma_start3A_659 = tpu.memref_bitcast %arg6 : memref<1000000x64xbf16, #tpu.memory_space<hbm>> -> memref<500000x64xi32, #tpu.memory_space<hbm>>
        %dma_start3A_660 = arith.constant 0 : i32
        %dma_start3A_661 = tpu.memref_slice %dma_start3A_659[%squeeze3A_655, %dma_start3A_660] : memref<500000x64xi32, #tpu.memory_space<hbm>> -> memref<1x64xi32, #tpu.memory_space<hbm>>
        %dma_start3A_662 = tpu.memref_squeeze %dma_start3A_661 : memref<1x64xi32, #tpu.memory_space<hbm>> -> memref<64xi32, #tpu.memory_space<hbm>>
        %dma_start3A_663 = arith.constant 0 : i32
        %dma_start3A_664 = tpu.memref_slice %arg13[%add3A_637, %dma_start3A_663] : memref<128x64xi32, #tpu.memory_space<vmem>> -> memref<1x64xi32, #tpu.memory_space<vmem>>
        %dma_start3A_665 = tpu.memref_squeeze %dma_start3A_664 : memref<1x64xi32, #tpu.memory_space<vmem>> -> memref<64xi32, #tpu.memory_space<vmem>>
        %dma_start3A_666 = tpu.memref_bitcast %arg6 : memref<1000000x64xbf16, #tpu.memory_space<hbm>> -> memref<500000x64xi32, #tpu.memory_space<hbm>>
        %dma_start3A_667 = arith.constant 0 : i32
        %dma_start3A_668 = tpu.memref_slice %dma_start3A_666[%squeeze3A_655, %dma_start3A_667] : memref<500000x64xi32, #tpu.memory_space<hbm>> -> memref<1x64xi32, #tpu.memory_space<hbm>>
        %dma_start3A_669 = tpu.memref_squeeze %dma_start3A_668 : memref<1x64xi32, #tpu.memory_space<hbm>> -> memref<64xi32, #tpu.memory_space<hbm>>
        tpu.enqueue_dma source(%dma_start3A_669 : memref<64xi32, #tpu.memory_space<hbm>>) target(%dma_start3A_665 : memref<64xi32, #tpu.memory_space<vmem>>) target_semaphore(%arg17 : memref<!tpu.dma_semaphore, #tpu.memory_space<semaphore_mem>>)
        %slice3A_670 = vector.extract_strided_slice %shift_right_arithmetic3A_64 {offsets = [11], sizes = [1], strides = [1]} : vector<16xi32> to vector<1xi32>
        %squeeze3A_671 = vector.extract %slice3A_670[0] : i32 from vector<1xi32>
        %dma_start3A_672 = arith.constant 0 : i32
        %dma_start3A_673 = tpu.memref_slice %arg14[%add3A_637, %dma_start3A_672] : memref<128x64xi32, #tpu.memory_space<vmem>> -> memref<1x64xi32, #tpu.memory_space<vmem>>
        %dma_start3A_674 = tpu.memref_squeeze %dma_start3A_673 : memref<1x64xi32, #tpu.memory_space<vmem>> -> memref<64xi32, #tpu.memory_space<vmem>>
        %dma_start3A_675 = tpu.memref_bitcast %arg6 : memref<1000000x64xbf16, #tpu.memory_space<hbm>> -> memref<500000x64xi32, #tpu.memory_space<hbm>>
        %dma_start3A_676 = arith.constant 0 : i32
        %dma_start3A_677 = tpu.memref_slice %dma_start3A_675[%squeeze3A_671, %dma_start3A_676] : memref<500000x64xi32, #tpu.memory_space<hbm>> -> memref<1x64xi32, #tpu.memory_space<hbm>>
        %dma_start3A_678 = tpu.memref_squeeze %dma_start3A_677 : memref<1x64xi32, #tpu.memory_space<hbm>> -> memref<64xi32, #tpu.memory_space<hbm>>
        %dma_start3A_679 = arith.constant 0 : i32
        %dma_start3A_680 = tpu.memref_slice %arg14[%add3A_637, %dma_start3A_679] : memref<128x64xi32, #tpu.memory_space<vmem>> -> memref<1x64xi32, #tpu.memory_space<vmem>>
        %dma_start3A_681 = tpu.memref_squeeze %dma_start3A_680 : memref<1x64xi32, #tpu.memory_space<vmem>> -> memref<64xi32, #tpu.memory_space<vmem>>
        %dma_start3A_682 = tpu.memref_bitcast %arg6 : memref<1000000x64xbf16, #tpu.memory_space<hbm>> -> memref<500000x64xi32, #tpu.memory_space<hbm>>
        %dma_start3A_683 = arith.constant 0 : i32
        %dma_start3A_684 = tpu.memref_slice %dma_start3A_682[%squeeze3A_671, %dma_start3A_683] : memref<500000x64xi32, #tpu.memory_space<hbm>> -> memref<1x64xi32, #tpu.memory_space<hbm>>
        %dma_start3A_685 = tpu.memref_squeeze %dma_start3A_684 : memref<1x64xi32, #tpu.memory_space<hbm>> -> memref<64xi32, #tpu.memory_space<hbm>>
        tpu.enqueue_dma source(%dma_start3A_685 : memref<64xi32, #tpu.memory_space<hbm>>) target(%dma_start3A_681 : memref<64xi32, #tpu.memory_space<vmem>>) target_semaphore(%arg17 : memref<!tpu.dma_semaphore, #tpu.memory_space<semaphore_mem>>)
        %mul3A_686 = arith.constant 16 : i32
        %mul3A_687 = arith.muli %scan3A_45, %mul3A_686 : i32
        %add3A_688 = arith.constant 12 : i32
        %add3A_689 = arith.addi %mul3A_687, %add3A_688 : i32
        %slice3A_690 = vector.extract_strided_slice %shift_right_arithmetic3A_54 {offsets = [12], sizes = [1], strides = [1]} : vector<16xi32> to vector<1xi32>
        %squeeze3A_691 = vector.extract %slice3A_690[0] : i32 from vector<1xi32>
        %dma_start3A_692 = arith.constant 0 : i32
        %dma_start3A_693 = tpu.memref_slice %arg12[%add3A_689, %dma_start3A_692] : memref<128x64xi32, #tpu.memory_space<vmem>> -> memref<1x64xi32, #tpu.memory_space<vmem>>
        %dma_start3A_694 = tpu.memref_squeeze %dma_start3A_693 : memref<1x64xi32, #tpu.memory_space<vmem>> -> memref<64xi32, #tpu.memory_space<vmem>>
        %dma_start3A_695 = tpu.memref_bitcast %arg5 : memref<1000000x64xbf16, #tpu.memory_space<hbm>> -> memref<500000x64xi32, #tpu.memory_space<hbm>>
        %dma_start3A_696 = arith.constant 0 : i32
        %dma_start3A_697 = tpu.memref_slice %dma_start3A_695[%squeeze3A_691, %dma_start3A_696] : memref<500000x64xi32, #tpu.memory_space<hbm>> -> memref<1x64xi32, #tpu.memory_space<hbm>>
        %dma_start3A_698 = tpu.memref_squeeze %dma_start3A_697 : memref<1x64xi32, #tpu.memory_space<hbm>> -> memref<64xi32, #tpu.memory_space<hbm>>
        %dma_start3A_699 = arith.constant 0 : i32
        %dma_start3A_700 = tpu.memref_slice %arg12[%add3A_689, %dma_start3A_699] : memref<128x64xi32, #tpu.memory_space<vmem>> -> memref<1x64xi32, #tpu.memory_space<vmem>>
        %dma_start3A_701 = tpu.memref_squeeze %dma_start3A_700 : memref<1x64xi32, #tpu.memory_space<vmem>> -> memref<64xi32, #tpu.memory_space<vmem>>
        %dma_start3A_702 = tpu.memref_bitcast %arg5 : memref<1000000x64xbf16, #tpu.memory_space<hbm>> -> memref<500000x64xi32, #tpu.memory_space<hbm>>
        %dma_start3A_703 = arith.constant 0 : i32
        %dma_start3A_704 = tpu.memref_slice %dma_start3A_702[%squeeze3A_691, %dma_start3A_703] : memref<500000x64xi32, #tpu.memory_space<hbm>> -> memref<1x64xi32, #tpu.memory_space<hbm>>
        %dma_start3A_705 = tpu.memref_squeeze %dma_start3A_704 : memref<1x64xi32, #tpu.memory_space<hbm>> -> memref<64xi32, #tpu.memory_space<hbm>>
        tpu.enqueue_dma source(%dma_start3A_705 : memref<64xi32, #tpu.memory_space<hbm>>) target(%dma_start3A_701 : memref<64xi32, #tpu.memory_space<vmem>>) target_semaphore(%arg17 : memref<!tpu.dma_semaphore, #tpu.memory_space<semaphore_mem>>)
        %slice3A_706 = vector.extract_strided_slice %shift_right_arithmetic3A_59 {offsets = [12], sizes = [1], strides = [1]} : vector<16xi32> to vector<1xi32>
        %squeeze3A_707 = vector.extract %slice3A_706[0] : i32 from vector<1xi32>
        %dma_start3A_708 = arith.constant 0 : i32
        %dma_start3A_709 = tpu.memref_slice %arg13[%add3A_689, %dma_start3A_708] : memref<128x64xi32, #tpu.memory_space<vmem>> -> memref<1x64xi32, #tpu.memory_space<vmem>>
        %dma_start3A_710 = tpu.memref_squeeze %dma_start3A_709 : memref<1x64xi32, #tpu.memory_space<vmem>> -> memref<64xi32, #tpu.memory_space<vmem>>
        %dma_start3A_711 = tpu.memref_bitcast %arg6 : memref<1000000x64xbf16, #tpu.memory_space<hbm>> -> memref<500000x64xi32, #tpu.memory_space<hbm>>
        %dma_start3A_712 = arith.constant 0 : i32
        %dma_start3A_713 = tpu.memref_slice %dma_start3A_711[%squeeze3A_707, %dma_start3A_712] : memref<500000x64xi32, #tpu.memory_space<hbm>> -> memref<1x64xi32, #tpu.memory_space<hbm>>
        %dma_start3A_714 = tpu.memref_squeeze %dma_start3A_713 : memref<1x64xi32, #tpu.memory_space<hbm>> -> memref<64xi32, #tpu.memory_space<hbm>>
        %dma_start3A_715 = arith.constant 0 : i32
        %dma_start3A_716 = tpu.memref_slice %arg13[%add3A_689, %dma_start3A_715] : memref<128x64xi32, #tpu.memory_space<vmem>> -> memref<1x64xi32, #tpu.memory_space<vmem>>
        %dma_start3A_717 = tpu.memref_squeeze %dma_start3A_716 : memref<1x64xi32, #tpu.memory_space<vmem>> -> memref<64xi32, #tpu.memory_space<vmem>>
        %dma_start3A_718 = tpu.memref_bitcast %arg6 : memref<1000000x64xbf16, #tpu.memory_space<hbm>> -> memref<500000x64xi32, #tpu.memory_space<hbm>>
        %dma_start3A_719 = arith.constant 0 : i32
        %dma_start3A_720 = tpu.memref_slice %dma_start3A_718[%squeeze3A_707, %dma_start3A_719] : memref<500000x64xi32, #tpu.memory_space<hbm>> -> memref<1x64xi32, #tpu.memory_space<hbm>>
        %dma_start3A_721 = tpu.memref_squeeze %dma_start3A_720 : memref<1x64xi32, #tpu.memory_space<hbm>> -> memref<64xi32, #tpu.memory_space<hbm>>
        tpu.enqueue_dma source(%dma_start3A_721 : memref<64xi32, #tpu.memory_space<hbm>>) target(%dma_start3A_717 : memref<64xi32, #tpu.memory_space<vmem>>) target_semaphore(%arg17 : memref<!tpu.dma_semaphore, #tpu.memory_space<semaphore_mem>>)
        %slice3A_722 = vector.extract_strided_slice %shift_right_arithmetic3A_64 {offsets = [12], sizes = [1], strides = [1]} : vector<16xi32> to vector<1xi32>
        %squeeze3A_723 = vector.extract %slice3A_722[0] : i32 from vector<1xi32>
        %dma_start3A_724 = arith.constant 0 : i32
        %dma_start3A_725 = tpu.memref_slice %arg14[%add3A_689, %dma_start3A_724] : memref<128x64xi32, #tpu.memory_space<vmem>> -> memref<1x64xi32, #tpu.memory_space<vmem>>
        %dma_start3A_726 = tpu.memref_squeeze %dma_start3A_725 : memref<1x64xi32, #tpu.memory_space<vmem>> -> memref<64xi32, #tpu.memory_space<vmem>>
        %dma_start3A_727 = tpu.memref_bitcast %arg6 : memref<1000000x64xbf16, #tpu.memory_space<hbm>> -> memref<500000x64xi32, #tpu.memory_space<hbm>>
        %dma_start3A_728 = arith.constant 0 : i32
        %dma_start3A_729 = tpu.memref_slice %dma_start3A_727[%squeeze3A_723, %dma_start3A_728] : memref<500000x64xi32, #tpu.memory_space<hbm>> -> memref<1x64xi32, #tpu.memory_space<hbm>>
        %dma_start3A_730 = tpu.memref_squeeze %dma_start3A_729 : memref<1x64xi32, #tpu.memory_space<hbm>> -> memref<64xi32, #tpu.memory_space<hbm>>
        %dma_start3A_731 = arith.constant 0 : i32
        %dma_start3A_732 = tpu.memref_slice %arg14[%add3A_689, %dma_start3A_731] : memref<128x64xi32, #tpu.memory_space<vmem>> -> memref<1x64xi32, #tpu.memory_space<vmem>>
        %dma_start3A_733 = tpu.memref_squeeze %dma_start3A_732 : memref<1x64xi32, #tpu.memory_space<vmem>> -> memref<64xi32, #tpu.memory_space<vmem>>
        %dma_start3A_734 = tpu.memref_bitcast %arg6 : memref<1000000x64xbf16, #tpu.memory_space<hbm>> -> memref<500000x64xi32, #tpu.memory_space<hbm>>
        %dma_start3A_735 = arith.constant 0 : i32
        %dma_start3A_736 = tpu.memref_slice %dma_start3A_734[%squeeze3A_723, %dma_start3A_735] : memref<500000x64xi32, #tpu.memory_space<hbm>> -> memref<1x64xi32, #tpu.memory_space<hbm>>
        %dma_start3A_737 = tpu.memref_squeeze %dma_start3A_736 : memref<1x64xi32, #tpu.memory_space<hbm>> -> memref<64xi32, #tpu.memory_space<hbm>>
        tpu.enqueue_dma source(%dma_start3A_737 : memref<64xi32, #tpu.memory_space<hbm>>) target(%dma_start3A_733 : memref<64xi32, #tpu.memory_space<vmem>>) target_semaphore(%arg17 : memref<!tpu.dma_semaphore, #tpu.memory_space<semaphore_mem>>)
        %mul3A_738 = arith.constant 16 : i32
        %mul3A_739 = arith.muli %scan3A_45, %mul3A_738 : i32
        %add3A_740 = arith.constant 13 : i32
        %add3A_741 = arith.addi %mul3A_739, %add3A_740 : i32
        %slice3A_742 = vector.extract_strided_slice %shift_right_arithmetic3A_54 {offsets = [13], sizes = [1], strides = [1]} : vector<16xi32> to vector<1xi32>
        %squeeze3A_743 = vector.extract %slice3A_742[0] : i32 from vector<1xi32>
        %dma_start3A_744 = arith.constant 0 : i32
        %dma_start3A_745 = tpu.memref_slice %arg12[%add3A_741, %dma_start3A_744] : memref<128x64xi32, #tpu.memory_space<vmem>> -> memref<1x64xi32, #tpu.memory_space<vmem>>
        %dma_start3A_746 = tpu.memref_squeeze %dma_start3A_745 : memref<1x64xi32, #tpu.memory_space<vmem>> -> memref<64xi32, #tpu.memory_space<vmem>>
        %dma_start3A_747 = tpu.memref_bitcast %arg5 : memref<1000000x64xbf16, #tpu.memory_space<hbm>> -> memref<500000x64xi32, #tpu.memory_space<hbm>>
        %dma_start3A_748 = arith.constant 0 : i32
        %dma_start3A_749 = tpu.memref_slice %dma_start3A_747[%squeeze3A_743, %dma_start3A_748] : memref<500000x64xi32, #tpu.memory_space<hbm>> -> memref<1x64xi32, #tpu.memory_space<hbm>>
        %dma_start3A_750 = tpu.memref_squeeze %dma_start3A_749 : memref<1x64xi32, #tpu.memory_space<hbm>> -> memref<64xi32, #tpu.memory_space<hbm>>
        %dma_start3A_751 = arith.constant 0 : i32
        %dma_start3A_752 = tpu.memref_slice %arg12[%add3A_741, %dma_start3A_751] : memref<128x64xi32, #tpu.memory_space<vmem>> -> memref<1x64xi32, #tpu.memory_space<vmem>>
        %dma_start3A_753 = tpu.memref_squeeze %dma_start3A_752 : memref<1x64xi32, #tpu.memory_space<vmem>> -> memref<64xi32, #tpu.memory_space<vmem>>
        %dma_start3A_754 = tpu.memref_bitcast %arg5 : memref<1000000x64xbf16, #tpu.memory_space<hbm>> -> memref<500000x64xi32, #tpu.memory_space<hbm>>
        %dma_start3A_755 = arith.constant 0 : i32
        %dma_start3A_756 = tpu.memref_slice %dma_start3A_754[%squeeze3A_743, %dma_start3A_755] : memref<500000x64xi32, #tpu.memory_space<hbm>> -> memref<1x64xi32, #tpu.memory_space<hbm>>
        %dma_start3A_757 = tpu.memref_squeeze %dma_start3A_756 : memref<1x64xi32, #tpu.memory_space<hbm>> -> memref<64xi32, #tpu.memory_space<hbm>>
        tpu.enqueue_dma source(%dma_start3A_757 : memref<64xi32, #tpu.memory_space<hbm>>) target(%dma_start3A_753 : memref<64xi32, #tpu.memory_space<vmem>>) target_semaphore(%arg17 : memref<!tpu.dma_semaphore, #tpu.memory_space<semaphore_mem>>)
        %slice3A_758 = vector.extract_strided_slice %shift_right_arithmetic3A_59 {offsets = [13], sizes = [1], strides = [1]} : vector<16xi32> to vector<1xi32>
        %squeeze3A_759 = vector.extract %slice3A_758[0] : i32 from vector<1xi32>
        %dma_start3A_760 = arith.constant 0 : i32
        %dma_start3A_761 = tpu.memref_slice %arg13[%add3A_741, %dma_start3A_760] : memref<128x64xi32, #tpu.memory_space<vmem>> -> memref<1x64xi32, #tpu.memory_space<vmem>>
        %dma_start3A_762 = tpu.memref_squeeze %dma_start3A_761 : memref<1x64xi32, #tpu.memory_space<vmem>> -> memref<64xi32, #tpu.memory_space<vmem>>
        %dma_start3A_763 = tpu.memref_bitcast %arg6 : memref<1000000x64xbf16, #tpu.memory_space<hbm>> -> memref<500000x64xi32, #tpu.memory_space<hbm>>
        %dma_start3A_764 = arith.constant 0 : i32
        %dma_start3A_765 = tpu.memref_slice %dma_start3A_763[%squeeze3A_759, %dma_start3A_764] : memref<500000x64xi32, #tpu.memory_space<hbm>> -> memref<1x64xi32, #tpu.memory_space<hbm>>
        %dma_start3A_766 = tpu.memref_squeeze %dma_start3A_765 : memref<1x64xi32, #tpu.memory_space<hbm>> -> memref<64xi32, #tpu.memory_space<hbm>>
        %dma_start3A_767 = arith.constant 0 : i32
        %dma_start3A_768 = tpu.memref_slice %arg13[%add3A_741, %dma_start3A_767] : memref<128x64xi32, #tpu.memory_space<vmem>> -> memref<1x64xi32, #tpu.memory_space<vmem>>
        %dma_start3A_769 = tpu.memref_squeeze %dma_start3A_768 : memref<1x64xi32, #tpu.memory_space<vmem>> -> memref<64xi32, #tpu.memory_space<vmem>>
        %dma_start3A_770 = tpu.memref_bitcast %arg6 : memref<1000000x64xbf16, #tpu.memory_space<hbm>> -> memref<500000x64xi32, #tpu.memory_space<hbm>>
        %dma_start3A_771 = arith.constant 0 : i32
        %dma_start3A_772 = tpu.memref_slice %dma_start3A_770[%squeeze3A_759, %dma_start3A_771] : memref<500000x64xi32, #tpu.memory_space<hbm>> -> memref<1x64xi32, #tpu.memory_space<hbm>>
        %dma_start3A_773 = tpu.memref_squeeze %dma_start3A_772 : memref<1x64xi32, #tpu.memory_space<hbm>> -> memref<64xi32, #tpu.memory_space<hbm>>
        tpu.enqueue_dma source(%dma_start3A_773 : memref<64xi32, #tpu.memory_space<hbm>>) target(%dma_start3A_769 : memref<64xi32, #tpu.memory_space<vmem>>) target_semaphore(%arg17 : memref<!tpu.dma_semaphore, #tpu.memory_space<semaphore_mem>>)
        %slice3A_774 = vector.extract_strided_slice %shift_right_arithmetic3A_64 {offsets = [13], sizes = [1], strides = [1]} : vector<16xi32> to vector<1xi32>
        %squeeze3A_775 = vector.extract %slice3A_774[0] : i32 from vector<1xi32>
        %dma_start3A_776 = arith.constant 0 : i32
        %dma_start3A_777 = tpu.memref_slice %arg14[%add3A_741, %dma_start3A_776] : memref<128x64xi32, #tpu.memory_space<vmem>> -> memref<1x64xi32, #tpu.memory_space<vmem>>
        %dma_start3A_778 = tpu.memref_squeeze %dma_start3A_777 : memref<1x64xi32, #tpu.memory_space<vmem>> -> memref<64xi32, #tpu.memory_space<vmem>>
        %dma_start3A_779 = tpu.memref_bitcast %arg6 : memref<1000000x64xbf16, #tpu.memory_space<hbm>> -> memref<500000x64xi32, #tpu.memory_space<hbm>>
        %dma_start3A_780 = arith.constant 0 : i32
        %dma_start3A_781 = tpu.memref_slice %dma_start3A_779[%squeeze3A_775, %dma_start3A_780] : memref<500000x64xi32, #tpu.memory_space<hbm>> -> memref<1x64xi32, #tpu.memory_space<hbm>>
        %dma_start3A_782 = tpu.memref_squeeze %dma_start3A_781 : memref<1x64xi32, #tpu.memory_space<hbm>> -> memref<64xi32, #tpu.memory_space<hbm>>
        %dma_start3A_783 = arith.constant 0 : i32
        %dma_start3A_784 = tpu.memref_slice %arg14[%add3A_741, %dma_start3A_783] : memref<128x64xi32, #tpu.memory_space<vmem>> -> memref<1x64xi32, #tpu.memory_space<vmem>>
        %dma_start3A_785 = tpu.memref_squeeze %dma_start3A_784 : memref<1x64xi32, #tpu.memory_space<vmem>> -> memref<64xi32, #tpu.memory_space<vmem>>
        %dma_start3A_786 = tpu.memref_bitcast %arg6 : memref<1000000x64xbf16, #tpu.memory_space<hbm>> -> memref<500000x64xi32, #tpu.memory_space<hbm>>
        %dma_start3A_787 = arith.constant 0 : i32
        %dma_start3A_788 = tpu.memref_slice %dma_start3A_786[%squeeze3A_775, %dma_start3A_787] : memref<500000x64xi32, #tpu.memory_space<hbm>> -> memref<1x64xi32, #tpu.memory_space<hbm>>
        %dma_start3A_789 = tpu.memref_squeeze %dma_start3A_788 : memref<1x64xi32, #tpu.memory_space<hbm>> -> memref<64xi32, #tpu.memory_space<hbm>>
        tpu.enqueue_dma source(%dma_start3A_789 : memref<64xi32, #tpu.memory_space<hbm>>) target(%dma_start3A_785 : memref<64xi32, #tpu.memory_space<vmem>>) target_semaphore(%arg17 : memref<!tpu.dma_semaphore, #tpu.memory_space<semaphore_mem>>)
        %mul3A_790 = arith.constant 16 : i32
        %mul3A_791 = arith.muli %scan3A_45, %mul3A_790 : i32
        %add3A_792 = arith.constant 14 : i32
        %add3A_793 = arith.addi %mul3A_791, %add3A_792 : i32
        %slice3A_794 = vector.extract_strided_slice %shift_right_arithmetic3A_54 {offsets = [14], sizes = [1], strides = [1]} : vector<16xi32> to vector<1xi32>
        %squeeze3A_795 = vector.extract %slice3A_794[0] : i32 from vector<1xi32>
        %dma_start3A_796 = arith.constant 0 : i32
        %dma_start3A_797 = tpu.memref_slice %arg12[%add3A_793, %dma_start3A_796] : memref<128x64xi32, #tpu.memory_space<vmem>> -> memref<1x64xi32, #tpu.memory_space<vmem>>
        %dma_start3A_798 = tpu.memref_squeeze %dma_start3A_797 : memref<1x64xi32, #tpu.memory_space<vmem>> -> memref<64xi32, #tpu.memory_space<vmem>>
        %dma_start3A_799 = tpu.memref_bitcast %arg5 : memref<1000000x64xbf16, #tpu.memory_space<hbm>> -> memref<500000x64xi32, #tpu.memory_space<hbm>>
        %dma_start3A_800 = arith.constant 0 : i32
        %dma_start3A_801 = tpu.memref_slice %dma_start3A_799[%squeeze3A_795, %dma_start3A_800] : memref<500000x64xi32, #tpu.memory_space<hbm>> -> memref<1x64xi32, #tpu.memory_space<hbm>>
        %dma_start3A_802 = tpu.memref_squeeze %dma_start3A_801 : memref<1x64xi32, #tpu.memory_space<hbm>> -> memref<64xi32, #tpu.memory_space<hbm>>
        %dma_start3A_803 = arith.constant 0 : i32
        %dma_start3A_804 = tpu.memref_slice %arg12[%add3A_793, %dma_start3A_803] : memref<128x64xi32, #tpu.memory_space<vmem>> -> memref<1x64xi32, #tpu.memory_space<vmem>>
        %dma_start3A_805 = tpu.memref_squeeze %dma_start3A_804 : memref<1x64xi32, #tpu.memory_space<vmem>> -> memref<64xi32, #tpu.memory_space<vmem>>
        %dma_start3A_806 = tpu.memref_bitcast %arg5 : memref<1000000x64xbf16, #tpu.memory_space<hbm>> -> memref<500000x64xi32, #tpu.memory_space<hbm>>
        %dma_start3A_807 = arith.constant 0 : i32
        %dma_start3A_808 = tpu.memref_slice %dma_start3A_806[%squeeze3A_795, %dma_start3A_807] : memref<500000x64xi32, #tpu.memory_space<hbm>> -> memref<1x64xi32, #tpu.memory_space<hbm>>
        %dma_start3A_809 = tpu.memref_squeeze %dma_start3A_808 : memref<1x64xi32, #tpu.memory_space<hbm>> -> memref<64xi32, #tpu.memory_space<hbm>>
        tpu.enqueue_dma source(%dma_start3A_809 : memref<64xi32, #tpu.memory_space<hbm>>) target(%dma_start3A_805 : memref<64xi32, #tpu.memory_space<vmem>>) target_semaphore(%arg17 : memref<!tpu.dma_semaphore, #tpu.memory_space<semaphore_mem>>)
        %slice3A_810 = vector.extract_strided_slice %shift_right_arithmetic3A_59 {offsets = [14], sizes = [1], strides = [1]} : vector<16xi32> to vector<1xi32>
        %squeeze3A_811 = vector.extract %slice3A_810[0] : i32 from vector<1xi32>
        %dma_start3A_812 = arith.constant 0 : i32
        %dma_start3A_813 = tpu.memref_slice %arg13[%add3A_793, %dma_start3A_812] : memref<128x64xi32, #tpu.memory_space<vmem>> -> memref<1x64xi32, #tpu.memory_space<vmem>>
        %dma_start3A_814 = tpu.memref_squeeze %dma_start3A_813 : memref<1x64xi32, #tpu.memory_space<vmem>> -> memref<64xi32, #tpu.memory_space<vmem>>
        %dma_start3A_815 = tpu.memref_bitcast %arg6 : memref<1000000x64xbf16, #tpu.memory_space<hbm>> -> memref<500000x64xi32, #tpu.memory_space<hbm>>
        %dma_start3A_816 = arith.constant 0 : i32
        %dma_start3A_817 = tpu.memref_slice %dma_start3A_815[%squeeze3A_811, %dma_start3A_816] : memref<500000x64xi32, #tpu.memory_space<hbm>> -> memref<1x64xi32, #tpu.memory_space<hbm>>
        %dma_start3A_818 = tpu.memref_squeeze %dma_start3A_817 : memref<1x64xi32, #tpu.memory_space<hbm>> -> memref<64xi32, #tpu.memory_space<hbm>>
        %dma_start3A_819 = arith.constant 0 : i32
        %dma_start3A_820 = tpu.memref_slice %arg13[%add3A_793, %dma_start3A_819] : memref<128x64xi32, #tpu.memory_space<vmem>> -> memref<1x64xi32, #tpu.memory_space<vmem>>
        %dma_start3A_821 = tpu.memref_squeeze %dma_start3A_820 : memref<1x64xi32, #tpu.memory_space<vmem>> -> memref<64xi32, #tpu.memory_space<vmem>>
        %dma_start3A_822 = tpu.memref_bitcast %arg6 : memref<1000000x64xbf16, #tpu.memory_space<hbm>> -> memref<500000x64xi32, #tpu.memory_space<hbm>>
        %dma_start3A_823 = arith.constant 0 : i32
        %dma_start3A_824 = tpu.memref_slice %dma_start3A_822[%squeeze3A_811, %dma_start3A_823] : memref<500000x64xi32, #tpu.memory_space<hbm>> -> memref<1x64xi32, #tpu.memory_space<hbm>>
        %dma_start3A_825 = tpu.memref_squeeze %dma_start3A_824 : memref<1x64xi32, #tpu.memory_space<hbm>> -> memref<64xi32, #tpu.memory_space<hbm>>
        tpu.enqueue_dma source(%dma_start3A_825 : memref<64xi32, #tpu.memory_space<hbm>>) target(%dma_start3A_821 : memref<64xi32, #tpu.memory_space<vmem>>) target_semaphore(%arg17 : memref<!tpu.dma_semaphore, #tpu.memory_space<semaphore_mem>>)
        %slice3A_826 = vector.extract_strided_slice %shift_right_arithmetic3A_64 {offsets = [14], sizes = [1], strides = [1]} : vector<16xi32> to vector<1xi32>
        %squeeze3A_827 = vector.extract %slice3A_826[0] : i32 from vector<1xi32>
        %dma_start3A_828 = arith.constant 0 : i32
        %dma_start3A_829 = tpu.memref_slice %arg14[%add3A_793, %dma_start3A_828] : memref<128x64xi32, #tpu.memory_space<vmem>> -> memref<1x64xi32, #tpu.memory_space<vmem>>
        %dma_start3A_830 = tpu.memref_squeeze %dma_start3A_829 : memref<1x64xi32, #tpu.memory_space<vmem>> -> memref<64xi32, #tpu.memory_space<vmem>>
        %dma_start3A_831 = tpu.memref_bitcast %arg6 : memref<1000000x64xbf16, #tpu.memory_space<hbm>> -> memref<500000x64xi32, #tpu.memory_space<hbm>>
        %dma_start3A_832 = arith.constant 0 : i32
        %dma_start3A_833 = tpu.memref_slice %dma_start3A_831[%squeeze3A_827, %dma_start3A_832] : memref<500000x64xi32, #tpu.memory_space<hbm>> -> memref<1x64xi32, #tpu.memory_space<hbm>>
        %dma_start3A_834 = tpu.memref_squeeze %dma_start3A_833 : memref<1x64xi32, #tpu.memory_space<hbm>> -> memref<64xi32, #tpu.memory_space<hbm>>
        %dma_start3A_835 = arith.constant 0 : i32
        %dma_start3A_836 = tpu.memref_slice %arg14[%add3A_793, %dma_start3A_835] : memref<128x64xi32, #tpu.memory_space<vmem>> -> memref<1x64xi32, #tpu.memory_space<vmem>>
        %dma_start3A_837 = tpu.memref_squeeze %dma_start3A_836 : memref<1x64xi32, #tpu.memory_space<vmem>> -> memref<64xi32, #tpu.memory_space<vmem>>
        %dma_start3A_838 = tpu.memref_bitcast %arg6 : memref<1000000x64xbf16, #tpu.memory_space<hbm>> -> memref<500000x64xi32, #tpu.memory_space<hbm>>
        %dma_start3A_839 = arith.constant 0 : i32
        %dma_start3A_840 = tpu.memref_slice %dma_start3A_838[%squeeze3A_827, %dma_start3A_839] : memref<500000x64xi32, #tpu.memory_space<hbm>> -> memref<1x64xi32, #tpu.memory_space<hbm>>
        %dma_start3A_841 = tpu.memref_squeeze %dma_start3A_840 : memref<1x64xi32, #tpu.memory_space<hbm>> -> memref<64xi32, #tpu.memory_space<hbm>>
        tpu.enqueue_dma source(%dma_start3A_841 : memref<64xi32, #tpu.memory_space<hbm>>) target(%dma_start3A_837 : memref<64xi32, #tpu.memory_space<vmem>>) target_semaphore(%arg17 : memref<!tpu.dma_semaphore, #tpu.memory_space<semaphore_mem>>)
        %mul3A_842 = arith.constant 16 : i32
        %mul3A_843 = arith.muli %scan3A_45, %mul3A_842 : i32
        %add3A_844 = arith.constant 15 : i32
        %add3A_845 = arith.addi %mul3A_843, %add3A_844 : i32
        %slice3A_846 = vector.extract_strided_slice %shift_right_arithmetic3A_54 {offsets = [15], sizes = [1], strides = [1]} : vector<16xi32> to vector<1xi32>
        %squeeze3A_847 = vector.extract %slice3A_846[0] : i32 from vector<1xi32>
        %dma_start3A_848 = arith.constant 0 : i32
        %dma_start3A_849 = tpu.memref_slice %arg12[%add3A_845, %dma_start3A_848] : memref<128x64xi32, #tpu.memory_space<vmem>> -> memref<1x64xi32, #tpu.memory_space<vmem>>
        %dma_start3A_850 = tpu.memref_squeeze %dma_start3A_849 : memref<1x64xi32, #tpu.memory_space<vmem>> -> memref<64xi32, #tpu.memory_space<vmem>>
        %dma_start3A_851 = tpu.memref_bitcast %arg5 : memref<1000000x64xbf16, #tpu.memory_space<hbm>> -> memref<500000x64xi32, #tpu.memory_space<hbm>>
        %dma_start3A_852 = arith.constant 0 : i32
        %dma_start3A_853 = tpu.memref_slice %dma_start3A_851[%squeeze3A_847, %dma_start3A_852] : memref<500000x64xi32, #tpu.memory_space<hbm>> -> memref<1x64xi32, #tpu.memory_space<hbm>>
        %dma_start3A_854 = tpu.memref_squeeze %dma_start3A_853 : memref<1x64xi32, #tpu.memory_space<hbm>> -> memref<64xi32, #tpu.memory_space<hbm>>
        %dma_start3A_855 = arith.constant 0 : i32
        %dma_start3A_856 = tpu.memref_slice %arg12[%add3A_845, %dma_start3A_855] : memref<128x64xi32, #tpu.memory_space<vmem>> -> memref<1x64xi32, #tpu.memory_space<vmem>>
        %dma_start3A_857 = tpu.memref_squeeze %dma_start3A_856 : memref<1x64xi32, #tpu.memory_space<vmem>> -> memref<64xi32, #tpu.memory_space<vmem>>
        %dma_start3A_858 = tpu.memref_bitcast %arg5 : memref<1000000x64xbf16, #tpu.memory_space<hbm>> -> memref<500000x64xi32, #tpu.memory_space<hbm>>
        %dma_start3A_859 = arith.constant 0 : i32
        %dma_start3A_860 = tpu.memref_slice %dma_start3A_858[%squeeze3A_847, %dma_start3A_859] : memref<500000x64xi32, #tpu.memory_space<hbm>> -> memref<1x64xi32, #tpu.memory_space<hbm>>
        %dma_start3A_861 = tpu.memref_squeeze %dma_start3A_860 : memref<1x64xi32, #tpu.memory_space<hbm>> -> memref<64xi32, #tpu.memory_space<hbm>>
        tpu.enqueue_dma source(%dma_start3A_861 : memref<64xi32, #tpu.memory_space<hbm>>) target(%dma_start3A_857 : memref<64xi32, #tpu.memory_space<vmem>>) target_semaphore(%arg17 : memref<!tpu.dma_semaphore, #tpu.memory_space<semaphore_mem>>)
        %slice3A_862 = vector.extract_strided_slice %shift_right_arithmetic3A_59 {offsets = [15], sizes = [1], strides = [1]} : vector<16xi32> to vector<1xi32>
        %squeeze3A_863 = vector.extract %slice3A_862[0] : i32 from vector<1xi32>
        %dma_start3A_864 = arith.constant 0 : i32
        %dma_start3A_865 = tpu.memref_slice %arg13[%add3A_845, %dma_start3A_864] : memref<128x64xi32, #tpu.memory_space<vmem>> -> memref<1x64xi32, #tpu.memory_space<vmem>>
        %dma_start3A_866 = tpu.memref_squeeze %dma_start3A_865 : memref<1x64xi32, #tpu.memory_space<vmem>> -> memref<64xi32, #tpu.memory_space<vmem>>
        %dma_start3A_867 = tpu.memref_bitcast %arg6 : memref<1000000x64xbf16, #tpu.memory_space<hbm>> -> memref<500000x64xi32, #tpu.memory_space<hbm>>
        %dma_start3A_868 = arith.constant 0 : i32
        %dma_start3A_869 = tpu.memref_slice %dma_start3A_867[%squeeze3A_863, %dma_start3A_868] : memref<500000x64xi32, #tpu.memory_space<hbm>> -> memref<1x64xi32, #tpu.memory_space<hbm>>
        %dma_start3A_870 = tpu.memref_squeeze %dma_start3A_869 : memref<1x64xi32, #tpu.memory_space<hbm>> -> memref<64xi32, #tpu.memory_space<hbm>>
        %dma_start3A_871 = arith.constant 0 : i32
        %dma_start3A_872 = tpu.memref_slice %arg13[%add3A_845, %dma_start3A_871] : memref<128x64xi32, #tpu.memory_space<vmem>> -> memref<1x64xi32, #tpu.memory_space<vmem>>
        %dma_start3A_873 = tpu.memref_squeeze %dma_start3A_872 : memref<1x64xi32, #tpu.memory_space<vmem>> -> memref<64xi32, #tpu.memory_space<vmem>>
        %dma_start3A_874 = tpu.memref_bitcast %arg6 : memref<1000000x64xbf16, #tpu.memory_space<hbm>> -> memref<500000x64xi32, #tpu.memory_space<hbm>>
        %dma_start3A_875 = arith.constant 0 : i32
        %dma_start3A_876 = tpu.memref_slice %dma_start3A_874[%squeeze3A_863, %dma_start3A_875] : memref<500000x64xi32, #tpu.memory_space<hbm>> -> memref<1x64xi32, #tpu.memory_space<hbm>>
        %dma_start3A_877 = tpu.memref_squeeze %dma_start3A_876 : memref<1x64xi32, #tpu.memory_space<hbm>> -> memref<64xi32, #tpu.memory_space<hbm>>
        tpu.enqueue_dma source(%dma_start3A_877 : memref<64xi32, #tpu.memory_space<hbm>>) target(%dma_start3A_873 : memref<64xi32, #tpu.memory_space<vmem>>) target_semaphore(%arg17 : memref<!tpu.dma_semaphore, #tpu.memory_space<semaphore_mem>>)
        %slice3A_878 = vector.extract_strided_slice %shift_right_arithmetic3A_64 {offsets = [15], sizes = [1], strides = [1]} : vector<16xi32> to vector<1xi32>
        %squeeze3A_879 = vector.extract %slice3A_878[0] : i32 from vector<1xi32>
        %dma_start3A_880 = arith.constant 0 : i32
        %dma_start3A_881 = tpu.memref_slice %arg14[%add3A_845, %dma_start3A_880] : memref<128x64xi32, #tpu.memory_space<vmem>> -> memref<1x64xi32, #tpu.memory_space<vmem>>
        %dma_start3A_882 = tpu.memref_squeeze %dma_start3A_881 : memref<1x64xi32, #tpu.memory_space<vmem>> -> memref<64xi32, #tpu.memory_space<vmem>>
        %dma_start3A_883 = tpu.memref_bitcast %arg6 : memref<1000000x64xbf16, #tpu.memory_space<hbm>> -> memref<500000x64xi32, #tpu.memory_space<hbm>>
        %dma_start3A_884 = arith.constant 0 : i32
        %dma_start3A_885 = tpu.memref_slice %dma_start3A_883[%squeeze3A_879, %dma_start3A_884] : memref<500000x64xi32, #tpu.memory_space<hbm>> -> memref<1x64xi32, #tpu.memory_space<hbm>>
        %dma_start3A_886 = tpu.memref_squeeze %dma_start3A_885 : memref<1x64xi32, #tpu.memory_space<hbm>> -> memref<64xi32, #tpu.memory_space<hbm>>
        %dma_start3A_887 = arith.constant 0 : i32
        %dma_start3A_888 = tpu.memref_slice %arg14[%add3A_845, %dma_start3A_887] : memref<128x64xi32, #tpu.memory_space<vmem>> -> memref<1x64xi32, #tpu.memory_space<vmem>>
        %dma_start3A_889 = tpu.memref_squeeze %dma_start3A_888 : memref<1x64xi32, #tpu.memory_space<vmem>> -> memref<64xi32, #tpu.memory_space<vmem>>
        %dma_start3A_890 = tpu.memref_bitcast %arg6 : memref<1000000x64xbf16, #tpu.memory_space<hbm>> -> memref<500000x64xi32, #tpu.memory_space<hbm>>
        %dma_start3A_891 = arith.constant 0 : i32
        %dma_start3A_892 = tpu.memref_slice %dma_start3A_890[%squeeze3A_879, %dma_start3A_891] : memref<500000x64xi32, #tpu.memory_space<hbm>> -> memref<1x64xi32, #tpu.memory_space<hbm>>
        %dma_start3A_893 = tpu.memref_squeeze %dma_start3A_892 : memref<1x64xi32, #tpu.memory_space<hbm>> -> memref<64xi32, #tpu.memory_space<hbm>>
        tpu.enqueue_dma source(%dma_start3A_893 : memref<64xi32, #tpu.memory_space<hbm>>) target(%dma_start3A_889 : memref<64xi32, #tpu.memory_space<vmem>>) target_semaphore(%arg17 : memref<!tpu.dma_semaphore, #tpu.memory_space<semaphore_mem>>)
      }
      %scan3A_14 = arith.constant 8 : i32
      %dma_wait3A = tpu.memref_bitcast %arg5 : memref<1000000x64xbf16, #tpu.memory_space<hbm>> -> memref<500000x64xi32, #tpu.memory_space<hbm>>
      %dma_wait3A_15 = arith.constant 0 : i32
      %dma_wait3A_16 = arith.constant 0 : i32
      %dma_wait3A_17 = tpu.memref_slice %dma_wait3A[%dma_wait3A_15, %dma_wait3A_16] : memref<500000x64xi32, #tpu.memory_space<hbm>> -> memref<128x64xi32, #tpu.memory_space<hbm>>
      %dma_wait3A_18 = tpu.memref_bitcast %arg5 : memref<1000000x64xbf16, #tpu.memory_space<hbm>> -> memref<500000x64xi32, #tpu.memory_space<hbm>>
      %dma_wait3A_19 = arith.constant 0 : i32
      %dma_wait3A_20 = arith.constant 0 : i32
      %dma_wait3A_21 = tpu.memref_slice %dma_wait3A_18[%dma_wait3A_19, %dma_wait3A_20] : memref<500000x64xi32, #tpu.memory_space<hbm>> -> memref<128x64xi32, #tpu.memory_space<hbm>>
      tpu.wait_dma2 semaphore(%arg17 : memref<!tpu.dma_semaphore, #tpu.memory_space<semaphore_mem>>) src(%dma_wait3A_21 : memref<128x64xi32, #tpu.memory_space<hbm>>) dst(%arg12 : memref<128x64xi32, #tpu.memory_space<vmem>>)
      %dma_wait3A_22 = tpu.memref_bitcast %arg5 : memref<1000000x64xbf16, #tpu.memory_space<hbm>> -> memref<500000x64xi32, #tpu.memory_space<hbm>>
      %dma_wait3A_23 = arith.constant 0 : i32
      %dma_wait3A_24 = arith.constant 0 : i32
      %dma_wait3A_25 = tpu.memref_slice %dma_wait3A_22[%dma_wait3A_23, %dma_wait3A_24] : memref<500000x64xi32, #tpu.memory_space<hbm>> -> memref<128x64xi32, #tpu.memory_space<hbm>>
      %dma_wait3A_26 = tpu.memref_bitcast %arg5 : memref<1000000x64xbf16, #tpu.memory_space<hbm>> -> memref<500000x64xi32, #tpu.memory_space<hbm>>
      %dma_wait3A_27 = arith.constant 0 : i32
      %dma_wait3A_28 = arith.constant 0 : i32
      %dma_wait3A_29 = tpu.memref_slice %dma_wait3A_26[%dma_wait3A_27, %dma_wait3A_28] : memref<500000x64xi32, #tpu.memory_space<hbm>> -> memref<128x64xi32, #tpu.memory_space<hbm>>
      tpu.wait_dma2 semaphore(%arg17 : memref<!tpu.dma_semaphore, #tpu.memory_space<semaphore_mem>>) src(%dma_wait3A_29 : memref<128x64xi32, #tpu.memory_space<hbm>>) dst(%arg13 : memref<128x64xi32, #tpu.memory_space<vmem>>)
      %dma_wait3A_30 = tpu.memref_bitcast %arg5 : memref<1000000x64xbf16, #tpu.memory_space<hbm>> -> memref<500000x64xi32, #tpu.memory_space<hbm>>
      %dma_wait3A_31 = arith.constant 0 : i32
      %dma_wait3A_32 = arith.constant 0 : i32
      %dma_wait3A_33 = tpu.memref_slice %dma_wait3A_30[%dma_wait3A_31, %dma_wait3A_32] : memref<500000x64xi32, #tpu.memory_space<hbm>> -> memref<128x64xi32, #tpu.memory_space<hbm>>
      %dma_wait3A_34 = tpu.memref_bitcast %arg5 : memref<1000000x64xbf16, #tpu.memory_space<hbm>> -> memref<500000x64xi32, #tpu.memory_space<hbm>>
      %dma_wait3A_35 = arith.constant 0 : i32
      %dma_wait3A_36 = arith.constant 0 : i32
      %dma_wait3A_37 = tpu.memref_slice %dma_wait3A_34[%dma_wait3A_35, %dma_wait3A_36] : memref<500000x64xi32, #tpu.memory_space<hbm>> -> memref<128x64xi32, #tpu.memory_space<hbm>>
      tpu.wait_dma2 semaphore(%arg17 : memref<!tpu.dma_semaphore, #tpu.memory_space<semaphore_mem>>) src(%dma_wait3A_37 : memref<128x64xi32, #tpu.memory_space<hbm>>) dst(%arg14 : memref<128x64xi32, #tpu.memory_space<vmem>>)
      %broadcast_in_dim3A = arith.constant -65536 : i32
      %broadcast_in_dim3A_38 = vector.broadcast %broadcast_in_dim3A : i32 to vector<16xi32>
      %scan3A_39 = arith.constant 0 : i32
      %scan3A_40 = arith.constant 0 : i32
      %scan3A_41 = arith.constant 8 : i32
      %scan3A_42 = arith.addi %scan3A_40, %scan3A_41 : i32
      %scan3A_43 = arith.constant 1 : i32
      scf.for %scan3A_45 = %scan3A_40 to %scan3A_42 step %scan3A_43  : i32 {
        %mul3A_46 = arith.constant 128 : i32
        %mul3A_47 = arith.muli %scan3A_8, %mul3A_46 : i32
        %mul3A_48 = arith.constant 16 : i32
        %mul3A_49 = arith.muli %scan3A_45, %mul3A_48 : i32
        %add3A_50 = arith.addi %mul3A_47, %mul3A_49 : i32
        %multiple_of3A_51 = tpu.assume_multiple %add3A_50, 16 : i32
        %get3A = arith.index_cast %multiple_of3A_51 : i32 to index
        %get3A_52 = tpu.vector_load %arg9[%get3A] {strides = array<i32>} : memref<512xi32, #tpu.memory_space<vmem>>, vector<16xi32>,
        %and3A = arith.constant 1 : i32
        %and3A_53 = vector.broadcast %and3A : i32 to vector<16xi32>
        %and3A_54 = arith.andi %get3A_52, %and3A_53 : vector<16xi32>
        %eq3A = arith.constant 1 : i32
        %eq3A_55 = vector.broadcast %eq3A : i32 to vector<16xi32>
        %eq3A_56 = arith.cmpi eq, %and3A_54, %eq3A_55 : vector<16xi32>
        %get3A_57 = arith.index_cast %multiple_of3A_51 : i32 to index
        %get3A_58 = tpu.vector_load %arg10[%get3A_57] {strides = array<i32>} : memref<512xi32, #tpu.memory_space<vmem>>, vector<16xi32>,
        %and3A_59 = arith.constant 1 : i32
        %and3A_60 = vector.broadcast %and3A_59 : i32 to vector<16xi32>
        %and3A_61 = arith.andi %get3A_58, %and3A_60 : vector<16xi32>
        %eq3A_62 = arith.constant 1 : i32
        %eq3A_63 = vector.broadcast %eq3A_62 : i32 to vector<16xi32>
        %eq3A_64 = arith.cmpi eq, %and3A_61, %eq3A_63 : vector<16xi32>
        %get3A_65 = arith.index_cast %multiple_of3A_51 : i32 to index
        %get3A_66 = tpu.vector_load %arg11[%get3A_65] {strides = array<i32>} : memref<512xi32, #tpu.memory_space<vmem>>, vector<16xi32>,
        %and3A_67 = arith.constant 1 : i32
        %and3A_68 = vector.broadcast %and3A_67 : i32 to vector<16xi32>
        %and3A_69 = arith.andi %get3A_66, %and3A_68 : vector<16xi32>
        %eq3A_70 = arith.constant 1 : i32
        %eq3A_71 = vector.broadcast %eq3A_70 : i32 to vector<16xi32>
        %eq3A_72 = arith.cmpi eq, %and3A_69, %eq3A_71 : vector<16xi32>
        %mul3A_73 = arith.constant 16 : i32
        %mul3A_74 = arith.muli %scan3A_45, %mul3A_73 : i32
        %add3A_75 = vector.broadcast %mul3A_74 : i32 to vector<16xi32>
        %add3A_76 = arith.addi %add3A_75, %iota3A : vector<16xi32>
        %broadcast_in_dim3A_77 = arith.constant 0.000000e+00 : f32
        %broadcast_in_dim3A_78 = vector.broadcast %broadcast_in_dim3A_77 : f32 to vector<16xf32>
        %broadcast_in_dim3A_79 = arith.constant 0.000000e+00 : f32
        %broadcast_in_dim3A_80 = vector.broadcast %broadcast_in_dim3A_79 : f32 to vector<16xf32>
        %broadcast_in_dim3A_81 = arith.constant 0 : i32
        %broadcast_in_dim3A_82 = vector.broadcast %broadcast_in_dim3A_81 : i32 to vector<16xi32>
        %gather3A = tpu.vector_load_idx %arg12[%add3A_76, %broadcast_in_dim3A_82] : memref<128x64xi32, #tpu.memory_space<vmem>>[vector<16xi32>, vector<16xi32>], vector<16xi32>,
        %gather3A_83 = tpu.vector_load_idx %arg13[%add3A_76, %broadcast_in_dim3A_82] : memref<128x64xi32, #tpu.memory_space<vmem>>[vector<16xi32>, vector<16xi32>], vector<16xi32>,
        %gather3A_84 = tpu.vector_load_idx %arg14[%add3A_76, %broadcast_in_dim3A_82] : memref<128x64xi32, #tpu.memory_space<vmem>>[vector<16xi32>, vector<16xi32>], vector<16xi32>,
        %and3A_85 = arith.andi %gather3A, %broadcast_in_dim3A_38 : vector<16xi32>
        %shift_left3A = arith.constant 16 : i32
        %shift_left3A_86 = vector.broadcast %shift_left3A : i32 to vector<16xi32>
        %shift_left3A_87 = arith.shli %gather3A, %shift_left3A_86 : vector<16xi32>
        %select_n3A = arith.select %eq3A_56, %and3A_85, %shift_left3A_87 : vector<16xi1>, vector<16xi32>
        %bitcast3A = vector.bitcast %select_n3A : vector<16xi32> to vector<16xf32>
        %and3A_88 = arith.andi %gather3A_83, %broadcast_in_dim3A_38 : vector<16xi32>
        %shift_left3A_89 = arith.constant 16 : i32
        %shift_left3A_90 = vector.broadcast %shift_left3A_89 : i32 to vector<16xi32>
        %shift_left3A_91 = arith.shli %gather3A_83, %shift_left3A_90 : vector<16xi32>
        %select_n3A_92 = arith.select %eq3A_64, %and3A_88, %shift_left3A_91 : vector<16xi1>, vector<16xi32>
        %bitcast3A_93 = vector.bitcast %select_n3A_92 : vector<16xi32> to vector<16xf32>
        %and3A_94 = arith.andi %gather3A_84, %broadcast_in_dim3A_38 : vector<16xi32>
        %shift_left3A_95 = arith.constant 16 : i32
        %shift_left3A_96 = vector.broadcast %shift_left3A_95 : i32 to vector<16xi32>
        %shift_left3A_97 = arith.shli %gather3A_84, %shift_left3A_96 : vector<16xi32>
        %select_n3A_98 = arith.select %eq3A_72, %and3A_94, %shift_left3A_97 : vector<16xi1>, vector<16xi32>
        %bitcast3A_99 = vector.bitcast %select_n3A_98 : vector<16xi32> to vector<16xf32>
        %mul3A_100 = arith.mulf %bitcast3A, %bitcast3A_93 : vector<16xf32>
        %add3A_101 = arith.addf %broadcast_in_dim3A_78, %mul3A_100 : vector<16xf32>
        %mul3A_102 = arith.mulf %bitcast3A, %bitcast3A_99 : vector<16xf32>
        %add3A_103 = arith.addf %broadcast_in_dim3A_80, %mul3A_102 : vector<16xf32>
        %broadcast_in_dim3A_104 = arith.constant 1 : i32
        %broadcast_in_dim3A_105 = vector.broadcast %broadcast_in_dim3A_104 : i32 to vector<16xi32>
        %gather3A_106 = tpu.vector_load_idx %arg12[%add3A_76, %broadcast_in_dim3A_105] : memref<128x64xi32, #tpu.memory_space<vmem>>[vector<16xi32>, vector<16xi32>], vector<16xi32>,
        %gather3A_107 = tpu.vector_load_idx %arg13[%add3A_76, %broadcast_in_dim3A_105] : memref<128x64xi32, #tpu.memory_space<vmem>>[vector<16xi32>, vector<16xi32>], vector<16xi32>,
        %gather3A_108 = tpu.vector_load_idx %arg14[%add3A_76, %broadcast_in_dim3A_105] : memref<128x64xi32, #tpu.memory_space<vmem>>[vector<16xi32>, vector<16xi32>], vector<16xi32>,
        %and3A_109 = arith.andi %gather3A_106, %broadcast_in_dim3A_38 : vector<16xi32>
        %shift_left3A_110 = arith.constant 16 : i32
        %shift_left3A_111 = vector.broadcast %shift_left3A_110 : i32 to vector<16xi32>
        %shift_left3A_112 = arith.shli %gather3A_106, %shift_left3A_111 : vector<16xi32>
        %select_n3A_113 = arith.select %eq3A_56, %and3A_109, %shift_left3A_112 : vector<16xi1>, vector<16xi32>
        %bitcast3A_114 = vector.bitcast %select_n3A_113 : vector<16xi32> to vector<16xf32>
        %and3A_115 = arith.andi %gather3A_107, %broadcast_in_dim3A_38 : vector<16xi32>
        %shift_left3A_116 = arith.constant 16 : i32
        %shift_left3A_117 = vector.broadcast %shift_left3A_116 : i32 to vector<16xi32>
        %shift_left3A_118 = arith.shli %gather3A_107, %shift_left3A_117 : vector<16xi32>
        %select_n3A_119 = arith.select %eq3A_64, %and3A_115, %shift_left3A_118 : vector<16xi1>, vector<16xi32>
        %bitcast3A_120 = vector.bitcast %select_n3A_119 : vector<16xi32> to vector<16xf32>
        %and3A_121 = arith.andi %gather3A_108, %broadcast_in_dim3A_38 : vector<16xi32>
        %shift_left3A_122 = arith.constant 16 : i32
        %shift_left3A_123 = vector.broadcast %shift_left3A_122 : i32 to vector<16xi32>
        %shift_left3A_124 = arith.shli %gather3A_108, %shift_left3A_123 : vector<16xi32>
        %select_n3A_125 = arith.select %eq3A_72, %and3A_121, %shift_left3A_124 : vector<16xi1>, vector<16xi32>
        %bitcast3A_126 = vector.bitcast %select_n3A_125 : vector<16xi32> to vector<16xf32>
        %mul3A_127 = arith.mulf %bitcast3A_114, %bitcast3A_120 : vector<16xf32>
        %add3A_128 = arith.addf %add3A_101, %mul3A_127 : vector<16xf32>
        %mul3A_129 = arith.mulf %bitcast3A_114, %bitcast3A_126 : vector<16xf32>
        %add3A_130 = arith.addf %add3A_103, %mul3A_129 : vector<16xf32>
        %broadcast_in_dim3A_131 = arith.constant 2 : i32
        %broadcast_in_dim3A_132 = vector.broadcast %broadcast_in_dim3A_131 : i32 to vector<16xi32>
        %gather3A_133 = tpu.vector_load_idx %arg12[%add3A_76, %broadcast_in_dim3A_132] : memref<128x64xi32, #tpu.memory_space<vmem>>[vector<16xi32>, vector<16xi32>], vector<16xi32>,
        %gather3A_134 = tpu.vector_load_idx %arg13[%add3A_76, %broadcast_in_dim3A_132] : memref<128x64xi32, #tpu.memory_space<vmem>>[vector<16xi32>, vector<16xi32>], vector<16xi32>,
        %gather3A_135 = tpu.vector_load_idx %arg14[%add3A_76, %broadcast_in_dim3A_132] : memref<128x64xi32, #tpu.memory_space<vmem>>[vector<16xi32>, vector<16xi32>], vector<16xi32>,
        %and3A_136 = arith.andi %gather3A_133, %broadcast_in_dim3A_38 : vector<16xi32>
        %shift_left3A_137 = arith.constant 16 : i32
        %shift_left3A_138 = vector.broadcast %shift_left3A_137 : i32 to vector<16xi32>
        %shift_left3A_139 = arith.shli %gather3A_133, %shift_left3A_138 : vector<16xi32>
        %select_n3A_140 = arith.select %eq3A_56, %and3A_136, %shift_left3A_139 : vector<16xi1>, vector<16xi32>
        %bitcast3A_141 = vector.bitcast %select_n3A_140 : vector<16xi32> to vector<16xf32>
        %and3A_142 = arith.andi %gather3A_134, %broadcast_in_dim3A_38 : vector<16xi32>
        %shift_left3A_143 = arith.constant 16 : i32
        %shift_left3A_144 = vector.broadcast %shift_left3A_143 : i32 to vector<16xi32>
        %shift_left3A_145 = arith.shli %gather3A_134, %shift_left3A_144 : vector<16xi32>
        %select_n3A_146 = arith.select %eq3A_64, %and3A_142, %shift_left3A_145 : vector<16xi1>, vector<16xi32>
        %bitcast3A_147 = vector.bitcast %select_n3A_146 : vector<16xi32> to vector<16xf32>
        %and3A_148 = arith.andi %gather3A_135, %broadcast_in_dim3A_38 : vector<16xi32>
        %shift_left3A_149 = arith.constant 16 : i32
        %shift_left3A_150 = vector.broadcast %shift_left3A_149 : i32 to vector<16xi32>
        %shift_left3A_151 = arith.shli %gather3A_135, %shift_left3A_150 : vector<16xi32>
        %select_n3A_152 = arith.select %eq3A_72, %and3A_148, %shift_left3A_151 : vector<16xi1>, vector<16xi32>
        %bitcast3A_153 = vector.bitcast %select_n3A_152 : vector<16xi32> to vector<16xf32>
        %mul3A_154 = arith.mulf %bitcast3A_141, %bitcast3A_147 : vector<16xf32>
        %add3A_155 = arith.addf %add3A_128, %mul3A_154 : vector<16xf32>
        %mul3A_156 = arith.mulf %bitcast3A_141, %bitcast3A_153 : vector<16xf32>
        %add3A_157 = arith.addf %add3A_130, %mul3A_156 : vector<16xf32>
        %broadcast_in_dim3A_158 = arith.constant 3 : i32
        %broadcast_in_dim3A_159 = vector.broadcast %broadcast_in_dim3A_158 : i32 to vector<16xi32>
        %gather3A_160 = tpu.vector_load_idx %arg12[%add3A_76, %broadcast_in_dim3A_159] : memref<128x64xi32, #tpu.memory_space<vmem>>[vector<16xi32>, vector<16xi32>], vector<16xi32>,
        %gather3A_161 = tpu.vector_load_idx %arg13[%add3A_76, %broadcast_in_dim3A_159] : memref<128x64xi32, #tpu.memory_space<vmem>>[vector<16xi32>, vector<16xi32>], vector<16xi32>,
        %gather3A_162 = tpu.vector_load_idx %arg14[%add3A_76, %broadcast_in_dim3A_159] : memref<128x64xi32, #tpu.memory_space<vmem>>[vector<16xi32>, vector<16xi32>], vector<16xi32>,
        %and3A_163 = arith.andi %gather3A_160, %broadcast_in_dim3A_38 : vector<16xi32>
        %shift_left3A_164 = arith.constant 16 : i32
        %shift_left3A_165 = vector.broadcast %shift_left3A_164 : i32 to vector<16xi32>
        %shift_left3A_166 = arith.shli %gather3A_160, %shift_left3A_165 : vector<16xi32>
        %select_n3A_167 = arith.select %eq3A_56, %and3A_163, %shift_left3A_166 : vector<16xi1>, vector<16xi32>
        %bitcast3A_168 = vector.bitcast %select_n3A_167 : vector<16xi32> to vector<16xf32>
        %and3A_169 = arith.andi %gather3A_161, %broadcast_in_dim3A_38 : vector<16xi32>
        %shift_left3A_170 = arith.constant 16 : i32
        %shift_left3A_171 = vector.broadcast %shift_left3A_170 : i32 to vector<16xi32>
        %shift_left3A_172 = arith.shli %gather3A_161, %shift_left3A_171 : vector<16xi32>
        %select_n3A_173 = arith.select %eq3A_64, %and3A_169, %shift_left3A_172 : vector<16xi1>, vector<16xi32>
        %bitcast3A_174 = vector.bitcast %select_n3A_173 : vector<16xi32> to vector<16xf32>
        %and3A_175 = arith.andi %gather3A_162, %broadcast_in_dim3A_38 : vector<16xi32>
        %shift_left3A_176 = arith.constant 16 : i32
        %shift_left3A_177 = vector.broadcast %shift_left3A_176 : i32 to vector<16xi32>
        %shift_left3A_178 = arith.shli %gather3A_162, %shift_left3A_177 : vector<16xi32>
        %select_n3A_179 = arith.select %eq3A_72, %and3A_175, %shift_left3A_178 : vector<16xi1>, vector<16xi32>
        %bitcast3A_180 = vector.bitcast %select_n3A_179 : vector<16xi32> to vector<16xf32>
        %mul3A_181 = arith.mulf %bitcast3A_168, %bitcast3A_174 : vector<16xf32>
        %add3A_182 = arith.addf %add3A_155, %mul3A_181 : vector<16xf32>
        %mul3A_183 = arith.mulf %bitcast3A_168, %bitcast3A_180 : vector<16xf32>
        %add3A_184 = arith.addf %add3A_157, %mul3A_183 : vector<16xf32>
        %broadcast_in_dim3A_185 = arith.constant 4 : i32
        %broadcast_in_dim3A_186 = vector.broadcast %broadcast_in_dim3A_185 : i32 to vector<16xi32>
        %gather3A_187 = tpu.vector_load_idx %arg12[%add3A_76, %broadcast_in_dim3A_186] : memref<128x64xi32, #tpu.memory_space<vmem>>[vector<16xi32>, vector<16xi32>], vector<16xi32>,
        %gather3A_188 = tpu.vector_load_idx %arg13[%add3A_76, %broadcast_in_dim3A_186] : memref<128x64xi32, #tpu.memory_space<vmem>>[vector<16xi32>, vector<16xi32>], vector<16xi32>,
        %gather3A_189 = tpu.vector_load_idx %arg14[%add3A_76, %broadcast_in_dim3A_186] : memref<128x64xi32, #tpu.memory_space<vmem>>[vector<16xi32>, vector<16xi32>], vector<16xi32>,
        %and3A_190 = arith.andi %gather3A_187, %broadcast_in_dim3A_38 : vector<16xi32>
        %shift_left3A_191 = arith.constant 16 : i32
        %shift_left3A_192 = vector.broadcast %shift_left3A_191 : i32 to vector<16xi32>
        %shift_left3A_193 = arith.shli %gather3A_187, %shift_left3A_192 : vector<16xi32>
        %select_n3A_194 = arith.select %eq3A_56, %and3A_190, %shift_left3A_193 : vector<16xi1>, vector<16xi32>
        %bitcast3A_195 = vector.bitcast %select_n3A_194 : vector<16xi32> to vector<16xf32>
        %and3A_196 = arith.andi %gather3A_188, %broadcast_in_dim3A_38 : vector<16xi32>
        %shift_left3A_197 = arith.constant 16 : i32
        %shift_left3A_198 = vector.broadcast %shift_left3A_197 : i32 to vector<16xi32>
        %shift_left3A_199 = arith.shli %gather3A_188, %shift_left3A_198 : vector<16xi32>
        %select_n3A_200 = arith.select %eq3A_64, %and3A_196, %shift_left3A_199 : vector<16xi1>, vector<16xi32>
        %bitcast3A_201 = vector.bitcast %select_n3A_200 : vector<16xi32> to vector<16xf32>
        %and3A_202 = arith.andi %gather3A_189, %broadcast_in_dim3A_38 : vector<16xi32>
        %shift_left3A_203 = arith.constant 16 : i32
        %shift_left3A_204 = vector.broadcast %shift_left3A_203 : i32 to vector<16xi32>
        %shift_left3A_205 = arith.shli %gather3A_189, %shift_left3A_204 : vector<16xi32>
        %select_n3A_206 = arith.select %eq3A_72, %and3A_202, %shift_left3A_205 : vector<16xi1>, vector<16xi32>
        %bitcast3A_207 = vector.bitcast %select_n3A_206 : vector<16xi32> to vector<16xf32>
        %mul3A_208 = arith.mulf %bitcast3A_195, %bitcast3A_201 : vector<16xf32>
        %add3A_209 = arith.addf %add3A_182, %mul3A_208 : vector<16xf32>
        %mul3A_210 = arith.mulf %bitcast3A_195, %bitcast3A_207 : vector<16xf32>
        %add3A_211 = arith.addf %add3A_184, %mul3A_210 : vector<16xf32>
        %broadcast_in_dim3A_212 = arith.constant 5 : i32
        %broadcast_in_dim3A_213 = vector.broadcast %broadcast_in_dim3A_212 : i32 to vector<16xi32>
        %gather3A_214 = tpu.vector_load_idx %arg12[%add3A_76, %broadcast_in_dim3A_213] : memref<128x64xi32, #tpu.memory_space<vmem>>[vector<16xi32>, vector<16xi32>], vector<16xi32>,
        %gather3A_215 = tpu.vector_load_idx %arg13[%add3A_76, %broadcast_in_dim3A_213] : memref<128x64xi32, #tpu.memory_space<vmem>>[vector<16xi32>, vector<16xi32>], vector<16xi32>,
        %gather3A_216 = tpu.vector_load_idx %arg14[%add3A_76, %broadcast_in_dim3A_213] : memref<128x64xi32, #tpu.memory_space<vmem>>[vector<16xi32>, vector<16xi32>], vector<16xi32>,
        %and3A_217 = arith.andi %gather3A_214, %broadcast_in_dim3A_38 : vector<16xi32>
        %shift_left3A_218 = arith.constant 16 : i32
        %shift_left3A_219 = vector.broadcast %shift_left3A_218 : i32 to vector<16xi32>
        %shift_left3A_220 = arith.shli %gather3A_214, %shift_left3A_219 : vector<16xi32>
        %select_n3A_221 = arith.select %eq3A_56, %and3A_217, %shift_left3A_220 : vector<16xi1>, vector<16xi32>
        %bitcast3A_222 = vector.bitcast %select_n3A_221 : vector<16xi32> to vector<16xf32>
        %and3A_223 = arith.andi %gather3A_215, %broadcast_in_dim3A_38 : vector<16xi32>
        %shift_left3A_224 = arith.constant 16 : i32
        %shift_left3A_225 = vector.broadcast %shift_left3A_224 : i32 to vector<16xi32>
        %shift_left3A_226 = arith.shli %gather3A_215, %shift_left3A_225 : vector<16xi32>
        %select_n3A_227 = arith.select %eq3A_64, %and3A_223, %shift_left3A_226 : vector<16xi1>, vector<16xi32>
        %bitcast3A_228 = vector.bitcast %select_n3A_227 : vector<16xi32> to vector<16xf32>
        %and3A_229 = arith.andi %gather3A_216, %broadcast_in_dim3A_38 : vector<16xi32>
        %shift_left3A_230 = arith.constant 16 : i32
        %shift_left3A_231 = vector.broadcast %shift_left3A_230 : i32 to vector<16xi32>
        %shift_left3A_232 = arith.shli %gather3A_216, %shift_left3A_231 : vector<16xi32>
        %select_n3A_233 = arith.select %eq3A_72, %and3A_229, %shift_left3A_232 : vector<16xi1>, vector<16xi32>
        %bitcast3A_234 = vector.bitcast %select_n3A_233 : vector<16xi32> to vector<16xf32>
        %mul3A_235 = arith.mulf %bitcast3A_222, %bitcast3A_228 : vector<16xf32>
        %add3A_236 = arith.addf %add3A_209, %mul3A_235 : vector<16xf32>
        %mul3A_237 = arith.mulf %bitcast3A_222, %bitcast3A_234 : vector<16xf32>
        %add3A_238 = arith.addf %add3A_211, %mul3A_237 : vector<16xf32>
        %broadcast_in_dim3A_239 = arith.constant 6 : i32
        %broadcast_in_dim3A_240 = vector.broadcast %broadcast_in_dim3A_239 : i32 to vector<16xi32>
        %gather3A_241 = tpu.vector_load_idx %arg12[%add3A_76, %broadcast_in_dim3A_240] : memref<128x64xi32, #tpu.memory_space<vmem>>[vector<16xi32>, vector<16xi32>], vector<16xi32>,
        %gather3A_242 = tpu.vector_load_idx %arg13[%add3A_76, %broadcast_in_dim3A_240] : memref<128x64xi32, #tpu.memory_space<vmem>>[vector<16xi32>, vector<16xi32>], vector<16xi32>,
        %gather3A_243 = tpu.vector_load_idx %arg14[%add3A_76, %broadcast_in_dim3A_240] : memref<128x64xi32, #tpu.memory_space<vmem>>[vector<16xi32>, vector<16xi32>], vector<16xi32>,
        %and3A_244 = arith.andi %gather3A_241, %broadcast_in_dim3A_38 : vector<16xi32>
        %shift_left3A_245 = arith.constant 16 : i32
        %shift_left3A_246 = vector.broadcast %shift_left3A_245 : i32 to vector<16xi32>
        %shift_left3A_247 = arith.shli %gather3A_241, %shift_left3A_246 : vector<16xi32>
        %select_n3A_248 = arith.select %eq3A_56, %and3A_244, %shift_left3A_247 : vector<16xi1>, vector<16xi32>
        %bitcast3A_249 = vector.bitcast %select_n3A_248 : vector<16xi32> to vector<16xf32>
        %and3A_250 = arith.andi %gather3A_242, %broadcast_in_dim3A_38 : vector<16xi32>
        %shift_left3A_251 = arith.constant 16 : i32
        %shift_left3A_252 = vector.broadcast %shift_left3A_251 : i32 to vector<16xi32>
        %shift_left3A_253 = arith.shli %gather3A_242, %shift_left3A_252 : vector<16xi32>
        %select_n3A_254 = arith.select %eq3A_64, %and3A_250, %shift_left3A_253 : vector<16xi1>, vector<16xi32>
        %bitcast3A_255 = vector.bitcast %select_n3A_254 : vector<16xi32> to vector<16xf32>
        %and3A_256 = arith.andi %gather3A_243, %broadcast_in_dim3A_38 : vector<16xi32>
        %shift_left3A_257 = arith.constant 16 : i32
        %shift_left3A_258 = vector.broadcast %shift_left3A_257 : i32 to vector<16xi32>
        %shift_left3A_259 = arith.shli %gather3A_243, %shift_left3A_258 : vector<16xi32>
        %select_n3A_260 = arith.select %eq3A_72, %and3A_256, %shift_left3A_259 : vector<16xi1>, vector<16xi32>
        %bitcast3A_261 = vector.bitcast %select_n3A_260 : vector<16xi32> to vector<16xf32>
        %mul3A_262 = arith.mulf %bitcast3A_249, %bitcast3A_255 : vector<16xf32>
        %add3A_263 = arith.addf %add3A_236, %mul3A_262 : vector<16xf32>
        %mul3A_264 = arith.mulf %bitcast3A_249, %bitcast3A_261 : vector<16xf32>
        %add3A_265 = arith.addf %add3A_238, %mul3A_264 : vector<16xf32>
        %broadcast_in_dim3A_266 = arith.constant 7 : i32
        %broadcast_in_dim3A_267 = vector.broadcast %broadcast_in_dim3A_266 : i32 to vector<16xi32>
        %gather3A_268 = tpu.vector_load_idx %arg12[%add3A_76, %broadcast_in_dim3A_267] : memref<128x64xi32, #tpu.memory_space<vmem>>[vector<16xi32>, vector<16xi32>], vector<16xi32>,
        %gather3A_269 = tpu.vector_load_idx %arg13[%add3A_76, %broadcast_in_dim3A_267] : memref<128x64xi32, #tpu.memory_space<vmem>>[vector<16xi32>, vector<16xi32>], vector<16xi32>,
        %gather3A_270 = tpu.vector_load_idx %arg14[%add3A_76, %broadcast_in_dim3A_267] : memref<128x64xi32, #tpu.memory_space<vmem>>[vector<16xi32>, vector<16xi32>], vector<16xi32>,
        %and3A_271 = arith.andi %gather3A_268, %broadcast_in_dim3A_38 : vector<16xi32>
        %shift_left3A_272 = arith.constant 16 : i32
        %shift_left3A_273 = vector.broadcast %shift_left3A_272 : i32 to vector<16xi32>
        %shift_left3A_274 = arith.shli %gather3A_268, %shift_left3A_273 : vector<16xi32>
        %select_n3A_275 = arith.select %eq3A_56, %and3A_271, %shift_left3A_274 : vector<16xi1>, vector<16xi32>
        %bitcast3A_276 = vector.bitcast %select_n3A_275 : vector<16xi32> to vector<16xf32>
        %and3A_277 = arith.andi %gather3A_269, %broadcast_in_dim3A_38 : vector<16xi32>
        %shift_left3A_278 = arith.constant 16 : i32
        %shift_left3A_279 = vector.broadcast %shift_left3A_278 : i32 to vector<16xi32>
        %shift_left3A_280 = arith.shli %gather3A_269, %shift_left3A_279 : vector<16xi32>
        %select_n3A_281 = arith.select %eq3A_64, %and3A_277, %shift_left3A_280 : vector<16xi1>, vector<16xi32>
        %bitcast3A_282 = vector.bitcast %select_n3A_281 : vector<16xi32> to vector<16xf32>
        %and3A_283 = arith.andi %gather3A_270, %broadcast_in_dim3A_38 : vector<16xi32>
        %shift_left3A_284 = arith.constant 16 : i32
        %shift_left3A_285 = vector.broadcast %shift_left3A_284 : i32 to vector<16xi32>
        %shift_left3A_286 = arith.shli %gather3A_270, %shift_left3A_285 : vector<16xi32>
        %select_n3A_287 = arith.select %eq3A_72, %and3A_283, %shift_left3A_286 : vector<16xi1>, vector<16xi32>
        %bitcast3A_288 = vector.bitcast %select_n3A_287 : vector<16xi32> to vector<16xf32>
        %mul3A_289 = arith.mulf %bitcast3A_276, %bitcast3A_282 : vector<16xf32>
        %add3A_290 = arith.addf %add3A_263, %mul3A_289 : vector<16xf32>
        %mul3A_291 = arith.mulf %bitcast3A_276, %bitcast3A_288 : vector<16xf32>
        %add3A_292 = arith.addf %add3A_265, %mul3A_291 : vector<16xf32>
        %broadcast_in_dim3A_293 = arith.constant 8 : i32
        %broadcast_in_dim3A_294 = vector.broadcast %broadcast_in_dim3A_293 : i32 to vector<16xi32>
        %gather3A_295 = tpu.vector_load_idx %arg12[%add3A_76, %broadcast_in_dim3A_294] : memref<128x64xi32, #tpu.memory_space<vmem>>[vector<16xi32>, vector<16xi32>], vector<16xi32>,
        %gather3A_296 = tpu.vector_load_idx %arg13[%add3A_76, %broadcast_in_dim3A_294] : memref<128x64xi32, #tpu.memory_space<vmem>>[vector<16xi32>, vector<16xi32>], vector<16xi32>,
        %gather3A_297 = tpu.vector_load_idx %arg14[%add3A_76, %broadcast_in_dim3A_294] : memref<128x64xi32, #tpu.memory_space<vmem>>[vector<16xi32>, vector<16xi32>], vector<16xi32>,
        %and3A_298 = arith.andi %gather3A_295, %broadcast_in_dim3A_38 : vector<16xi32>
        %shift_left3A_299 = arith.constant 16 : i32
        %shift_left3A_300 = vector.broadcast %shift_left3A_299 : i32 to vector<16xi32>
        %shift_left3A_301 = arith.shli %gather3A_295, %shift_left3A_300 : vector<16xi32>
        %select_n3A_302 = arith.select %eq3A_56, %and3A_298, %shift_left3A_301 : vector<16xi1>, vector<16xi32>
        %bitcast3A_303 = vector.bitcast %select_n3A_302 : vector<16xi32> to vector<16xf32>
        %and3A_304 = arith.andi %gather3A_296, %broadcast_in_dim3A_38 : vector<16xi32>
        %shift_left3A_305 = arith.constant 16 : i32
        %shift_left3A_306 = vector.broadcast %shift_left3A_305 : i32 to vector<16xi32>
        %shift_left3A_307 = arith.shli %gather3A_296, %shift_left3A_306 : vector<16xi32>
        %select_n3A_308 = arith.select %eq3A_64, %and3A_304, %shift_left3A_307 : vector<16xi1>, vector<16xi32>
        %bitcast3A_309 = vector.bitcast %select_n3A_308 : vector<16xi32> to vector<16xf32>
        %and3A_310 = arith.andi %gather3A_297, %broadcast_in_dim3A_38 : vector<16xi32>
        %shift_left3A_311 = arith.constant 16 : i32
        %shift_left3A_312 = vector.broadcast %shift_left3A_311 : i32 to vector<16xi32>
        %shift_left3A_313 = arith.shli %gather3A_297, %shift_left3A_312 : vector<16xi32>
        %select_n3A_314 = arith.select %eq3A_72, %and3A_310, %shift_left3A_313 : vector<16xi1>, vector<16xi32>
        %bitcast3A_315 = vector.bitcast %select_n3A_314 : vector<16xi32> to vector<16xf32>
        %mul3A_316 = arith.mulf %bitcast3A_303, %bitcast3A_309 : vector<16xf32>
        %add3A_317 = arith.addf %add3A_290, %mul3A_316 : vector<16xf32>
        %mul3A_318 = arith.mulf %bitcast3A_303, %bitcast3A_315 : vector<16xf32>
        %add3A_319 = arith.addf %add3A_292, %mul3A_318 : vector<16xf32>
        %broadcast_in_dim3A_320 = arith.constant 9 : i32
        %broadcast_in_dim3A_321 = vector.broadcast %broadcast_in_dim3A_320 : i32 to vector<16xi32>
        %gather3A_322 = tpu.vector_load_idx %arg12[%add3A_76, %broadcast_in_dim3A_321] : memref<128x64xi32, #tpu.memory_space<vmem>>[vector<16xi32>, vector<16xi32>], vector<16xi32>,
        %gather3A_323 = tpu.vector_load_idx %arg13[%add3A_76, %broadcast_in_dim3A_321] : memref<128x64xi32, #tpu.memory_space<vmem>>[vector<16xi32>, vector<16xi32>], vector<16xi32>,
        %gather3A_324 = tpu.vector_load_idx %arg14[%add3A_76, %broadcast_in_dim3A_321] : memref<128x64xi32, #tpu.memory_space<vmem>>[vector<16xi32>, vector<16xi32>], vector<16xi32>,
        %and3A_325 = arith.andi %gather3A_322, %broadcast_in_dim3A_38 : vector<16xi32>
        %shift_left3A_326 = arith.constant 16 : i32
        %shift_left3A_327 = vector.broadcast %shift_left3A_326 : i32 to vector<16xi32>
        %shift_left3A_328 = arith.shli %gather3A_322, %shift_left3A_327 : vector<16xi32>
        %select_n3A_329 = arith.select %eq3A_56, %and3A_325, %shift_left3A_328 : vector<16xi1>, vector<16xi32>
        %bitcast3A_330 = vector.bitcast %select_n3A_329 : vector<16xi32> to vector<16xf32>
        %and3A_331 = arith.andi %gather3A_323, %broadcast_in_dim3A_38 : vector<16xi32>
        %shift_left3A_332 = arith.constant 16 : i32
        %shift_left3A_333 = vector.broadcast %shift_left3A_332 : i32 to vector<16xi32>
        %shift_left3A_334 = arith.shli %gather3A_323, %shift_left3A_333 : vector<16xi32>
        %select_n3A_335 = arith.select %eq3A_64, %and3A_331, %shift_left3A_334 : vector<16xi1>, vector<16xi32>
        %bitcast3A_336 = vector.bitcast %select_n3A_335 : vector<16xi32> to vector<16xf32>
        %and3A_337 = arith.andi %gather3A_324, %broadcast_in_dim3A_38 : vector<16xi32>
        %shift_left3A_338 = arith.constant 16 : i32
        %shift_left3A_339 = vector.broadcast %shift_left3A_338 : i32 to vector<16xi32>
        %shift_left3A_340 = arith.shli %gather3A_324, %shift_left3A_339 : vector<16xi32>
        %select_n3A_341 = arith.select %eq3A_72, %and3A_337, %shift_left3A_340 : vector<16xi1>, vector<16xi32>
        %bitcast3A_342 = vector.bitcast %select_n3A_341 : vector<16xi32> to vector<16xf32>
        %mul3A_343 = arith.mulf %bitcast3A_330, %bitcast3A_336 : vector<16xf32>
        %add3A_344 = arith.addf %add3A_317, %mul3A_343 : vector<16xf32>
        %mul3A_345 = arith.mulf %bitcast3A_330, %bitcast3A_342 : vector<16xf32>
        %add3A_346 = arith.addf %add3A_319, %mul3A_345 : vector<16xf32>
        %broadcast_in_dim3A_347 = arith.constant 10 : i32
        %broadcast_in_dim3A_348 = vector.broadcast %broadcast_in_dim3A_347 : i32 to vector<16xi32>
        %gather3A_349 = tpu.vector_load_idx %arg12[%add3A_76, %broadcast_in_dim3A_348] : memref<128x64xi32, #tpu.memory_space<vmem>>[vector<16xi32>, vector<16xi32>], vector<16xi32>,
        %gather3A_350 = tpu.vector_load_idx %arg13[%add3A_76, %broadcast_in_dim3A_348] : memref<128x64xi32, #tpu.memory_space<vmem>>[vector<16xi32>, vector<16xi32>], vector<16xi32>,
        %gather3A_351 = tpu.vector_load_idx %arg14[%add3A_76, %broadcast_in_dim3A_348] : memref<128x64xi32, #tpu.memory_space<vmem>>[vector<16xi32>, vector<16xi32>], vector<16xi32>,
        %and3A_352 = arith.andi %gather3A_349, %broadcast_in_dim3A_38 : vector<16xi32>
        %shift_left3A_353 = arith.constant 16 : i32
        %shift_left3A_354 = vector.broadcast %shift_left3A_353 : i32 to vector<16xi32>
        %shift_left3A_355 = arith.shli %gather3A_349, %shift_left3A_354 : vector<16xi32>
        %select_n3A_356 = arith.select %eq3A_56, %and3A_352, %shift_left3A_355 : vector<16xi1>, vector<16xi32>
        %bitcast3A_357 = vector.bitcast %select_n3A_356 : vector<16xi32> to vector<16xf32>
        %and3A_358 = arith.andi %gather3A_350, %broadcast_in_dim3A_38 : vector<16xi32>
        %shift_left3A_359 = arith.constant 16 : i32
        %shift_left3A_360 = vector.broadcast %shift_left3A_359 : i32 to vector<16xi32>
        %shift_left3A_361 = arith.shli %gather3A_350, %shift_left3A_360 : vector<16xi32>
        %select_n3A_362 = arith.select %eq3A_64, %and3A_358, %shift_left3A_361 : vector<16xi1>, vector<16xi32>
        %bitcast3A_363 = vector.bitcast %select_n3A_362 : vector<16xi32> to vector<16xf32>
        %and3A_364 = arith.andi %gather3A_351, %broadcast_in_dim3A_38 : vector<16xi32>
        %shift_left3A_365 = arith.constant 16 : i32
        %shift_left3A_366 = vector.broadcast %shift_left3A_365 : i32 to vector<16xi32>
        %shift_left3A_367 = arith.shli %gather3A_351, %shift_left3A_366 : vector<16xi32>
        %select_n3A_368 = arith.select %eq3A_72, %and3A_364, %shift_left3A_367 : vector<16xi1>, vector<16xi32>
        %bitcast3A_369 = vector.bitcast %select_n3A_368 : vector<16xi32> to vector<16xf32>
        %mul3A_370 = arith.mulf %bitcast3A_357, %bitcast3A_363 : vector<16xf32>
        %add3A_371 = arith.addf %add3A_344, %mul3A_370 : vector<16xf32>
        %mul3A_372 = arith.mulf %bitcast3A_357, %bitcast3A_369 : vector<16xf32>
        %add3A_373 = arith.addf %add3A_346, %mul3A_372 : vector<16xf32>
        %broadcast_in_dim3A_374 = arith.constant 11 : i32
        %broadcast_in_dim3A_375 = vector.broadcast %broadcast_in_dim3A_374 : i32 to vector<16xi32>
        %gather3A_376 = tpu.vector_load_idx %arg12[%add3A_76, %broadcast_in_dim3A_375] : memref<128x64xi32, #tpu.memory_space<vmem>>[vector<16xi32>, vector<16xi32>], vector<16xi32>,
        %gather3A_377 = tpu.vector_load_idx %arg13[%add3A_76, %broadcast_in_dim3A_375] : memref<128x64xi32, #tpu.memory_space<vmem>>[vector<16xi32>, vector<16xi32>], vector<16xi32>,
        %gather3A_378 = tpu.vector_load_idx %arg14[%add3A_76, %broadcast_in_dim3A_375] : memref<128x64xi32, #tpu.memory_space<vmem>>[vector<16xi32>, vector<16xi32>], vector<16xi32>,
        %and3A_379 = arith.andi %gather3A_376, %broadcast_in_dim3A_38 : vector<16xi32>
        %shift_left3A_380 = arith.constant 16 : i32
        %shift_left3A_381 = vector.broadcast %shift_left3A_380 : i32 to vector<16xi32>
        %shift_left3A_382 = arith.shli %gather3A_376, %shift_left3A_381 : vector<16xi32>
        %select_n3A_383 = arith.select %eq3A_56, %and3A_379, %shift_left3A_382 : vector<16xi1>, vector<16xi32>
        %bitcast3A_384 = vector.bitcast %select_n3A_383 : vector<16xi32> to vector<16xf32>
        %and3A_385 = arith.andi %gather3A_377, %broadcast_in_dim3A_38 : vector<16xi32>
        %shift_left3A_386 = arith.constant 16 : i32
        %shift_left3A_387 = vector.broadcast %shift_left3A_386 : i32 to vector<16xi32>
        %shift_left3A_388 = arith.shli %gather3A_377, %shift_left3A_387 : vector<16xi32>
        %select_n3A_389 = arith.select %eq3A_64, %and3A_385, %shift_left3A_388 : vector<16xi1>, vector<16xi32>
        %bitcast3A_390 = vector.bitcast %select_n3A_389 : vector<16xi32> to vector<16xf32>
        %and3A_391 = arith.andi %gather3A_378, %broadcast_in_dim3A_38 : vector<16xi32>
        %shift_left3A_392 = arith.constant 16 : i32
        %shift_left3A_393 = vector.broadcast %shift_left3A_392 : i32 to vector<16xi32>
        %shift_left3A_394 = arith.shli %gather3A_378, %shift_left3A_393 : vector<16xi32>
        %select_n3A_395 = arith.select %eq3A_72, %and3A_391, %shift_left3A_394 : vector<16xi1>, vector<16xi32>
        %bitcast3A_396 = vector.bitcast %select_n3A_395 : vector<16xi32> to vector<16xf32>
        %mul3A_397 = arith.mulf %bitcast3A_384, %bitcast3A_390 : vector<16xf32>
        %add3A_398 = arith.addf %add3A_371, %mul3A_397 : vector<16xf32>
        %mul3A_399 = arith.mulf %bitcast3A_384, %bitcast3A_396 : vector<16xf32>
        %add3A_400 = arith.addf %add3A_373, %mul3A_399 : vector<16xf32>
        %broadcast_in_dim3A_401 = arith.constant 12 : i32
        %broadcast_in_dim3A_402 = vector.broadcast %broadcast_in_dim3A_401 : i32 to vector<16xi32>
        %gather3A_403 = tpu.vector_load_idx %arg12[%add3A_76, %broadcast_in_dim3A_402] : memref<128x64xi32, #tpu.memory_space<vmem>>[vector<16xi32>, vector<16xi32>], vector<16xi32>,
        %gather3A_404 = tpu.vector_load_idx %arg13[%add3A_76, %broadcast_in_dim3A_402] : memref<128x64xi32, #tpu.memory_space<vmem>>[vector<16xi32>, vector<16xi32>], vector<16xi32>,
        %gather3A_405 = tpu.vector_load_idx %arg14[%add3A_76, %broadcast_in_dim3A_402] : memref<128x64xi32, #tpu.memory_space<vmem>>[vector<16xi32>, vector<16xi32>], vector<16xi32>,
        %and3A_406 = arith.andi %gather3A_403, %broadcast_in_dim3A_38 : vector<16xi32>
        %shift_left3A_407 = arith.constant 16 : i32
        %shift_left3A_408 = vector.broadcast %shift_left3A_407 : i32 to vector<16xi32>
        %shift_left3A_409 = arith.shli %gather3A_403, %shift_left3A_408 : vector<16xi32>
        %select_n3A_410 = arith.select %eq3A_56, %and3A_406, %shift_left3A_409 : vector<16xi1>, vector<16xi32>
        %bitcast3A_411 = vector.bitcast %select_n3A_410 : vector<16xi32> to vector<16xf32>
        %and3A_412 = arith.andi %gather3A_404, %broadcast_in_dim3A_38 : vector<16xi32>
        %shift_left3A_413 = arith.constant 16 : i32
        %shift_left3A_414 = vector.broadcast %shift_left3A_413 : i32 to vector<16xi32>
        %shift_left3A_415 = arith.shli %gather3A_404, %shift_left3A_414 : vector<16xi32>
        %select_n3A_416 = arith.select %eq3A_64, %and3A_412, %shift_left3A_415 : vector<16xi1>, vector<16xi32>
        %bitcast3A_417 = vector.bitcast %select_n3A_416 : vector<16xi32> to vector<16xf32>
        %and3A_418 = arith.andi %gather3A_405, %broadcast_in_dim3A_38 : vector<16xi32>
        %shift_left3A_419 = arith.constant 16 : i32
        %shift_left3A_420 = vector.broadcast %shift_left3A_419 : i32 to vector<16xi32>
        %shift_left3A_421 = arith.shli %gather3A_405, %shift_left3A_420 : vector<16xi32>
        %select_n3A_422 = arith.select %eq3A_72, %and3A_418, %shift_left3A_421 : vector<16xi1>, vector<16xi32>
        %bitcast3A_423 = vector.bitcast %select_n3A_422 : vector<16xi32> to vector<16xf32>
        %mul3A_424 = arith.mulf %bitcast3A_411, %bitcast3A_417 : vector<16xf32>
        %add3A_425 = arith.addf %add3A_398, %mul3A_424 : vector<16xf32>
        %mul3A_426 = arith.mulf %bitcast3A_411, %bitcast3A_423 : vector<16xf32>
        %add3A_427 = arith.addf %add3A_400, %mul3A_426 : vector<16xf32>
        %broadcast_in_dim3A_428 = arith.constant 13 : i32
        %broadcast_in_dim3A_429 = vector.broadcast %broadcast_in_dim3A_428 : i32 to vector<16xi32>
        %gather3A_430 = tpu.vector_load_idx %arg12[%add3A_76, %broadcast_in_dim3A_429] : memref<128x64xi32, #tpu.memory_space<vmem>>[vector<16xi32>, vector<16xi32>], vector<16xi32>,
        %gather3A_431 = tpu.vector_load_idx %arg13[%add3A_76, %broadcast_in_dim3A_429] : memref<128x64xi32, #tpu.memory_space<vmem>>[vector<16xi32>, vector<16xi32>], vector<16xi32>,
        %gather3A_432 = tpu.vector_load_idx %arg14[%add3A_76, %broadcast_in_dim3A_429] : memref<128x64xi32, #tpu.memory_space<vmem>>[vector<16xi32>, vector<16xi32>], vector<16xi32>,
        %and3A_433 = arith.andi %gather3A_430, %broadcast_in_dim3A_38 : vector<16xi32>
        %shift_left3A_434 = arith.constant 16 : i32
        %shift_left3A_435 = vector.broadcast %shift_left3A_434 : i32 to vector<16xi32>
        %shift_left3A_436 = arith.shli %gather3A_430, %shift_left3A_435 : vector<16xi32>
        %select_n3A_437 = arith.select %eq3A_56, %and3A_433, %shift_left3A_436 : vector<16xi1>, vector<16xi32>
        %bitcast3A_438 = vector.bitcast %select_n3A_437 : vector<16xi32> to vector<16xf32>
        %and3A_439 = arith.andi %gather3A_431, %broadcast_in_dim3A_38 : vector<16xi32>
        %shift_left3A_440 = arith.constant 16 : i32
        %shift_left3A_441 = vector.broadcast %shift_left3A_440 : i32 to vector<16xi32>
        %shift_left3A_442 = arith.shli %gather3A_431, %shift_left3A_441 : vector<16xi32>
        %select_n3A_443 = arith.select %eq3A_64, %and3A_439, %shift_left3A_442 : vector<16xi1>, vector<16xi32>
        %bitcast3A_444 = vector.bitcast %select_n3A_443 : vector<16xi32> to vector<16xf32>
        %and3A_445 = arith.andi %gather3A_432, %broadcast_in_dim3A_38 : vector<16xi32>
        %shift_left3A_446 = arith.constant 16 : i32
        %shift_left3A_447 = vector.broadcast %shift_left3A_446 : i32 to vector<16xi32>
        %shift_left3A_448 = arith.shli %gather3A_432, %shift_left3A_447 : vector<16xi32>
        %select_n3A_449 = arith.select %eq3A_72, %and3A_445, %shift_left3A_448 : vector<16xi1>, vector<16xi32>
        %bitcast3A_450 = vector.bitcast %select_n3A_449 : vector<16xi32> to vector<16xf32>
        %mul3A_451 = arith.mulf %bitcast3A_438, %bitcast3A_444 : vector<16xf32>
        %add3A_452 = arith.addf %add3A_425, %mul3A_451 : vector<16xf32>
        %mul3A_453 = arith.mulf %bitcast3A_438, %bitcast3A_450 : vector<16xf32>
        %add3A_454 = arith.addf %add3A_427, %mul3A_453 : vector<16xf32>
        %broadcast_in_dim3A_455 = arith.constant 14 : i32
        %broadcast_in_dim3A_456 = vector.broadcast %broadcast_in_dim3A_455 : i32 to vector<16xi32>
        %gather3A_457 = tpu.vector_load_idx %arg12[%add3A_76, %broadcast_in_dim3A_456] : memref<128x64xi32, #tpu.memory_space<vmem>>[vector<16xi32>, vector<16xi32>], vector<16xi32>,
        %gather3A_458 = tpu.vector_load_idx %arg13[%add3A_76, %broadcast_in_dim3A_456] : memref<128x64xi32, #tpu.memory_space<vmem>>[vector<16xi32>, vector<16xi32>], vector<16xi32>,
        %gather3A_459 = tpu.vector_load_idx %arg14[%add3A_76, %broadcast_in_dim3A_456] : memref<128x64xi32, #tpu.memory_space<vmem>>[vector<16xi32>, vector<16xi32>], vector<16xi32>,
        %and3A_460 = arith.andi %gather3A_457, %broadcast_in_dim3A_38 : vector<16xi32>
        %shift_left3A_461 = arith.constant 16 : i32
        %shift_left3A_462 = vector.broadcast %shift_left3A_461 : i32 to vector<16xi32>
        %shift_left3A_463 = arith.shli %gather3A_457, %shift_left3A_462 : vector<16xi32>
        %select_n3A_464 = arith.select %eq3A_56, %and3A_460, %shift_left3A_463 : vector<16xi1>, vector<16xi32>
        %bitcast3A_465 = vector.bitcast %select_n3A_464 : vector<16xi32> to vector<16xf32>
        %and3A_466 = arith.andi %gather3A_458, %broadcast_in_dim3A_38 : vector<16xi32>
        %shift_left3A_467 = arith.constant 16 : i32
        %shift_left3A_468 = vector.broadcast %shift_left3A_467 : i32 to vector<16xi32>
        %shift_left3A_469 = arith.shli %gather3A_458, %shift_left3A_468 : vector<16xi32>
        %select_n3A_470 = arith.select %eq3A_64, %and3A_466, %shift_left3A_469 : vector<16xi1>, vector<16xi32>
        %bitcast3A_471 = vector.bitcast %select_n3A_470 : vector<16xi32> to vector<16xf32>
        %and3A_472 = arith.andi %gather3A_459, %broadcast_in_dim3A_38 : vector<16xi32>
        %shift_left3A_473 = arith.constant 16 : i32
        %shift_left3A_474 = vector.broadcast %shift_left3A_473 : i32 to vector<16xi32>
        %shift_left3A_475 = arith.shli %gather3A_459, %shift_left3A_474 : vector<16xi32>
        %select_n3A_476 = arith.select %eq3A_72, %and3A_472, %shift_left3A_475 : vector<16xi1>, vector<16xi32>
        %bitcast3A_477 = vector.bitcast %select_n3A_476 : vector<16xi32> to vector<16xf32>
        %mul3A_478 = arith.mulf %bitcast3A_465, %bitcast3A_471 : vector<16xf32>
        %add3A_479 = arith.addf %add3A_452, %mul3A_478 : vector<16xf32>
        %mul3A_480 = arith.mulf %bitcast3A_465, %bitcast3A_477 : vector<16xf32>
        %add3A_481 = arith.addf %add3A_454, %mul3A_480 : vector<16xf32>
        %broadcast_in_dim3A_482 = arith.constant 15 : i32
        %broadcast_in_dim3A_483 = vector.broadcast %broadcast_in_dim3A_482 : i32 to vector<16xi32>
        %gather3A_484 = tpu.vector_load_idx %arg12[%add3A_76, %broadcast_in_dim3A_483] : memref<128x64xi32, #tpu.memory_space<vmem>>[vector<16xi32>, vector<16xi32>], vector<16xi32>,
        %gather3A_485 = tpu.vector_load_idx %arg13[%add3A_76, %broadcast_in_dim3A_483] : memref<128x64xi32, #tpu.memory_space<vmem>>[vector<16xi32>, vector<16xi32>], vector<16xi32>,
        %gather3A_486 = tpu.vector_load_idx %arg14[%add3A_76, %broadcast_in_dim3A_483] : memref<128x64xi32, #tpu.memory_space<vmem>>[vector<16xi32>, vector<16xi32>], vector<16xi32>,
        %and3A_487 = arith.andi %gather3A_484, %broadcast_in_dim3A_38 : vector<16xi32>
        %shift_left3A_488 = arith.constant 16 : i32
        %shift_left3A_489 = vector.broadcast %shift_left3A_488 : i32 to vector<16xi32>
        %shift_left3A_490 = arith.shli %gather3A_484, %shift_left3A_489 : vector<16xi32>
        %select_n3A_491 = arith.select %eq3A_56, %and3A_487, %shift_left3A_490 : vector<16xi1>, vector<16xi32>
        %bitcast3A_492 = vector.bitcast %select_n3A_491 : vector<16xi32> to vector<16xf32>
        %and3A_493 = arith.andi %gather3A_485, %broadcast_in_dim3A_38 : vector<16xi32>
        %shift_left3A_494 = arith.constant 16 : i32
        %shift_left3A_495 = vector.broadcast %shift_left3A_494 : i32 to vector<16xi32>
        %shift_left3A_496 = arith.shli %gather3A_485, %shift_left3A_495 : vector<16xi32>
        %select_n3A_497 = arith.select %eq3A_64, %and3A_493, %shift_left3A_496 : vector<16xi1>, vector<16xi32>
        %bitcast3A_498 = vector.bitcast %select_n3A_497 : vector<16xi32> to vector<16xf32>
        %and3A_499 = arith.andi %gather3A_486, %broadcast_in_dim3A_38 : vector<16xi32>
        %shift_left3A_500 = arith.constant 16 : i32
        %shift_left3A_501 = vector.broadcast %shift_left3A_500 : i32 to vector<16xi32>
        %shift_left3A_502 = arith.shli %gather3A_486, %shift_left3A_501 : vector<16xi32>
        %select_n3A_503 = arith.select %eq3A_72, %and3A_499, %shift_left3A_502 : vector<16xi1>, vector<16xi32>
        %bitcast3A_504 = vector.bitcast %select_n3A_503 : vector<16xi32> to vector<16xf32>
        %mul3A_505 = arith.mulf %bitcast3A_492, %bitcast3A_498 : vector<16xf32>
        %add3A_506 = arith.addf %add3A_479, %mul3A_505 : vector<16xf32>
        %mul3A_507 = arith.mulf %bitcast3A_492, %bitcast3A_504 : vector<16xf32>
        %add3A_508 = arith.addf %add3A_481, %mul3A_507 : vector<16xf32>
        %broadcast_in_dim3A_509 = arith.constant 16 : i32
        %broadcast_in_dim3A_510 = vector.broadcast %broadcast_in_dim3A_509 : i32 to vector<16xi32>
        %gather3A_511 = tpu.vector_load_idx %arg12[%add3A_76, %broadcast_in_dim3A_510] : memref<128x64xi32, #tpu.memory_space<vmem>>[vector<16xi32>, vector<16xi32>], vector<16xi32>,
        %gather3A_512 = tpu.vector_load_idx %arg13[%add3A_76, %broadcast_in_dim3A_510] : memref<128x64xi32, #tpu.memory_space<vmem>>[vector<16xi32>, vector<16xi32>], vector<16xi32>,
        %gather3A_513 = tpu.vector_load_idx %arg14[%add3A_76, %broadcast_in_dim3A_510] : memref<128x64xi32, #tpu.memory_space<vmem>>[vector<16xi32>, vector<16xi32>], vector<16xi32>,
        %and3A_514 = arith.andi %gather3A_511, %broadcast_in_dim3A_38 : vector<16xi32>
        %shift_left3A_515 = arith.constant 16 : i32
        %shift_left3A_516 = vector.broadcast %shift_left3A_515 : i32 to vector<16xi32>
        %shift_left3A_517 = arith.shli %gather3A_511, %shift_left3A_516 : vector<16xi32>
        %select_n3A_518 = arith.select %eq3A_56, %and3A_514, %shift_left3A_517 : vector<16xi1>, vector<16xi32>
        %bitcast3A_519 = vector.bitcast %select_n3A_518 : vector<16xi32> to vector<16xf32>
        %and3A_520 = arith.andi %gather3A_512, %broadcast_in_dim3A_38 : vector<16xi32>
        %shift_left3A_521 = arith.constant 16 : i32
        %shift_left3A_522 = vector.broadcast %shift_left3A_521 : i32 to vector<16xi32>
        %shift_left3A_523 = arith.shli %gather3A_512, %shift_left3A_522 : vector<16xi32>
        %select_n3A_524 = arith.select %eq3A_64, %and3A_520, %shift_left3A_523 : vector<16xi1>, vector<16xi32>
        %bitcast3A_525 = vector.bitcast %select_n3A_524 : vector<16xi32> to vector<16xf32>
        %and3A_526 = arith.andi %gather3A_513, %broadcast_in_dim3A_38 : vector<16xi32>
        %shift_left3A_527 = arith.constant 16 : i32
        %shift_left3A_528 = vector.broadcast %shift_left3A_527 : i32 to vector<16xi32>
        %shift_left3A_529 = arith.shli %gather3A_513, %shift_left3A_528 : vector<16xi32>
        %select_n3A_530 = arith.select %eq3A_72, %and3A_526, %shift_left3A_529 : vector<16xi1>, vector<16xi32>
        %bitcast3A_531 = vector.bitcast %select_n3A_530 : vector<16xi32> to vector<16xf32>
        %mul3A_532 = arith.mulf %bitcast3A_519, %bitcast3A_525 : vector<16xf32>
        %add3A_533 = arith.addf %add3A_506, %mul3A_532 : vector<16xf32>
        %mul3A_534 = arith.mulf %bitcast3A_519, %bitcast3A_531 : vector<16xf32>
        %add3A_535 = arith.addf %add3A_508, %mul3A_534 : vector<16xf32>
        %broadcast_in_dim3A_536 = arith.constant 17 : i32
        %broadcast_in_dim3A_537 = vector.broadcast %broadcast_in_dim3A_536 : i32 to vector<16xi32>
        %gather3A_538 = tpu.vector_load_idx %arg12[%add3A_76, %broadcast_in_dim3A_537] : memref<128x64xi32, #tpu.memory_space<vmem>>[vector<16xi32>, vector<16xi32>], vector<16xi32>,
        %gather3A_539 = tpu.vector_load_idx %arg13[%add3A_76, %broadcast_in_dim3A_537] : memref<128x64xi32, #tpu.memory_space<vmem>>[vector<16xi32>, vector<16xi32>], vector<16xi32>,
        %gather3A_540 = tpu.vector_load_idx %arg14[%add3A_76, %broadcast_in_dim3A_537] : memref<128x64xi32, #tpu.memory_space<vmem>>[vector<16xi32>, vector<16xi32>], vector<16xi32>,
        %and3A_541 = arith.andi %gather3A_538, %broadcast_in_dim3A_38 : vector<16xi32>
        %shift_left3A_542 = arith.constant 16 : i32
        %shift_left3A_543 = vector.broadcast %shift_left3A_542 : i32 to vector<16xi32>
        %shift_left3A_544 = arith.shli %gather3A_538, %shift_left3A_543 : vector<16xi32>
        %select_n3A_545 = arith.select %eq3A_56, %and3A_541, %shift_left3A_544 : vector<16xi1>, vector<16xi32>
        %bitcast3A_546 = vector.bitcast %select_n3A_545 : vector<16xi32> to vector<16xf32>
        %and3A_547 = arith.andi %gather3A_539, %broadcast_in_dim3A_38 : vector<16xi32>
        %shift_left3A_548 = arith.constant 16 : i32
        %shift_left3A_549 = vector.broadcast %shift_left3A_548 : i32 to vector<16xi32>
        %shift_left3A_550 = arith.shli %gather3A_539, %shift_left3A_549 : vector<16xi32>
        %select_n3A_551 = arith.select %eq3A_64, %and3A_547, %shift_left3A_550 : vector<16xi1>, vector<16xi32>
        %bitcast3A_552 = vector.bitcast %select_n3A_551 : vector<16xi32> to vector<16xf32>
        %and3A_553 = arith.andi %gather3A_540, %broadcast_in_dim3A_38 : vector<16xi32>
        %shift_left3A_554 = arith.constant 16 : i32
        %shift_left3A_555 = vector.broadcast %shift_left3A_554 : i32 to vector<16xi32>
        %shift_left3A_556 = arith.shli %gather3A_540, %shift_left3A_555 : vector<16xi32>
        %select_n3A_557 = arith.select %eq3A_72, %and3A_553, %shift_left3A_556 : vector<16xi1>, vector<16xi32>
        %bitcast3A_558 = vector.bitcast %select_n3A_557 : vector<16xi32> to vector<16xf32>
        %mul3A_559 = arith.mulf %bitcast3A_546, %bitcast3A_552 : vector<16xf32>
        %add3A_560 = arith.addf %add3A_533, %mul3A_559 : vector<16xf32>
        %mul3A_561 = arith.mulf %bitcast3A_546, %bitcast3A_558 : vector<16xf32>
        %add3A_562 = arith.addf %add3A_535, %mul3A_561 : vector<16xf32>
        %broadcast_in_dim3A_563 = arith.constant 18 : i32
        %broadcast_in_dim3A_564 = vector.broadcast %broadcast_in_dim3A_563 : i32 to vector<16xi32>
        %gather3A_565 = tpu.vector_load_idx %arg12[%add3A_76, %broadcast_in_dim3A_564] : memref<128x64xi32, #tpu.memory_space<vmem>>[vector<16xi32>, vector<16xi32>], vector<16xi32>,
        %gather3A_566 = tpu.vector_load_idx %arg13[%add3A_76, %broadcast_in_dim3A_564] : memref<128x64xi32, #tpu.memory_space<vmem>>[vector<16xi32>, vector<16xi32>], vector<16xi32>,
        %gather3A_567 = tpu.vector_load_idx %arg14[%add3A_76, %broadcast_in_dim3A_564] : memref<128x64xi32, #tpu.memory_space<vmem>>[vector<16xi32>, vector<16xi32>], vector<16xi32>,
        %and3A_568 = arith.andi %gather3A_565, %broadcast_in_dim3A_38 : vector<16xi32>
        %shift_left3A_569 = arith.constant 16 : i32
        %shift_left3A_570 = vector.broadcast %shift_left3A_569 : i32 to vector<16xi32>
        %shift_left3A_571 = arith.shli %gather3A_565, %shift_left3A_570 : vector<16xi32>
        %select_n3A_572 = arith.select %eq3A_56, %and3A_568, %shift_left3A_571 : vector<16xi1>, vector<16xi32>
        %bitcast3A_573 = vector.bitcast %select_n3A_572 : vector<16xi32> to vector<16xf32>
        %and3A_574 = arith.andi %gather3A_566, %broadcast_in_dim3A_38 : vector<16xi32>
        %shift_left3A_575 = arith.constant 16 : i32
        %shift_left3A_576 = vector.broadcast %shift_left3A_575 : i32 to vector<16xi32>
        %shift_left3A_577 = arith.shli %gather3A_566, %shift_left3A_576 : vector<16xi32>
        %select_n3A_578 = arith.select %eq3A_64, %and3A_574, %shift_left3A_577 : vector<16xi1>, vector<16xi32>
        %bitcast3A_579 = vector.bitcast %select_n3A_578 : vector<16xi32> to vector<16xf32>
        %and3A_580 = arith.andi %gather3A_567, %broadcast_in_dim3A_38 : vector<16xi32>
        %shift_left3A_581 = arith.constant 16 : i32
        %shift_left3A_582 = vector.broadcast %shift_left3A_581 : i32 to vector<16xi32>
        %shift_left3A_583 = arith.shli %gather3A_567, %shift_left3A_582 : vector<16xi32>
        %select_n3A_584 = arith.select %eq3A_72, %and3A_580, %shift_left3A_583 : vector<16xi1>, vector<16xi32>
        %bitcast3A_585 = vector.bitcast %select_n3A_584 : vector<16xi32> to vector<16xf32>
        %mul3A_586 = arith.mulf %bitcast3A_573, %bitcast3A_579 : vector<16xf32>
        %add3A_587 = arith.addf %add3A_560, %mul3A_586 : vector<16xf32>
        %mul3A_588 = arith.mulf %bitcast3A_573, %bitcast3A_585 : vector<16xf32>
        %add3A_589 = arith.addf %add3A_562, %mul3A_588 : vector<16xf32>
        %broadcast_in_dim3A_590 = arith.constant 19 : i32
        %broadcast_in_dim3A_591 = vector.broadcast %broadcast_in_dim3A_590 : i32 to vector<16xi32>
        %gather3A_592 = tpu.vector_load_idx %arg12[%add3A_76, %broadcast_in_dim3A_591] : memref<128x64xi32, #tpu.memory_space<vmem>>[vector<16xi32>, vector<16xi32>], vector<16xi32>,
        %gather3A_593 = tpu.vector_load_idx %arg13[%add3A_76, %broadcast_in_dim3A_591] : memref<128x64xi32, #tpu.memory_space<vmem>>[vector<16xi32>, vector<16xi32>], vector<16xi32>,
        %gather3A_594 = tpu.vector_load_idx %arg14[%add3A_76, %broadcast_in_dim3A_591] : memref<128x64xi32, #tpu.memory_space<vmem>>[vector<16xi32>, vector<16xi32>], vector<16xi32>,
        %and3A_595 = arith.andi %gather3A_592, %broadcast_in_dim3A_38 : vector<16xi32>
        %shift_left3A_596 = arith.constant 16 : i32
        %shift_left3A_597 = vector.broadcast %shift_left3A_596 : i32 to vector<16xi32>
        %shift_left3A_598 = arith.shli %gather3A_592, %shift_left3A_597 : vector<16xi32>
        %select_n3A_599 = arith.select %eq3A_56, %and3A_595, %shift_left3A_598 : vector<16xi1>, vector<16xi32>
        %bitcast3A_600 = vector.bitcast %select_n3A_599 : vector<16xi32> to vector<16xf32>
        %and3A_601 = arith.andi %gather3A_593, %broadcast_in_dim3A_38 : vector<16xi32>
        %shift_left3A_602 = arith.constant 16 : i32
        %shift_left3A_603 = vector.broadcast %shift_left3A_602 : i32 to vector<16xi32>
        %shift_left3A_604 = arith.shli %gather3A_593, %shift_left3A_603 : vector<16xi32>
        %select_n3A_605 = arith.select %eq3A_64, %and3A_601, %shift_left3A_604 : vector<16xi1>, vector<16xi32>
        %bitcast3A_606 = vector.bitcast %select_n3A_605 : vector<16xi32> to vector<16xf32>
        %and3A_607 = arith.andi %gather3A_594, %broadcast_in_dim3A_38 : vector<16xi32>
        %shift_left3A_608 = arith.constant 16 : i32
        %shift_left3A_609 = vector.broadcast %shift_left3A_608 : i32 to vector<16xi32>
        %shift_left3A_610 = arith.shli %gather3A_594, %shift_left3A_609 : vector<16xi32>
        %select_n3A_611 = arith.select %eq3A_72, %and3A_607, %shift_left3A_610 : vector<16xi1>, vector<16xi32>
        %bitcast3A_612 = vector.bitcast %select_n3A_611 : vector<16xi32> to vector<16xf32>
        %mul3A_613 = arith.mulf %bitcast3A_600, %bitcast3A_606 : vector<16xf32>
        %add3A_614 = arith.addf %add3A_587, %mul3A_613 : vector<16xf32>
        %mul3A_615 = arith.mulf %bitcast3A_600, %bitcast3A_612 : vector<16xf32>
        %add3A_616 = arith.addf %add3A_589, %mul3A_615 : vector<16xf32>
        %broadcast_in_dim3A_617 = arith.constant 20 : i32
        %broadcast_in_dim3A_618 = vector.broadcast %broadcast_in_dim3A_617 : i32 to vector<16xi32>
        %gather3A_619 = tpu.vector_load_idx %arg12[%add3A_76, %broadcast_in_dim3A_618] : memref<128x64xi32, #tpu.memory_space<vmem>>[vector<16xi32>, vector<16xi32>], vector<16xi32>,
        %gather3A_620 = tpu.vector_load_idx %arg13[%add3A_76, %broadcast_in_dim3A_618] : memref<128x64xi32, #tpu.memory_space<vmem>>[vector<16xi32>, vector<16xi32>], vector<16xi32>,
        %gather3A_621 = tpu.vector_load_idx %arg14[%add3A_76, %broadcast_in_dim3A_618] : memref<128x64xi32, #tpu.memory_space<vmem>>[vector<16xi32>, vector<16xi32>], vector<16xi32>,
        %and3A_622 = arith.andi %gather3A_619, %broadcast_in_dim3A_38 : vector<16xi32>
        %shift_left3A_623 = arith.constant 16 : i32
        %shift_left3A_624 = vector.broadcast %shift_left3A_623 : i32 to vector<16xi32>
        %shift_left3A_625 = arith.shli %gather3A_619, %shift_left3A_624 : vector<16xi32>
        %select_n3A_626 = arith.select %eq3A_56, %and3A_622, %shift_left3A_625 : vector<16xi1>, vector<16xi32>
        %bitcast3A_627 = vector.bitcast %select_n3A_626 : vector<16xi32> to vector<16xf32>
        %and3A_628 = arith.andi %gather3A_620, %broadcast_in_dim3A_38 : vector<16xi32>
        %shift_left3A_629 = arith.constant 16 : i32
        %shift_left3A_630 = vector.broadcast %shift_left3A_629 : i32 to vector<16xi32>
        %shift_left3A_631 = arith.shli %gather3A_620, %shift_left3A_630 : vector<16xi32>
        %select_n3A_632 = arith.select %eq3A_64, %and3A_628, %shift_left3A_631 : vector<16xi1>, vector<16xi32>
        %bitcast3A_633 = vector.bitcast %select_n3A_632 : vector<16xi32> to vector<16xf32>
        %and3A_634 = arith.andi %gather3A_621, %broadcast_in_dim3A_38 : vector<16xi32>
        %shift_left3A_635 = arith.constant 16 : i32
        %shift_left3A_636 = vector.broadcast %shift_left3A_635 : i32 to vector<16xi32>
        %shift_left3A_637 = arith.shli %gather3A_621, %shift_left3A_636 : vector<16xi32>
        %select_n3A_638 = arith.select %eq3A_72, %and3A_634, %shift_left3A_637 : vector<16xi1>, vector<16xi32>
        %bitcast3A_639 = vector.bitcast %select_n3A_638 : vector<16xi32> to vector<16xf32>
        %mul3A_640 = arith.mulf %bitcast3A_627, %bitcast3A_633 : vector<16xf32>
        %add3A_641 = arith.addf %add3A_614, %mul3A_640 : vector<16xf32>
        %mul3A_642 = arith.mulf %bitcast3A_627, %bitcast3A_639 : vector<16xf32>
        %add3A_643 = arith.addf %add3A_616, %mul3A_642 : vector<16xf32>
        %broadcast_in_dim3A_644 = arith.constant 21 : i32
        %broadcast_in_dim3A_645 = vector.broadcast %broadcast_in_dim3A_644 : i32 to vector<16xi32>
        %gather3A_646 = tpu.vector_load_idx %arg12[%add3A_76, %broadcast_in_dim3A_645] : memref<128x64xi32, #tpu.memory_space<vmem>>[vector<16xi32>, vector<16xi32>], vector<16xi32>,
        %gather3A_647 = tpu.vector_load_idx %arg13[%add3A_76, %broadcast_in_dim3A_645] : memref<128x64xi32, #tpu.memory_space<vmem>>[vector<16xi32>, vector<16xi32>], vector<16xi32>,
        %gather3A_648 = tpu.vector_load_idx %arg14[%add3A_76, %broadcast_in_dim3A_645] : memref<128x64xi32, #tpu.memory_space<vmem>>[vector<16xi32>, vector<16xi32>], vector<16xi32>,
        %and3A_649 = arith.andi %gather3A_646, %broadcast_in_dim3A_38 : vector<16xi32>
        %shift_left3A_650 = arith.constant 16 : i32
        %shift_left3A_651 = vector.broadcast %shift_left3A_650 : i32 to vector<16xi32>
        %shift_left3A_652 = arith.shli %gather3A_646, %shift_left3A_651 : vector<16xi32>
        %select_n3A_653 = arith.select %eq3A_56, %and3A_649, %shift_left3A_652 : vector<16xi1>, vector<16xi32>
        %bitcast3A_654 = vector.bitcast %select_n3A_653 : vector<16xi32> to vector<16xf32>
        %and3A_655 = arith.andi %gather3A_647, %broadcast_in_dim3A_38 : vector<16xi32>
        %shift_left3A_656 = arith.constant 16 : i32
        %shift_left3A_657 = vector.broadcast %shift_left3A_656 : i32 to vector<16xi32>
        %shift_left3A_658 = arith.shli %gather3A_647, %shift_left3A_657 : vector<16xi32>
        %select_n3A_659 = arith.select %eq3A_64, %and3A_655, %shift_left3A_658 : vector<16xi1>, vector<16xi32>
        %bitcast3A_660 = vector.bitcast %select_n3A_659 : vector<16xi32> to vector<16xf32>
        %and3A_661 = arith.andi %gather3A_648, %broadcast_in_dim3A_38 : vector<16xi32>
        %shift_left3A_662 = arith.constant 16 : i32
        %shift_left3A_663 = vector.broadcast %shift_left3A_662 : i32 to vector<16xi32>
        %shift_left3A_664 = arith.shli %gather3A_648, %shift_left3A_663 : vector<16xi32>
        %select_n3A_665 = arith.select %eq3A_72, %and3A_661, %shift_left3A_664 : vector<16xi1>, vector<16xi32>
        %bitcast3A_666 = vector.bitcast %select_n3A_665 : vector<16xi32> to vector<16xf32>
        %mul3A_667 = arith.mulf %bitcast3A_654, %bitcast3A_660 : vector<16xf32>
        %add3A_668 = arith.addf %add3A_641, %mul3A_667 : vector<16xf32>
        %mul3A_669 = arith.mulf %bitcast3A_654, %bitcast3A_666 : vector<16xf32>
        %add3A_670 = arith.addf %add3A_643, %mul3A_669 : vector<16xf32>
        %broadcast_in_dim3A_671 = arith.constant 22 : i32
        %broadcast_in_dim3A_672 = vector.broadcast %broadcast_in_dim3A_671 : i32 to vector<16xi32>
        %gather3A_673 = tpu.vector_load_idx %arg12[%add3A_76, %broadcast_in_dim3A_672] : memref<128x64xi32, #tpu.memory_space<vmem>>[vector<16xi32>, vector<16xi32>], vector<16xi32>,
        %gather3A_674 = tpu.vector_load_idx %arg13[%add3A_76, %broadcast_in_dim3A_672] : memref<128x64xi32, #tpu.memory_space<vmem>>[vector<16xi32>, vector<16xi32>], vector<16xi32>,
        %gather3A_675 = tpu.vector_load_idx %arg14[%add3A_76, %broadcast_in_dim3A_672] : memref<128x64xi32, #tpu.memory_space<vmem>>[vector<16xi32>, vector<16xi32>], vector<16xi32>,
        %and3A_676 = arith.andi %gather3A_673, %broadcast_in_dim3A_38 : vector<16xi32>
        %shift_left3A_677 = arith.constant 16 : i32
        %shift_left3A_678 = vector.broadcast %shift_left3A_677 : i32 to vector<16xi32>
        %shift_left3A_679 = arith.shli %gather3A_673, %shift_left3A_678 : vector<16xi32>
        %select_n3A_680 = arith.select %eq3A_56, %and3A_676, %shift_left3A_679 : vector<16xi1>, vector<16xi32>
        %bitcast3A_681 = vector.bitcast %select_n3A_680 : vector<16xi32> to vector<16xf32>
        %and3A_682 = arith.andi %gather3A_674, %broadcast_in_dim3A_38 : vector<16xi32>
        %shift_left3A_683 = arith.constant 16 : i32
        %shift_left3A_684 = vector.broadcast %shift_left3A_683 : i32 to vector<16xi32>
        %shift_left3A_685 = arith.shli %gather3A_674, %shift_left3A_684 : vector<16xi32>
        %select_n3A_686 = arith.select %eq3A_64, %and3A_682, %shift_left3A_685 : vector<16xi1>, vector<16xi32>
        %bitcast3A_687 = vector.bitcast %select_n3A_686 : vector<16xi32> to vector<16xf32>
        %and3A_688 = arith.andi %gather3A_675, %broadcast_in_dim3A_38 : vector<16xi32>
        %shift_left3A_689 = arith.constant 16 : i32
        %shift_left3A_690 = vector.broadcast %shift_left3A_689 : i32 to vector<16xi32>
        %shift_left3A_691 = arith.shli %gather3A_675, %shift_left3A_690 : vector<16xi32>
        %select_n3A_692 = arith.select %eq3A_72, %and3A_688, %shift_left3A_691 : vector<16xi1>, vector<16xi32>
        %bitcast3A_693 = vector.bitcast %select_n3A_692 : vector<16xi32> to vector<16xf32>
        %mul3A_694 = arith.mulf %bitcast3A_681, %bitcast3A_687 : vector<16xf32>
        %add3A_695 = arith.addf %add3A_668, %mul3A_694 : vector<16xf32>
        %mul3A_696 = arith.mulf %bitcast3A_681, %bitcast3A_693 : vector<16xf32>
        %add3A_697 = arith.addf %add3A_670, %mul3A_696 : vector<16xf32>
        %broadcast_in_dim3A_698 = arith.constant 23 : i32
        %broadcast_in_dim3A_699 = vector.broadcast %broadcast_in_dim3A_698 : i32 to vector<16xi32>
        %gather3A_700 = tpu.vector_load_idx %arg12[%add3A_76, %broadcast_in_dim3A_699] : memref<128x64xi32, #tpu.memory_space<vmem>>[vector<16xi32>, vector<16xi32>], vector<16xi32>,
        %gather3A_701 = tpu.vector_load_idx %arg13[%add3A_76, %broadcast_in_dim3A_699] : memref<128x64xi32, #tpu.memory_space<vmem>>[vector<16xi32>, vector<16xi32>], vector<16xi32>,
        %gather3A_702 = tpu.vector_load_idx %arg14[%add3A_76, %broadcast_in_dim3A_699] : memref<128x64xi32, #tpu.memory_space<vmem>>[vector<16xi32>, vector<16xi32>], vector<16xi32>,
        %and3A_703 = arith.andi %gather3A_700, %broadcast_in_dim3A_38 : vector<16xi32>
        %shift_left3A_704 = arith.constant 16 : i32
        %shift_left3A_705 = vector.broadcast %shift_left3A_704 : i32 to vector<16xi32>
        %shift_left3A_706 = arith.shli %gather3A_700, %shift_left3A_705 : vector<16xi32>
        %select_n3A_707 = arith.select %eq3A_56, %and3A_703, %shift_left3A_706 : vector<16xi1>, vector<16xi32>
        %bitcast3A_708 = vector.bitcast %select_n3A_707 : vector<16xi32> to vector<16xf32>
        %and3A_709 = arith.andi %gather3A_701, %broadcast_in_dim3A_38 : vector<16xi32>
        %shift_left3A_710 = arith.constant 16 : i32
        %shift_left3A_711 = vector.broadcast %shift_left3A_710 : i32 to vector<16xi32>
        %shift_left3A_712 = arith.shli %gather3A_701, %shift_left3A_711 : vector<16xi32>
        %select_n3A_713 = arith.select %eq3A_64, %and3A_709, %shift_left3A_712 : vector<16xi1>, vector<16xi32>
        %bitcast3A_714 = vector.bitcast %select_n3A_713 : vector<16xi32> to vector<16xf32>
        %and3A_715 = arith.andi %gather3A_702, %broadcast_in_dim3A_38 : vector<16xi32>
        %shift_left3A_716 = arith.constant 16 : i32
        %shift_left3A_717 = vector.broadcast %shift_left3A_716 : i32 to vector<16xi32>
        %shift_left3A_718 = arith.shli %gather3A_702, %shift_left3A_717 : vector<16xi32>
        %select_n3A_719 = arith.select %eq3A_72, %and3A_715, %shift_left3A_718 : vector<16xi1>, vector<16xi32>
        %bitcast3A_720 = vector.bitcast %select_n3A_719 : vector<16xi32> to vector<16xf32>
        %mul3A_721 = arith.mulf %bitcast3A_708, %bitcast3A_714 : vector<16xf32>
        %add3A_722 = arith.addf %add3A_695, %mul3A_721 : vector<16xf32>
        %mul3A_723 = arith.mulf %bitcast3A_708, %bitcast3A_720 : vector<16xf32>
        %add3A_724 = arith.addf %add3A_697, %mul3A_723 : vector<16xf32>
        %broadcast_in_dim3A_725 = arith.constant 24 : i32
        %broadcast_in_dim3A_726 = vector.broadcast %broadcast_in_dim3A_725 : i32 to vector<16xi32>
        %gather3A_727 = tpu.vector_load_idx %arg12[%add3A_76, %broadcast_in_dim3A_726] : memref<128x64xi32, #tpu.memory_space<vmem>>[vector<16xi32>, vector<16xi32>], vector<16xi32>,
        %gather3A_728 = tpu.vector_load_idx %arg13[%add3A_76, %broadcast_in_dim3A_726] : memref<128x64xi32, #tpu.memory_space<vmem>>[vector<16xi32>, vector<16xi32>], vector<16xi32>,
        %gather3A_729 = tpu.vector_load_idx %arg14[%add3A_76, %broadcast_in_dim3A_726] : memref<128x64xi32, #tpu.memory_space<vmem>>[vector<16xi32>, vector<16xi32>], vector<16xi32>,
        %and3A_730 = arith.andi %gather3A_727, %broadcast_in_dim3A_38 : vector<16xi32>
        %shift_left3A_731 = arith.constant 16 : i32
        %shift_left3A_732 = vector.broadcast %shift_left3A_731 : i32 to vector<16xi32>
        %shift_left3A_733 = arith.shli %gather3A_727, %shift_left3A_732 : vector<16xi32>
        %select_n3A_734 = arith.select %eq3A_56, %and3A_730, %shift_left3A_733 : vector<16xi1>, vector<16xi32>
        %bitcast3A_735 = vector.bitcast %select_n3A_734 : vector<16xi32> to vector<16xf32>
        %and3A_736 = arith.andi %gather3A_728, %broadcast_in_dim3A_38 : vector<16xi32>
        %shift_left3A_737 = arith.constant 16 : i32
        %shift_left3A_738 = vector.broadcast %shift_left3A_737 : i32 to vector<16xi32>
        %shift_left3A_739 = arith.shli %gather3A_728, %shift_left3A_738 : vector<16xi32>
        %select_n3A_740 = arith.select %eq3A_64, %and3A_736, %shift_left3A_739 : vector<16xi1>, vector<16xi32>
        %bitcast3A_741 = vector.bitcast %select_n3A_740 : vector<16xi32> to vector<16xf32>
        %and3A_742 = arith.andi %gather3A_729, %broadcast_in_dim3A_38 : vector<16xi32>
        %shift_left3A_743 = arith.constant 16 : i32
        %shift_left3A_744 = vector.broadcast %shift_left3A_743 : i32 to vector<16xi32>
        %shift_left3A_745 = arith.shli %gather3A_729, %shift_left3A_744 : vector<16xi32>
        %select_n3A_746 = arith.select %eq3A_72, %and3A_742, %shift_left3A_745 : vector<16xi1>, vector<16xi32>
        %bitcast3A_747 = vector.bitcast %select_n3A_746 : vector<16xi32> to vector<16xf32>
        %mul3A_748 = arith.mulf %bitcast3A_735, %bitcast3A_741 : vector<16xf32>
        %add3A_749 = arith.addf %add3A_722, %mul3A_748 : vector<16xf32>
        %mul3A_750 = arith.mulf %bitcast3A_735, %bitcast3A_747 : vector<16xf32>
        %add3A_751 = arith.addf %add3A_724, %mul3A_750 : vector<16xf32>
        %broadcast_in_dim3A_752 = arith.constant 25 : i32
        %broadcast_in_dim3A_753 = vector.broadcast %broadcast_in_dim3A_752 : i32 to vector<16xi32>
        %gather3A_754 = tpu.vector_load_idx %arg12[%add3A_76, %broadcast_in_dim3A_753] : memref<128x64xi32, #tpu.memory_space<vmem>>[vector<16xi32>, vector<16xi32>], vector<16xi32>,
        %gather3A_755 = tpu.vector_load_idx %arg13[%add3A_76, %broadcast_in_dim3A_753] : memref<128x64xi32, #tpu.memory_space<vmem>>[vector<16xi32>, vector<16xi32>], vector<16xi32>,
        %gather3A_756 = tpu.vector_load_idx %arg14[%add3A_76, %broadcast_in_dim3A_753] : memref<128x64xi32, #tpu.memory_space<vmem>>[vector<16xi32>, vector<16xi32>], vector<16xi32>,
        %and3A_757 = arith.andi %gather3A_754, %broadcast_in_dim3A_38 : vector<16xi32>
        %shift_left3A_758 = arith.constant 16 : i32
        %shift_left3A_759 = vector.broadcast %shift_left3A_758 : i32 to vector<16xi32>
        %shift_left3A_760 = arith.shli %gather3A_754, %shift_left3A_759 : vector<16xi32>
        %select_n3A_761 = arith.select %eq3A_56, %and3A_757, %shift_left3A_760 : vector<16xi1>, vector<16xi32>
        %bitcast3A_762 = vector.bitcast %select_n3A_761 : vector<16xi32> to vector<16xf32>
        %and3A_763 = arith.andi %gather3A_755, %broadcast_in_dim3A_38 : vector<16xi32>
        %shift_left3A_764 = arith.constant 16 : i32
        %shift_left3A_765 = vector.broadcast %shift_left3A_764 : i32 to vector<16xi32>
        %shift_left3A_766 = arith.shli %gather3A_755, %shift_left3A_765 : vector<16xi32>
        %select_n3A_767 = arith.select %eq3A_64, %and3A_763, %shift_left3A_766 : vector<16xi1>, vector<16xi32>
        %bitcast3A_768 = vector.bitcast %select_n3A_767 : vector<16xi32> to vector<16xf32>
        %and3A_769 = arith.andi %gather3A_756, %broadcast_in_dim3A_38 : vector<16xi32>
        %shift_left3A_770 = arith.constant 16 : i32
        %shift_left3A_771 = vector.broadcast %shift_left3A_770 : i32 to vector<16xi32>
        %shift_left3A_772 = arith.shli %gather3A_756, %shift_left3A_771 : vector<16xi32>
        %select_n3A_773 = arith.select %eq3A_72, %and3A_769, %shift_left3A_772 : vector<16xi1>, vector<16xi32>
        %bitcast3A_774 = vector.bitcast %select_n3A_773 : vector<16xi32> to vector<16xf32>
        %mul3A_775 = arith.mulf %bitcast3A_762, %bitcast3A_768 : vector<16xf32>
        %add3A_776 = arith.addf %add3A_749, %mul3A_775 : vector<16xf32>
        %mul3A_777 = arith.mulf %bitcast3A_762, %bitcast3A_774 : vector<16xf32>
        %add3A_778 = arith.addf %add3A_751, %mul3A_777 : vector<16xf32>
        %broadcast_in_dim3A_779 = arith.constant 26 : i32
        %broadcast_in_dim3A_780 = vector.broadcast %broadcast_in_dim3A_779 : i32 to vector<16xi32>
        %gather3A_781 = tpu.vector_load_idx %arg12[%add3A_76, %broadcast_in_dim3A_780] : memref<128x64xi32, #tpu.memory_space<vmem>>[vector<16xi32>, vector<16xi32>], vector<16xi32>,
        %gather3A_782 = tpu.vector_load_idx %arg13[%add3A_76, %broadcast_in_dim3A_780] : memref<128x64xi32, #tpu.memory_space<vmem>>[vector<16xi32>, vector<16xi32>], vector<16xi32>,
        %gather3A_783 = tpu.vector_load_idx %arg14[%add3A_76, %broadcast_in_dim3A_780] : memref<128x64xi32, #tpu.memory_space<vmem>>[vector<16xi32>, vector<16xi32>], vector<16xi32>,
        %and3A_784 = arith.andi %gather3A_781, %broadcast_in_dim3A_38 : vector<16xi32>
        %shift_left3A_785 = arith.constant 16 : i32
        %shift_left3A_786 = vector.broadcast %shift_left3A_785 : i32 to vector<16xi32>
        %shift_left3A_787 = arith.shli %gather3A_781, %shift_left3A_786 : vector<16xi32>
        %select_n3A_788 = arith.select %eq3A_56, %and3A_784, %shift_left3A_787 : vector<16xi1>, vector<16xi32>
        %bitcast3A_789 = vector.bitcast %select_n3A_788 : vector<16xi32> to vector<16xf32>
        %and3A_790 = arith.andi %gather3A_782, %broadcast_in_dim3A_38 : vector<16xi32>
        %shift_left3A_791 = arith.constant 16 : i32
        %shift_left3A_792 = vector.broadcast %shift_left3A_791 : i32 to vector<16xi32>
        %shift_left3A_793 = arith.shli %gather3A_782, %shift_left3A_792 : vector<16xi32>
        %select_n3A_794 = arith.select %eq3A_64, %and3A_790, %shift_left3A_793 : vector<16xi1>, vector<16xi32>
        %bitcast3A_795 = vector.bitcast %select_n3A_794 : vector<16xi32> to vector<16xf32>
        %and3A_796 = arith.andi %gather3A_783, %broadcast_in_dim3A_38 : vector<16xi32>
        %shift_left3A_797 = arith.constant 16 : i32
        %shift_left3A_798 = vector.broadcast %shift_left3A_797 : i32 to vector<16xi32>
        %shift_left3A_799 = arith.shli %gather3A_783, %shift_left3A_798 : vector<16xi32>
        %select_n3A_800 = arith.select %eq3A_72, %and3A_796, %shift_left3A_799 : vector<16xi1>, vector<16xi32>
        %bitcast3A_801 = vector.bitcast %select_n3A_800 : vector<16xi32> to vector<16xf32>
        %mul3A_802 = arith.mulf %bitcast3A_789, %bitcast3A_795 : vector<16xf32>
        %add3A_803 = arith.addf %add3A_776, %mul3A_802 : vector<16xf32>
        %mul3A_804 = arith.mulf %bitcast3A_789, %bitcast3A_801 : vector<16xf32>
        %add3A_805 = arith.addf %add3A_778, %mul3A_804 : vector<16xf32>
        %broadcast_in_dim3A_806 = arith.constant 27 : i32
        %broadcast_in_dim3A_807 = vector.broadcast %broadcast_in_dim3A_806 : i32 to vector<16xi32>
        %gather3A_808 = tpu.vector_load_idx %arg12[%add3A_76, %broadcast_in_dim3A_807] : memref<128x64xi32, #tpu.memory_space<vmem>>[vector<16xi32>, vector<16xi32>], vector<16xi32>,
        %gather3A_809 = tpu.vector_load_idx %arg13[%add3A_76, %broadcast_in_dim3A_807] : memref<128x64xi32, #tpu.memory_space<vmem>>[vector<16xi32>, vector<16xi32>], vector<16xi32>,
        %gather3A_810 = tpu.vector_load_idx %arg14[%add3A_76, %broadcast_in_dim3A_807] : memref<128x64xi32, #tpu.memory_space<vmem>>[vector<16xi32>, vector<16xi32>], vector<16xi32>,
        %and3A_811 = arith.andi %gather3A_808, %broadcast_in_dim3A_38 : vector<16xi32>
        %shift_left3A_812 = arith.constant 16 : i32
        %shift_left3A_813 = vector.broadcast %shift_left3A_812 : i32 to vector<16xi32>
        %shift_left3A_814 = arith.shli %gather3A_808, %shift_left3A_813 : vector<16xi32>
        %select_n3A_815 = arith.select %eq3A_56, %and3A_811, %shift_left3A_814 : vector<16xi1>, vector<16xi32>
        %bitcast3A_816 = vector.bitcast %select_n3A_815 : vector<16xi32> to vector<16xf32>
        %and3A_817 = arith.andi %gather3A_809, %broadcast_in_dim3A_38 : vector<16xi32>
        %shift_left3A_818 = arith.constant 16 : i32
        %shift_left3A_819 = vector.broadcast %shift_left3A_818 : i32 to vector<16xi32>
        %shift_left3A_820 = arith.shli %gather3A_809, %shift_left3A_819 : vector<16xi32>
        %select_n3A_821 = arith.select %eq3A_64, %and3A_817, %shift_left3A_820 : vector<16xi1>, vector<16xi32>
        %bitcast3A_822 = vector.bitcast %select_n3A_821 : vector<16xi32> to vector<16xf32>
        %and3A_823 = arith.andi %gather3A_810, %broadcast_in_dim3A_38 : vector<16xi32>
        %shift_left3A_824 = arith.constant 16 : i32
        %shift_left3A_825 = vector.broadcast %shift_left3A_824 : i32 to vector<16xi32>
        %shift_left3A_826 = arith.shli %gather3A_810, %shift_left3A_825 : vector<16xi32>
        %select_n3A_827 = arith.select %eq3A_72, %and3A_823, %shift_left3A_826 : vector<16xi1>, vector<16xi32>
        %bitcast3A_828 = vector.bitcast %select_n3A_827 : vector<16xi32> to vector<16xf32>
        %mul3A_829 = arith.mulf %bitcast3A_816, %bitcast3A_822 : vector<16xf32>
        %add3A_830 = arith.addf %add3A_803, %mul3A_829 : vector<16xf32>
        %mul3A_831 = arith.mulf %bitcast3A_816, %bitcast3A_828 : vector<16xf32>
        %add3A_832 = arith.addf %add3A_805, %mul3A_831 : vector<16xf32>
        %broadcast_in_dim3A_833 = arith.constant 28 : i32
        %broadcast_in_dim3A_834 = vector.broadcast %broadcast_in_dim3A_833 : i32 to vector<16xi32>
        %gather3A_835 = tpu.vector_load_idx %arg12[%add3A_76, %broadcast_in_dim3A_834] : memref<128x64xi32, #tpu.memory_space<vmem>>[vector<16xi32>, vector<16xi32>], vector<16xi32>,
        %gather3A_836 = tpu.vector_load_idx %arg13[%add3A_76, %broadcast_in_dim3A_834] : memref<128x64xi32, #tpu.memory_space<vmem>>[vector<16xi32>, vector<16xi32>], vector<16xi32>,
        %gather3A_837 = tpu.vector_load_idx %arg14[%add3A_76, %broadcast_in_dim3A_834] : memref<128x64xi32, #tpu.memory_space<vmem>>[vector<16xi32>, vector<16xi32>], vector<16xi32>,
        %and3A_838 = arith.andi %gather3A_835, %broadcast_in_dim3A_38 : vector<16xi32>
        %shift_left3A_839 = arith.constant 16 : i32
        %shift_left3A_840 = vector.broadcast %shift_left3A_839 : i32 to vector<16xi32>
        %shift_left3A_841 = arith.shli %gather3A_835, %shift_left3A_840 : vector<16xi32>
        %select_n3A_842 = arith.select %eq3A_56, %and3A_838, %shift_left3A_841 : vector<16xi1>, vector<16xi32>
        %bitcast3A_843 = vector.bitcast %select_n3A_842 : vector<16xi32> to vector<16xf32>
        %and3A_844 = arith.andi %gather3A_836, %broadcast_in_dim3A_38 : vector<16xi32>
        %shift_left3A_845 = arith.constant 16 : i32
        %shift_left3A_846 = vector.broadcast %shift_left3A_845 : i32 to vector<16xi32>
        %shift_left3A_847 = arith.shli %gather3A_836, %shift_left3A_846 : vector<16xi32>
        %select_n3A_848 = arith.select %eq3A_64, %and3A_844, %shift_left3A_847 : vector<16xi1>, vector<16xi32>
        %bitcast3A_849 = vector.bitcast %select_n3A_848 : vector<16xi32> to vector<16xf32>
        %and3A_850 = arith.andi %gather3A_837, %broadcast_in_dim3A_38 : vector<16xi32>
        %shift_left3A_851 = arith.constant 16 : i32
        %shift_left3A_852 = vector.broadcast %shift_left3A_851 : i32 to vector<16xi32>
        %shift_left3A_853 = arith.shli %gather3A_837, %shift_left3A_852 : vector<16xi32>
        %select_n3A_854 = arith.select %eq3A_72, %and3A_850, %shift_left3A_853 : vector<16xi1>, vector<16xi32>
        %bitcast3A_855 = vector.bitcast %select_n3A_854 : vector<16xi32> to vector<16xf32>
        %mul3A_856 = arith.mulf %bitcast3A_843, %bitcast3A_849 : vector<16xf32>
        %add3A_857 = arith.addf %add3A_830, %mul3A_856 : vector<16xf32>
        %mul3A_858 = arith.mulf %bitcast3A_843, %bitcast3A_855 : vector<16xf32>
        %add3A_859 = arith.addf %add3A_832, %mul3A_858 : vector<16xf32>
        %broadcast_in_dim3A_860 = arith.constant 29 : i32
        %broadcast_in_dim3A_861 = vector.broadcast %broadcast_in_dim3A_860 : i32 to vector<16xi32>
        %gather3A_862 = tpu.vector_load_idx %arg12[%add3A_76, %broadcast_in_dim3A_861] : memref<128x64xi32, #tpu.memory_space<vmem>>[vector<16xi32>, vector<16xi32>], vector<16xi32>,
        %gather3A_863 = tpu.vector_load_idx %arg13[%add3A_76, %broadcast_in_dim3A_861] : memref<128x64xi32, #tpu.memory_space<vmem>>[vector<16xi32>, vector<16xi32>], vector<16xi32>,
        %gather3A_864 = tpu.vector_load_idx %arg14[%add3A_76, %broadcast_in_dim3A_861] : memref<128x64xi32, #tpu.memory_space<vmem>>[vector<16xi32>, vector<16xi32>], vector<16xi32>,
        %and3A_865 = arith.andi %gather3A_862, %broadcast_in_dim3A_38 : vector<16xi32>
        %shift_left3A_866 = arith.constant 16 : i32
        %shift_left3A_867 = vector.broadcast %shift_left3A_866 : i32 to vector<16xi32>
        %shift_left3A_868 = arith.shli %gather3A_862, %shift_left3A_867 : vector<16xi32>
        %select_n3A_869 = arith.select %eq3A_56, %and3A_865, %shift_left3A_868 : vector<16xi1>, vector<16xi32>
        %bitcast3A_870 = vector.bitcast %select_n3A_869 : vector<16xi32> to vector<16xf32>
        %and3A_871 = arith.andi %gather3A_863, %broadcast_in_dim3A_38 : vector<16xi32>
        %shift_left3A_872 = arith.constant 16 : i32
        %shift_left3A_873 = vector.broadcast %shift_left3A_872 : i32 to vector<16xi32>
        %shift_left3A_874 = arith.shli %gather3A_863, %shift_left3A_873 : vector<16xi32>
        %select_n3A_875 = arith.select %eq3A_64, %and3A_871, %shift_left3A_874 : vector<16xi1>, vector<16xi32>
        %bitcast3A_876 = vector.bitcast %select_n3A_875 : vector<16xi32> to vector<16xf32>
        %and3A_877 = arith.andi %gather3A_864, %broadcast_in_dim3A_38 : vector<16xi32>
        %shift_left3A_878 = arith.constant 16 : i32
        %shift_left3A_879 = vector.broadcast %shift_left3A_878 : i32 to vector<16xi32>
        %shift_left3A_880 = arith.shli %gather3A_864, %shift_left3A_879 : vector<16xi32>
        %select_n3A_881 = arith.select %eq3A_72, %and3A_877, %shift_left3A_880 : vector<16xi1>, vector<16xi32>
        %bitcast3A_882 = vector.bitcast %select_n3A_881 : vector<16xi32> to vector<16xf32>
        %mul3A_883 = arith.mulf %bitcast3A_870, %bitcast3A_876 : vector<16xf32>
        %add3A_884 = arith.addf %add3A_857, %mul3A_883 : vector<16xf32>
        %mul3A_885 = arith.mulf %bitcast3A_870, %bitcast3A_882 : vector<16xf32>
        %add3A_886 = arith.addf %add3A_859, %mul3A_885 : vector<16xf32>
        %broadcast_in_dim3A_887 = arith.constant 30 : i32
        %broadcast_in_dim3A_888 = vector.broadcast %broadcast_in_dim3A_887 : i32 to vector<16xi32>
        %gather3A_889 = tpu.vector_load_idx %arg12[%add3A_76, %broadcast_in_dim3A_888] : memref<128x64xi32, #tpu.memory_space<vmem>>[vector<16xi32>, vector<16xi32>], vector<16xi32>,
        %gather3A_890 = tpu.vector_load_idx %arg13[%add3A_76, %broadcast_in_dim3A_888] : memref<128x64xi32, #tpu.memory_space<vmem>>[vector<16xi32>, vector<16xi32>], vector<16xi32>,
        %gather3A_891 = tpu.vector_load_idx %arg14[%add3A_76, %broadcast_in_dim3A_888] : memref<128x64xi32, #tpu.memory_space<vmem>>[vector<16xi32>, vector<16xi32>], vector<16xi32>,
        %and3A_892 = arith.andi %gather3A_889, %broadcast_in_dim3A_38 : vector<16xi32>
        %shift_left3A_893 = arith.constant 16 : i32
        %shift_left3A_894 = vector.broadcast %shift_left3A_893 : i32 to vector<16xi32>
        %shift_left3A_895 = arith.shli %gather3A_889, %shift_left3A_894 : vector<16xi32>
        %select_n3A_896 = arith.select %eq3A_56, %and3A_892, %shift_left3A_895 : vector<16xi1>, vector<16xi32>
        %bitcast3A_897 = vector.bitcast %select_n3A_896 : vector<16xi32> to vector<16xf32>
        %and3A_898 = arith.andi %gather3A_890, %broadcast_in_dim3A_38 : vector<16xi32>
        %shift_left3A_899 = arith.constant 16 : i32
        %shift_left3A_900 = vector.broadcast %shift_left3A_899 : i32 to vector<16xi32>
        %shift_left3A_901 = arith.shli %gather3A_890, %shift_left3A_900 : vector<16xi32>
        %select_n3A_902 = arith.select %eq3A_64, %and3A_898, %shift_left3A_901 : vector<16xi1>, vector<16xi32>
        %bitcast3A_903 = vector.bitcast %select_n3A_902 : vector<16xi32> to vector<16xf32>
        %and3A_904 = arith.andi %gather3A_891, %broadcast_in_dim3A_38 : vector<16xi32>
        %shift_left3A_905 = arith.constant 16 : i32
        %shift_left3A_906 = vector.broadcast %shift_left3A_905 : i32 to vector<16xi32>
        %shift_left3A_907 = arith.shli %gather3A_891, %shift_left3A_906 : vector<16xi32>
        %select_n3A_908 = arith.select %eq3A_72, %and3A_904, %shift_left3A_907 : vector<16xi1>, vector<16xi32>
        %bitcast3A_909 = vector.bitcast %select_n3A_908 : vector<16xi32> to vector<16xf32>
        %mul3A_910 = arith.mulf %bitcast3A_897, %bitcast3A_903 : vector<16xf32>
        %add3A_911 = arith.addf %add3A_884, %mul3A_910 : vector<16xf32>
        %mul3A_912 = arith.mulf %bitcast3A_897, %bitcast3A_909 : vector<16xf32>
        %add3A_913 = arith.addf %add3A_886, %mul3A_912 : vector<16xf32>
        %broadcast_in_dim3A_914 = arith.constant 31 : i32
        %broadcast_in_dim3A_915 = vector.broadcast %broadcast_in_dim3A_914 : i32 to vector<16xi32>
        %gather3A_916 = tpu.vector_load_idx %arg12[%add3A_76, %broadcast_in_dim3A_915] : memref<128x64xi32, #tpu.memory_space<vmem>>[vector<16xi32>, vector<16xi32>], vector<16xi32>,
        %gather3A_917 = tpu.vector_load_idx %arg13[%add3A_76, %broadcast_in_dim3A_915] : memref<128x64xi32, #tpu.memory_space<vmem>>[vector<16xi32>, vector<16xi32>], vector<16xi32>,
        %gather3A_918 = tpu.vector_load_idx %arg14[%add3A_76, %broadcast_in_dim3A_915] : memref<128x64xi32, #tpu.memory_space<vmem>>[vector<16xi32>, vector<16xi32>], vector<16xi32>,
        %and3A_919 = arith.andi %gather3A_916, %broadcast_in_dim3A_38 : vector<16xi32>
        %shift_left3A_920 = arith.constant 16 : i32
        %shift_left3A_921 = vector.broadcast %shift_left3A_920 : i32 to vector<16xi32>
        %shift_left3A_922 = arith.shli %gather3A_916, %shift_left3A_921 : vector<16xi32>
        %select_n3A_923 = arith.select %eq3A_56, %and3A_919, %shift_left3A_922 : vector<16xi1>, vector<16xi32>
        %bitcast3A_924 = vector.bitcast %select_n3A_923 : vector<16xi32> to vector<16xf32>
        %and3A_925 = arith.andi %gather3A_917, %broadcast_in_dim3A_38 : vector<16xi32>
        %shift_left3A_926 = arith.constant 16 : i32
        %shift_left3A_927 = vector.broadcast %shift_left3A_926 : i32 to vector<16xi32>
        %shift_left3A_928 = arith.shli %gather3A_917, %shift_left3A_927 : vector<16xi32>
        %select_n3A_929 = arith.select %eq3A_64, %and3A_925, %shift_left3A_928 : vector<16xi1>, vector<16xi32>
        %bitcast3A_930 = vector.bitcast %select_n3A_929 : vector<16xi32> to vector<16xf32>
        %and3A_931 = arith.andi %gather3A_918, %broadcast_in_dim3A_38 : vector<16xi32>
        %shift_left3A_932 = arith.constant 16 : i32
        %shift_left3A_933 = vector.broadcast %shift_left3A_932 : i32 to vector<16xi32>
        %shift_left3A_934 = arith.shli %gather3A_918, %shift_left3A_933 : vector<16xi32>
        %select_n3A_935 = arith.select %eq3A_72, %and3A_931, %shift_left3A_934 : vector<16xi1>, vector<16xi32>
        %bitcast3A_936 = vector.bitcast %select_n3A_935 : vector<16xi32> to vector<16xf32>
        %mul3A_937 = arith.mulf %bitcast3A_924, %bitcast3A_930 : vector<16xf32>
        %add3A_938 = arith.addf %add3A_911, %mul3A_937 : vector<16xf32>
        %mul3A_939 = arith.mulf %bitcast3A_924, %bitcast3A_936 : vector<16xf32>
        %add3A_940 = arith.addf %add3A_913, %mul3A_939 : vector<16xf32>
        %broadcast_in_dim3A_941 = arith.constant 32 : i32
        %broadcast_in_dim3A_942 = vector.broadcast %broadcast_in_dim3A_941 : i32 to vector<16xi32>
        %gather3A_943 = tpu.vector_load_idx %arg12[%add3A_76, %broadcast_in_dim3A_942] : memref<128x64xi32, #tpu.memory_space<vmem>>[vector<16xi32>, vector<16xi32>], vector<16xi32>,
        %gather3A_944 = tpu.vector_load_idx %arg13[%add3A_76, %broadcast_in_dim3A_942] : memref<128x64xi32, #tpu.memory_space<vmem>>[vector<16xi32>, vector<16xi32>], vector<16xi32>,
        %gather3A_945 = tpu.vector_load_idx %arg14[%add3A_76, %broadcast_in_dim3A_942] : memref<128x64xi32, #tpu.memory_space<vmem>>[vector<16xi32>, vector<16xi32>], vector<16xi32>,
        %and3A_946 = arith.andi %gather3A_943, %broadcast_in_dim3A_38 : vector<16xi32>
        %shift_left3A_947 = arith.constant 16 : i32
        %shift_left3A_948 = vector.broadcast %shift_left3A_947 : i32 to vector<16xi32>
        %shift_left3A_949 = arith.shli %gather3A_943, %shift_left3A_948 : vector<16xi32>
        %select_n3A_950 = arith.select %eq3A_56, %and3A_946, %shift_left3A_949 : vector<16xi1>, vector<16xi32>
        %bitcast3A_951 = vector.bitcast %select_n3A_950 : vector<16xi32> to vector<16xf32>
        %and3A_952 = arith.andi %gather3A_944, %broadcast_in_dim3A_38 : vector<16xi32>
        %shift_left3A_953 = arith.constant 16 : i32
        %shift_left3A_954 = vector.broadcast %shift_left3A_953 : i32 to vector<16xi32>
        %shift_left3A_955 = arith.shli %gather3A_944, %shift_left3A_954 : vector<16xi32>
        %select_n3A_956 = arith.select %eq3A_64, %and3A_952, %shift_left3A_955 : vector<16xi1>, vector<16xi32>
        %bitcast3A_957 = vector.bitcast %select_n3A_956 : vector<16xi32> to vector<16xf32>
        %and3A_958 = arith.andi %gather3A_945, %broadcast_in_dim3A_38 : vector<16xi32>
        %shift_left3A_959 = arith.constant 16 : i32
        %shift_left3A_960 = vector.broadcast %shift_left3A_959 : i32 to vector<16xi32>
        %shift_left3A_961 = arith.shli %gather3A_945, %shift_left3A_960 : vector<16xi32>
        %select_n3A_962 = arith.select %eq3A_72, %and3A_958, %shift_left3A_961 : vector<16xi1>, vector<16xi32>
        %bitcast3A_963 = vector.bitcast %select_n3A_962 : vector<16xi32> to vector<16xf32>
        %mul3A_964 = arith.mulf %bitcast3A_951, %bitcast3A_957 : vector<16xf32>
        %add3A_965 = arith.addf %add3A_938, %mul3A_964 : vector<16xf32>
        %mul3A_966 = arith.mulf %bitcast3A_951, %bitcast3A_963 : vector<16xf32>
        %add3A_967 = arith.addf %add3A_940, %mul3A_966 : vector<16xf32>
        %broadcast_in_dim3A_968 = arith.constant 33 : i32
        %broadcast_in_dim3A_969 = vector.broadcast %broadcast_in_dim3A_968 : i32 to vector<16xi32>
        %gather3A_970 = tpu.vector_load_idx %arg12[%add3A_76, %broadcast_in_dim3A_969] : memref<128x64xi32, #tpu.memory_space<vmem>>[vector<16xi32>, vector<16xi32>], vector<16xi32>,
        %gather3A_971 = tpu.vector_load_idx %arg13[%add3A_76, %broadcast_in_dim3A_969] : memref<128x64xi32, #tpu.memory_space<vmem>>[vector<16xi32>, vector<16xi32>], vector<16xi32>,
        %gather3A_972 = tpu.vector_load_idx %arg14[%add3A_76, %broadcast_in_dim3A_969] : memref<128x64xi32, #tpu.memory_space<vmem>>[vector<16xi32>, vector<16xi32>], vector<16xi32>,
        %and3A_973 = arith.andi %gather3A_970, %broadcast_in_dim3A_38 : vector<16xi32>
        %shift_left3A_974 = arith.constant 16 : i32
        %shift_left3A_975 = vector.broadcast %shift_left3A_974 : i32 to vector<16xi32>
        %shift_left3A_976 = arith.shli %gather3A_970, %shift_left3A_975 : vector<16xi32>
        %select_n3A_977 = arith.select %eq3A_56, %and3A_973, %shift_left3A_976 : vector<16xi1>, vector<16xi32>
        %bitcast3A_978 = vector.bitcast %select_n3A_977 : vector<16xi32> to vector<16xf32>
        %and3A_979 = arith.andi %gather3A_971, %broadcast_in_dim3A_38 : vector<16xi32>
        %shift_left3A_980 = arith.constant 16 : i32
        %shift_left3A_981 = vector.broadcast %shift_left3A_980 : i32 to vector<16xi32>
        %shift_left3A_982 = arith.shli %gather3A_971, %shift_left3A_981 : vector<16xi32>
        %select_n3A_983 = arith.select %eq3A_64, %and3A_979, %shift_left3A_982 : vector<16xi1>, vector<16xi32>
        %bitcast3A_984 = vector.bitcast %select_n3A_983 : vector<16xi32> to vector<16xf32>
        %and3A_985 = arith.andi %gather3A_972, %broadcast_in_dim3A_38 : vector<16xi32>
        %shift_left3A_986 = arith.constant 16 : i32
        %shift_left3A_987 = vector.broadcast %shift_left3A_986 : i32 to vector<16xi32>
        %shift_left3A_988 = arith.shli %gather3A_972, %shift_left3A_987 : vector<16xi32>
        %select_n3A_989 = arith.select %eq3A_72, %and3A_985, %shift_left3A_988 : vector<16xi1>, vector<16xi32>
        %bitcast3A_990 = vector.bitcast %select_n3A_989 : vector<16xi32> to vector<16xf32>
        %mul3A_991 = arith.mulf %bitcast3A_978, %bitcast3A_984 : vector<16xf32>
        %add3A_992 = arith.addf %add3A_965, %mul3A_991 : vector<16xf32>
        %mul3A_993 = arith.mulf %bitcast3A_978, %bitcast3A_990 : vector<16xf32>
        %add3A_994 = arith.addf %add3A_967, %mul3A_993 : vector<16xf32>
        %broadcast_in_dim3A_995 = arith.constant 34 : i32
        %broadcast_in_dim3A_996 = vector.broadcast %broadcast_in_dim3A_995 : i32 to vector<16xi32>
        %gather3A_997 = tpu.vector_load_idx %arg12[%add3A_76, %broadcast_in_dim3A_996] : memref<128x64xi32, #tpu.memory_space<vmem>>[vector<16xi32>, vector<16xi32>], vector<16xi32>,
        %gather3A_998 = tpu.vector_load_idx %arg13[%add3A_76, %broadcast_in_dim3A_996] : memref<128x64xi32, #tpu.memory_space<vmem>>[vector<16xi32>, vector<16xi32>], vector<16xi32>,
        %gather3A_999 = tpu.vector_load_idx %arg14[%add3A_76, %broadcast_in_dim3A_996] : memref<128x64xi32, #tpu.memory_space<vmem>>[vector<16xi32>, vector<16xi32>], vector<16xi32>,
        %and3A_1000 = arith.andi %gather3A_997, %broadcast_in_dim3A_38 : vector<16xi32>
        %shift_left3A_1001 = arith.constant 16 : i32
        %shift_left3A_1002 = vector.broadcast %shift_left3A_1001 : i32 to vector<16xi32>
        %shift_left3A_1003 = arith.shli %gather3A_997, %shift_left3A_1002 : vector<16xi32>
        %select_n3A_1004 = arith.select %eq3A_56, %and3A_1000, %shift_left3A_1003 : vector<16xi1>, vector<16xi32>
        %bitcast3A_1005 = vector.bitcast %select_n3A_1004 : vector<16xi32> to vector<16xf32>
        %and3A_1006 = arith.andi %gather3A_998, %broadcast_in_dim3A_38 : vector<16xi32>
        %shift_left3A_1007 = arith.constant 16 : i32
        %shift_left3A_1008 = vector.broadcast %shift_left3A_1007 : i32 to vector<16xi32>
        %shift_left3A_1009 = arith.shli %gather3A_998, %shift_left3A_1008 : vector<16xi32>
        %select_n3A_1010 = arith.select %eq3A_64, %and3A_1006, %shift_left3A_1009 : vector<16xi1>, vector<16xi32>
        %bitcast3A_1011 = vector.bitcast %select_n3A_1010 : vector<16xi32> to vector<16xf32>
        %and3A_1012 = arith.andi %gather3A_999, %broadcast_in_dim3A_38 : vector<16xi32>
        %shift_left3A_1013 = arith.constant 16 : i32
        %shift_left3A_1014 = vector.broadcast %shift_left3A_1013 : i32 to vector<16xi32>
        %shift_left3A_1015 = arith.shli %gather3A_999, %shift_left3A_1014 : vector<16xi32>
        %select_n3A_1016 = arith.select %eq3A_72, %and3A_1012, %shift_left3A_1015 : vector<16xi1>, vector<16xi32>
        %bitcast3A_1017 = vector.bitcast %select_n3A_1016 : vector<16xi32> to vector<16xf32>
        %mul3A_1018 = arith.mulf %bitcast3A_1005, %bitcast3A_1011 : vector<16xf32>
        %add3A_1019 = arith.addf %add3A_992, %mul3A_1018 : vector<16xf32>
        %mul3A_1020 = arith.mulf %bitcast3A_1005, %bitcast3A_1017 : vector<16xf32>
        %add3A_1021 = arith.addf %add3A_994, %mul3A_1020 : vector<16xf32>
        %broadcast_in_dim3A_1022 = arith.constant 35 : i32
        %broadcast_in_dim3A_1023 = vector.broadcast %broadcast_in_dim3A_1022 : i32 to vector<16xi32>
        %gather3A_1024 = tpu.vector_load_idx %arg12[%add3A_76, %broadcast_in_dim3A_1023] : memref<128x64xi32, #tpu.memory_space<vmem>>[vector<16xi32>, vector<16xi32>], vector<16xi32>,
        %gather3A_1025 = tpu.vector_load_idx %arg13[%add3A_76, %broadcast_in_dim3A_1023] : memref<128x64xi32, #tpu.memory_space<vmem>>[vector<16xi32>, vector<16xi32>], vector<16xi32>,
        %gather3A_1026 = tpu.vector_load_idx %arg14[%add3A_76, %broadcast_in_dim3A_1023] : memref<128x64xi32, #tpu.memory_space<vmem>>[vector<16xi32>, vector<16xi32>], vector<16xi32>,
        %and3A_1027 = arith.andi %gather3A_1024, %broadcast_in_dim3A_38 : vector<16xi32>
        %shift_left3A_1028 = arith.constant 16 : i32
        %shift_left3A_1029 = vector.broadcast %shift_left3A_1028 : i32 to vector<16xi32>
        %shift_left3A_1030 = arith.shli %gather3A_1024, %shift_left3A_1029 : vector<16xi32>
        %select_n3A_1031 = arith.select %eq3A_56, %and3A_1027, %shift_left3A_1030 : vector<16xi1>, vector<16xi32>
        %bitcast3A_1032 = vector.bitcast %select_n3A_1031 : vector<16xi32> to vector<16xf32>
        %and3A_1033 = arith.andi %gather3A_1025, %broadcast_in_dim3A_38 : vector<16xi32>
        %shift_left3A_1034 = arith.constant 16 : i32
        %shift_left3A_1035 = vector.broadcast %shift_left3A_1034 : i32 to vector<16xi32>
        %shift_left3A_1036 = arith.shli %gather3A_1025, %shift_left3A_1035 : vector<16xi32>
        %select_n3A_1037 = arith.select %eq3A_64, %and3A_1033, %shift_left3A_1036 : vector<16xi1>, vector<16xi32>
        %bitcast3A_1038 = vector.bitcast %select_n3A_1037 : vector<16xi32> to vector<16xf32>
        %and3A_1039 = arith.andi %gather3A_1026, %broadcast_in_dim3A_38 : vector<16xi32>
        %shift_left3A_1040 = arith.constant 16 : i32
        %shift_left3A_1041 = vector.broadcast %shift_left3A_1040 : i32 to vector<16xi32>
        %shift_left3A_1042 = arith.shli %gather3A_1026, %shift_left3A_1041 : vector<16xi32>
        %select_n3A_1043 = arith.select %eq3A_72, %and3A_1039, %shift_left3A_1042 : vector<16xi1>, vector<16xi32>
        %bitcast3A_1044 = vector.bitcast %select_n3A_1043 : vector<16xi32> to vector<16xf32>
        %mul3A_1045 = arith.mulf %bitcast3A_1032, %bitcast3A_1038 : vector<16xf32>
        %add3A_1046 = arith.addf %add3A_1019, %mul3A_1045 : vector<16xf32>
        %mul3A_1047 = arith.mulf %bitcast3A_1032, %bitcast3A_1044 : vector<16xf32>
        %add3A_1048 = arith.addf %add3A_1021, %mul3A_1047 : vector<16xf32>
        %broadcast_in_dim3A_1049 = arith.constant 36 : i32
        %broadcast_in_dim3A_1050 = vector.broadcast %broadcast_in_dim3A_1049 : i32 to vector<16xi32>
        %gather3A_1051 = tpu.vector_load_idx %arg12[%add3A_76, %broadcast_in_dim3A_1050] : memref<128x64xi32, #tpu.memory_space<vmem>>[vector<16xi32>, vector<16xi32>], vector<16xi32>,
        %gather3A_1052 = tpu.vector_load_idx %arg13[%add3A_76, %broadcast_in_dim3A_1050] : memref<128x64xi32, #tpu.memory_space<vmem>>[vector<16xi32>, vector<16xi32>], vector<16xi32>,
        %gather3A_1053 = tpu.vector_load_idx %arg14[%add3A_76, %broadcast_in_dim3A_1050] : memref<128x64xi32, #tpu.memory_space<vmem>>[vector<16xi32>, vector<16xi32>], vector<16xi32>,
        %and3A_1054 = arith.andi %gather3A_1051, %broadcast_in_dim3A_38 : vector<16xi32>
        %shift_left3A_1055 = arith.constant 16 : i32
        %shift_left3A_1056 = vector.broadcast %shift_left3A_1055 : i32 to vector<16xi32>
        %shift_left3A_1057 = arith.shli %gather3A_1051, %shift_left3A_1056 : vector<16xi32>
        %select_n3A_1058 = arith.select %eq3A_56, %and3A_1054, %shift_left3A_1057 : vector<16xi1>, vector<16xi32>
        %bitcast3A_1059 = vector.bitcast %select_n3A_1058 : vector<16xi32> to vector<16xf32>
        %and3A_1060 = arith.andi %gather3A_1052, %broadcast_in_dim3A_38 : vector<16xi32>
        %shift_left3A_1061 = arith.constant 16 : i32
        %shift_left3A_1062 = vector.broadcast %shift_left3A_1061 : i32 to vector<16xi32>
        %shift_left3A_1063 = arith.shli %gather3A_1052, %shift_left3A_1062 : vector<16xi32>
        %select_n3A_1064 = arith.select %eq3A_64, %and3A_1060, %shift_left3A_1063 : vector<16xi1>, vector<16xi32>
        %bitcast3A_1065 = vector.bitcast %select_n3A_1064 : vector<16xi32> to vector<16xf32>
        %and3A_1066 = arith.andi %gather3A_1053, %broadcast_in_dim3A_38 : vector<16xi32>
        %shift_left3A_1067 = arith.constant 16 : i32
        %shift_left3A_1068 = vector.broadcast %shift_left3A_1067 : i32 to vector<16xi32>
        %shift_left3A_1069 = arith.shli %gather3A_1053, %shift_left3A_1068 : vector<16xi32>
        %select_n3A_1070 = arith.select %eq3A_72, %and3A_1066, %shift_left3A_1069 : vector<16xi1>, vector<16xi32>
        %bitcast3A_1071 = vector.bitcast %select_n3A_1070 : vector<16xi32> to vector<16xf32>
        %mul3A_1072 = arith.mulf %bitcast3A_1059, %bitcast3A_1065 : vector<16xf32>
        %add3A_1073 = arith.addf %add3A_1046, %mul3A_1072 : vector<16xf32>
        %mul3A_1074 = arith.mulf %bitcast3A_1059, %bitcast3A_1071 : vector<16xf32>
        %add3A_1075 = arith.addf %add3A_1048, %mul3A_1074 : vector<16xf32>
        %broadcast_in_dim3A_1076 = arith.constant 37 : i32
        %broadcast_in_dim3A_1077 = vector.broadcast %broadcast_in_dim3A_1076 : i32 to vector<16xi32>
        %gather3A_1078 = tpu.vector_load_idx %arg12[%add3A_76, %broadcast_in_dim3A_1077] : memref<128x64xi32, #tpu.memory_space<vmem>>[vector<16xi32>, vector<16xi32>], vector<16xi32>,
        %gather3A_1079 = tpu.vector_load_idx %arg13[%add3A_76, %broadcast_in_dim3A_1077] : memref<128x64xi32, #tpu.memory_space<vmem>>[vector<16xi32>, vector<16xi32>], vector<16xi32>,
        %gather3A_1080 = tpu.vector_load_idx %arg14[%add3A_76, %broadcast_in_dim3A_1077] : memref<128x64xi32, #tpu.memory_space<vmem>>[vector<16xi32>, vector<16xi32>], vector<16xi32>,
        %and3A_1081 = arith.andi %gather3A_1078, %broadcast_in_dim3A_38 : vector<16xi32>
        %shift_left3A_1082 = arith.constant 16 : i32
        %shift_left3A_1083 = vector.broadcast %shift_left3A_1082 : i32 to vector<16xi32>
        %shift_left3A_1084 = arith.shli %gather3A_1078, %shift_left3A_1083 : vector<16xi32>
        %select_n3A_1085 = arith.select %eq3A_56, %and3A_1081, %shift_left3A_1084 : vector<16xi1>, vector<16xi32>
        %bitcast3A_1086 = vector.bitcast %select_n3A_1085 : vector<16xi32> to vector<16xf32>
        %and3A_1087 = arith.andi %gather3A_1079, %broadcast_in_dim3A_38 : vector<16xi32>
        %shift_left3A_1088 = arith.constant 16 : i32
        %shift_left3A_1089 = vector.broadcast %shift_left3A_1088 : i32 to vector<16xi32>
        %shift_left3A_1090 = arith.shli %gather3A_1079, %shift_left3A_1089 : vector<16xi32>
        %select_n3A_1091 = arith.select %eq3A_64, %and3A_1087, %shift_left3A_1090 : vector<16xi1>, vector<16xi32>
        %bitcast3A_1092 = vector.bitcast %select_n3A_1091 : vector<16xi32> to vector<16xf32>
        %and3A_1093 = arith.andi %gather3A_1080, %broadcast_in_dim3A_38 : vector<16xi32>
        %shift_left3A_1094 = arith.constant 16 : i32
        %shift_left3A_1095 = vector.broadcast %shift_left3A_1094 : i32 to vector<16xi32>
        %shift_left3A_1096 = arith.shli %gather3A_1080, %shift_left3A_1095 : vector<16xi32>
        %select_n3A_1097 = arith.select %eq3A_72, %and3A_1093, %shift_left3A_1096 : vector<16xi1>, vector<16xi32>
        %bitcast3A_1098 = vector.bitcast %select_n3A_1097 : vector<16xi32> to vector<16xf32>
        %mul3A_1099 = arith.mulf %bitcast3A_1086, %bitcast3A_1092 : vector<16xf32>
        %add3A_1100 = arith.addf %add3A_1073, %mul3A_1099 : vector<16xf32>
        %mul3A_1101 = arith.mulf %bitcast3A_1086, %bitcast3A_1098 : vector<16xf32>
        %add3A_1102 = arith.addf %add3A_1075, %mul3A_1101 : vector<16xf32>
        %broadcast_in_dim3A_1103 = arith.constant 38 : i32
        %broadcast_in_dim3A_1104 = vector.broadcast %broadcast_in_dim3A_1103 : i32 to vector<16xi32>
        %gather3A_1105 = tpu.vector_load_idx %arg12[%add3A_76, %broadcast_in_dim3A_1104] : memref<128x64xi32, #tpu.memory_space<vmem>>[vector<16xi32>, vector<16xi32>], vector<16xi32>,
        %gather3A_1106 = tpu.vector_load_idx %arg13[%add3A_76, %broadcast_in_dim3A_1104] : memref<128x64xi32, #tpu.memory_space<vmem>>[vector<16xi32>, vector<16xi32>], vector<16xi32>,
        %gather3A_1107 = tpu.vector_load_idx %arg14[%add3A_76, %broadcast_in_dim3A_1104] : memref<128x64xi32, #tpu.memory_space<vmem>>[vector<16xi32>, vector<16xi32>], vector<16xi32>,
        %and3A_1108 = arith.andi %gather3A_1105, %broadcast_in_dim3A_38 : vector<16xi32>
        %shift_left3A_1109 = arith.constant 16 : i32
        %shift_left3A_1110 = vector.broadcast %shift_left3A_1109 : i32 to vector<16xi32>
        %shift_left3A_1111 = arith.shli %gather3A_1105, %shift_left3A_1110 : vector<16xi32>
        %select_n3A_1112 = arith.select %eq3A_56, %and3A_1108, %shift_left3A_1111 : vector<16xi1>, vector<16xi32>
        %bitcast3A_1113 = vector.bitcast %select_n3A_1112 : vector<16xi32> to vector<16xf32>
        %and3A_1114 = arith.andi %gather3A_1106, %broadcast_in_dim3A_38 : vector<16xi32>
        %shift_left3A_1115 = arith.constant 16 : i32
        %shift_left3A_1116 = vector.broadcast %shift_left3A_1115 : i32 to vector<16xi32>
        %shift_left3A_1117 = arith.shli %gather3A_1106, %shift_left3A_1116 : vector<16xi32>
        %select_n3A_1118 = arith.select %eq3A_64, %and3A_1114, %shift_left3A_1117 : vector<16xi1>, vector<16xi32>
        %bitcast3A_1119 = vector.bitcast %select_n3A_1118 : vector<16xi32> to vector<16xf32>
        %and3A_1120 = arith.andi %gather3A_1107, %broadcast_in_dim3A_38 : vector<16xi32>
        %shift_left3A_1121 = arith.constant 16 : i32
        %shift_left3A_1122 = vector.broadcast %shift_left3A_1121 : i32 to vector<16xi32>
        %shift_left3A_1123 = arith.shli %gather3A_1107, %shift_left3A_1122 : vector<16xi32>
        %select_n3A_1124 = arith.select %eq3A_72, %and3A_1120, %shift_left3A_1123 : vector<16xi1>, vector<16xi32>
        %bitcast3A_1125 = vector.bitcast %select_n3A_1124 : vector<16xi32> to vector<16xf32>
        %mul3A_1126 = arith.mulf %bitcast3A_1113, %bitcast3A_1119 : vector<16xf32>
        %add3A_1127 = arith.addf %add3A_1100, %mul3A_1126 : vector<16xf32>
        %mul3A_1128 = arith.mulf %bitcast3A_1113, %bitcast3A_1125 : vector<16xf32>
        %add3A_1129 = arith.addf %add3A_1102, %mul3A_1128 : vector<16xf32>
        %broadcast_in_dim3A_1130 = arith.constant 39 : i32
        %broadcast_in_dim3A_1131 = vector.broadcast %broadcast_in_dim3A_1130 : i32 to vector<16xi32>
        %gather3A_1132 = tpu.vector_load_idx %arg12[%add3A_76, %broadcast_in_dim3A_1131] : memref<128x64xi32, #tpu.memory_space<vmem>>[vector<16xi32>, vector<16xi32>], vector<16xi32>,
        %gather3A_1133 = tpu.vector_load_idx %arg13[%add3A_76, %broadcast_in_dim3A_1131] : memref<128x64xi32, #tpu.memory_space<vmem>>[vector<16xi32>, vector<16xi32>], vector<16xi32>,
        %gather3A_1134 = tpu.vector_load_idx %arg14[%add3A_76, %broadcast_in_dim3A_1131] : memref<128x64xi32, #tpu.memory_space<vmem>>[vector<16xi32>, vector<16xi32>], vector<16xi32>,
        %and3A_1135 = arith.andi %gather3A_1132, %broadcast_in_dim3A_38 : vector<16xi32>
        %shift_left3A_1136 = arith.constant 16 : i32
        %shift_left3A_1137 = vector.broadcast %shift_left3A_1136 : i32 to vector<16xi32>
        %shift_left3A_1138 = arith.shli %gather3A_1132, %shift_left3A_1137 : vector<16xi32>
        %select_n3A_1139 = arith.select %eq3A_56, %and3A_1135, %shift_left3A_1138 : vector<16xi1>, vector<16xi32>
        %bitcast3A_1140 = vector.bitcast %select_n3A_1139 : vector<16xi32> to vector<16xf32>
        %and3A_1141 = arith.andi %gather3A_1133, %broadcast_in_dim3A_38 : vector<16xi32>
        %shift_left3A_1142 = arith.constant 16 : i32
        %shift_left3A_1143 = vector.broadcast %shift_left3A_1142 : i32 to vector<16xi32>
        %shift_left3A_1144 = arith.shli %gather3A_1133, %shift_left3A_1143 : vector<16xi32>
        %select_n3A_1145 = arith.select %eq3A_64, %and3A_1141, %shift_left3A_1144 : vector<16xi1>, vector<16xi32>
        %bitcast3A_1146 = vector.bitcast %select_n3A_1145 : vector<16xi32> to vector<16xf32>
        %and3A_1147 = arith.andi %gather3A_1134, %broadcast_in_dim3A_38 : vector<16xi32>
        %shift_left3A_1148 = arith.constant 16 : i32
        %shift_left3A_1149 = vector.broadcast %shift_left3A_1148 : i32 to vector<16xi32>
        %shift_left3A_1150 = arith.shli %gather3A_1134, %shift_left3A_1149 : vector<16xi32>
        %select_n3A_1151 = arith.select %eq3A_72, %and3A_1147, %shift_left3A_1150 : vector<16xi1>, vector<16xi32>
        %bitcast3A_1152 = vector.bitcast %select_n3A_1151 : vector<16xi32> to vector<16xf32>
        %mul3A_1153 = arith.mulf %bitcast3A_1140, %bitcast3A_1146 : vector<16xf32>
        %add3A_1154 = arith.addf %add3A_1127, %mul3A_1153 : vector<16xf32>
        %mul3A_1155 = arith.mulf %bitcast3A_1140, %bitcast3A_1152 : vector<16xf32>
        %add3A_1156 = arith.addf %add3A_1129, %mul3A_1155 : vector<16xf32>
        %broadcast_in_dim3A_1157 = arith.constant 40 : i32
        %broadcast_in_dim3A_1158 = vector.broadcast %broadcast_in_dim3A_1157 : i32 to vector<16xi32>
        %gather3A_1159 = tpu.vector_load_idx %arg12[%add3A_76, %broadcast_in_dim3A_1158] : memref<128x64xi32, #tpu.memory_space<vmem>>[vector<16xi32>, vector<16xi32>], vector<16xi32>,
        %gather3A_1160 = tpu.vector_load_idx %arg13[%add3A_76, %broadcast_in_dim3A_1158] : memref<128x64xi32, #tpu.memory_space<vmem>>[vector<16xi32>, vector<16xi32>], vector<16xi32>,
        %gather3A_1161 = tpu.vector_load_idx %arg14[%add3A_76, %broadcast_in_dim3A_1158] : memref<128x64xi32, #tpu.memory_space<vmem>>[vector<16xi32>, vector<16xi32>], vector<16xi32>,
        %and3A_1162 = arith.andi %gather3A_1159, %broadcast_in_dim3A_38 : vector<16xi32>
        %shift_left3A_1163 = arith.constant 16 : i32
        %shift_left3A_1164 = vector.broadcast %shift_left3A_1163 : i32 to vector<16xi32>
        %shift_left3A_1165 = arith.shli %gather3A_1159, %shift_left3A_1164 : vector<16xi32>
        %select_n3A_1166 = arith.select %eq3A_56, %and3A_1162, %shift_left3A_1165 : vector<16xi1>, vector<16xi32>
        %bitcast3A_1167 = vector.bitcast %select_n3A_1166 : vector<16xi32> to vector<16xf32>
        %and3A_1168 = arith.andi %gather3A_1160, %broadcast_in_dim3A_38 : vector<16xi32>
        %shift_left3A_1169 = arith.constant 16 : i32
        %shift_left3A_1170 = vector.broadcast %shift_left3A_1169 : i32 to vector<16xi32>
        %shift_left3A_1171 = arith.shli %gather3A_1160, %shift_left3A_1170 : vector<16xi32>
        %select_n3A_1172 = arith.select %eq3A_64, %and3A_1168, %shift_left3A_1171 : vector<16xi1>, vector<16xi32>
        %bitcast3A_1173 = vector.bitcast %select_n3A_1172 : vector<16xi32> to vector<16xf32>
        %and3A_1174 = arith.andi %gather3A_1161, %broadcast_in_dim3A_38 : vector<16xi32>
        %shift_left3A_1175 = arith.constant 16 : i32
        %shift_left3A_1176 = vector.broadcast %shift_left3A_1175 : i32 to vector<16xi32>
        %shift_left3A_1177 = arith.shli %gather3A_1161, %shift_left3A_1176 : vector<16xi32>
        %select_n3A_1178 = arith.select %eq3A_72, %and3A_1174, %shift_left3A_1177 : vector<16xi1>, vector<16xi32>
        %bitcast3A_1179 = vector.bitcast %select_n3A_1178 : vector<16xi32> to vector<16xf32>
        %mul3A_1180 = arith.mulf %bitcast3A_1167, %bitcast3A_1173 : vector<16xf32>
        %add3A_1181 = arith.addf %add3A_1154, %mul3A_1180 : vector<16xf32>
        %mul3A_1182 = arith.mulf %bitcast3A_1167, %bitcast3A_1179 : vector<16xf32>
        %add3A_1183 = arith.addf %add3A_1156, %mul3A_1182 : vector<16xf32>
        %broadcast_in_dim3A_1184 = arith.constant 41 : i32
        %broadcast_in_dim3A_1185 = vector.broadcast %broadcast_in_dim3A_1184 : i32 to vector<16xi32>
        %gather3A_1186 = tpu.vector_load_idx %arg12[%add3A_76, %broadcast_in_dim3A_1185] : memref<128x64xi32, #tpu.memory_space<vmem>>[vector<16xi32>, vector<16xi32>], vector<16xi32>,
        %gather3A_1187 = tpu.vector_load_idx %arg13[%add3A_76, %broadcast_in_dim3A_1185] : memref<128x64xi32, #tpu.memory_space<vmem>>[vector<16xi32>, vector<16xi32>], vector<16xi32>,
        %gather3A_1188 = tpu.vector_load_idx %arg14[%add3A_76, %broadcast_in_dim3A_1185] : memref<128x64xi32, #tpu.memory_space<vmem>>[vector<16xi32>, vector<16xi32>], vector<16xi32>,
        %and3A_1189 = arith.andi %gather3A_1186, %broadcast_in_dim3A_38 : vector<16xi32>
        %shift_left3A_1190 = arith.constant 16 : i32
        %shift_left3A_1191 = vector.broadcast %shift_left3A_1190 : i32 to vector<16xi32>
        %shift_left3A_1192 = arith.shli %gather3A_1186, %shift_left3A_1191 : vector<16xi32>
        %select_n3A_1193 = arith.select %eq3A_56, %and3A_1189, %shift_left3A_1192 : vector<16xi1>, vector<16xi32>
        %bitcast3A_1194 = vector.bitcast %select_n3A_1193 : vector<16xi32> to vector<16xf32>
        %and3A_1195 = arith.andi %gather3A_1187, %broadcast_in_dim3A_38 : vector<16xi32>
        %shift_left3A_1196 = arith.constant 16 : i32
        %shift_left3A_1197 = vector.broadcast %shift_left3A_1196 : i32 to vector<16xi32>
        %shift_left3A_1198 = arith.shli %gather3A_1187, %shift_left3A_1197 : vector<16xi32>
        %select_n3A_1199 = arith.select %eq3A_64, %and3A_1195, %shift_left3A_1198 : vector<16xi1>, vector<16xi32>
        %bitcast3A_1200 = vector.bitcast %select_n3A_1199 : vector<16xi32> to vector<16xf32>
        %and3A_1201 = arith.andi %gather3A_1188, %broadcast_in_dim3A_38 : vector<16xi32>
        %shift_left3A_1202 = arith.constant 16 : i32
        %shift_left3A_1203 = vector.broadcast %shift_left3A_1202 : i32 to vector<16xi32>
        %shift_left3A_1204 = arith.shli %gather3A_1188, %shift_left3A_1203 : vector<16xi32>
        %select_n3A_1205 = arith.select %eq3A_72, %and3A_1201, %shift_left3A_1204 : vector<16xi1>, vector<16xi32>
        %bitcast3A_1206 = vector.bitcast %select_n3A_1205 : vector<16xi32> to vector<16xf32>
        %mul3A_1207 = arith.mulf %bitcast3A_1194, %bitcast3A_1200 : vector<16xf32>
        %add3A_1208 = arith.addf %add3A_1181, %mul3A_1207 : vector<16xf32>
        %mul3A_1209 = arith.mulf %bitcast3A_1194, %bitcast3A_1206 : vector<16xf32>
        %add3A_1210 = arith.addf %add3A_1183, %mul3A_1209 : vector<16xf32>
        %broadcast_in_dim3A_1211 = arith.constant 42 : i32
        %broadcast_in_dim3A_1212 = vector.broadcast %broadcast_in_dim3A_1211 : i32 to vector<16xi32>
        %gather3A_1213 = tpu.vector_load_idx %arg12[%add3A_76, %broadcast_in_dim3A_1212] : memref<128x64xi32, #tpu.memory_space<vmem>>[vector<16xi32>, vector<16xi32>], vector<16xi32>,
        %gather3A_1214 = tpu.vector_load_idx %arg13[%add3A_76, %broadcast_in_dim3A_1212] : memref<128x64xi32, #tpu.memory_space<vmem>>[vector<16xi32>, vector<16xi32>], vector<16xi32>,
        %gather3A_1215 = tpu.vector_load_idx %arg14[%add3A_76, %broadcast_in_dim3A_1212] : memref<128x64xi32, #tpu.memory_space<vmem>>[vector<16xi32>, vector<16xi32>], vector<16xi32>,
        %and3A_1216 = arith.andi %gather3A_1213, %broadcast_in_dim3A_38 : vector<16xi32>
        %shift_left3A_1217 = arith.constant 16 : i32
        %shift_left3A_1218 = vector.broadcast %shift_left3A_1217 : i32 to vector<16xi32>
        %shift_left3A_1219 = arith.shli %gather3A_1213, %shift_left3A_1218 : vector<16xi32>
        %select_n3A_1220 = arith.select %eq3A_56, %and3A_1216, %shift_left3A_1219 : vector<16xi1>, vector<16xi32>
        %bitcast3A_1221 = vector.bitcast %select_n3A_1220 : vector<16xi32> to vector<16xf32>
        %and3A_1222 = arith.andi %gather3A_1214, %broadcast_in_dim3A_38 : vector<16xi32>
        %shift_left3A_1223 = arith.constant 16 : i32
        %shift_left3A_1224 = vector.broadcast %shift_left3A_1223 : i32 to vector<16xi32>
        %shift_left3A_1225 = arith.shli %gather3A_1214, %shift_left3A_1224 : vector<16xi32>
        %select_n3A_1226 = arith.select %eq3A_64, %and3A_1222, %shift_left3A_1225 : vector<16xi1>, vector<16xi32>
        %bitcast3A_1227 = vector.bitcast %select_n3A_1226 : vector<16xi32> to vector<16xf32>
        %and3A_1228 = arith.andi %gather3A_1215, %broadcast_in_dim3A_38 : vector<16xi32>
        %shift_left3A_1229 = arith.constant 16 : i32
        %shift_left3A_1230 = vector.broadcast %shift_left3A_1229 : i32 to vector<16xi32>
        %shift_left3A_1231 = arith.shli %gather3A_1215, %shift_left3A_1230 : vector<16xi32>
        %select_n3A_1232 = arith.select %eq3A_72, %and3A_1228, %shift_left3A_1231 : vector<16xi1>, vector<16xi32>
        %bitcast3A_1233 = vector.bitcast %select_n3A_1232 : vector<16xi32> to vector<16xf32>
        %mul3A_1234 = arith.mulf %bitcast3A_1221, %bitcast3A_1227 : vector<16xf32>
        %add3A_1235 = arith.addf %add3A_1208, %mul3A_1234 : vector<16xf32>
        %mul3A_1236 = arith.mulf %bitcast3A_1221, %bitcast3A_1233 : vector<16xf32>
        %add3A_1237 = arith.addf %add3A_1210, %mul3A_1236 : vector<16xf32>
        %broadcast_in_dim3A_1238 = arith.constant 43 : i32
        %broadcast_in_dim3A_1239 = vector.broadcast %broadcast_in_dim3A_1238 : i32 to vector<16xi32>
        %gather3A_1240 = tpu.vector_load_idx %arg12[%add3A_76, %broadcast_in_dim3A_1239] : memref<128x64xi32, #tpu.memory_space<vmem>>[vector<16xi32>, vector<16xi32>], vector<16xi32>,
        %gather3A_1241 = tpu.vector_load_idx %arg13[%add3A_76, %broadcast_in_dim3A_1239] : memref<128x64xi32, #tpu.memory_space<vmem>>[vector<16xi32>, vector<16xi32>], vector<16xi32>,
        %gather3A_1242 = tpu.vector_load_idx %arg14[%add3A_76, %broadcast_in_dim3A_1239] : memref<128x64xi32, #tpu.memory_space<vmem>>[vector<16xi32>, vector<16xi32>], vector<16xi32>,
        %and3A_1243 = arith.andi %gather3A_1240, %broadcast_in_dim3A_38 : vector<16xi32>
        %shift_left3A_1244 = arith.constant 16 : i32
        %shift_left3A_1245 = vector.broadcast %shift_left3A_1244 : i32 to vector<16xi32>
        %shift_left3A_1246 = arith.shli %gather3A_1240, %shift_left3A_1245 : vector<16xi32>
        %select_n3A_1247 = arith.select %eq3A_56, %and3A_1243, %shift_left3A_1246 : vector<16xi1>, vector<16xi32>
        %bitcast3A_1248 = vector.bitcast %select_n3A_1247 : vector<16xi32> to vector<16xf32>
        %and3A_1249 = arith.andi %gather3A_1241, %broadcast_in_dim3A_38 : vector<16xi32>
        %shift_left3A_1250 = arith.constant 16 : i32
        %shift_left3A_1251 = vector.broadcast %shift_left3A_1250 : i32 to vector<16xi32>
        %shift_left3A_1252 = arith.shli %gather3A_1241, %shift_left3A_1251 : vector<16xi32>
        %select_n3A_1253 = arith.select %eq3A_64, %and3A_1249, %shift_left3A_1252 : vector<16xi1>, vector<16xi32>
        %bitcast3A_1254 = vector.bitcast %select_n3A_1253 : vector<16xi32> to vector<16xf32>
        %and3A_1255 = arith.andi %gather3A_1242, %broadcast_in_dim3A_38 : vector<16xi32>
        %shift_left3A_1256 = arith.constant 16 : i32
        %shift_left3A_1257 = vector.broadcast %shift_left3A_1256 : i32 to vector<16xi32>
        %shift_left3A_1258 = arith.shli %gather3A_1242, %shift_left3A_1257 : vector<16xi32>
        %select_n3A_1259 = arith.select %eq3A_72, %and3A_1255, %shift_left3A_1258 : vector<16xi1>, vector<16xi32>
        %bitcast3A_1260 = vector.bitcast %select_n3A_1259 : vector<16xi32> to vector<16xf32>
        %mul3A_1261 = arith.mulf %bitcast3A_1248, %bitcast3A_1254 : vector<16xf32>
        %add3A_1262 = arith.addf %add3A_1235, %mul3A_1261 : vector<16xf32>
        %mul3A_1263 = arith.mulf %bitcast3A_1248, %bitcast3A_1260 : vector<16xf32>
        %add3A_1264 = arith.addf %add3A_1237, %mul3A_1263 : vector<16xf32>
        %broadcast_in_dim3A_1265 = arith.constant 44 : i32
        %broadcast_in_dim3A_1266 = vector.broadcast %broadcast_in_dim3A_1265 : i32 to vector<16xi32>
        %gather3A_1267 = tpu.vector_load_idx %arg12[%add3A_76, %broadcast_in_dim3A_1266] : memref<128x64xi32, #tpu.memory_space<vmem>>[vector<16xi32>, vector<16xi32>], vector<16xi32>,
        %gather3A_1268 = tpu.vector_load_idx %arg13[%add3A_76, %broadcast_in_dim3A_1266] : memref<128x64xi32, #tpu.memory_space<vmem>>[vector<16xi32>, vector<16xi32>], vector<16xi32>,
        %gather3A_1269 = tpu.vector_load_idx %arg14[%add3A_76, %broadcast_in_dim3A_1266] : memref<128x64xi32, #tpu.memory_space<vmem>>[vector<16xi32>, vector<16xi32>], vector<16xi32>,
        %and3A_1270 = arith.andi %gather3A_1267, %broadcast_in_dim3A_38 : vector<16xi32>
        %shift_left3A_1271 = arith.constant 16 : i32
        %shift_left3A_1272 = vector.broadcast %shift_left3A_1271 : i32 to vector<16xi32>
        %shift_left3A_1273 = arith.shli %gather3A_1267, %shift_left3A_1272 : vector<16xi32>
        %select_n3A_1274 = arith.select %eq3A_56, %and3A_1270, %shift_left3A_1273 : vector<16xi1>, vector<16xi32>
        %bitcast3A_1275 = vector.bitcast %select_n3A_1274 : vector<16xi32> to vector<16xf32>
        %and3A_1276 = arith.andi %gather3A_1268, %broadcast_in_dim3A_38 : vector<16xi32>
        %shift_left3A_1277 = arith.constant 16 : i32
        %shift_left3A_1278 = vector.broadcast %shift_left3A_1277 : i32 to vector<16xi32>
        %shift_left3A_1279 = arith.shli %gather3A_1268, %shift_left3A_1278 : vector<16xi32>
        %select_n3A_1280 = arith.select %eq3A_64, %and3A_1276, %shift_left3A_1279 : vector<16xi1>, vector<16xi32>
        %bitcast3A_1281 = vector.bitcast %select_n3A_1280 : vector<16xi32> to vector<16xf32>
        %and3A_1282 = arith.andi %gather3A_1269, %broadcast_in_dim3A_38 : vector<16xi32>
        %shift_left3A_1283 = arith.constant 16 : i32
        %shift_left3A_1284 = vector.broadcast %shift_left3A_1283 : i32 to vector<16xi32>
        %shift_left3A_1285 = arith.shli %gather3A_1269, %shift_left3A_1284 : vector<16xi32>
        %select_n3A_1286 = arith.select %eq3A_72, %and3A_1282, %shift_left3A_1285 : vector<16xi1>, vector<16xi32>
        %bitcast3A_1287 = vector.bitcast %select_n3A_1286 : vector<16xi32> to vector<16xf32>
        %mul3A_1288 = arith.mulf %bitcast3A_1275, %bitcast3A_1281 : vector<16xf32>
        %add3A_1289 = arith.addf %add3A_1262, %mul3A_1288 : vector<16xf32>
        %mul3A_1290 = arith.mulf %bitcast3A_1275, %bitcast3A_1287 : vector<16xf32>
        %add3A_1291 = arith.addf %add3A_1264, %mul3A_1290 : vector<16xf32>
        %broadcast_in_dim3A_1292 = arith.constant 45 : i32
        %broadcast_in_dim3A_1293 = vector.broadcast %broadcast_in_dim3A_1292 : i32 to vector<16xi32>
        %gather3A_1294 = tpu.vector_load_idx %arg12[%add3A_76, %broadcast_in_dim3A_1293] : memref<128x64xi32, #tpu.memory_space<vmem>>[vector<16xi32>, vector<16xi32>], vector<16xi32>,
        %gather3A_1295 = tpu.vector_load_idx %arg13[%add3A_76, %broadcast_in_dim3A_1293] : memref<128x64xi32, #tpu.memory_space<vmem>>[vector<16xi32>, vector<16xi32>], vector<16xi32>,
        %gather3A_1296 = tpu.vector_load_idx %arg14[%add3A_76, %broadcast_in_dim3A_1293] : memref<128x64xi32, #tpu.memory_space<vmem>>[vector<16xi32>, vector<16xi32>], vector<16xi32>,
        %and3A_1297 = arith.andi %gather3A_1294, %broadcast_in_dim3A_38 : vector<16xi32>
        %shift_left3A_1298 = arith.constant 16 : i32
        %shift_left3A_1299 = vector.broadcast %shift_left3A_1298 : i32 to vector<16xi32>
        %shift_left3A_1300 = arith.shli %gather3A_1294, %shift_left3A_1299 : vector<16xi32>
        %select_n3A_1301 = arith.select %eq3A_56, %and3A_1297, %shift_left3A_1300 : vector<16xi1>, vector<16xi32>
        %bitcast3A_1302 = vector.bitcast %select_n3A_1301 : vector<16xi32> to vector<16xf32>
        %and3A_1303 = arith.andi %gather3A_1295, %broadcast_in_dim3A_38 : vector<16xi32>
        %shift_left3A_1304 = arith.constant 16 : i32
        %shift_left3A_1305 = vector.broadcast %shift_left3A_1304 : i32 to vector<16xi32>
        %shift_left3A_1306 = arith.shli %gather3A_1295, %shift_left3A_1305 : vector<16xi32>
        %select_n3A_1307 = arith.select %eq3A_64, %and3A_1303, %shift_left3A_1306 : vector<16xi1>, vector<16xi32>
        %bitcast3A_1308 = vector.bitcast %select_n3A_1307 : vector<16xi32> to vector<16xf32>
        %and3A_1309 = arith.andi %gather3A_1296, %broadcast_in_dim3A_38 : vector<16xi32>
        %shift_left3A_1310 = arith.constant 16 : i32
        %shift_left3A_1311 = vector.broadcast %shift_left3A_1310 : i32 to vector<16xi32>
        %shift_left3A_1312 = arith.shli %gather3A_1296, %shift_left3A_1311 : vector<16xi32>
        %select_n3A_1313 = arith.select %eq3A_72, %and3A_1309, %shift_left3A_1312 : vector<16xi1>, vector<16xi32>
        %bitcast3A_1314 = vector.bitcast %select_n3A_1313 : vector<16xi32> to vector<16xf32>
        %mul3A_1315 = arith.mulf %bitcast3A_1302, %bitcast3A_1308 : vector<16xf32>
        %add3A_1316 = arith.addf %add3A_1289, %mul3A_1315 : vector<16xf32>
        %mul3A_1317 = arith.mulf %bitcast3A_1302, %bitcast3A_1314 : vector<16xf32>
        %add3A_1318 = arith.addf %add3A_1291, %mul3A_1317 : vector<16xf32>
        %broadcast_in_dim3A_1319 = arith.constant 46 : i32
        %broadcast_in_dim3A_1320 = vector.broadcast %broadcast_in_dim3A_1319 : i32 to vector<16xi32>
        %gather3A_1321 = tpu.vector_load_idx %arg12[%add3A_76, %broadcast_in_dim3A_1320] : memref<128x64xi32, #tpu.memory_space<vmem>>[vector<16xi32>, vector<16xi32>], vector<16xi32>,
        %gather3A_1322 = tpu.vector_load_idx %arg13[%add3A_76, %broadcast_in_dim3A_1320] : memref<128x64xi32, #tpu.memory_space<vmem>>[vector<16xi32>, vector<16xi32>], vector<16xi32>,
        %gather3A_1323 = tpu.vector_load_idx %arg14[%add3A_76, %broadcast_in_dim3A_1320] : memref<128x64xi32, #tpu.memory_space<vmem>>[vector<16xi32>, vector<16xi32>], vector<16xi32>,
        %and3A_1324 = arith.andi %gather3A_1321, %broadcast_in_dim3A_38 : vector<16xi32>
        %shift_left3A_1325 = arith.constant 16 : i32
        %shift_left3A_1326 = vector.broadcast %shift_left3A_1325 : i32 to vector<16xi32>
        %shift_left3A_1327 = arith.shli %gather3A_1321, %shift_left3A_1326 : vector<16xi32>
        %select_n3A_1328 = arith.select %eq3A_56, %and3A_1324, %shift_left3A_1327 : vector<16xi1>, vector<16xi32>
        %bitcast3A_1329 = vector.bitcast %select_n3A_1328 : vector<16xi32> to vector<16xf32>
        %and3A_1330 = arith.andi %gather3A_1322, %broadcast_in_dim3A_38 : vector<16xi32>
        %shift_left3A_1331 = arith.constant 16 : i32
        %shift_left3A_1332 = vector.broadcast %shift_left3A_1331 : i32 to vector<16xi32>
        %shift_left3A_1333 = arith.shli %gather3A_1322, %shift_left3A_1332 : vector<16xi32>
        %select_n3A_1334 = arith.select %eq3A_64, %and3A_1330, %shift_left3A_1333 : vector<16xi1>, vector<16xi32>
        %bitcast3A_1335 = vector.bitcast %select_n3A_1334 : vector<16xi32> to vector<16xf32>
        %and3A_1336 = arith.andi %gather3A_1323, %broadcast_in_dim3A_38 : vector<16xi32>
        %shift_left3A_1337 = arith.constant 16 : i32
        %shift_left3A_1338 = vector.broadcast %shift_left3A_1337 : i32 to vector<16xi32>
        %shift_left3A_1339 = arith.shli %gather3A_1323, %shift_left3A_1338 : vector<16xi32>
        %select_n3A_1340 = arith.select %eq3A_72, %and3A_1336, %shift_left3A_1339 : vector<16xi1>, vector<16xi32>
        %bitcast3A_1341 = vector.bitcast %select_n3A_1340 : vector<16xi32> to vector<16xf32>
        %mul3A_1342 = arith.mulf %bitcast3A_1329, %bitcast3A_1335 : vector<16xf32>
        %add3A_1343 = arith.addf %add3A_1316, %mul3A_1342 : vector<16xf32>
        %mul3A_1344 = arith.mulf %bitcast3A_1329, %bitcast3A_1341 : vector<16xf32>
        %add3A_1345 = arith.addf %add3A_1318, %mul3A_1344 : vector<16xf32>
        %broadcast_in_dim3A_1346 = arith.constant 47 : i32
        %broadcast_in_dim3A_1347 = vector.broadcast %broadcast_in_dim3A_1346 : i32 to vector<16xi32>
        %gather3A_1348 = tpu.vector_load_idx %arg12[%add3A_76, %broadcast_in_dim3A_1347] : memref<128x64xi32, #tpu.memory_space<vmem>>[vector<16xi32>, vector<16xi32>], vector<16xi32>,
        %gather3A_1349 = tpu.vector_load_idx %arg13[%add3A_76, %broadcast_in_dim3A_1347] : memref<128x64xi32, #tpu.memory_space<vmem>>[vector<16xi32>, vector<16xi32>], vector<16xi32>,
        %gather3A_1350 = tpu.vector_load_idx %arg14[%add3A_76, %broadcast_in_dim3A_1347] : memref<128x64xi32, #tpu.memory_space<vmem>>[vector<16xi32>, vector<16xi32>], vector<16xi32>,
        %and3A_1351 = arith.andi %gather3A_1348, %broadcast_in_dim3A_38 : vector<16xi32>
        %shift_left3A_1352 = arith.constant 16 : i32
        %shift_left3A_1353 = vector.broadcast %shift_left3A_1352 : i32 to vector<16xi32>
        %shift_left3A_1354 = arith.shli %gather3A_1348, %shift_left3A_1353 : vector<16xi32>
        %select_n3A_1355 = arith.select %eq3A_56, %and3A_1351, %shift_left3A_1354 : vector<16xi1>, vector<16xi32>
        %bitcast3A_1356 = vector.bitcast %select_n3A_1355 : vector<16xi32> to vector<16xf32>
        %and3A_1357 = arith.andi %gather3A_1349, %broadcast_in_dim3A_38 : vector<16xi32>
        %shift_left3A_1358 = arith.constant 16 : i32
        %shift_left3A_1359 = vector.broadcast %shift_left3A_1358 : i32 to vector<16xi32>
        %shift_left3A_1360 = arith.shli %gather3A_1349, %shift_left3A_1359 : vector<16xi32>
        %select_n3A_1361 = arith.select %eq3A_64, %and3A_1357, %shift_left3A_1360 : vector<16xi1>, vector<16xi32>
        %bitcast3A_1362 = vector.bitcast %select_n3A_1361 : vector<16xi32> to vector<16xf32>
        %and3A_1363 = arith.andi %gather3A_1350, %broadcast_in_dim3A_38 : vector<16xi32>
        %shift_left3A_1364 = arith.constant 16 : i32
        %shift_left3A_1365 = vector.broadcast %shift_left3A_1364 : i32 to vector<16xi32>
        %shift_left3A_1366 = arith.shli %gather3A_1350, %shift_left3A_1365 : vector<16xi32>
        %select_n3A_1367 = arith.select %eq3A_72, %and3A_1363, %shift_left3A_1366 : vector<16xi1>, vector<16xi32>
        %bitcast3A_1368 = vector.bitcast %select_n3A_1367 : vector<16xi32> to vector<16xf32>
        %mul3A_1369 = arith.mulf %bitcast3A_1356, %bitcast3A_1362 : vector<16xf32>
        %add3A_1370 = arith.addf %add3A_1343, %mul3A_1369 : vector<16xf32>
        %mul3A_1371 = arith.mulf %bitcast3A_1356, %bitcast3A_1368 : vector<16xf32>
        %add3A_1372 = arith.addf %add3A_1345, %mul3A_1371 : vector<16xf32>
        %broadcast_in_dim3A_1373 = arith.constant 48 : i32
        %broadcast_in_dim3A_1374 = vector.broadcast %broadcast_in_dim3A_1373 : i32 to vector<16xi32>
        %gather3A_1375 = tpu.vector_load_idx %arg12[%add3A_76, %broadcast_in_dim3A_1374] : memref<128x64xi32, #tpu.memory_space<vmem>>[vector<16xi32>, vector<16xi32>], vector<16xi32>,
        %gather3A_1376 = tpu.vector_load_idx %arg13[%add3A_76, %broadcast_in_dim3A_1374] : memref<128x64xi32, #tpu.memory_space<vmem>>[vector<16xi32>, vector<16xi32>], vector<16xi32>,
        %gather3A_1377 = tpu.vector_load_idx %arg14[%add3A_76, %broadcast_in_dim3A_1374] : memref<128x64xi32, #tpu.memory_space<vmem>>[vector<16xi32>, vector<16xi32>], vector<16xi32>,
        %and3A_1378 = arith.andi %gather3A_1375, %broadcast_in_dim3A_38 : vector<16xi32>
        %shift_left3A_1379 = arith.constant 16 : i32
        %shift_left3A_1380 = vector.broadcast %shift_left3A_1379 : i32 to vector<16xi32>
        %shift_left3A_1381 = arith.shli %gather3A_1375, %shift_left3A_1380 : vector<16xi32>
        %select_n3A_1382 = arith.select %eq3A_56, %and3A_1378, %shift_left3A_1381 : vector<16xi1>, vector<16xi32>
        %bitcast3A_1383 = vector.bitcast %select_n3A_1382 : vector<16xi32> to vector<16xf32>
        %and3A_1384 = arith.andi %gather3A_1376, %broadcast_in_dim3A_38 : vector<16xi32>
        %shift_left3A_1385 = arith.constant 16 : i32
        %shift_left3A_1386 = vector.broadcast %shift_left3A_1385 : i32 to vector<16xi32>
        %shift_left3A_1387 = arith.shli %gather3A_1376, %shift_left3A_1386 : vector<16xi32>
        %select_n3A_1388 = arith.select %eq3A_64, %and3A_1384, %shift_left3A_1387 : vector<16xi1>, vector<16xi32>
        %bitcast3A_1389 = vector.bitcast %select_n3A_1388 : vector<16xi32> to vector<16xf32>
        %and3A_1390 = arith.andi %gather3A_1377, %broadcast_in_dim3A_38 : vector<16xi32>
        %shift_left3A_1391 = arith.constant 16 : i32
        %shift_left3A_1392 = vector.broadcast %shift_left3A_1391 : i32 to vector<16xi32>
        %shift_left3A_1393 = arith.shli %gather3A_1377, %shift_left3A_1392 : vector<16xi32>
        %select_n3A_1394 = arith.select %eq3A_72, %and3A_1390, %shift_left3A_1393 : vector<16xi1>, vector<16xi32>
        %bitcast3A_1395 = vector.bitcast %select_n3A_1394 : vector<16xi32> to vector<16xf32>
        %mul3A_1396 = arith.mulf %bitcast3A_1383, %bitcast3A_1389 : vector<16xf32>
        %add3A_1397 = arith.addf %add3A_1370, %mul3A_1396 : vector<16xf32>
        %mul3A_1398 = arith.mulf %bitcast3A_1383, %bitcast3A_1395 : vector<16xf32>
        %add3A_1399 = arith.addf %add3A_1372, %mul3A_1398 : vector<16xf32>
        %broadcast_in_dim3A_1400 = arith.constant 49 : i32
        %broadcast_in_dim3A_1401 = vector.broadcast %broadcast_in_dim3A_1400 : i32 to vector<16xi32>
        %gather3A_1402 = tpu.vector_load_idx %arg12[%add3A_76, %broadcast_in_dim3A_1401] : memref<128x64xi32, #tpu.memory_space<vmem>>[vector<16xi32>, vector<16xi32>], vector<16xi32>,
        %gather3A_1403 = tpu.vector_load_idx %arg13[%add3A_76, %broadcast_in_dim3A_1401] : memref<128x64xi32, #tpu.memory_space<vmem>>[vector<16xi32>, vector<16xi32>], vector<16xi32>,
        %gather3A_1404 = tpu.vector_load_idx %arg14[%add3A_76, %broadcast_in_dim3A_1401] : memref<128x64xi32, #tpu.memory_space<vmem>>[vector<16xi32>, vector<16xi32>], vector<16xi32>,
        %and3A_1405 = arith.andi %gather3A_1402, %broadcast_in_dim3A_38 : vector<16xi32>
        %shift_left3A_1406 = arith.constant 16 : i32
        %shift_left3A_1407 = vector.broadcast %shift_left3A_1406 : i32 to vector<16xi32>
        %shift_left3A_1408 = arith.shli %gather3A_1402, %shift_left3A_1407 : vector<16xi32>
        %select_n3A_1409 = arith.select %eq3A_56, %and3A_1405, %shift_left3A_1408 : vector<16xi1>, vector<16xi32>
        %bitcast3A_1410 = vector.bitcast %select_n3A_1409 : vector<16xi32> to vector<16xf32>
        %and3A_1411 = arith.andi %gather3A_1403, %broadcast_in_dim3A_38 : vector<16xi32>
        %shift_left3A_1412 = arith.constant 16 : i32
        %shift_left3A_1413 = vector.broadcast %shift_left3A_1412 : i32 to vector<16xi32>
        %shift_left3A_1414 = arith.shli %gather3A_1403, %shift_left3A_1413 : vector<16xi32>
        %select_n3A_1415 = arith.select %eq3A_64, %and3A_1411, %shift_left3A_1414 : vector<16xi1>, vector<16xi32>
        %bitcast3A_1416 = vector.bitcast %select_n3A_1415 : vector<16xi32> to vector<16xf32>
        %and3A_1417 = arith.andi %gather3A_1404, %broadcast_in_dim3A_38 : vector<16xi32>
        %shift_left3A_1418 = arith.constant 16 : i32
        %shift_left3A_1419 = vector.broadcast %shift_left3A_1418 : i32 to vector<16xi32>
        %shift_left3A_1420 = arith.shli %gather3A_1404, %shift_left3A_1419 : vector<16xi32>
        %select_n3A_1421 = arith.select %eq3A_72, %and3A_1417, %shift_left3A_1420 : vector<16xi1>, vector<16xi32>
        %bitcast3A_1422 = vector.bitcast %select_n3A_1421 : vector<16xi32> to vector<16xf32>
        %mul3A_1423 = arith.mulf %bitcast3A_1410, %bitcast3A_1416 : vector<16xf32>
        %add3A_1424 = arith.addf %add3A_1397, %mul3A_1423 : vector<16xf32>
        %mul3A_1425 = arith.mulf %bitcast3A_1410, %bitcast3A_1422 : vector<16xf32>
        %add3A_1426 = arith.addf %add3A_1399, %mul3A_1425 : vector<16xf32>
        %broadcast_in_dim3A_1427 = arith.constant 50 : i32
        %broadcast_in_dim3A_1428 = vector.broadcast %broadcast_in_dim3A_1427 : i32 to vector<16xi32>
        %gather3A_1429 = tpu.vector_load_idx %arg12[%add3A_76, %broadcast_in_dim3A_1428] : memref<128x64xi32, #tpu.memory_space<vmem>>[vector<16xi32>, vector<16xi32>], vector<16xi32>,
        %gather3A_1430 = tpu.vector_load_idx %arg13[%add3A_76, %broadcast_in_dim3A_1428] : memref<128x64xi32, #tpu.memory_space<vmem>>[vector<16xi32>, vector<16xi32>], vector<16xi32>,
        %gather3A_1431 = tpu.vector_load_idx %arg14[%add3A_76, %broadcast_in_dim3A_1428] : memref<128x64xi32, #tpu.memory_space<vmem>>[vector<16xi32>, vector<16xi32>], vector<16xi32>,
        %and3A_1432 = arith.andi %gather3A_1429, %broadcast_in_dim3A_38 : vector<16xi32>
        %shift_left3A_1433 = arith.constant 16 : i32
        %shift_left3A_1434 = vector.broadcast %shift_left3A_1433 : i32 to vector<16xi32>
        %shift_left3A_1435 = arith.shli %gather3A_1429, %shift_left3A_1434 : vector<16xi32>
        %select_n3A_1436 = arith.select %eq3A_56, %and3A_1432, %shift_left3A_1435 : vector<16xi1>, vector<16xi32>
        %bitcast3A_1437 = vector.bitcast %select_n3A_1436 : vector<16xi32> to vector<16xf32>
        %and3A_1438 = arith.andi %gather3A_1430, %broadcast_in_dim3A_38 : vector<16xi32>
        %shift_left3A_1439 = arith.constant 16 : i32
        %shift_left3A_1440 = vector.broadcast %shift_left3A_1439 : i32 to vector<16xi32>
        %shift_left3A_1441 = arith.shli %gather3A_1430, %shift_left3A_1440 : vector<16xi32>
        %select_n3A_1442 = arith.select %eq3A_64, %and3A_1438, %shift_left3A_1441 : vector<16xi1>, vector<16xi32>
        %bitcast3A_1443 = vector.bitcast %select_n3A_1442 : vector<16xi32> to vector<16xf32>
        %and3A_1444 = arith.andi %gather3A_1431, %broadcast_in_dim3A_38 : vector<16xi32>
        %shift_left3A_1445 = arith.constant 16 : i32
        %shift_left3A_1446 = vector.broadcast %shift_left3A_1445 : i32 to vector<16xi32>
        %shift_left3A_1447 = arith.shli %gather3A_1431, %shift_left3A_1446 : vector<16xi32>
        %select_n3A_1448 = arith.select %eq3A_72, %and3A_1444, %shift_left3A_1447 : vector<16xi1>, vector<16xi32>
        %bitcast3A_1449 = vector.bitcast %select_n3A_1448 : vector<16xi32> to vector<16xf32>
        %mul3A_1450 = arith.mulf %bitcast3A_1437, %bitcast3A_1443 : vector<16xf32>
        %add3A_1451 = arith.addf %add3A_1424, %mul3A_1450 : vector<16xf32>
        %mul3A_1452 = arith.mulf %bitcast3A_1437, %bitcast3A_1449 : vector<16xf32>
        %add3A_1453 = arith.addf %add3A_1426, %mul3A_1452 : vector<16xf32>
        %broadcast_in_dim3A_1454 = arith.constant 51 : i32
        %broadcast_in_dim3A_1455 = vector.broadcast %broadcast_in_dim3A_1454 : i32 to vector<16xi32>
        %gather3A_1456 = tpu.vector_load_idx %arg12[%add3A_76, %broadcast_in_dim3A_1455] : memref<128x64xi32, #tpu.memory_space<vmem>>[vector<16xi32>, vector<16xi32>], vector<16xi32>,
        %gather3A_1457 = tpu.vector_load_idx %arg13[%add3A_76, %broadcast_in_dim3A_1455] : memref<128x64xi32, #tpu.memory_space<vmem>>[vector<16xi32>, vector<16xi32>], vector<16xi32>,
        %gather3A_1458 = tpu.vector_load_idx %arg14[%add3A_76, %broadcast_in_dim3A_1455] : memref<128x64xi32, #tpu.memory_space<vmem>>[vector<16xi32>, vector<16xi32>], vector<16xi32>,
        %and3A_1459 = arith.andi %gather3A_1456, %broadcast_in_dim3A_38 : vector<16xi32>
        %shift_left3A_1460 = arith.constant 16 : i32
        %shift_left3A_1461 = vector.broadcast %shift_left3A_1460 : i32 to vector<16xi32>
        %shift_left3A_1462 = arith.shli %gather3A_1456, %shift_left3A_1461 : vector<16xi32>
        %select_n3A_1463 = arith.select %eq3A_56, %and3A_1459, %shift_left3A_1462 : vector<16xi1>, vector<16xi32>
        %bitcast3A_1464 = vector.bitcast %select_n3A_1463 : vector<16xi32> to vector<16xf32>
        %and3A_1465 = arith.andi %gather3A_1457, %broadcast_in_dim3A_38 : vector<16xi32>
        %shift_left3A_1466 = arith.constant 16 : i32
        %shift_left3A_1467 = vector.broadcast %shift_left3A_1466 : i32 to vector<16xi32>
        %shift_left3A_1468 = arith.shli %gather3A_1457, %shift_left3A_1467 : vector<16xi32>
        %select_n3A_1469 = arith.select %eq3A_64, %and3A_1465, %shift_left3A_1468 : vector<16xi1>, vector<16xi32>
        %bitcast3A_1470 = vector.bitcast %select_n3A_1469 : vector<16xi32> to vector<16xf32>
        %and3A_1471 = arith.andi %gather3A_1458, %broadcast_in_dim3A_38 : vector<16xi32>
        %shift_left3A_1472 = arith.constant 16 : i32
        %shift_left3A_1473 = vector.broadcast %shift_left3A_1472 : i32 to vector<16xi32>
        %shift_left3A_1474 = arith.shli %gather3A_1458, %shift_left3A_1473 : vector<16xi32>
        %select_n3A_1475 = arith.select %eq3A_72, %and3A_1471, %shift_left3A_1474 : vector<16xi1>, vector<16xi32>
        %bitcast3A_1476 = vector.bitcast %select_n3A_1475 : vector<16xi32> to vector<16xf32>
        %mul3A_1477 = arith.mulf %bitcast3A_1464, %bitcast3A_1470 : vector<16xf32>
        %add3A_1478 = arith.addf %add3A_1451, %mul3A_1477 : vector<16xf32>
        %mul3A_1479 = arith.mulf %bitcast3A_1464, %bitcast3A_1476 : vector<16xf32>
        %add3A_1480 = arith.addf %add3A_1453, %mul3A_1479 : vector<16xf32>
        %broadcast_in_dim3A_1481 = arith.constant 52 : i32
        %broadcast_in_dim3A_1482 = vector.broadcast %broadcast_in_dim3A_1481 : i32 to vector<16xi32>
        %gather3A_1483 = tpu.vector_load_idx %arg12[%add3A_76, %broadcast_in_dim3A_1482] : memref<128x64xi32, #tpu.memory_space<vmem>>[vector<16xi32>, vector<16xi32>], vector<16xi32>,
        %gather3A_1484 = tpu.vector_load_idx %arg13[%add3A_76, %broadcast_in_dim3A_1482] : memref<128x64xi32, #tpu.memory_space<vmem>>[vector<16xi32>, vector<16xi32>], vector<16xi32>,
        %gather3A_1485 = tpu.vector_load_idx %arg14[%add3A_76, %broadcast_in_dim3A_1482] : memref<128x64xi32, #tpu.memory_space<vmem>>[vector<16xi32>, vector<16xi32>], vector<16xi32>,
        %and3A_1486 = arith.andi %gather3A_1483, %broadcast_in_dim3A_38 : vector<16xi32>
        %shift_left3A_1487 = arith.constant 16 : i32
        %shift_left3A_1488 = vector.broadcast %shift_left3A_1487 : i32 to vector<16xi32>
        %shift_left3A_1489 = arith.shli %gather3A_1483, %shift_left3A_1488 : vector<16xi32>
        %select_n3A_1490 = arith.select %eq3A_56, %and3A_1486, %shift_left3A_1489 : vector<16xi1>, vector<16xi32>
        %bitcast3A_1491 = vector.bitcast %select_n3A_1490 : vector<16xi32> to vector<16xf32>
        %and3A_1492 = arith.andi %gather3A_1484, %broadcast_in_dim3A_38 : vector<16xi32>
        %shift_left3A_1493 = arith.constant 16 : i32
        %shift_left3A_1494 = vector.broadcast %shift_left3A_1493 : i32 to vector<16xi32>
        %shift_left3A_1495 = arith.shli %gather3A_1484, %shift_left3A_1494 : vector<16xi32>
        %select_n3A_1496 = arith.select %eq3A_64, %and3A_1492, %shift_left3A_1495 : vector<16xi1>, vector<16xi32>
        %bitcast3A_1497 = vector.bitcast %select_n3A_1496 : vector<16xi32> to vector<16xf32>
        %and3A_1498 = arith.andi %gather3A_1485, %broadcast_in_dim3A_38 : vector<16xi32>
        %shift_left3A_1499 = arith.constant 16 : i32
        %shift_left3A_1500 = vector.broadcast %shift_left3A_1499 : i32 to vector<16xi32>
        %shift_left3A_1501 = arith.shli %gather3A_1485, %shift_left3A_1500 : vector<16xi32>
        %select_n3A_1502 = arith.select %eq3A_72, %and3A_1498, %shift_left3A_1501 : vector<16xi1>, vector<16xi32>
        %bitcast3A_1503 = vector.bitcast %select_n3A_1502 : vector<16xi32> to vector<16xf32>
        %mul3A_1504 = arith.mulf %bitcast3A_1491, %bitcast3A_1497 : vector<16xf32>
        %add3A_1505 = arith.addf %add3A_1478, %mul3A_1504 : vector<16xf32>
        %mul3A_1506 = arith.mulf %bitcast3A_1491, %bitcast3A_1503 : vector<16xf32>
        %add3A_1507 = arith.addf %add3A_1480, %mul3A_1506 : vector<16xf32>
        %broadcast_in_dim3A_1508 = arith.constant 53 : i32
        %broadcast_in_dim3A_1509 = vector.broadcast %broadcast_in_dim3A_1508 : i32 to vector<16xi32>
        %gather3A_1510 = tpu.vector_load_idx %arg12[%add3A_76, %broadcast_in_dim3A_1509] : memref<128x64xi32, #tpu.memory_space<vmem>>[vector<16xi32>, vector<16xi32>], vector<16xi32>,
        %gather3A_1511 = tpu.vector_load_idx %arg13[%add3A_76, %broadcast_in_dim3A_1509] : memref<128x64xi32, #tpu.memory_space<vmem>>[vector<16xi32>, vector<16xi32>], vector<16xi32>,
        %gather3A_1512 = tpu.vector_load_idx %arg14[%add3A_76, %broadcast_in_dim3A_1509] : memref<128x64xi32, #tpu.memory_space<vmem>>[vector<16xi32>, vector<16xi32>], vector<16xi32>,
        %and3A_1513 = arith.andi %gather3A_1510, %broadcast_in_dim3A_38 : vector<16xi32>
        %shift_left3A_1514 = arith.constant 16 : i32
        %shift_left3A_1515 = vector.broadcast %shift_left3A_1514 : i32 to vector<16xi32>
        %shift_left3A_1516 = arith.shli %gather3A_1510, %shift_left3A_1515 : vector<16xi32>
        %select_n3A_1517 = arith.select %eq3A_56, %and3A_1513, %shift_left3A_1516 : vector<16xi1>, vector<16xi32>
        %bitcast3A_1518 = vector.bitcast %select_n3A_1517 : vector<16xi32> to vector<16xf32>
        %and3A_1519 = arith.andi %gather3A_1511, %broadcast_in_dim3A_38 : vector<16xi32>
        %shift_left3A_1520 = arith.constant 16 : i32
        %shift_left3A_1521 = vector.broadcast %shift_left3A_1520 : i32 to vector<16xi32>
        %shift_left3A_1522 = arith.shli %gather3A_1511, %shift_left3A_1521 : vector<16xi32>
        %select_n3A_1523 = arith.select %eq3A_64, %and3A_1519, %shift_left3A_1522 : vector<16xi1>, vector<16xi32>
        %bitcast3A_1524 = vector.bitcast %select_n3A_1523 : vector<16xi32> to vector<16xf32>
        %and3A_1525 = arith.andi %gather3A_1512, %broadcast_in_dim3A_38 : vector<16xi32>
        %shift_left3A_1526 = arith.constant 16 : i32
        %shift_left3A_1527 = vector.broadcast %shift_left3A_1526 : i32 to vector<16xi32>
        %shift_left3A_1528 = arith.shli %gather3A_1512, %shift_left3A_1527 : vector<16xi32>
        %select_n3A_1529 = arith.select %eq3A_72, %and3A_1525, %shift_left3A_1528 : vector<16xi1>, vector<16xi32>
        %bitcast3A_1530 = vector.bitcast %select_n3A_1529 : vector<16xi32> to vector<16xf32>
        %mul3A_1531 = arith.mulf %bitcast3A_1518, %bitcast3A_1524 : vector<16xf32>
        %add3A_1532 = arith.addf %add3A_1505, %mul3A_1531 : vector<16xf32>
        %mul3A_1533 = arith.mulf %bitcast3A_1518, %bitcast3A_1530 : vector<16xf32>
        %add3A_1534 = arith.addf %add3A_1507, %mul3A_1533 : vector<16xf32>
        %broadcast_in_dim3A_1535 = arith.constant 54 : i32
        %broadcast_in_dim3A_1536 = vector.broadcast %broadcast_in_dim3A_1535 : i32 to vector<16xi32>
        %gather3A_1537 = tpu.vector_load_idx %arg12[%add3A_76, %broadcast_in_dim3A_1536] : memref<128x64xi32, #tpu.memory_space<vmem>>[vector<16xi32>, vector<16xi32>], vector<16xi32>,
        %gather3A_1538 = tpu.vector_load_idx %arg13[%add3A_76, %broadcast_in_dim3A_1536] : memref<128x64xi32, #tpu.memory_space<vmem>>[vector<16xi32>, vector<16xi32>], vector<16xi32>,
        %gather3A_1539 = tpu.vector_load_idx %arg14[%add3A_76, %broadcast_in_dim3A_1536] : memref<128x64xi32, #tpu.memory_space<vmem>>[vector<16xi32>, vector<16xi32>], vector<16xi32>,
        %and3A_1540 = arith.andi %gather3A_1537, %broadcast_in_dim3A_38 : vector<16xi32>
        %shift_left3A_1541 = arith.constant 16 : i32
        %shift_left3A_1542 = vector.broadcast %shift_left3A_1541 : i32 to vector<16xi32>
        %shift_left3A_1543 = arith.shli %gather3A_1537, %shift_left3A_1542 : vector<16xi32>
        %select_n3A_1544 = arith.select %eq3A_56, %and3A_1540, %shift_left3A_1543 : vector<16xi1>, vector<16xi32>
        %bitcast3A_1545 = vector.bitcast %select_n3A_1544 : vector<16xi32> to vector<16xf32>
        %and3A_1546 = arith.andi %gather3A_1538, %broadcast_in_dim3A_38 : vector<16xi32>
        %shift_left3A_1547 = arith.constant 16 : i32
        %shift_left3A_1548 = vector.broadcast %shift_left3A_1547 : i32 to vector<16xi32>
        %shift_left3A_1549 = arith.shli %gather3A_1538, %shift_left3A_1548 : vector<16xi32>
        %select_n3A_1550 = arith.select %eq3A_64, %and3A_1546, %shift_left3A_1549 : vector<16xi1>, vector<16xi32>
        %bitcast3A_1551 = vector.bitcast %select_n3A_1550 : vector<16xi32> to vector<16xf32>
        %and3A_1552 = arith.andi %gather3A_1539, %broadcast_in_dim3A_38 : vector<16xi32>
        %shift_left3A_1553 = arith.constant 16 : i32
        %shift_left3A_1554 = vector.broadcast %shift_left3A_1553 : i32 to vector<16xi32>
        %shift_left3A_1555 = arith.shli %gather3A_1539, %shift_left3A_1554 : vector<16xi32>
        %select_n3A_1556 = arith.select %eq3A_72, %and3A_1552, %shift_left3A_1555 : vector<16xi1>, vector<16xi32>
        %bitcast3A_1557 = vector.bitcast %select_n3A_1556 : vector<16xi32> to vector<16xf32>
        %mul3A_1558 = arith.mulf %bitcast3A_1545, %bitcast3A_1551 : vector<16xf32>
        %add3A_1559 = arith.addf %add3A_1532, %mul3A_1558 : vector<16xf32>
        %mul3A_1560 = arith.mulf %bitcast3A_1545, %bitcast3A_1557 : vector<16xf32>
        %add3A_1561 = arith.addf %add3A_1534, %mul3A_1560 : vector<16xf32>
        %broadcast_in_dim3A_1562 = arith.constant 55 : i32
        %broadcast_in_dim3A_1563 = vector.broadcast %broadcast_in_dim3A_1562 : i32 to vector<16xi32>
        %gather3A_1564 = tpu.vector_load_idx %arg12[%add3A_76, %broadcast_in_dim3A_1563] : memref<128x64xi32, #tpu.memory_space<vmem>>[vector<16xi32>, vector<16xi32>], vector<16xi32>,
        %gather3A_1565 = tpu.vector_load_idx %arg13[%add3A_76, %broadcast_in_dim3A_1563] : memref<128x64xi32, #tpu.memory_space<vmem>>[vector<16xi32>, vector<16xi32>], vector<16xi32>,
        %gather3A_1566 = tpu.vector_load_idx %arg14[%add3A_76, %broadcast_in_dim3A_1563] : memref<128x64xi32, #tpu.memory_space<vmem>>[vector<16xi32>, vector<16xi32>], vector<16xi32>,
        %and3A_1567 = arith.andi %gather3A_1564, %broadcast_in_dim3A_38 : vector<16xi32>
        %shift_left3A_1568 = arith.constant 16 : i32
        %shift_left3A_1569 = vector.broadcast %shift_left3A_1568 : i32 to vector<16xi32>
        %shift_left3A_1570 = arith.shli %gather3A_1564, %shift_left3A_1569 : vector<16xi32>
        %select_n3A_1571 = arith.select %eq3A_56, %and3A_1567, %shift_left3A_1570 : vector<16xi1>, vector<16xi32>
        %bitcast3A_1572 = vector.bitcast %select_n3A_1571 : vector<16xi32> to vector<16xf32>
        %and3A_1573 = arith.andi %gather3A_1565, %broadcast_in_dim3A_38 : vector<16xi32>
        %shift_left3A_1574 = arith.constant 16 : i32
        %shift_left3A_1575 = vector.broadcast %shift_left3A_1574 : i32 to vector<16xi32>
        %shift_left3A_1576 = arith.shli %gather3A_1565, %shift_left3A_1575 : vector<16xi32>
        %select_n3A_1577 = arith.select %eq3A_64, %and3A_1573, %shift_left3A_1576 : vector<16xi1>, vector<16xi32>
        %bitcast3A_1578 = vector.bitcast %select_n3A_1577 : vector<16xi32> to vector<16xf32>
        %and3A_1579 = arith.andi %gather3A_1566, %broadcast_in_dim3A_38 : vector<16xi32>
        %shift_left3A_1580 = arith.constant 16 : i32
        %shift_left3A_1581 = vector.broadcast %shift_left3A_1580 : i32 to vector<16xi32>
        %shift_left3A_1582 = arith.shli %gather3A_1566, %shift_left3A_1581 : vector<16xi32>
        %select_n3A_1583 = arith.select %eq3A_72, %and3A_1579, %shift_left3A_1582 : vector<16xi1>, vector<16xi32>
        %bitcast3A_1584 = vector.bitcast %select_n3A_1583 : vector<16xi32> to vector<16xf32>
        %mul3A_1585 = arith.mulf %bitcast3A_1572, %bitcast3A_1578 : vector<16xf32>
        %add3A_1586 = arith.addf %add3A_1559, %mul3A_1585 : vector<16xf32>
        %mul3A_1587 = arith.mulf %bitcast3A_1572, %bitcast3A_1584 : vector<16xf32>
        %add3A_1588 = arith.addf %add3A_1561, %mul3A_1587 : vector<16xf32>
        %broadcast_in_dim3A_1589 = arith.constant 56 : i32
        %broadcast_in_dim3A_1590 = vector.broadcast %broadcast_in_dim3A_1589 : i32 to vector<16xi32>
        %gather3A_1591 = tpu.vector_load_idx %arg12[%add3A_76, %broadcast_in_dim3A_1590] : memref<128x64xi32, #tpu.memory_space<vmem>>[vector<16xi32>, vector<16xi32>], vector<16xi32>,
        %gather3A_1592 = tpu.vector_load_idx %arg13[%add3A_76, %broadcast_in_dim3A_1590] : memref<128x64xi32, #tpu.memory_space<vmem>>[vector<16xi32>, vector<16xi32>], vector<16xi32>,
        %gather3A_1593 = tpu.vector_load_idx %arg14[%add3A_76, %broadcast_in_dim3A_1590] : memref<128x64xi32, #tpu.memory_space<vmem>>[vector<16xi32>, vector<16xi32>], vector<16xi32>,
        %and3A_1594 = arith.andi %gather3A_1591, %broadcast_in_dim3A_38 : vector<16xi32>
        %shift_left3A_1595 = arith.constant 16 : i32
        %shift_left3A_1596 = vector.broadcast %shift_left3A_1595 : i32 to vector<16xi32>
        %shift_left3A_1597 = arith.shli %gather3A_1591, %shift_left3A_1596 : vector<16xi32>
        %select_n3A_1598 = arith.select %eq3A_56, %and3A_1594, %shift_left3A_1597 : vector<16xi1>, vector<16xi32>
        %bitcast3A_1599 = vector.bitcast %select_n3A_1598 : vector<16xi32> to vector<16xf32>
        %and3A_1600 = arith.andi %gather3A_1592, %broadcast_in_dim3A_38 : vector<16xi32>
        %shift_left3A_1601 = arith.constant 16 : i32
        %shift_left3A_1602 = vector.broadcast %shift_left3A_1601 : i32 to vector<16xi32>
        %shift_left3A_1603 = arith.shli %gather3A_1592, %shift_left3A_1602 : vector<16xi32>
        %select_n3A_1604 = arith.select %eq3A_64, %and3A_1600, %shift_left3A_1603 : vector<16xi1>, vector<16xi32>
        %bitcast3A_1605 = vector.bitcast %select_n3A_1604 : vector<16xi32> to vector<16xf32>
        %and3A_1606 = arith.andi %gather3A_1593, %broadcast_in_dim3A_38 : vector<16xi32>
        %shift_left3A_1607 = arith.constant 16 : i32
        %shift_left3A_1608 = vector.broadcast %shift_left3A_1607 : i32 to vector<16xi32>
        %shift_left3A_1609 = arith.shli %gather3A_1593, %shift_left3A_1608 : vector<16xi32>
        %select_n3A_1610 = arith.select %eq3A_72, %and3A_1606, %shift_left3A_1609 : vector<16xi1>, vector<16xi32>
        %bitcast3A_1611 = vector.bitcast %select_n3A_1610 : vector<16xi32> to vector<16xf32>
        %mul3A_1612 = arith.mulf %bitcast3A_1599, %bitcast3A_1605 : vector<16xf32>
        %add3A_1613 = arith.addf %add3A_1586, %mul3A_1612 : vector<16xf32>
        %mul3A_1614 = arith.mulf %bitcast3A_1599, %bitcast3A_1611 : vector<16xf32>
        %add3A_1615 = arith.addf %add3A_1588, %mul3A_1614 : vector<16xf32>
        %broadcast_in_dim3A_1616 = arith.constant 57 : i32
        %broadcast_in_dim3A_1617 = vector.broadcast %broadcast_in_dim3A_1616 : i32 to vector<16xi32>
        %gather3A_1618 = tpu.vector_load_idx %arg12[%add3A_76, %broadcast_in_dim3A_1617] : memref<128x64xi32, #tpu.memory_space<vmem>>[vector<16xi32>, vector<16xi32>], vector<16xi32>,
        %gather3A_1619 = tpu.vector_load_idx %arg13[%add3A_76, %broadcast_in_dim3A_1617] : memref<128x64xi32, #tpu.memory_space<vmem>>[vector<16xi32>, vector<16xi32>], vector<16xi32>,
        %gather3A_1620 = tpu.vector_load_idx %arg14[%add3A_76, %broadcast_in_dim3A_1617] : memref<128x64xi32, #tpu.memory_space<vmem>>[vector<16xi32>, vector<16xi32>], vector<16xi32>,
        %and3A_1621 = arith.andi %gather3A_1618, %broadcast_in_dim3A_38 : vector<16xi32>
        %shift_left3A_1622 = arith.constant 16 : i32
        %shift_left3A_1623 = vector.broadcast %shift_left3A_1622 : i32 to vector<16xi32>
        %shift_left3A_1624 = arith.shli %gather3A_1618, %shift_left3A_1623 : vector<16xi32>
        %select_n3A_1625 = arith.select %eq3A_56, %and3A_1621, %shift_left3A_1624 : vector<16xi1>, vector<16xi32>
        %bitcast3A_1626 = vector.bitcast %select_n3A_1625 : vector<16xi32> to vector<16xf32>
        %and3A_1627 = arith.andi %gather3A_1619, %broadcast_in_dim3A_38 : vector<16xi32>
        %shift_left3A_1628 = arith.constant 16 : i32
        %shift_left3A_1629 = vector.broadcast %shift_left3A_1628 : i32 to vector<16xi32>
        %shift_left3A_1630 = arith.shli %gather3A_1619, %shift_left3A_1629 : vector<16xi32>
        %select_n3A_1631 = arith.select %eq3A_64, %and3A_1627, %shift_left3A_1630 : vector<16xi1>, vector<16xi32>
        %bitcast3A_1632 = vector.bitcast %select_n3A_1631 : vector<16xi32> to vector<16xf32>
        %and3A_1633 = arith.andi %gather3A_1620, %broadcast_in_dim3A_38 : vector<16xi32>
        %shift_left3A_1634 = arith.constant 16 : i32
        %shift_left3A_1635 = vector.broadcast %shift_left3A_1634 : i32 to vector<16xi32>
        %shift_left3A_1636 = arith.shli %gather3A_1620, %shift_left3A_1635 : vector<16xi32>
        %select_n3A_1637 = arith.select %eq3A_72, %and3A_1633, %shift_left3A_1636 : vector<16xi1>, vector<16xi32>
        %bitcast3A_1638 = vector.bitcast %select_n3A_1637 : vector<16xi32> to vector<16xf32>
        %mul3A_1639 = arith.mulf %bitcast3A_1626, %bitcast3A_1632 : vector<16xf32>
        %add3A_1640 = arith.addf %add3A_1613, %mul3A_1639 : vector<16xf32>
        %mul3A_1641 = arith.mulf %bitcast3A_1626, %bitcast3A_1638 : vector<16xf32>
        %add3A_1642 = arith.addf %add3A_1615, %mul3A_1641 : vector<16xf32>
        %broadcast_in_dim3A_1643 = arith.constant 58 : i32
        %broadcast_in_dim3A_1644 = vector.broadcast %broadcast_in_dim3A_1643 : i32 to vector<16xi32>
        %gather3A_1645 = tpu.vector_load_idx %arg12[%add3A_76, %broadcast_in_dim3A_1644] : memref<128x64xi32, #tpu.memory_space<vmem>>[vector<16xi32>, vector<16xi32>], vector<16xi32>,
        %gather3A_1646 = tpu.vector_load_idx %arg13[%add3A_76, %broadcast_in_dim3A_1644] : memref<128x64xi32, #tpu.memory_space<vmem>>[vector<16xi32>, vector<16xi32>], vector<16xi32>,
        %gather3A_1647 = tpu.vector_load_idx %arg14[%add3A_76, %broadcast_in_dim3A_1644] : memref<128x64xi32, #tpu.memory_space<vmem>>[vector<16xi32>, vector<16xi32>], vector<16xi32>,
        %and3A_1648 = arith.andi %gather3A_1645, %broadcast_in_dim3A_38 : vector<16xi32>
        %shift_left3A_1649 = arith.constant 16 : i32
        %shift_left3A_1650 = vector.broadcast %shift_left3A_1649 : i32 to vector<16xi32>
        %shift_left3A_1651 = arith.shli %gather3A_1645, %shift_left3A_1650 : vector<16xi32>
        %select_n3A_1652 = arith.select %eq3A_56, %and3A_1648, %shift_left3A_1651 : vector<16xi1>, vector<16xi32>
        %bitcast3A_1653 = vector.bitcast %select_n3A_1652 : vector<16xi32> to vector<16xf32>
        %and3A_1654 = arith.andi %gather3A_1646, %broadcast_in_dim3A_38 : vector<16xi32>
        %shift_left3A_1655 = arith.constant 16 : i32
        %shift_left3A_1656 = vector.broadcast %shift_left3A_1655 : i32 to vector<16xi32>
        %shift_left3A_1657 = arith.shli %gather3A_1646, %shift_left3A_1656 : vector<16xi32>
        %select_n3A_1658 = arith.select %eq3A_64, %and3A_1654, %shift_left3A_1657 : vector<16xi1>, vector<16xi32>
        %bitcast3A_1659 = vector.bitcast %select_n3A_1658 : vector<16xi32> to vector<16xf32>
        %and3A_1660 = arith.andi %gather3A_1647, %broadcast_in_dim3A_38 : vector<16xi32>
        %shift_left3A_1661 = arith.constant 16 : i32
        %shift_left3A_1662 = vector.broadcast %shift_left3A_1661 : i32 to vector<16xi32>
        %shift_left3A_1663 = arith.shli %gather3A_1647, %shift_left3A_1662 : vector<16xi32>
        %select_n3A_1664 = arith.select %eq3A_72, %and3A_1660, %shift_left3A_1663 : vector<16xi1>, vector<16xi32>
        %bitcast3A_1665 = vector.bitcast %select_n3A_1664 : vector<16xi32> to vector<16xf32>
        %mul3A_1666 = arith.mulf %bitcast3A_1653, %bitcast3A_1659 : vector<16xf32>
        %add3A_1667 = arith.addf %add3A_1640, %mul3A_1666 : vector<16xf32>
        %mul3A_1668 = arith.mulf %bitcast3A_1653, %bitcast3A_1665 : vector<16xf32>
        %add3A_1669 = arith.addf %add3A_1642, %mul3A_1668 : vector<16xf32>
        %broadcast_in_dim3A_1670 = arith.constant 59 : i32
        %broadcast_in_dim3A_1671 = vector.broadcast %broadcast_in_dim3A_1670 : i32 to vector<16xi32>
        %gather3A_1672 = tpu.vector_load_idx %arg12[%add3A_76, %broadcast_in_dim3A_1671] : memref<128x64xi32, #tpu.memory_space<vmem>>[vector<16xi32>, vector<16xi32>], vector<16xi32>,
        %gather3A_1673 = tpu.vector_load_idx %arg13[%add3A_76, %broadcast_in_dim3A_1671] : memref<128x64xi32, #tpu.memory_space<vmem>>[vector<16xi32>, vector<16xi32>], vector<16xi32>,
        %gather3A_1674 = tpu.vector_load_idx %arg14[%add3A_76, %broadcast_in_dim3A_1671] : memref<128x64xi32, #tpu.memory_space<vmem>>[vector<16xi32>, vector<16xi32>], vector<16xi32>,
        %and3A_1675 = arith.andi %gather3A_1672, %broadcast_in_dim3A_38 : vector<16xi32>
        %shift_left3A_1676 = arith.constant 16 : i32
        %shift_left3A_1677 = vector.broadcast %shift_left3A_1676 : i32 to vector<16xi32>
        %shift_left3A_1678 = arith.shli %gather3A_1672, %shift_left3A_1677 : vector<16xi32>
        %select_n3A_1679 = arith.select %eq3A_56, %and3A_1675, %shift_left3A_1678 : vector<16xi1>, vector<16xi32>
        %bitcast3A_1680 = vector.bitcast %select_n3A_1679 : vector<16xi32> to vector<16xf32>
        %and3A_1681 = arith.andi %gather3A_1673, %broadcast_in_dim3A_38 : vector<16xi32>
        %shift_left3A_1682 = arith.constant 16 : i32
        %shift_left3A_1683 = vector.broadcast %shift_left3A_1682 : i32 to vector<16xi32>
        %shift_left3A_1684 = arith.shli %gather3A_1673, %shift_left3A_1683 : vector<16xi32>
        %select_n3A_1685 = arith.select %eq3A_64, %and3A_1681, %shift_left3A_1684 : vector<16xi1>, vector<16xi32>
        %bitcast3A_1686 = vector.bitcast %select_n3A_1685 : vector<16xi32> to vector<16xf32>
        %and3A_1687 = arith.andi %gather3A_1674, %broadcast_in_dim3A_38 : vector<16xi32>
        %shift_left3A_1688 = arith.constant 16 : i32
        %shift_left3A_1689 = vector.broadcast %shift_left3A_1688 : i32 to vector<16xi32>
        %shift_left3A_1690 = arith.shli %gather3A_1674, %shift_left3A_1689 : vector<16xi32>
        %select_n3A_1691 = arith.select %eq3A_72, %and3A_1687, %shift_left3A_1690 : vector<16xi1>, vector<16xi32>
        %bitcast3A_1692 = vector.bitcast %select_n3A_1691 : vector<16xi32> to vector<16xf32>
        %mul3A_1693 = arith.mulf %bitcast3A_1680, %bitcast3A_1686 : vector<16xf32>
        %add3A_1694 = arith.addf %add3A_1667, %mul3A_1693 : vector<16xf32>
        %mul3A_1695 = arith.mulf %bitcast3A_1680, %bitcast3A_1692 : vector<16xf32>
        %add3A_1696 = arith.addf %add3A_1669, %mul3A_1695 : vector<16xf32>
        %broadcast_in_dim3A_1697 = arith.constant 60 : i32
        %broadcast_in_dim3A_1698 = vector.broadcast %broadcast_in_dim3A_1697 : i32 to vector<16xi32>
        %gather3A_1699 = tpu.vector_load_idx %arg12[%add3A_76, %broadcast_in_dim3A_1698] : memref<128x64xi32, #tpu.memory_space<vmem>>[vector<16xi32>, vector<16xi32>], vector<16xi32>,
        %gather3A_1700 = tpu.vector_load_idx %arg13[%add3A_76, %broadcast_in_dim3A_1698] : memref<128x64xi32, #tpu.memory_space<vmem>>[vector<16xi32>, vector<16xi32>], vector<16xi32>,
        %gather3A_1701 = tpu.vector_load_idx %arg14[%add3A_76, %broadcast_in_dim3A_1698] : memref<128x64xi32, #tpu.memory_space<vmem>>[vector<16xi32>, vector<16xi32>], vector<16xi32>,
        %and3A_1702 = arith.andi %gather3A_1699, %broadcast_in_dim3A_38 : vector<16xi32>
        %shift_left3A_1703 = arith.constant 16 : i32
        %shift_left3A_1704 = vector.broadcast %shift_left3A_1703 : i32 to vector<16xi32>
        %shift_left3A_1705 = arith.shli %gather3A_1699, %shift_left3A_1704 : vector<16xi32>
        %select_n3A_1706 = arith.select %eq3A_56, %and3A_1702, %shift_left3A_1705 : vector<16xi1>, vector<16xi32>
        %bitcast3A_1707 = vector.bitcast %select_n3A_1706 : vector<16xi32> to vector<16xf32>
        %and3A_1708 = arith.andi %gather3A_1700, %broadcast_in_dim3A_38 : vector<16xi32>
        %shift_left3A_1709 = arith.constant 16 : i32
        %shift_left3A_1710 = vector.broadcast %shift_left3A_1709 : i32 to vector<16xi32>
        %shift_left3A_1711 = arith.shli %gather3A_1700, %shift_left3A_1710 : vector<16xi32>
        %select_n3A_1712 = arith.select %eq3A_64, %and3A_1708, %shift_left3A_1711 : vector<16xi1>, vector<16xi32>
        %bitcast3A_1713 = vector.bitcast %select_n3A_1712 : vector<16xi32> to vector<16xf32>
        %and3A_1714 = arith.andi %gather3A_1701, %broadcast_in_dim3A_38 : vector<16xi32>
        %shift_left3A_1715 = arith.constant 16 : i32
        %shift_left3A_1716 = vector.broadcast %shift_left3A_1715 : i32 to vector<16xi32>
        %shift_left3A_1717 = arith.shli %gather3A_1701, %shift_left3A_1716 : vector<16xi32>
        %select_n3A_1718 = arith.select %eq3A_72, %and3A_1714, %shift_left3A_1717 : vector<16xi1>, vector<16xi32>
        %bitcast3A_1719 = vector.bitcast %select_n3A_1718 : vector<16xi32> to vector<16xf32>
        %mul3A_1720 = arith.mulf %bitcast3A_1707, %bitcast3A_1713 : vector<16xf32>
        %add3A_1721 = arith.addf %add3A_1694, %mul3A_1720 : vector<16xf32>
        %mul3A_1722 = arith.mulf %bitcast3A_1707, %bitcast3A_1719 : vector<16xf32>
        %add3A_1723 = arith.addf %add3A_1696, %mul3A_1722 : vector<16xf32>
        %broadcast_in_dim3A_1724 = arith.constant 61 : i32
        %broadcast_in_dim3A_1725 = vector.broadcast %broadcast_in_dim3A_1724 : i32 to vector<16xi32>
        %gather3A_1726 = tpu.vector_load_idx %arg12[%add3A_76, %broadcast_in_dim3A_1725] : memref<128x64xi32, #tpu.memory_space<vmem>>[vector<16xi32>, vector<16xi32>], vector<16xi32>,
        %gather3A_1727 = tpu.vector_load_idx %arg13[%add3A_76, %broadcast_in_dim3A_1725] : memref<128x64xi32, #tpu.memory_space<vmem>>[vector<16xi32>, vector<16xi32>], vector<16xi32>,
        %gather3A_1728 = tpu.vector_load_idx %arg14[%add3A_76, %broadcast_in_dim3A_1725] : memref<128x64xi32, #tpu.memory_space<vmem>>[vector<16xi32>, vector<16xi32>], vector<16xi32>,
        %and3A_1729 = arith.andi %gather3A_1726, %broadcast_in_dim3A_38 : vector<16xi32>
        %shift_left3A_1730 = arith.constant 16 : i32
        %shift_left3A_1731 = vector.broadcast %shift_left3A_1730 : i32 to vector<16xi32>
        %shift_left3A_1732 = arith.shli %gather3A_1726, %shift_left3A_1731 : vector<16xi32>
        %select_n3A_1733 = arith.select %eq3A_56, %and3A_1729, %shift_left3A_1732 : vector<16xi1>, vector<16xi32>
        %bitcast3A_1734 = vector.bitcast %select_n3A_1733 : vector<16xi32> to vector<16xf32>
        %and3A_1735 = arith.andi %gather3A_1727, %broadcast_in_dim3A_38 : vector<16xi32>
        %shift_left3A_1736 = arith.constant 16 : i32
        %shift_left3A_1737 = vector.broadcast %shift_left3A_1736 : i32 to vector<16xi32>
        %shift_left3A_1738 = arith.shli %gather3A_1727, %shift_left3A_1737 : vector<16xi32>
        %select_n3A_1739 = arith.select %eq3A_64, %and3A_1735, %shift_left3A_1738 : vector<16xi1>, vector<16xi32>
        %bitcast3A_1740 = vector.bitcast %select_n3A_1739 : vector<16xi32> to vector<16xf32>
        %and3A_1741 = arith.andi %gather3A_1728, %broadcast_in_dim3A_38 : vector<16xi32>
        %shift_left3A_1742 = arith.constant 16 : i32
        %shift_left3A_1743 = vector.broadcast %shift_left3A_1742 : i32 to vector<16xi32>
        %shift_left3A_1744 = arith.shli %gather3A_1728, %shift_left3A_1743 : vector<16xi32>
        %select_n3A_1745 = arith.select %eq3A_72, %and3A_1741, %shift_left3A_1744 : vector<16xi1>, vector<16xi32>
        %bitcast3A_1746 = vector.bitcast %select_n3A_1745 : vector<16xi32> to vector<16xf32>
        %mul3A_1747 = arith.mulf %bitcast3A_1734, %bitcast3A_1740 : vector<16xf32>
        %add3A_1748 = arith.addf %add3A_1721, %mul3A_1747 : vector<16xf32>
        %mul3A_1749 = arith.mulf %bitcast3A_1734, %bitcast3A_1746 : vector<16xf32>
        %add3A_1750 = arith.addf %add3A_1723, %mul3A_1749 : vector<16xf32>
        %broadcast_in_dim3A_1751 = arith.constant 62 : i32
        %broadcast_in_dim3A_1752 = vector.broadcast %broadcast_in_dim3A_1751 : i32 to vector<16xi32>
        %gather3A_1753 = tpu.vector_load_idx %arg12[%add3A_76, %broadcast_in_dim3A_1752] : memref<128x64xi32, #tpu.memory_space<vmem>>[vector<16xi32>, vector<16xi32>], vector<16xi32>,
        %gather3A_1754 = tpu.vector_load_idx %arg13[%add3A_76, %broadcast_in_dim3A_1752] : memref<128x64xi32, #tpu.memory_space<vmem>>[vector<16xi32>, vector<16xi32>], vector<16xi32>,
        %gather3A_1755 = tpu.vector_load_idx %arg14[%add3A_76, %broadcast_in_dim3A_1752] : memref<128x64xi32, #tpu.memory_space<vmem>>[vector<16xi32>, vector<16xi32>], vector<16xi32>,
        %and3A_1756 = arith.andi %gather3A_1753, %broadcast_in_dim3A_38 : vector<16xi32>
        %shift_left3A_1757 = arith.constant 16 : i32
        %shift_left3A_1758 = vector.broadcast %shift_left3A_1757 : i32 to vector<16xi32>
        %shift_left3A_1759 = arith.shli %gather3A_1753, %shift_left3A_1758 : vector<16xi32>
        %select_n3A_1760 = arith.select %eq3A_56, %and3A_1756, %shift_left3A_1759 : vector<16xi1>, vector<16xi32>
        %bitcast3A_1761 = vector.bitcast %select_n3A_1760 : vector<16xi32> to vector<16xf32>
        %and3A_1762 = arith.andi %gather3A_1754, %broadcast_in_dim3A_38 : vector<16xi32>
        %shift_left3A_1763 = arith.constant 16 : i32
        %shift_left3A_1764 = vector.broadcast %shift_left3A_1763 : i32 to vector<16xi32>
        %shift_left3A_1765 = arith.shli %gather3A_1754, %shift_left3A_1764 : vector<16xi32>
        %select_n3A_1766 = arith.select %eq3A_64, %and3A_1762, %shift_left3A_1765 : vector<16xi1>, vector<16xi32>
        %bitcast3A_1767 = vector.bitcast %select_n3A_1766 : vector<16xi32> to vector<16xf32>
        %and3A_1768 = arith.andi %gather3A_1755, %broadcast_in_dim3A_38 : vector<16xi32>
        %shift_left3A_1769 = arith.constant 16 : i32
        %shift_left3A_1770 = vector.broadcast %shift_left3A_1769 : i32 to vector<16xi32>
        %shift_left3A_1771 = arith.shli %gather3A_1755, %shift_left3A_1770 : vector<16xi32>
        %select_n3A_1772 = arith.select %eq3A_72, %and3A_1768, %shift_left3A_1771 : vector<16xi1>, vector<16xi32>
        %bitcast3A_1773 = vector.bitcast %select_n3A_1772 : vector<16xi32> to vector<16xf32>
        %mul3A_1774 = arith.mulf %bitcast3A_1761, %bitcast3A_1767 : vector<16xf32>
        %add3A_1775 = arith.addf %add3A_1748, %mul3A_1774 : vector<16xf32>
        %mul3A_1776 = arith.mulf %bitcast3A_1761, %bitcast3A_1773 : vector<16xf32>
        %add3A_1777 = arith.addf %add3A_1750, %mul3A_1776 : vector<16xf32>
        %broadcast_in_dim3A_1778 = arith.constant 63 : i32
        %broadcast_in_dim3A_1779 = vector.broadcast %broadcast_in_dim3A_1778 : i32 to vector<16xi32>
        %gather3A_1780 = tpu.vector_load_idx %arg12[%add3A_76, %broadcast_in_dim3A_1779] : memref<128x64xi32, #tpu.memory_space<vmem>>[vector<16xi32>, vector<16xi32>], vector<16xi32>,
        %gather3A_1781 = tpu.vector_load_idx %arg13[%add3A_76, %broadcast_in_dim3A_1779] : memref<128x64xi32, #tpu.memory_space<vmem>>[vector<16xi32>, vector<16xi32>], vector<16xi32>,
        %gather3A_1782 = tpu.vector_load_idx %arg14[%add3A_76, %broadcast_in_dim3A_1779] : memref<128x64xi32, #tpu.memory_space<vmem>>[vector<16xi32>, vector<16xi32>], vector<16xi32>,
        %and3A_1783 = arith.andi %gather3A_1780, %broadcast_in_dim3A_38 : vector<16xi32>
        %shift_left3A_1784 = arith.constant 16 : i32
        %shift_left3A_1785 = vector.broadcast %shift_left3A_1784 : i32 to vector<16xi32>
        %shift_left3A_1786 = arith.shli %gather3A_1780, %shift_left3A_1785 : vector<16xi32>
        %select_n3A_1787 = arith.select %eq3A_56, %and3A_1783, %shift_left3A_1786 : vector<16xi1>, vector<16xi32>
        %bitcast3A_1788 = vector.bitcast %select_n3A_1787 : vector<16xi32> to vector<16xf32>
        %and3A_1789 = arith.andi %gather3A_1781, %broadcast_in_dim3A_38 : vector<16xi32>
        %shift_left3A_1790 = arith.constant 16 : i32
        %shift_left3A_1791 = vector.broadcast %shift_left3A_1790 : i32 to vector<16xi32>
        %shift_left3A_1792 = arith.shli %gather3A_1781, %shift_left3A_1791 : vector<16xi32>
        %select_n3A_1793 = arith.select %eq3A_64, %and3A_1789, %shift_left3A_1792 : vector<16xi1>, vector<16xi32>
        %bitcast3A_1794 = vector.bitcast %select_n3A_1793 : vector<16xi32> to vector<16xf32>
        %and3A_1795 = arith.andi %gather3A_1782, %broadcast_in_dim3A_38 : vector<16xi32>
        %shift_left3A_1796 = arith.constant 16 : i32
        %shift_left3A_1797 = vector.broadcast %shift_left3A_1796 : i32 to vector<16xi32>
        %shift_left3A_1798 = arith.shli %gather3A_1782, %shift_left3A_1797 : vector<16xi32>
        %select_n3A_1799 = arith.select %eq3A_72, %and3A_1795, %shift_left3A_1798 : vector<16xi1>, vector<16xi32>
        %bitcast3A_1800 = vector.bitcast %select_n3A_1799 : vector<16xi32> to vector<16xf32>
        %mul3A_1801 = arith.mulf %bitcast3A_1788, %bitcast3A_1794 : vector<16xf32>
        %add3A_1802 = arith.addf %add3A_1775, %mul3A_1801 : vector<16xf32>
        %mul3A_1803 = arith.mulf %bitcast3A_1788, %bitcast3A_1800 : vector<16xf32>
        %add3A_1804 = arith.addf %add3A_1777, %mul3A_1803 : vector<16xf32>
        %mul3A_1805 = arith.constant 128 : i32
        %mul3A_1806 = arith.muli %scan3A_8, %mul3A_1805 : i32
        %mul3A_1807 = arith.constant 16 : i32
        %mul3A_1808 = arith.muli %scan3A_45, %mul3A_1807 : i32
        %add3A_1809 = arith.addi %mul3A_1806, %mul3A_1808 : i32
        %multiple_of3A_1810 = tpu.assume_multiple %add3A_1809, 16 : i32
        %swap3A = arith.index_cast %multiple_of3A_1810 : i32 to index
        %swap3A_1811 = tpu.vector_load %arg15[%swap3A] {strides = array<i32>} : memref<512xf32, #tpu.memory_space<vmem>>, vector<16xf32>,
        tpu.vector_store %arg15[%swap3A], %add3A_1802 {strides = array<i32>} : memref<512xf32, #tpu.memory_space<vmem>>, vector<16xf32>,
        %swap3A_1812 = arith.index_cast %multiple_of3A_1810 : i32 to index
        %swap3A_1813 = tpu.vector_load %arg16[%swap3A_1812] {strides = array<i32>} : memref<512xf32, #tpu.memory_space<vmem>>, vector<16xf32>,
        tpu.vector_store %arg16[%swap3A_1812], %add3A_1804 {strides = array<i32>} : memref<512xf32, #tpu.memory_space<vmem>>, vector<16xf32>,
      }
      %scan3A_44 = arith.constant 8 : i32
    }
    %scan3A_5 = arith.constant 4 : i32
    %mul3A_6 = arith.constant 512 : i32
    %mul3A_7 = arith.muli %add3A, %mul3A_6 : i32
    %multiple_of3A = tpu.assume_multiple %mul3A_7, 512 : i32
    "tpu.region"() ({
      %run_scoped3A = tpu.sem_alloc : memref<!tpu.dma_semaphore, #tpu.memory_space<semaphore_mem>>
      %dma_start3A = tpu.memref_slice %arg7[%multiple_of3A] : memref<16384xf32, #tpu.memory_space<hbm>> -> memref<512xf32, #tpu.memory_space<hbm>>
      %dma_start3A_8 = tpu.memref_slice %arg7[%multiple_of3A] : memref<16384xf32, #tpu.memory_space<hbm>> -> memref<512xf32, #tpu.memory_space<hbm>>
      tpu.enqueue_dma source(%arg15 : memref<512xf32, #tpu.memory_space<vmem>>) target(%dma_start3A_8 : memref<512xf32, #tpu.memory_space<hbm>>) target_semaphore(%run_scoped3A : memref<!tpu.dma_semaphore, #tpu.memory_space<semaphore_mem>>)
      %dma_wait3A = tpu.memref_slice %arg7[%multiple_of3A] : memref<16384xf32, #tpu.memory_space<hbm>> -> memref<512xf32, #tpu.memory_space<hbm>>
      %dma_wait3A_9 = tpu.memref_slice %arg7[%multiple_of3A] : memref<16384xf32, #tpu.memory_space<hbm>> -> memref<512xf32, #tpu.memory_space<hbm>>
      tpu.wait_dma2 semaphore(%run_scoped3A : memref<!tpu.dma_semaphore, #tpu.memory_space<semaphore_mem>>) src(%arg15 : memref<512xf32, #tpu.memory_space<vmem>>) dst(%dma_wait3A_9 : memref<512xf32, #tpu.memory_space<hbm>>)
      tpu.yield
    }) : () -> ()
    "tpu.region"() ({
      %run_scoped3A = tpu.sem_alloc : memref<!tpu.dma_semaphore, #tpu.memory_space<semaphore_mem>>
      %dma_start3A = tpu.memref_slice %arg8[%multiple_of3A] : memref<16384xf32, #tpu.memory_space<hbm>> -> memref<512xf32, #tpu.memory_space<hbm>>
      %dma_start3A_8 = tpu.memref_slice %arg8[%multiple_of3A] : memref<16384xf32, #tpu.memory_space<hbm>> -> memref<512xf32, #tpu.memory_space<hbm>>
      tpu.enqueue_dma source(%arg16 : memref<512xf32, #tpu.memory_space<vmem>>) target(%dma_start3A_8 : memref<512xf32, #tpu.memory_space<hbm>>) target_semaphore(%run_scoped3A : memref<!tpu.dma_semaphore, #tpu.memory_space<semaphore_mem>>)
      %dma_wait3A = tpu.memref_slice %arg8[%multiple_of3A] : memref<16384xf32, #tpu.memory_space<hbm>> -> memref<512xf32, #tpu.memory_space<hbm>>
      %dma_wait3A_9 = tpu.memref_slice %arg8[%multiple_of3A] : memref<16384xf32, #tpu.memory_space<hbm>> -> memref<512xf32, #tpu.memory_space<hbm>>
      tpu.wait_dma2 semaphore(%run_scoped3A : memref<!tpu.dma_semaphore, #tpu.memory_space<semaphore_mem>>) src(%arg16 : memref<512xf32, #tpu.memory_space<vmem>>) dst(%dma_wait3A_9 : memref<512xf32, #tpu.memory_space<hbm>>)
      tpu.yield
    }) : () -> ()
    return
  }
}

</mosaic_0001>

<sc_bundles>
// kernel: kernel.3.cloned.1.call-start
scs
__scs_entry_jumppad:
0x0: {  	(pc) =	sbr.rel $0x88, $3  }
0x1: {  	(tag) =	ssettag $0x0;
	lr =	simm.s32 $0x1  }
0x2: {  	[smem:$0x3F9C] =	sst lr;
	_ =	strace $0xD0000000  }
0x3: {  	_ = 	snop  }
0x4: {  	_ = 	snop  }
0x5: {  	_ = 	snop  }
0x6: {  	_ = 	snop  }
0x7: {  	_ = 	snop  }
__scs_overlays_trampoline_lowered:
0x8: {  	[smem:$0x3FAB] =	sst s0  }
0x9: {  	[smem:$0x3FAC] =	sst s1  }
0xa: {  	[smem:$0x3FAD] =	sst s2  }
0xb: {  	[smem:$0x3FAE] =	sst s3  }
0xc: {  	[smem:$0x3FAF] =	sst s4  }
0xd: {  	[smem:$0x3FB0] =	sst s5  }
0xe: {  	[smem:$0x3FB1] =	sst s6  }
0xf: {  	[smem:$0x3FB2] =	sst s7  }
0x10: {  	[smem:$0x3FB3] =	sst s8  }
0x11: {  	[smem:$0x3FB4] =	sst s9;
	s0 =	simm.s32 @!p0 $0x0  }
0x12: {  	s1 =	sld [smem:$0x3F9A];
	s0 =	simm.s32 @p0 $0x1  }
0x13: {  	[smem:$0x3FB5] =	sst s0;
	s0 =	simm.s32 @!p1 $0x0  }
0x14: {  	s2 =	sld [smem:$0x3F99];
	s0 =	simm.s32 @p1 $0x1  }
0x15: {  	[smem:$0x3FB6] =	sst s0;
	s0 =	simm.s32 @!p2 $0x0  }
0x16: {  	s3 =	sld [smem:$0x3FDB];
	s0 =	simm.s32 @p2 $0x1  }
0x17: {  	s4 =	simm.s32 $0x1BF5;
	[smem:$0x3FB8] =	sst s0  }
0x18: {  	s0 =	sld [smem:$0x3F9B];
	_ =	swait.ge [sflag:s4], $0x0  }
0x19: {  	s7 =	sld [smem:$0x3F9C]  }
0x1a: {  	s8 =	sadd.s32 $0xFFFFE003, lr  }
0x1b: {  	s9 =	sadd.s32 $0xFFFFFEF7, lr;
	s5 =	simm.s32 $0xFFFFFFFF;
	p2 =	slt.u32 s8, $0xFFFFF086  }
0x1c: {  	p1 =	slt.u32 s9, $0xF7A;
	s5 =	simm.s32 @!p2 $0x0  }
0x1d: {  	s5 =	simm.s32 @p1 $0x1;
	p0 =	seq.s32 s7, s2  }
0x1e: {  	s7 =	smul.u32 @!p0 $0xF7A, s2;
	p2 =	seq.s32 @!p0 s5, $0x0  }
0x1f: {  	s9 =	smul.u32 $0xF7A, s1;
	s8 =	simm.s32 @!p0 $0x1BF5;
	p2 =	por !p2, p0  }
0x20: {  	[sflag:s8] =	ssyncset.s32 @!p0 $0xFFFFF086;
	s6 =	sadd.s32 @!p0 s3, s7;
	s7 =	simm.s32 @!p0 $0x108  }
0x21: {  	s3 =	sadd.s32 s3, s9;
	s6 =	sadd.s32 @!p0 $0x88, s6;
	s7 =	simm.s32 @p2 $0x1082  }
0x22: {  	[simem:s7], [sflag:s8] =	dma.local @!p0 [hbm:s6], $0xF7A  }
0x23: {  	s9 =	sor.u32 $0xD0000000, s2;
	s6 =	simm.s32 $0x108;
	_ =	swait.ge @!p0 [sflag:s8], $0x0  }
0x24: {  	s3 =	sadd.s32 $0x88, s3;
	s6 =	simm.s32 @!p1 $0x1082;
	[sflag:s4] =	ssyncset.s32 $0xFFFFF086  }
0x25: {  	[simem:s6], [sflag:s4] =	dma.local [hbm:s3], $0xF7A  }
0x26: {  	[smem:$0x3F9C] =	sst s1;
	(tag) =	ssettag s2;
	_ =	strace s9  }
0x27: {  	s1 =	sld [smem:$0x3FAC]  }
0x28: {  	s2 =	sld [smem:$0x3FAD]  }
0x29: {  	s4 =	sld [smem:$0x3FAF]  }
0x2a: {  	p0 =	seq.s32 s5, $0x0;
	s5 =	sld [smem:$0x3FB0]  }
0x2b: {  	s6 =	sld [smem:$0x3FB1]  }
0x2c: {  	s7 =	sld [smem:$0x3FB2]  }
0x2d: {  	s3 =	simm.s32 $0x108;
	s8 =	sld [smem:$0x3FB3]  }
0x2e: {  	s3 =	simm.s32 @!p0 $0x1082;
	s9 =	sld [smem:$0x3FB4]  }
0x2f: {  	lr =	sadd.s32 s0, s3;
	s0 =	sld [smem:$0x3FAB]  }
0x30: {  	s3 =	sld [smem:$0x3FAE]  }
0x31: {  	[smem:$0x3FB7] =	sst s10  }
0x32: {  	s10 =	sld [smem:$0x3FB5];
	_ =	sdelay $0x3  }
0x33: {  	p0 =	seq.s32 s10, $0x1;
	s10 =	sld [smem:$0x3FB7];
	_ =	sdelay $0x3  }
0x34: {  	[smem:$0x3FB7] =	sst s10  }
0x35: {  	s10 =	sld [smem:$0x3FB6];
	_ =	sdelay $0x3  }
0x36: {  	p1 =	seq.s32 s10, $0x1;
	s10 =	sld [smem:$0x3FB7];
	_ =	sdelay $0x3  }
0x37: {  	[smem:$0x3FB7] =	sst s10  }
0x38: {  	s10 =	sld [smem:$0x3FB8]  }
0x39: {  	_ = 	snop;
	(pc) =	sbr.ind lr, $3  }
0x3a: {  	_ = 	snop  }
0x3b: {  	_ = 	snop  }
0x3c: {  	p2 =	seq.s32 s10, $0x1;
	s10 =	sld [smem:$0x3FB7]  }
0x3d: {  	_ =	shalt  }
0x3e: {  	_ =	shalt  }
0x3f: {  	_ =	shalt  }
0x40: {  	_ =	shalt  }
0x41: {  	_ =	shalt  }
0x42: {  	_ =	shalt  }
0x43: {  	_ =	shalt  }
0x44: {  	_ =	shalt  }
0x45: {  	_ =	shalt  }
0x46: {  	_ =	shalt  }
0x47: {  	_ =	shalt  }
0x48: {  	_ =	shalt  }
0x49: {  	_ =	shalt  }
0x4a: {  	_ =	shalt  }
0x4b: {  	_ =	shalt  }
0x4c: {  	_ =	shalt  }
0x4d: {  	_ =	shalt  }
0x4e: {  	_ =	shalt  }
0x4f: {  	_ =	shalt  }
0x50: {  	_ =	shalt  }
0x51: {  	_ =	shalt  }
0x52: {  	_ =	shalt  }
0x53: {  	_ =	shalt  }
0x54: {  	_ =	shalt  }
0x55: {  	_ =	shalt  }
0x56: {  	_ =	shalt  }
0x57: {  	_ =	shalt  }
0x58: {  	_ =	shalt  }
0x59: {  	_ =	shalt  }
0x5a: {  	_ =	shalt  }
0x5b: {  	_ =	shalt  }
0x5c: {  	_ =	shalt  }
0x5d: {  	_ =	shalt  }
0x5e: {  	_ =	shalt  }
0x5f: {  	_ =	shalt  }
0x60: {  	_ =	shalt  }
0x61: {  	_ =	shalt  }
0x62: {  	_ =	shalt  }
0x63: {  	_ =	shalt  }
0x64: {  	_ =	shalt  }
0x65: {  	_ =	shalt  }
0x66: {  	_ =	shalt  }
0x67: {  	_ =	shalt  }
0x68: {  	_ =	shalt  }
0x69: {  	_ =	shalt  }
0x6a: {  	_ =	shalt  }
0x6b: {  	_ =	shalt  }
0x6c: {  	_ =	shalt  }
0x6d: {  	_ =	shalt  }
0x6e: {  	_ =	shalt  }
0x6f: {  	_ =	shalt  }
0x70: {  	_ =	shalt  }
0x71: {  	_ =	shalt  }
0x72: {  	_ =	shalt  }
0x73: {  	_ =	shalt  }
0x74: {  	_ =	shalt  }
0x75: {  	_ =	shalt  }
0x76: {  	_ =	shalt  }
0x77: {  	_ =	shalt  }
0x78: {  	_ =	shalt  }
0x79: {  	_ =	shalt  }
0x7a: {  	_ =	shalt  }
0x7b: {  	_ =	shalt  }
0x7c: {  	_ =	shalt  }
0x7d: {  	_ =	shalt  }
0x7e: {  	_ =	shalt  }
0x7f: {  	_ =	shalt  }
0x80: {  	_ =	shalt  }
0x81: {  	_ =	shalt  }
0x82: {  	_ =	shalt  }
0x83: {  	_ =	shalt  }
0x84: {  	_ =	shalt  }
0x85: {  	_ =	shalt  }
0x86: {  	_ =	shalt  }
0x87: {  	_ =	shalt  }
.Lfunc_end0:
.L_simem_size_0:
called_computation_lowered:
.L_overlay_start_0:
0x88: {  	s2 =	sld [smem:$0x3FD9]  }
0x89: {  	s3 =	sld [smem:$0x3FFE];
	_ =	sdelay $0x1  }
0x8a: {  	s1 =	srdreg.scid  }
0x8b: {  	s0 =	sand.u32 $0x1, s1  }
0x8c: {  	s14 =	sshll.u32 s0, $0xA;
	s2 =	sadd.s32 s3, s2  }
0x8d: {  	s2 =	sadd.s32 s2, s14  }
0x8e: {  	[smem:$0x3FC3] =	sst s2  }
0x8f: {  	_ = 	snop  }
0x90: {  	s2 =	sld [smem:$0x3FD0];
	_ =	sdelay $0x2  }
0x91: {  	s15 =	simm.s32 $0xA;
	s4 =	simm.s32 $0x10  }
0x92: {  	[smem:s4], [sflag:s15] =	dma.local [hbm:s2], $0x1  }
0x93: {  	_ =	swait.eq [sflag:s15], $0x1  }
0x94: {  	[sflag:s15] =	ssyncset.done $0x0  }
0x95: {  	s16 =	sld [smem:$0x10];
	[sflag:s15] =	ssyncadd.s32 $0xFFFFFFFF  }
0x96: {  	s17 =	sld [smem:$0x11];
	(tm) =	ssettm $0x1  }
0x97: {  	s18 =	sld [smem:$0x3FFB];
	_ =	sdelay $0x3  }
0x98: {  	_ =	strace s18  }
0x99: {  	s4 =	sld [smem:$0x3FFC];
	_ =	sdelay $0x3  }
0x9a: {  	_ =	strace s4  }
0x9b: {  	s4 =	sld [smem:$0x3FFD];
	_ =	sdelay $0x3  }
0x9c: {  	_ =	strace s4  }
0x9d: {  	_ =	strace $0x8FFFFFFF  }
0x9e: {  	s19 =	sld [smem:$0x3FDB];
	_ =	sdelay $0x1  }
0x9f: {  	s5 =	simm.s32 $_scs_section_size  }
0xa0: {  	s6 =	simm.s32 $_size__tile_overlayer_lowered;
	s7 =	simm.s32 $_tile_overlayer_lowered  }
0xa1: {  	s22 =	simm.s32 $0x1BFF;
	s21 =	sshll.u32 s7, $0x1;
	s4 =	sadd.s32 s5, s19  }
0xa2: {  	s8 =	simm.s32 $0x0;
	s20 =	sshll.u32 s6, $0x1;
	s6 =	sadd.s32 s21, s4  }
0xa3: {  	[timem:s8], [sflag:s22] =	dma.local [hbm:s6], s20  }
0xa4: {  	_ =	swait.ge [sflag:s22], s20  }
0xa5: {  	s5 =	ssub.s32 $0x0, s20;
	[sflag:s22] =	ssyncset.done $0x0  }
0xa6: {  	[sflag:s22] =	ssyncadd.s32 s5;
	_ =	sdelay $0x1  }
0xa7: {  	s23 =	simm.s32 $0x1B8B  }
0xa8: {  	_ =	swait.ge [sflag:s23], $0x1  }
0xa9: {  	[sflag:s23] =	ssyncset.done $0x0  }
0xaa: {  	s25 =	simm.s32 $0x1B8E;
	s24 =	sld [smem:$0x3FFE];
	[sflag:s23] =	ssyncadd.s32 $0xFFFFFFFF  }
0xab: {  	s26 =	simm.s32 $execute0_lowered;
	[smem:$0x3FD2] =	sst s25  }
0xac: {  	s6 =	sshll.u32 s26, $0x1;
	_ =	strace $0x80000046;
	[dreg:$0x1] =	wrdreg $0xFFFFFFFF  }
0xad: {  	s28 =	simm.s32 $_size_execute0_lowered;
	s4 =	sadd.s32 s4, s6;
	[dreg:$0x0] =	wrdreg $0x0  }
0xae: {  	s6 =	sshll.u32 s28, $0x1;
	[dreg:$0x2] =	wrdreg s4  }
0xaf: {  	[dreg:$0x3] =	wrdreg s6  }
0xb0: {  	[dreg:$0x4] =	wrdreg $0xC0  }
0xb1: {  	_ =	task [dreg:s8], $0x5FFFF  }
0xb2: {  	[dreg:$0x1] =	wrdreg $0xFFFFFFFF  }
0xb3: {  	[dreg:$0x0] =	wrdreg $0x60  }
0xb4: {  	[dreg:$0x2] =	wrdreg s24  }
0xb5: {  	[dreg:$0x3] =	wrdreg s16  }
0xb6: {  	[dreg:$0x4] =	wrdreg s17  }
0xb7: {  	[dreg:$0x5] =	wrdreg $0x9  }
0xb8: {  	_ =	task.clear_ibuf [dreg:s8], $0x6FFFF;
	_ =	strace $0x90000046  }
0xb9: {  	s29 =	simm.s32 $0x9;
	_ =	strace $0x80000048  }
0xba: {  	_ =	swait.ge [sflag:s29], $0x1  }
0xbb: {  	[sflag:s29] =	ssyncadd.s32 $0xFFFFFFFF  }
0xbc: {  	_ =	strace $0x90000048  }
0xbd: {  	_ =	sfence  }
0xbe: {  	s30 =	sld [smem:$0x0];
	_ =	sdelay $0x2  }
0xbf: {  	s31 =	sshll.u32 s1, $0xD;
	s1 =	sshrl.u32 s1, $0x2  }
0xc0: {  	s3 =	sand.u32 $0x4000, s31;
	s1 =	sadd.s32 s1, s30  }
0xc1: {  	s0 =	sor.u32 s3, s0;
	s1 =	sshll.u32 s1, $0x11  }
0xc2: {  	s0 =	sor.u32 s1, s0  }
0xc3: {  	s0 =	sadd.s32 $0x8F2B, s0  }
0xc4: {  	[sflag:s0] =	ssyncadd.remote.s32 $0x1  }
0xc5: {  	_ =	sfence.sel $0xFFFF  }
0xc6: {  	[dreg:$0x0] =	wrdreg $0xFFFFFFFF;
	(pc) =	sbr.abs _section_cstart, $3  }
0xc7: {  	[dreg:$0x1] =	wrdreg $0xFFFFFFFF  }
0xc8: {  	_ =	task.clear_ibuf [dreg:s8], $0x2FFFF;
	_ =	strace $0x9FFFFFFF  }
0xc9: {  	(tm) =	ssettm $0x7FFFFFFF  }
tec
execute0_lowered:
.L_overlay_start_1:
0x0: {  	(tag) =	ssettag $0x1  }
0x1: {  	s0 =	rddreg [dreg:$0x0]  }
0x2: {  	s1 =	rddreg [dreg:$0x1];
	s2 =	srdreg.scid  }
0x3: {  	s6 =	stileid.u32;
	s3 =	rddreg [dreg:$0x2];
	s18 =	simm.s32 $0x0  }
0x4: {  	s4 =	sand.u32 $0x1, s2;
	s25 =	sshll.u32 s6, $0x1;
	s6 =	sshll.u32 s6, $0x7  }
0x5: {  	[smem:$0x7FF] =	sst s18;
	s16 =	sadd.s32 $0x3D1600, s0;
	s5 =	sor.u32 s4, s25  }
0x6: {  	_ =	strace $0x80000047;
	s26 =	ssub.s32 $0x2, s4;
	s4 =	sadd.s32 $0xB72800, s0  }
0x7: {  	s7 =	sshll.u32 s5, $0x4;
	s8 =	sshrl.u32 s26, $0x1;
	s5 =	sshll.u32 s5, $0x6  }
0x8: {  	s6 =	sor.u32 s6, s7;
	s28 =	ssub.s32 s26, s8;
	s1 =	sadd.s32 s1, s5  }
0x9: {  	s31 =	sadd.s32 s3, s5;
	s6 =	sand.u32 $0x670, s6;
	[dreg:$0x1e] =	wrdreg s1  }
0xa: {  	[dreg:$0x1f] =	wrdreg s31;
	s6 =	sadd.s32 s6, s0;
	s0 =	smax.u32 s28, $0x1  }
0xb: {  	s29 =	sadd.s32 $0xC00, s6;
	[smem:$0x7FD] =	sst s0  }
0xc: {  	s30 =	sadd.s32 $0x1400, s6;
	[dreg:$0x1b] =	wrdreg s29  }
0xd: {  	v0 =	vlaneseq.u32;
	s6 =	sadd.s32 $0x1C00, s6;
	[dreg:$0x1c] =	wrdreg s30  }
0xe: {  	v0 =	vmul.u32 $0x80, v0;
	s3 =	simm.s32 $0x2;
	s1 =	simm.s32 $0x0;
	[dreg:$0x1d] =	wrdreg s6  }
.LBB2_1:
0xf: {  	[smem:$0x7FC] =	sst s1  }
0x10: {  	s9 =	simm.s32 $0x400;
	s0 =	rddreg [dreg:$0x1b];
	s29 =	simm.s32 $0x80  }
0x11: {  	[tilespmem:s18], [sflag:$0x2] =	stream.strided.gather [hbm4b:s0+s29], $0x200, s9, s29, $0x38;
	[tilespmem:$0xCA00] =	vst v63  }
0x12: {  	_ =	swait.ge [sflag:s3], $0x200  }
0x13: {  	[sflag:s3] =	ssyncset.done $0x0  }
0x14: {  	s14 =	simm.s32 $0x200;
	s30 =	rddreg [dreg:$0x1c];
	[sflag:s3] =	ssyncadd.s32 $0xFFFFFE00  }
0x15: {  	[tilespmem:s14], [sflag:$0x2] =	stream.strided.gather [hbm4b:s30+s29], $0x200, s9, s29, $0x38;
	[tilespmem:$0xCA00] =	vst v63  }
0x16: {  	_ =	swait.ge [sflag:s3], $0x200  }
0x17: {  	[sflag:s3] =	ssyncset.done $0x0  }
0x18: {  	s31 =	rddreg [dreg:$0x1d];
	[sflag:s3] =	ssyncadd.s32 $0xFFFFFE00  }
0x19: {  	[tilespmem:s9], [sflag:$0x2] =	stream.strided.gather [hbm4b:s31+s29], $0x200, s9, s29, $0x38;
	[tilespmem:$0xCA00] =	vst v63  }
0x1a: {  	_ =	swait.ge [sflag:s3], $0x200  }
0x1b: {  	s6 =	simm.s32 $0xC600;
	s7 =	simm.s32 $0xC800;
	[sflag:s3] =	ssyncset.done $0x0  }
0x1c: {  	s17 =	simm.s32 $0x0;
	s0 =	simm.s32 $0x0;
	[sflag:s3] =	ssyncadd.s32 $0xFFFFFE00  }
.LBB2_2:
0x1d: {  	v1 =	vld [tilespmem:s17+$0x0]  }
0x1e: {  	v2 =	vld [tilespmem:s14+$0x0]  }
0x1f: {  	v4 =	vld [tilespmem:s9+$0x0];
	_ =	sdelay $0x2  }
0x20: {  	v1 =	vshrl.u32 v1, $0x1  }
0x21: {  	v2 =	vshrl.u32 v2, $0x1;
	v3 =	vshll.u32 v1, $0x4  }
0x22: {  	v1 =	vshrl.u32 v4, $0x1;
	v2 =	vshll.u32 v2, $0x4;
	(v2sf) =	vpush v3, $0x0  }
0x23: {  	v1 =	vshll.u32 v1, $0x4;
	(v2sf) =	vpush v2, $0x0  }
0x24: {  	(v2sf) =	vpush v1, $0x0;
	_ =	sdelay $0x2  }
0x25: {  	[smem:$0x7F6] =	sst s0;
	(v2sf) =	vpush v3, $0x1  }
0x26: {  	[smem:$0x7F7] =	sst s7  }
0x27: {  	[smem:$0x7F8] =	sst s6;
	(v2sf) =	vpush v2, $0x1  }
0x28: {  	s23 =	simm.s32 $0x0;
	s10 =	simm.s32 $0x8980;
	s13 =	simm.s32 $0x8A00  }
0x29: {  	s26 =	simm.s32 $0x4B00;
	s3 =	simm.s32 $0x4700;
	s12 =	simm.s32 $0xA00;
	(v2sf) =	vpush v1, $0x1  }
0x2a: {  	s11 =	simm.s32 $0xA80;
	s1 =	simm.s32 $0x4A80;
	s19 =	simm.s32 $0x4C80  }
0x2b: {  	s30 =	simm.s32 $0x8C80;
	s7 =	simm.s32 $0x4680;
	s6 =	simm.s32 $0x4A00;
	(v2sf) =	vpush v3, $0x2  }
0x2c: {  	s5 =	simm.s32 $0x980;
	s28 =	simm.s32 $0x2000;
	[smem:$0x7F9] =	sst s9  }
0x2d: {  	s8 =	simm.s32 $0x8700;
	s20 =	sadd.s32 $0x10, s9;
	[smem:$0x7FA] =	sst s14  }
0x2e: {  	s22 =	sadd.s32 $0x10, s14;
	s31 =	simm.s32 $0x600;
	s9 =	simm.s32 $0x4600  }
0x2f: {  	s24 =	simm.s32 $0x8600;
	[smem:$0x7FB] =	sst s17;
	s25 =	spop (v2sf);
	(v2sf) =	vpush v2, $0x2  }
0x30: {  	s29 =	simm.s32 $0x8C00;
	s0 =	sand.u32 $0x1FFFFFF0, s25;
	s2 =	spop (v2sf)  }
0x31: {  	s0 =	sadd.s32 s16, s0;
	s14 =	sand.u32 $0x1FFFFFF0, s2;
	s15 =	spop (v2sf);
	(v2sf) =	vpush v1, $0x2  }
0x32: {  	[tilespmem:s31], [sflag:$0x1] =	stream.linear.gather [hbm4b:s0+s18], $0x80, $0x38;
	(v2sf) =	vpush v3, $0x3;
	[tilespmem:$0xCA00] =	vst v63  }
0x33: {  	s2 =	simm.s32 $0x4D00;
	s14 =	sadd.s32 s4, s14;
	s21 =	sand.u32 $0x1FFFFFF0, s15  }
0x34: {  	s31 =	spop (v2sf);
	s0 =	sadd.s32 $0x10, s17;
	s17 =	simm.s32 $0x680;
	(v2sf) =	vpush v2, $0x3  }
0x35: {  	[tilespmem:s9], [sflag:$0x1] =	stream.linear.gather [hbm4b:s14+s18], $0x80, $0x38;
	[tilespmem:$0xCA00] =	vst v63  }
0x36: {  	s25 =	sadd.s32 s4, s21;
	s15 =	sand.u32 $0x1FFFFFF0, s31;
	s21 =	spop (v2sf);
	(v2sf) =	vpush v1, $0x3  }
0x37: {  	[tilespmem:s24], [sflag:$0x1] =	stream.linear.gather [hbm4b:s25+s18], $0x80, $0x38;
	[tilespmem:$0xCA00] =	vst v63  }
0x38: {  	s9 =	sadd.s32 s16, s15;
	s24 =	sand.u32 $0x1FFFFFF0, s21;
	s25 =	spop (v2sf)  }
0x39: {  	(v2sf) =	vpush v3, $0x4;
	[tilespmem:s17], [sflag:$0x1] =	stream.linear.gather [hbm4b:s9+s18], $0x80, $0x38;
	[tilespmem:$0xCA00] =	vst v63  }
0x3a: {  	s14 =	sand.u32 $0x1FFFFFF0, s25;
	s31 =	spop (v2sf);
	s9 =	sadd.s32 s4, s24  }
0x3b: {  	(v2sf) =	vpush v2, $0x4;
	[tilespmem:s7], [sflag:$0x1] =	stream.linear.gather [hbm4b:s9+s18], $0x80, $0x38;
	[tilespmem:$0xCA00] =	vst v63  }
0x3c: {  	s21 =	sadd.s32 s4, s14;
	s24 =	sand.u32 $0x1FFFFFF0, s31;
	s9 =	simm.s32 $0x8680  }
0x3d: {  	[tilespmem:s9], [sflag:$0x1] =	stream.linear.gather [hbm4b:s21+s18], $0x80, $0x38;
	[tilespmem:$0xCA00] =	vst v63  }
0x3e: {  	s25 =	simm.s32 $0x700;
	s14 =	sadd.s32 s16, s24;
	s31 =	spop (v2sf)  }
0x3f: {  	(v2sf) =	vpush v1, $0x4;
	[tilespmem:s25], [sflag:$0x1] =	stream.linear.gather [hbm4b:s14+s18], $0x80, $0x38;
	[tilespmem:$0xCA00] =	vst v63  }
0x40: {  	s17 =	simm.s32 $0x8D00;
	s14 =	sand.u32 $0x1FFFFFF0, s31;
	s15 =	spop (v2sf)  }
0x41: {  	s7 =	sadd.s32 s4, s14;
	s9 =	sand.u32 $0x1FFFFFF0, s15;
	s21 =	spop (v2sf)  }
0x42: {  	(v2sf) =	vpush v3, $0x5;
	[tilespmem:s3], [sflag:$0x1] =	stream.linear.gather [hbm4b:s7+s18], $0x80, $0x38;
	[tilespmem:$0xCA00] =	vst v63  }
0x43: {  	s15 =	simm.s32 $0x4780;
	s24 =	sadd.s32 s4, s9;
	s14 =	spop (v2sf)  }
0x44: {  	(v2sf) =	vpush v2, $0x5;
	[tilespmem:s8], [sflag:$0x1] =	stream.linear.gather [hbm4b:s24+s18], $0x80, $0x38;
	[tilespmem:$0xCA00] =	vst v63  }
0x45: {  	s31 =	sand.u32 $0x1FFFFFF0, s21;
	s9 =	simm.s32 $0x780;
	(v2sf) =	vpush v1, $0x5;
	s24 =	spop (v2sf)  }
0x46: {  	s7 =	sadd.s32 s16, s31;
	s21 =	sand.u32 $0x1FFFFFF0, s14;
	s8 =	sand.u32 $0x1FFFFFF0, s24  }
0x47: {  	(v2sf) =	vpush v3, $0x6;
	[tilespmem:s9], [sflag:$0x1] =	stream.linear.gather [hbm4b:s7+s18], $0x80, $0x38;
	[tilespmem:$0xCA00] =	vst v63  }
0x48: {  	s31 =	spop (v2sf);
	(v2sf) =	vpush v2, $0x6;
	s7 =	sadd.s32 s4, s21;
	s8 =	sadd.s32 s4, s8  }
0x49: {  	[tilespmem:s15], [sflag:$0x1] =	stream.linear.gather [hbm4b:s7+s18], $0x80, $0x38;
	[tilespmem:$0xCA00] =	vst v63  }
0x4a: {  	s9 =	sand.u32 $0x1FFFFFF0, s31;
	s7 =	simm.s32 $0x8780;
	s15 =	spop (v2sf)  }
0x4b: {  	[tilespmem:s7], [sflag:$0x1] =	stream.linear.gather [hbm4b:s8+s18], $0x80, $0x38;
	[tilespmem:$0xCA00] =	vst v63  }
0x4c: {  	s14 =	simm.s32 $0x800;
	(v2sf) =	vpush v1, $0x6;
	s8 =	sadd.s32 s16, s9;
	s7 =	sand.u32 $0x1FFFFFF0, s15  }
0x4d: {  	[tilespmem:s14], [sflag:$0x1] =	stream.linear.gather [hbm4b:s8+s18], $0x80, $0x38;
	[tilespmem:$0xCA00] =	vst v63  }
0x4e: {  	s21 =	simm.s32 $0x4800;
	(v2sf) =	vpush v3, $0x7;
	s7 =	sadd.s32 s4, s7;
	s24 =	spop (v2sf)  }
0x4f: {  	[tilespmem:s21], [sflag:$0x1] =	stream.linear.gather [hbm4b:s7+s18], $0x80, $0x38;
	[tilespmem:$0xCA00] =	vst v63  }
0x50: {  	s25 =	simm.s32 $0xD80;
	s14 =	simm.s32 $0x880;
	s8 =	sand.u32 $0x1FFFFFF0, s24  }
0x51: {  	s7 =	simm.s32 $0x8800;
	s31 =	spop (v2sf);
	s8 =	sadd.s32 s4, s8  }
0x52: {  	(v2sf) =	vpush v2, $0x7;
	[tilespmem:s7], [sflag:$0x1] =	stream.linear.gather [hbm4b:s8+s18], $0x80, $0x38;
	[tilespmem:$0xCA00] =	vst v63  }
0x53: {  	s21 =	simm.s32 $0x4880;
	(v2sf) =	vpush v1, $0x7;
	s9 =	sand.u32 $0x1FFFFFF0, s31;
	s15 =	spop (v2sf)  }
0x54: {  	s8 =	sadd.s32 s16, s9;
	s7 =	sand.u32 $0x1FFFFFF0, s15;
	s24 =	spop (v2sf)  }
0x55: {  	(v2sf) =	vpush v3, $0x8;
	[tilespmem:s14], [sflag:$0x1] =	stream.linear.gather [hbm4b:s8+s18], $0x80, $0x38;
	[tilespmem:$0xCA00] =	vst v63  }
0x56: {  	s7 =	sadd.s32 s4, s7;
	s8 =	sand.u32 $0x1FFFFFF0, s24;
	s31 =	spop (v2sf)  }
0x57: {  	s14 =	sadd.s32 s4, s8;
	s15 =	sand.u32 $0x1FFFFFF0, s31;
	s24 =	spop (v2sf)  }
0x58: {  	[tilespmem:s21], [sflag:$0x1] =	stream.linear.gather [hbm4b:s7+s18], $0x80, $0x38;
	[tilespmem:$0xCA00] =	vst v63  }
0x59: {  	(v2sf) =	vpush v2, $0x8;
	s31 =	simm.s32 $0x4900;
	s7 =	simm.s32 $0x8880;
	s21 =	simm.s32 $0x900  }
0x5a: {  	[tilespmem:s7], [sflag:$0x1] =	stream.linear.gather [hbm4b:s14+s18], $0x80, $0x38;
	[tilespmem:$0xCA00] =	vst v63  }
0x5b: {  	(v2sf) =	vpush v1, $0x8;
	s8 =	sadd.s32 s16, s15;
	s7 =	sand.u32 $0x1FFFFFF0, s24;
	s9 =	spop (v2sf)  }
0x5c: {  	(v2sf) =	vpush v3, $0x9;
	[tilespmem:s21], [sflag:$0x1] =	stream.linear.gather [hbm4b:s8+s18], $0x80, $0x38;
	[tilespmem:$0xCA00] =	vst v63  }
0x5d: {  	s7 =	sadd.s32 s4, s7;
	s14 =	spop (v2sf);
	s8 =	sand.u32 $0x1FFFFFF0, s9  }
0x5e: {  	(v2sf) =	vpush v2, $0x9;
	[tilespmem:s31], [sflag:$0x1] =	stream.linear.gather [hbm4b:s7+s18], $0x80, $0x38;
	[tilespmem:$0xCA00] =	vst v63  }
0x5f: {  	s15 =	simm.s32 $0x8900;
	(v2sf) =	vpush v1, $0x9;
	s24 =	sand.u32 $0x1FFFFFF0, s14;
	s21 =	sadd.s32 s4, s8  }
0x60: {  	[tilespmem:s15], [sflag:$0x1] =	stream.linear.gather [hbm4b:s21+s18], $0x80, $0x38;
	[tilespmem:$0xCA00] =	vst v63  }
0x61: {  	s14 =	simm.s32 $0xC80;
	s9 =	simm.s32 $0x4980;
	s31 =	spop (v2sf)  }
0x62: {  	s8 =	sadd.s32 s16, s24;
	s3 =	sand.u32 $0x1FFFFFF0, s31;
	s15 =	spop (v2sf)  }
0x63: {  	[tilespmem:s5], [sflag:$0x1] =	stream.linear.gather [hbm4b:s8+s18], $0x80, $0x38;
	[tilespmem:$0xCA00] =	vst v63  }
0x64: {  	s3 =	sadd.s32 s4, s3;
	s7 =	sand.u32 $0x1FFFFFF0, s15;
	s21 =	spop (v2sf)  }
0x65: {  	(v2sf) =	vpush v3, $0xA;
	[tilespmem:s9], [sflag:$0x1] =	stream.linear.gather [hbm4b:s3+s18], $0x80, $0x38;
	[tilespmem:$0xCA00] =	vst v63  }
0x66: {  	s8 =	simm.s32 $0xC00;
	s24 =	sadd.s32 s4, s7;
	s31 =	sand.u32 $0x1FFFFFF0, s21  }
0x67: {  	(v2sf) =	vpush v2, $0xA;
	[tilespmem:s10], [sflag:$0x1] =	stream.linear.gather [hbm4b:s24+s18], $0x80, $0x38;
	[tilespmem:$0xCA00] =	vst v63  }
0x68: {  	s9 =	simm.s32 $0xD00;
	s7 =	spop (v2sf);
	s5 =	sadd.s32 s16, s31  }
0x69: {  	[tilespmem:s12], [sflag:$0x1] =	stream.linear.gather [hbm4b:s5+s18], $0x80, $0x38;
	[tilespmem:$0xCA00] =	vst v63  }
0x6a: {  	s3 =	sand.u32 $0x1FFFFFF0, s7;
	s7 =	simm.s32 $0x4C00;
	s12 =	spop (v2sf)  }
0x6b: {  	s10 =	simm.s32 $0x8B80;
	s3 =	sadd.s32 s4, s3;
	s15 =	spop (v2sf)  }
0x6c: {  	[tilespmem:s6], [sflag:$0x1] =	stream.linear.gather [hbm4b:s3+s18], $0x80, $0x38;
	[tilespmem:$0xCA00] =	vst v63  }
0x6d: {  	s5 =	sand.u32 $0x1FFFFFF0, s12;
	s24 =	sand.u32 $0x1FFFFFF0, s15;
	s31 =	spop (v2sf)  }
0x6e: {  	s21 =	sadd.s32 s4, s5;
	s5 =	sadd.s32 s16, s24;
	s12 =	spop (v2sf)  }
0x6f: {  	(v2sf) =	vpush v1, $0xA;
	[tilespmem:s13], [sflag:$0x1] =	stream.linear.gather [hbm4b:s21+s18], $0x80, $0x38;
	[tilespmem:$0xCA00] =	vst v63  }
0x70: {  	s6 =	sand.u32 $0x1FFFFFF0, s31;
	(v2sf) =	vpush v3, $0xB;
	s24 =	simm.s32 $0x8B00;
	s15 =	sand.u32 $0x1FFFFFF0, s12  }
0x71: {  	(v2sf) =	vpush v2, $0xB;
	[tilespmem:s11], [sflag:$0x1] =	stream.linear.gather [hbm4b:s5+s18], $0x80, $0x38;
	[tilespmem:$0xCA00] =	vst v63  }
0x72: {  	s13 =	sadd.s32 s4, s6;
	s21 =	simm.s32 $0x8A80;
	(v2sf) =	vpush v1, $0xB;
	s5 =	sadd.s32 s4, s15  }
0x73: {  	(v2sf) =	vpush v3, $0xC;
	[tilespmem:s1], [sflag:$0x1] =	stream.linear.gather [hbm4b:s13+s18], $0x80, $0x38;
	[tilespmem:$0xCA00] =	vst v63  }
0x74: {  	s15 =	simm.s32 $0xB00;
	s11 =	simm.s32 $0x4B80;
	(v2sf) =	vpush v2, $0xC;
	s31 =	spop (v2sf)  }
0x75: {  	(v2sf) =	vpush v1, $0xC;
	[tilespmem:s21], [sflag:$0x1] =	stream.linear.gather [hbm4b:s5+s18], $0x80, $0x38;
	[tilespmem:$0xCA00] =	vst v63  }
0x76: {  	(v2sf) =	vpush v3, $0xD;
	s21 =	simm.s32 $0xB80;
	s5 =	sand.u32 $0x1FFFFFF0, s31;
	s3 =	spop (v2sf)  }
.LBB2_3:
0x77: {  	_ =	sdelay $0x4  }
0x78: {  	s5 =	sadd.s32 s16, s5;
	s3 =	sand.u32 $0x1FFFFFF0, s3  }
0x79: {  	[tilespmem:s15], [sflag:$0x1] =	stream.linear.gather [hbm4b:s5+s18], $0x80, $0x38;
	[tilespmem:$0xCA00] =	vst v63  }
0x7a: {  	s3 =	sadd.s32 s4, s3;
	s6 =	spop (v2sf);
	(v2sf) =	vpush v2, $0xD  }
0x7b: {  	[tilespmem:s26], [sflag:$0x1] =	stream.linear.gather [hbm4b:s3+s18], $0x80, $0x38;
	[tilespmem:$0xCA00] =	vst v63  }
0x7c: {  	s31 =	sand.u32 $0x1FFFFFF0, s6;
	s1 =	spop (v2sf);
	(v2sf) =	vpush v1, $0xD  }
0x7d: {  	s12 =	sadd.s32 s4, s31;
	s13 =	sand.u32 $0x1FFFFFF0, s1;
	s15 =	spop (v2sf)  }
0x7e: {  	(v2sf) =	vpush v3, $0xE;
	[tilespmem:s24], [sflag:$0x1] =	stream.linear.gather [hbm4b:s12+s18], $0x80, $0x38;
	[tilespmem:$0xCA00] =	vst v63  }
0x7f: {  	s1 =	sadd.s32 s16, s13;
	s26 =	sand.u32 $0x1FFFFFF0, s15;
	s31 =	spop (v2sf)  }
0x80: {  	(v2sf) =	vpush v2, $0xE;
	[tilespmem:s21], [sflag:$0x1] =	stream.linear.gather [hbm4b:s1+s18], $0x80, $0x38;
	[tilespmem:$0xCA00] =	vst v63  }
0x81: {  	s3 =	sadd.s32 s4, s26;
	s6 =	sand.u32 $0x1FFFFFF0, s31;
	s12 =	spop (v2sf)  }
0x82: {  	(v2sf) =	vpush v1, $0xE;
	[tilespmem:s11], [sflag:$0x1] =	stream.linear.gather [hbm4b:s3+s18], $0x80, $0x38;
	[tilespmem:$0xCA00] =	vst v63  }
0x83: {  	s13 =	sadd.s32 s4, s6;
	s15 =	sand.u32 $0x1FFFFFF0, s12;
	s21 =	spop (v2sf)  }
0x84: {  	(v2sf) =	vpush v3, $0xF;
	[tilespmem:s10], [sflag:$0x1] =	stream.linear.gather [hbm4b:s13+s18], $0x80, $0x38;
	[tilespmem:$0xCA00] =	vst v63  }
0x85: {  	s24 =	sadd.s32 s16, s15;
	s26 =	sand.u32 $0x1FFFFFF0, s21;
	s31 =	spop (v2sf)  }
0x86: {  	(v2sf) =	vpush v2, $0xF;
	[tilespmem:s8], [sflag:$0x1] =	stream.linear.gather [hbm4b:s24+s18], $0x80, $0x38;
	[tilespmem:$0xCA00] =	vst v63  }
0x87: {  	s3 =	sadd.s32 s4, s26;
	s6 =	sand.u32 $0x1FFFFFF0, s31;
	s8 =	spop (v2sf)  }
0x88: {  	[tilespmem:s7], [sflag:$0x1] =	stream.linear.gather [hbm4b:s3+s18], $0x80, $0x38;
	[tilespmem:$0xCA00] =	vst v63  }
0x89: {  	s10 =	sadd.s32 s4, s6;
	s11 =	sand.u32 $0x1FFFFFF0, s8;
	s12 =	spop (v2sf)  }
0x8a: {  	(v2sf) =	vpush v1, $0xF;
	[tilespmem:s29], [sflag:$0x1] =	stream.linear.gather [hbm4b:s10+s18], $0x80, $0x38;
	[tilespmem:$0xCA00] =	vst v63  }
0x8b: {  	s13 =	sadd.s32 s16, s11;
	s15 =	sand.u32 $0x1FFFFFF0, s12;
	s21 =	spop (v2sf)  }
0x8c: {  	[tilespmem:s14], [sflag:$0x1] =	stream.linear.gather [hbm4b:s13+s18], $0x80, $0x38;
	[tilespmem:$0xCA00] =	vst v63  }
0x8d: {  	s24 =	sadd.s32 s4, s15;
	s26 =	sand.u32 $0x1FFFFFF0, s21;
	s31 =	spop (v2sf)  }
0x8e: {  	[tilespmem:s19], [sflag:$0x1] =	stream.linear.gather [hbm4b:s24+s18], $0x80, $0x38;
	[tilespmem:$0xCA00] =	vst v63  }
0x8f: {  	s3 =	sadd.s32 s4, s26;
	s6 =	sand.u32 $0x1FFFFFF0, s31;
	s7 =	spop (v2sf)  }
0x90: {  	[tilespmem:s30], [sflag:$0x1] =	stream.linear.gather [hbm4b:s3+s18], $0x80, $0x38;
	[tilespmem:$0xCA00] =	vst v63  }
0x91: {  	s8 =	sadd.s32 s16, s6;
	s10 =	sand.u32 $0x1FFFFFF0, s7;
	s11 =	spop (v2sf)  }
0x92: {  	[tilespmem:s9], [sflag:$0x1] =	stream.linear.gather [hbm4b:s8+s18], $0x80, $0x38;
	[tilespmem:$0xCA00] =	vst v63  }
0x93: {  	s12 =	sadd.s32 s4, s10;
	s13 =	sand.u32 $0x1FFFFFF0, s11;
	s14 =	spop (v2sf)  }
0x94: {  	[tilespmem:s2], [sflag:$0x1] =	stream.linear.gather [hbm4b:s12+s18], $0x80, $0x38;
	[tilespmem:$0xCA00] =	vst v63  }
0x95: {  	s15 =	sadd.s32 s4, s13;
	s19 =	sand.u32 $0x1FFFFFF0, s14;
	s21 =	spop (v2sf)  }
0x96: {  	[tilespmem:s17], [sflag:$0x1] =	stream.linear.gather [hbm4b:s15+s18], $0x80, $0x38;
	[tilespmem:$0xCA00] =	vst v63  }
0x97: {  	s24 =	sadd.s32 s16, s19;
	s26 =	sand.u32 $0x1FFFFFF0, s21;
	s19 =	sadd.s32 $0x10, s0  }
0x98: {  	[tilespmem:s25], [sflag:$0x1] =	stream.linear.gather [hbm4b:s24+s18], $0x80, $0x38;
	[tilespmem:$0xCA00] =	vst v63  }
0x99: {  	s3 =	sadd.s32 s4, s26;
	s2 =	sadd.s32 $0x4D80, s23;
	s31 =	spop (v2sf)  }
0x9a: {  	[tilespmem:s2], [sflag:$0x1] =	stream.linear.gather [hbm4b:s3+s18], $0x80, $0x38;
	[tilespmem:$0xCA00] =	vst v63  }
0x9b: {  	s5 =	sand.u32 $0x1FFFFFF0, s31;
	s3 =	sadd.s32 $0x8D80, s23;
	s23 =	sshra.s32 s28, $0x2  }
0x9c: {  	[dreg:$0x4] =	wrdreg s19;
	s5 =	sadd.s32 s4, s5;
	s6 =	sadd.s32 $0x8980, s23  }
0x9d: {  	[tilespmem:s3], [sflag:$0x1] =	stream.linear.gather [hbm4b:s5+s18], $0x80, $0x38;
	[tilespmem:$0xCA00] =	vst v63  }
0x9e: {  	s7 =	sadd.s32 $0x8A00, s23;
	[dreg:$0xa] =	wrdreg s6;
	v1 =	vld [tilespmem:s0+$0x0]  }
0x9f: {  	p0 =	sne.s32 s28, $0xE000;
	s8 =	sadd.s32 $0x4B00, s23;
	[dreg:$0x8] =	wrdreg s7;
	v2 =	vld [tilespmem:s22+$0x0]  }
0xa0: {  	s9 =	sadd.s32 $0x4700, s23;
	s10 =	sadd.s32 $0xA00, s23;
	[dreg:$0xf] =	wrdreg s8;
	v4 =	vld [tilespmem:s20+$0x0]  }
0xa1: {  	s11 =	sadd.s32 $0xA80, s23;
	s12 =	sadd.s32 $0x4A80, s23;
	[dreg:$0x17] =	wrdreg s9  }
0xa2: {  	s13 =	sadd.s32 $0x4C80, s23;
	s14 =	sadd.s32 $0x8C80, s23;
	[dreg:$0x9] =	wrdreg s10  }
0xa3: {  	s15 =	sadd.s32 $0x4A00, s23;
	s17 =	sadd.s32 $0x980, s23;
	[dreg:$0x7] =	wrdreg s11;
	v1 =	vshrl.u32 v1, $0x1  }
0xa4: {  	s21 =	sadd.s32 $0x4D00, s23;
	s30 =	sadd.s32 $0x8D00, s23;
	[dreg:$0x6] =	wrdreg s12;
	v2 =	vshrl.u32 v2, $0x1;
	v3 =	vshll.u32 v1, $0x4  }
0xa5: {  	s25 =	sadd.s32 $0xD80, s23;
	s2 =	sadd.s32 $0x8C00, s23;
	[dreg:$0x15] =	wrdreg s13;
	v1 =	vshrl.u32 v4, $0x1;
	v2 =	vshll.u32 v2, $0x4;
	(v2sf) =	vpush v3, $0x0  }
0xa6: {  	s24 =	sadd.s32 $0x4C00, s23;
	s26 =	sadd.s32 $0x8900, s23;
	[dreg:$0x10] =	wrdreg s14;
	v1 =	vshll.u32 v1, $0x4;
	(v2sf) =	vpush v2, $0x0  }
0xa7: {  	s31 =	sadd.s32 $0x4980, s23;
	s19 =	sadd.s32 $0x8780, s23;
	[dreg:$0xb] =	wrdreg s15;
	(v2sf) =	vpush v1, $0x0  }
0xa8: {  	s29 =	sadd.s32 $0x600, s23;
	s1 =	sadd.s32 $0x4B80, s23;
	[dreg:$0xd] =	wrdreg s17  }
0xa9: {  	s14 =	sadd.s32 $0x4680, s23;
	s13 =	sadd.s32 $0x2000, s28;
	[dreg:$0x12] =	wrdreg s21  }
0xaa: {  	s6 =	sadd.s32 $0x8700, s23;
	s18 =	sadd.s32 $0x10, s22;
	[dreg:$0xc] =	wrdreg s24  }
0xab: {  	s28 =	simm.s32 $0x0;
	s5 =	sadd.s32 $0xD00, s23;
	[dreg:$0x13] =	wrdreg s26;
	(v2sf) =	vpush v3, $0x1  }
0xac: {  	s7 =	sadd.s32 $0x4780, s23;
	[dreg:$0x11] =	wrdreg s31;
	s9 =	sadd.s32 $0x8680, s23  }
0xad: {  	s3 =	sadd.s32 $0x880, s23;
	s8 =	sadd.s32 $0x4900, s23;
	s26 =	sadd.s32 $0x8600, s23;
	(v2sf) =	vpush v2, $0x1  }
0xae: {  	s10 =	sadd.s32 $0x4880, s23;
	s31 =	sadd.s32 $0x4800, s23;
	s11 =	sadd.s32 $0x8800, s23;
	(v2sf) =	vpush v1, $0x1  }
0xaf: {  	s24 =	sadd.s32 $0x8B00, s23;
	s15 =	sadd.s32 $0xB00, s23;
	[dreg:$0x5] =	wrdreg s18  }
0xb0: {  	s12 =	sadd.s32 $0x8A80, s23;
	s21 =	sadd.s32 $0xB80, s23;
	[dreg:$0x18] =	wrdreg s3  }
0xb1: {  	s20 =	sadd.s32 $0x10, s20;
	s18 =	sadd.s32 $0xC80, s23;
	[dreg:$0x14] =	wrdreg s8  }
0xb2: {  	s0 =	sadd.s32 $0x8B80, s23;
	s22 =	sadd.s32 $0xC00, s23;
	[dreg:$0x16] =	wrdreg s10;
	(v2sf) =	vpush v3, $0x2  }
0xb3: {  	s8 =	sadd.s32 $0x780, s23;
	[dreg:$0x1a] =	wrdreg s11;
	s10 =	sadd.s32 $0x4600, s23;
	(v2sf) =	vpush v2, $0x2  }
0xb4: {  	s3 =	sadd.s32 $0x800, s23;
	[dreg:$0xe] =	wrdreg s12;
	s17 =	spop (v2sf)  }
0xb5: {  	[dreg:$0x19] =	wrdreg s22;
	s11 =	sand.u32 $0x1FFFFFF0, s17;
	s12 =	spop (v2sf)  }
0xb6: {  	s17 =	sadd.s32 s16, s11;
	s12 =	sand.u32 $0x1FFFFFF0, s12;
	s11 =	spop (v2sf)  }
0xb7: {  	(v2sf) =	vpush v1, $0x2;
	[tilespmem:s29], [sflag:$0x1] =	stream.linear.gather [hbm4b:s17+s28], $0x80, $0x38;
	[tilespmem:$0xCA00] =	vst v63  }
0xb8: {  	s22 =	sadd.s32 $0x900, s23;
	s12 =	sadd.s32 s4, s12;
	s11 =	sand.u32 $0x1FFFFFF0, s11  }
0xb9: {  	(v2sf) =	vpush v3, $0x3;
	[tilespmem:s10], [sflag:$0x1] =	stream.linear.gather [hbm4b:s12+s28], $0x80, $0x38;
	[tilespmem:$0xCA00] =	vst v63  }
0xba: {  	s17 =	sadd.s32 $0x680, s23;
	s10 =	sadd.s32 s4, s11;
	s12 =	spop (v2sf)  }
0xbb: {  	(v2sf) =	vpush v2, $0x3;
	[tilespmem:s26], [sflag:$0x1] =	stream.linear.gather [hbm4b:s10+s28], $0x80, $0x38;
	[tilespmem:$0xCA00] =	vst v63  }
0xbc: {  	s11 =	sadd.s32 $0x700, s23;
	s10 =	sand.u32 $0x1FFFFFF0, s12;
	s12 =	spop (v2sf)  }
0xbd: {  	(v2sf) =	vpush v1, $0x3;
	s10 =	sadd.s32 s16, s10;
	s12 =	sand.u32 $0x1FFFFFF0, s12;
	s29 =	spop (v2sf)  }
0xbe: {  	[tilespmem:s17], [sflag:$0x1] =	stream.linear.gather [hbm4b:s10+s28], $0x80, $0x38;
	[tilespmem:$0xCA00] =	vst v63  }
0xbf: {  	s26 =	sadd.s32 $0x8880, s23;
	(v2sf) =	vpush v3, $0x4;
	s12 =	sadd.s32 s4, s12;
	s17 =	sand.u32 $0x1FFFFFF0, s29  }
0xc0: {  	[tilespmem:s14], [sflag:$0x1] =	stream.linear.gather [hbm4b:s12+s28], $0x80, $0x38;
	[tilespmem:$0xCA00] =	vst v63  }
0xc1: {  	(v2sf) =	vpush v2, $0x4;
	s29 =	smov.u32 s2;
	s2 =	spop (v2sf);
	s12 =	sadd.s32 s4, s17  }
0xc2: {  	(v2sf) =	vpush v1, $0x4;
	s14 =	sand.u32 $0x1FFFFFF0, s2;
	s17 =	smov.u32 s30;
	s2 =	spop (v2sf)  }
0xc3: {  	[tilespmem:s9], [sflag:$0x1] =	stream.linear.gather [hbm4b:s12+s28], $0x80, $0x38;
	[tilespmem:$0xCA00] =	vst v63  }
0xc4: {  	s30 =	rddreg [dreg:$0x10];
	s28 =	smov.u32 s13;
	s12 =	sadd.s32 s16, s14  }
0xc5: {  	s13 =	sand.u32 $0x1FFFFFF0, s2;
	s14 =	smov.u32 s18;
	s18 =	simm.s32 $0x0  }
0xc6: {  	(v2sf) =	vpush v3, $0x5;
	s9 =	smov.u32 s5;
	s10 =	sadd.s32 s4, s13;
	s2 =	spop (v2sf)  }
0xc7: {  	[tilespmem:s11], [sflag:$0x1] =	stream.linear.gather [hbm4b:s12+s18], $0x80, $0x38;
	[tilespmem:$0xCA00] =	vst v63  }
0xc8: {  	s13 =	rddreg [dreg:$0x17];
	(v2sf) =	vpush v2, $0x5;
	s12 =	sand.u32 $0x1FFFFFF0, s2;
	s11 =	spop (v2sf)  }
0xc9: {  	[tilespmem:s13], [sflag:$0x1] =	stream.linear.gather [hbm4b:s10+s18], $0x80, $0x38;
	[tilespmem:$0xCA00] =	vst v63  }
0xca: {  	s12 =	sadd.s32 s4, s12;
	s13 =	sand.u32 $0x1FFFFFF0, s11;
	s2 =	spop (v2sf)  }
0xcb: {  	(v2sf) =	vpush v1, $0x5;
	[tilespmem:s6], [sflag:$0x1] =	stream.linear.gather [hbm4b:s12+s18], $0x80, $0x38;
	[tilespmem:$0xCA00] =	vst v63  }
0xcc: {  	s12 =	sadd.s32 s16, s13;
	s13 =	sand.u32 $0x1FFFFFF0, s2;
	s2 =	spop (v2sf)  }
0xcd: {  	(v2sf) =	vpush v3, $0x6;
	[tilespmem:s8], [sflag:$0x1] =	stream.linear.gather [hbm4b:s12+s18], $0x80, $0x38;
	[tilespmem:$0xCA00] =	vst v63  }
0xce: {  	s10 =	smov.u32 s0;
	s12 =	sadd.s32 s4, s13;
	s0 =	spop (v2sf)  }
0xcf: {  	(v2sf) =	vpush v2, $0x6;
	[tilespmem:s7], [sflag:$0x1] =	stream.linear.gather [hbm4b:s12+s18], $0x80, $0x38;
	[tilespmem:$0xCA00] =	vst v63  }
0xd0: {  	s11 =	smov.u32 s1;
	s13 =	sand.u32 $0x1FFFFFF0, s2;
	s5 =	spop (v2sf)  }
0xd1: {  	(v2sf) =	vpush v1, $0x6;
	s1 =	sadd.s32 s4, s13;
	s2 =	sand.u32 $0x1FFFFFF0, s0;
	s0 =	spop (v2sf)  }
0xd2: {  	[tilespmem:s19], [sflag:$0x1] =	stream.linear.gather [hbm4b:s1+s18], $0x80, $0x38;
	[tilespmem:$0xCA00] =	vst v63  }
0xd3: {  	s12 =	sadd.s32 s16, s2;
	s13 =	sand.u32 $0x1FFFFFF0, s5;
	s2 =	sand.u32 $0x1FFFFFF0, s0  }
0xd4: {  	[tilespmem:s3], [sflag:$0x1] =	stream.linear.gather [hbm4b:s12+s18], $0x80, $0x38;
	[tilespmem:$0xCA00] =	vst v63  }
0xd5: {  	(v2sf) =	vpush v3, $0x7;
	s1 =	sadd.s32 s4, s13;
	s5 =	spop (v2sf);
	s6 =	sadd.s32 s4, s2  }
0xd6: {  	(v2sf) =	vpush v2, $0x7;
	[tilespmem:s31], [sflag:$0x1] =	stream.linear.gather [hbm4b:s1+s18], $0x80, $0x38;
	[tilespmem:$0xCA00] =	vst v63  }
0xd7: {  	s12 =	sand.u32 $0x1FFFFFF0, s5;
	s31 =	rddreg [dreg:$0x1a];
	s13 =	spop (v2sf)  }
0xd8: {  	[tilespmem:s31], [sflag:$0x1] =	stream.linear.gather [hbm4b:s6+s18], $0x80, $0x38;
	[tilespmem:$0xCA00] =	vst v63  }
0xd9: {  	s8 =	rddreg [dreg:$0x19];
	s1 =	sadd.s32 s16, s12;
	s2 =	sand.u32 $0x1FFFFFF0, s13  }
0xda: {  	(v2sf) =	vpush v1, $0x7;
	s12 =	rddreg [dreg:$0x18];
	s5 =	spop (v2sf);
	s13 =	sadd.s32 s4, s2  }
0xdb: {  	(v2sf) =	vpush v3, $0x8;
	[tilespmem:s12], [sflag:$0x1] =	stream.linear.gather [hbm4b:s1+s18], $0x80, $0x38;
	[tilespmem:$0xCA00] =	vst v63  }
0xdc: {  	s2 =	rddreg [dreg:$0x16];
	s31 =	sand.u32 $0x1FFFFFF0, s5;
	s1 =	spop (v2sf)  }
0xdd: {  	[tilespmem:s2], [sflag:$0x1] =	stream.linear.gather [hbm4b:s13+s18], $0x80, $0x38;
	[tilespmem:$0xCA00] =	vst v63  }
0xde: {  	s5 =	sadd.s32 s4, s31;
	s7 =	sand.u32 $0x1FFFFFF0, s1;
	s12 =	spop (v2sf)  }
0xdf: {  	(v2sf) =	vpush v2, $0x8;
	[tilespmem:s26], [sflag:$0x1] =	stream.linear.gather [hbm4b:s5+s18], $0x80, $0x38;
	[tilespmem:$0xCA00] =	vst v63  }
0xe0: {  	(v2sf) =	vpush v1, $0x8;
	s13 =	sadd.s32 s16, s7;
	s31 =	sand.u32 $0x1FFFFFF0, s12;
	s1 =	spop (v2sf)  }
0xe1: {  	[tilespmem:s22], [sflag:$0x1] =	stream.linear.gather [hbm4b:s13+s18], $0x80, $0x38;
	[tilespmem:$0xCA00] =	vst v63  }
0xe2: {  	s7 =	sadd.s32 s4, s31;
	s31 =	rddreg [dreg:$0x14];
	s12 =	sand.u32 $0x1FFFFFF0, s1  }
0xe3: {  	[tilespmem:s31], [sflag:$0x1] =	stream.linear.gather [hbm4b:s7+s18], $0x80, $0x38;
	[tilespmem:$0xCA00] =	vst v63  }
0xe4: {  	s19 =	rddreg [dreg:$0x15];
	(v2sf) =	vpush v3, $0x9;
	s13 =	spop (v2sf);
	s7 =	sadd.s32 s4, s12  }
0xe5: {  	(v2sf) =	vpush v2, $0x9;
	s12 =	sand.u32 $0x1FFFFFF0, s13;
	s13 =	spop (v2sf);
	s31 =	rddreg [dreg:$0x13]  }
0xe6: {  	[tilespmem:s31], [sflag:$0x1] =	stream.linear.gather [hbm4b:s7+s18], $0x80, $0x38;
	[tilespmem:$0xCA00] =	vst v63  }
0xe7: {  	(v2sf) =	vpush v1, $0x9;
	s7 =	sadd.s32 s16, s12;
	s12 =	sand.u32 $0x1FFFFFF0, s13;
	s31 =	rddreg [dreg:$0xd]  }
0xe8: {  	(v2sf) =	vpush v3, $0xA;
	[tilespmem:s31], [sflag:$0x1] =	stream.linear.gather [hbm4b:s7+s18], $0x80, $0x38;
	[tilespmem:$0xCA00] =	vst v63  }
0xe9: {  	s0 =	rddreg [dreg:$0x4];
	s13 =	spop (v2sf);
	s7 =	sadd.s32 s4, s12  }
0xea: {  	s12 =	sand.u32 $0x1FFFFFF0, s13;
	s13 =	spop (v2sf);
	s31 =	rddreg [dreg:$0x11]  }
0xeb: {  	[tilespmem:s31], [sflag:$0x1] =	stream.linear.gather [hbm4b:s7+s18], $0x80, $0x38;
	[tilespmem:$0xCA00] =	vst v63  }
0xec: {  	s7 =	sadd.s32 s4, s12;
	s12 =	sand.u32 $0x1FFFFFF0, s13;
	s31 =	rddreg [dreg:$0xa]  }
0xed: {  	(v2sf) =	vpush v2, $0xA;
	[tilespmem:s31], [sflag:$0x1] =	stream.linear.gather [hbm4b:s7+s18], $0x80, $0x38;
	[tilespmem:$0xCA00] =	vst v63  }
0xee: {  	s2 =	rddreg [dreg:$0x12];
	s13 =	spop (v2sf);
	s7 =	sadd.s32 s16, s12  }
0xef: {  	s12 =	sand.u32 $0x1FFFFFF0, s13;
	s13 =	spop (v2sf);
	s31 =	rddreg [dreg:$0x9]  }
0xf0: {  	[tilespmem:s31], [sflag:$0x1] =	stream.linear.gather [hbm4b:s7+s18], $0x80, $0x38;
	[tilespmem:$0xCA00] =	vst v63  }
0xf1: {  	s7 =	sadd.s32 s4, s12;
	s12 =	sand.u32 $0x1FFFFFF0, s13;
	s31 =	rddreg [dreg:$0xb]  }
0xf2: {  	[tilespmem:s31], [sflag:$0x1] =	stream.linear.gather [hbm4b:s7+s18], $0x80, $0x38;
	[tilespmem:$0xCA00] =	vst v63  }
0xf3: {  	s26 =	rddreg [dreg:$0xf];
	s13 =	spop (v2sf);
	s7 =	sadd.s32 s4, s12  }
0xf4: {  	s12 =	sand.u32 $0x1FFFFFF0, s13;
	s13 =	spop (v2sf);
	s31 =	rddreg [dreg:$0x8]  }
0xf5: {  	[tilespmem:s31], [sflag:$0x1] =	stream.linear.gather [hbm4b:s7+s18], $0x80, $0x38;
	[tilespmem:$0xCA00] =	vst v63  }
0xf6: {  	s22 =	rddreg [dreg:$0x5];
	(v2sf) =	vpush v1, $0xA;
	s5 =	sadd.s32 s16, s12;
	s7 =	spop (v2sf)  }
0xf7: {  	(v2sf) =	vpush v3, $0xB;
	s6 =	sand.u32 $0x1FFFFFF0, s13;
	s12 =	rddreg [dreg:$0x7];
	s1 =	spop (v2sf)  }
0xf8: {  	(v2sf) =	vpush v2, $0xB;
	[tilespmem:s12], [sflag:$0x1] =	stream.linear.gather [hbm4b:s5+s18], $0x80, $0x38;
	[tilespmem:$0xCA00] =	vst v63  }
.Ltmp0:
0xf9: {  	(v2sf) =	vpush v1, $0xB;
	s31 =	sand.u32 $0x1FFFFFF0, s7;
	s7 =	rddreg [dreg:$0xc];
	(pc) =	sbr.rel @p0 .LBB2_3-.Ltmp0, $4  }
0xfa: {  	(v2sf) =	vpush v3, $0xC;
	s13 =	sadd.s32 s4, s6;
	s12 =	rddreg [dreg:$0x6];
	s5 =	sand.u32 $0x1FFFFFF0, s1  }
0xfb: {  	(v2sf) =	vpush v2, $0xC;
	[tilespmem:s12], [sflag:$0x1] =	stream.linear.gather [hbm4b:s13+s18], $0x80, $0x38;
	[tilespmem:$0xCA00] =	vst v63  }
0xfc: {  	(v2sf) =	vpush v1, $0xC;
	s3 =	spop (v2sf);
	s13 =	sadd.s32 s4, s31;
	s31 =	rddreg [dreg:$0xe]  }
0xfd: {  	(v2sf) =	vpush v3, $0xD;
	[tilespmem:s31], [sflag:$0x1] =	stream.linear.gather [hbm4b:s13+s18], $0x80, $0x38;
	[tilespmem:$0xCA00] =	vst v63  }
0xfe: {  	_ =	sdelay $0x2  }
0xff: {  	s0 =	sadd.s32 s16, s5;
	s20 =	sand.u32 $0x1FFFFFF0, s3  }
0x100: {  	[tilespmem:s15], [sflag:$0x1] =	stream.linear.gather [hbm4b:s0+s18], $0x80, $0x38;
	[tilespmem:$0xCA00] =	vst v63  }
0x101: {  	s0 =	sadd.s32 s4, s20  }
0x102: {  	[tilespmem:s26], [sflag:$0x1] =	stream.linear.gather [hbm4b:s0+s18], $0x80, $0x38;
	[tilespmem:$0xCA00] =	vst v63  }
0x103: {  	s22 =	spop (v2sf)  }
0x104: {  	s0 =	sand.u32 $0x1FFFFFF0, s22  }
0x105: {  	s0 =	sadd.s32 s4, s0  }
0x106: {  	[tilespmem:s24], [sflag:$0x1] =	stream.linear.gather [hbm4b:s0+s18], $0x80, $0x38;
	[tilespmem:$0xCA00] =	vst v63  }
0x107: {  	s24 =	spop (v2sf)  }
0x108: {  	s0 =	sand.u32 $0x1FFFFFF0, s24  }
0x109: {  	s26 =	spop (v2sf);
	s0 =	sadd.s32 s16, s0  }
0x10a: {  	[tilespmem:s21], [sflag:$0x1] =	stream.linear.gather [hbm4b:s0+s18], $0x80, $0x38;
	[tilespmem:$0xCA00] =	vst v63  }
0x10b: {  	s0 =	sand.u32 $0x1FFFFFF0, s26  }
0x10c: {  	(v2sf) =	vpush v2, $0xD;
	s1 =	spop (v2sf);
	s0 =	sadd.s32 s4, s0  }
0x10d: {  	[tilespmem:s11], [sflag:$0x1] =	stream.linear.gather [hbm4b:s0+s18], $0x80, $0x38;
	[tilespmem:$0xCA00] =	vst v63  }
0x10e: {  	s0 =	sand.u32 $0x1FFFFFF0, s1  }
0x10f: {  	s3 =	spop (v2sf);
	s0 =	sadd.s32 s4, s0  }
0x110: {  	[tilespmem:s10], [sflag:$0x1] =	stream.linear.gather [hbm4b:s0+s18], $0x80, $0x38;
	[tilespmem:$0xCA00] =	vst v63  }
0x111: {  	s5 =	spop (v2sf);
	(v2sf) =	vpush v1, $0xD;
	s0 =	sand.u32 $0x1FFFFFF0, s3  }
0x112: {  	s6 =	spop (v2sf);
	s0 =	sadd.s32 s16, s0  }
0x113: {  	(v2sf) =	vpush v3, $0xE;
	[tilespmem:s8], [sflag:$0x1] =	stream.linear.gather [hbm4b:s0+s18], $0x80, $0x38;
	[tilespmem:$0xCA00] =	vst v63  }
0x114: {  	s0 =	sand.u32 $0x1FFFFFF0, s5  }
0x115: {  	s0 =	sadd.s32 s4, s0  }
0x116: {  	[tilespmem:s7], [sflag:$0x1] =	stream.linear.gather [hbm4b:s0+s18], $0x80, $0x38;
	[tilespmem:$0xCA00] =	vst v63  }
0x117: {  	s0 =	sand.u32 $0x1FFFFFF0, s6  }
0x118: {  	s7 =	spop (v2sf);
	(v2sf) =	vpush v2, $0xE;
	s0 =	sadd.s32 s4, s0  }
0x119: {  	(v2sf) =	vpush v1, $0xE;
	[tilespmem:s29], [sflag:$0x1] =	stream.linear.gather [hbm4b:s0+s18], $0x80, $0x38;
	[tilespmem:$0xCA00] =	vst v63  }
0x11a: {  	s0 =	sand.u32 $0x1FFFFFF0, s7;
	(v2sf) =	vpush v3, $0xF  }
0x11b: {  	s8 =	spop (v2sf);
	s0 =	sadd.s32 s16, s0  }
0x11c: {  	(v2sf) =	vpush v2, $0xF;
	[tilespmem:s14], [sflag:$0x1] =	stream.linear.gather [hbm4b:s0+s18], $0x80, $0x38;
	[tilespmem:$0xCA00] =	vst v63  }
0x11d: {  	s0 =	sand.u32 $0x1FFFFFF0, s8  }
0x11e: {  	(v2sf) =	vpush v1, $0xF;
	s0 =	sadd.s32 s4, s0  }
0x11f: {  	[tilespmem:s19], [sflag:$0x1] =	stream.linear.gather [hbm4b:s0+s18], $0x80, $0x38;
	[tilespmem:$0xCA00] =	vst v63  }
0x120: {  	s10 =	spop (v2sf)  }
0x121: {  	s0 =	sand.u32 $0x1FFFFFF0, s10  }
0x122: {  	s11 =	spop (v2sf);
	s0 =	sadd.s32 s4, s0  }
0x123: {  	[tilespmem:s30], [sflag:$0x1] =	stream.linear.gather [hbm4b:s0+s18], $0x80, $0x38;
	[tilespmem:$0xCA00] =	vst v63  }
0x124: {  	s0 =	sand.u32 $0x1FFFFFF0, s11  }
0x125: {  	s0 =	sadd.s32 s16, s0  }
0x126: {  	[tilespmem:s9], [sflag:$0x1] =	stream.linear.gather [hbm4b:s0+s18], $0x80, $0x38;
	[tilespmem:$0xCA00] =	vst v63  }
0x127: {  	s12 =	spop (v2sf)  }
0x128: {  	s0 =	sand.u32 $0x1FFFFFF0, s12;
	s1 =	spop (v2sf)  }
0x129: {  	s0 =	sadd.s32 s4, s0;
	s13 =	sand.u32 $0x1FFFFFF0, s1;
	s14 =	spop (v2sf)  }
0x12a: {  	[tilespmem:s2], [sflag:$0x1] =	stream.linear.gather [hbm4b:s0+s18], $0x80, $0x38;
	[tilespmem:$0xCA00] =	vst v63  }
0x12b: {  	s0 =	sadd.s32 s4, s13;
	s1 =	sand.u32 $0x1FFFFFF0, s14;
	s15 =	spop (v2sf)  }
0x12c: {  	[tilespmem:s17], [sflag:$0x1] =	stream.linear.gather [hbm4b:s0+s18], $0x80, $0x38;
	[tilespmem:$0xCA00] =	vst v63  }
0x12d: {  	s19 =	sadd.s32 s16, s1;
	s20 =	sand.u32 $0x1FFFFFF0, s15;
	s21 =	spop (v2sf)  }
0x12e: {  	[tilespmem:s25], [sflag:$0x1] =	stream.linear.gather [hbm4b:s19+s18], $0x80, $0x38;
	[tilespmem:$0xCA00] =	vst v63  }
0x12f: {  	s22 =	sadd.s32 $0x4D80, s23;
	s1 =	sadd.s32 s4, s20;
	s3 =	sand.u32 $0x1FFFFFF0, s21  }
0x130: {  	[tilespmem:s22], [sflag:$0x1] =	stream.linear.gather [hbm4b:s1+s18], $0x80, $0x38;
	[tilespmem:$0xCA00] =	vst v63  }
0x131: {  	s24 =	sadd.s32 $0x8D80, s23;
	s26 =	simm.s32 $0x1;
	s25 =	sadd.s32 s4, s3  }
0x132: {  	[tilespmem:s24], [sflag:$0x1] =	stream.linear.gather [hbm4b:s25+s18], $0x80, $0x38;
	[tilespmem:$0xCA00] =	vst v63  }
0x133: {  	_ =	swait.ge [sflag:s26], $0x4000  }
0x134: {  	[sflag:s26] =	ssyncset.done $0x0  }
0x135: {  	[sflag:s26] =	ssyncadd.s32 $0xFFFFC000  }
0x136: {  	_ =	swait.ge [sflag:s26], $0x4000  }
0x137: {  	[sflag:s26] =	ssyncset.done $0x0  }
0x138: {  	[sflag:s26] =	ssyncadd.s32 $0xFFFFC000  }
0x139: {  	_ =	swait.ge [sflag:s26], $0x4000  }
0x13a: {  	s17 =	sld [smem:$0x7FB]  }
0x13b: {  	s14 =	sld [smem:$0x7FA]  }
0x13c: {  	s9 =	sld [smem:$0x7F9]  }
0x13d: {  	s6 =	sld [smem:$0x7F8]  }
0x13e: {  	s5 =	simm.s32 $0x8600;
	s0 =	simm.s32 $0x0;
	s7 =	sld [smem:$0x7F7]  }
0x13f: {  	s3 =	simm.s32 $0x4600;
	s1 =	simm.s32 $0x600;
	[sflag:s26] =	ssyncset.done $0x0  }
0x140: {  	[sflag:s26] =	ssyncadd.s32 $0xFFFFC000;
	s28 =	smov.u32 s17;
	s29 =	smov.u32 s14  }
0x141: {  	s30 =	smov.u32 s9;
	s31 =	smov.u32 s6;
	s23 =	smov.u32 s7  }
.LBB2_5:
0x142: {  	v1 =	vmov s0  }
0x143: {  	v1 =	vshll.u32 v1, $0x7  }
0x144: {  	v1 =	vor.u32 v0, v1;
	_ =	sdelay $0x1  }
0x145: {  	v2 =	vld [tilespmem:s28+$0x0]  }
0x146: {  	v3 =	vld [tilespmem:s29+$0x0];
	v6 =	vor.u32 $0x1, v1  }
0x147: {  	v4 =	vld [tilespmem:s30+$0x0]  }
0x148: {  	v5 =	vld.idx.msk [tilespmem:v1+s1+$0x0], $0xffff  }
0x149: {  	v9 =	vor.u32 $0x2, v1;
	v7 =	vld.idx.msk [tilespmem:v1+s3+$0x0], $0xffff  }
0x14a: {  	v8 =	vld.idx.msk [tilespmem:v1+s5+$0x0], $0xffff  }
0x14b: {  	v42 =	vld.idx.msk [tilespmem:v6+s1+$0x0], $0xffff  }
0x14c: {  	v47 =	vor.u32 $0x3, v1;
	v11 =	vld.idx.msk [tilespmem:v6+s3+$0x0], $0xffff  }
0x14d: {  	v6 =	vld.idx.msk [tilespmem:v6+s5+$0x0], $0xffff  }
0x14e: {  	v52 =	vor.u32 $0x4, v1;
	v46 =	vld.idx.msk [tilespmem:v9+s1+$0x0], $0xffff  }
0x14f: {  	v59 =	vor.u32 $0x5, v1;
	v19 =	vor.u32 $0x6, v1;
	v13 =	vld.idx.msk [tilespmem:v9+s3+$0x0], $0xffff  }
0x150: {  	v29 =	vor.u32 $0x7, v1;
	v39 =	vor.u32 $0x8, v1;
	v2 =	vand.u32 $0x1, v2;
	v9 =	vld.idx.msk [tilespmem:v9+s5+$0x0], $0xffff  }
0x151: {  	v3 =	vand.u32 $0x1, v3;
	vm1 =	veq.s32 v2, $0x0;
	v2 =	vand.u32 $0x1, v4;
	v51 =	vld.idx.msk [tilespmem:v47+s1+$0x0], $0xffff  }
0x152: {  	vm0 =	veq.s32 v3, $0x0;
	vm2 =	veq.s32 v2, $0x0;
	v14 =	vld.idx.msk [tilespmem:v47+s3+$0x0], $0xffff;
	v3 =	vand.u32 $0xFFFF0000, v5  }
0x153: {  	v58 =	vld.idx.msk [tilespmem:v52+s1+$0x0], $0xffff;
	v5 =	vshll.u32 v5, $0x10;
	v10 =	vand.u32 $0xFFFF0000, v7;
	v7 =	vshll.u32 v7, $0x10  }
0x154: {  	v62 =	vld.idx.msk [tilespmem:v52+s3+$0x0], $0xffff;
	v43 =	vand.u32 $0xFFFF0000, v8;
	v44 =	vshll.u32 v8, $0x10;
	v2 =	vsel vm1, v5, v3  }
0x155: {  	v18 =	vld.idx.msk [tilespmem:v59+s1+$0x0], $0xffff;
	v3 =	vsel vm0, v7, v10;
	v5 =	vsel vm2, v44, v43;
	v45 =	vand.u32 $0xFFFF0000, v42  }
0x156: {  	v22 =	vld.idx.msk [tilespmem:v59+s3+$0x0], $0xffff;
	v4 =	vshll.u32 v42, $0x10;
	v12 =	vand.u32 $0xFFFF0000, v11;
	v11 =	vshll.u32 v11, $0x10  }
0x157: {  	v28 =	vld.idx.msk [tilespmem:v19+s1+$0x0], $0xffff;
	v49 =	vand.u32 $0xFFFF0000, v6;
	v6 =	vshll.u32 v6, $0x10;
	v50 =	vand.u32 $0xFFFF0000, v46  }
0x158: {  	v32 =	vld.idx.msk [tilespmem:v19+s3+$0x0], $0xffff;
	v8 =	vshll.u32 v46, $0x10;
	v53 =	vand.u32 $0xFFFF0000, v13;
	v13 =	vshll.u32 v13, $0x10  }
0x159: {  	v38 =	vld.idx.msk [tilespmem:v29+s1+$0x0], $0xffff;
	v55 =	vand.u32 $0xFFFF0000, v9;
	v9 =	vshll.u32 v9, $0x10;
	v57 =	vand.u32 $0xFFFF0000, v51  }
0x15a: {  	v7 =	vshll.u32 v51, $0x10;
	v60 =	vand.u32 $0xFFFF0000, v14;
	v61 =	vshll.u32 v14, $0x10  }
0x15b: {  	v17 =	vand.u32 $0xFFFF0000, v58;
	v20 =	vand.u32 $0xFFFF0000, v62;
	v21 =	vshll.u32 v62, $0x10  }
0x15c: {  	v27 =	vand.u32 $0xFFFF0000, v18;
	v30 =	vand.u32 $0xFFFF0000, v22;
	v31 =	vshll.u32 v22, $0x10  }
0x15d: {  	v37 =	vand.u32 $0xFFFF0000, v28;
	v40 =	vand.u32 $0xFFFF0000, v32;
	v41 =	vshll.u32 v32, $0x10  }
0x15e: {  	v10 =	vld.idx.msk [tilespmem:v47+s5+$0x0], $0xffff;
	v47 =	vand.u32 $0xFFFF0000, v38;
	v3 =	vmul.f32 v3, v2;
	v2 =	vmul.f32 v5, v2  }
0x15f: {  	v4 =	vsel vm1, v4, v45;
	v48 =	vsel vm0, v11, v12;
	v6 =	vsel vm2, v6, v49  }
0x160: {  	v54 =	vsel vm0, v13, v53;
	v56 =	vsel vm2, v9, v55;
	v63 =	vsel vm1, v7, v57  }
0x161: {  	v13 =	vsel vm0, v61, v60;
	v24 =	vsel vm0, v21, v20;
	v7 =	vshll.u32 v18, $0x10  }
0x162: {  	v42 =	vld.idx.msk [tilespmem:v29+s3+$0x0], $0xffff;
	v34 =	vsel vm0, v31, v30;
	v44 =	vsel vm0, v41, v40;
	v49 =	vor.u32 $0x9, v1  }
0x163: {  	v5 =	vmul.f32 v48, v4;
	v4 =	vmul.f32 v6, v4;
	v3 =	vadd.f32 $0.0e+00, v3  }
0x164: {  	v11 =	vld.idx.msk [tilespmem:v52+s5+$0x0], $0xffff;
	v33 =	vsel vm1, v7, v27;
	v7 =	vshll.u32 v38, $0x10;
	v2 =	vadd.f32 $0.0e+00, v2  }
0x165: {  	v9 =	vld.idx.msk [tilespmem:v59+s5+$0x0], $0xffff;
	v59 =	vor.u32 $0xA, v1;
	v53 =	vsel vm1, v7, v47;
	v3 =	vadd.f32 v5, v3  }
0x166: {  	v52 =	vld.idx.msk [tilespmem:v39+s3+$0x0], $0xffff;
	v5 =	vsel vm1, v8, v50;
	v2 =	vadd.f32 v4, v2;
	v15 =	vand.u32 $0xFFFF0000, v10  }
0x167: {  	v10 =	vshll.u32 v10, $0x10;
	v8 =	vshll.u32 v58, $0x10;
	v50 =	vand.u32 $0xFFFF0000, v42  }
0x168: {  	v48 =	vld.idx.msk [tilespmem:v39+s1+$0x0], $0xffff;
	v51 =	vshll.u32 v42, $0x10;
	v6 =	vmul.f32 v54, v5;
	v4 =	vmul.f32 v56, v5  }
0x169: {  	v16 =	vsel vm2, v10, v15;
	v23 =	vsel vm1, v8, v17;
	v25 =	vand.u32 $0xFFFF0000, v11  }
0x16a: {  	v11 =	vshll.u32 v11, $0x10;
	v35 =	vand.u32 $0xFFFF0000, v9;
	v9 =	vshll.u32 v9, $0x10;
	v10 =	vld.idx.msk [tilespmem:v19+s5+$0x0], $0xffff  }
0x16b: {  	v8 =	vshll.u32 v28, $0x10;
	v54 =	vsel vm0, v51, v50;
	v58 =	vld.idx.msk [tilespmem:v49+s1+$0x0], $0xffff;
	v60 =	vand.u32 $0xFFFF0000, v52  }
0x16c: {  	v61 =	vshll.u32 v52, $0x10;
	v62 =	vld.idx.msk [tilespmem:v49+s3+$0x0], $0xffff;
	v19 =	vor.u32 $0xB, v1;
	v26 =	vsel vm2, v11, v25  }
0x16d: {  	v18 =	vld.idx.msk [tilespmem:v59+s1+$0x0], $0xffff;
	v36 =	vsel vm2, v9, v35;
	v43 =	vsel vm1, v8, v37;
	v57 =	vand.u32 $0xFFFF0000, v48  }
0x16e: {  	v11 =	vld.idx.msk [tilespmem:v29+s5+$0x0], $0xffff;
	v8 =	vshll.u32 v48, $0x10;
	v29 =	vor.u32 $0xC, v1;
	v3 =	vadd.f32 v6, v3  }
0x16f: {  	v22 =	vld.idx.msk [tilespmem:v59+s3+$0x0], $0xffff;
	v6 =	vmul.f32 v13, v63;
	v2 =	vadd.f32 v4, v2;
	v4 =	vmul.f32 v16, v63  }
0x170: {  	v9 =	vld.idx.msk [tilespmem:v39+s5+$0x0], $0xffff;
	v39 =	vor.u32 $0xD, v1;
	v63 =	vsel vm1, v8, v57;
	v13 =	vsel vm0, v61, v60  }
0x171: {  	v3 =	vadd.f32 v6, v3;
	v6 =	vmul.f32 v24, v23;
	v2 =	vadd.f32 v4, v2  }
0x172: {  	v4 =	vmul.f32 v26, v23;
	v45 =	vand.u32 $0xFFFF0000, v10;
	v10 =	vshll.u32 v10, $0x10  }
0x173: {  	v17 =	vand.u32 $0xFFFF0000, v58;
	v7 =	vshll.u32 v58, $0x10;
	v20 =	vand.u32 $0xFFFF0000, v62  }
0x174: {  	v21 =	vshll.u32 v62, $0x10;
	v27 =	vand.u32 $0xFFFF0000, v18;
	v8 =	vshll.u32 v18, $0x10  }
0x175: {  	v30 =	vand.u32 $0xFFFF0000, v22;
	v31 =	vshll.u32 v22, $0x10;
	v3 =	vadd.f32 v6, v3  }
0x176: {  	v28 =	vld.idx.msk [tilespmem:v19+s1+$0x0], $0xffff;
	v6 =	vmul.f32 v34, v33;
	v2 =	vadd.f32 v4, v2;
	v4 =	vmul.f32 v36, v33  }
0x177: {  	v32 =	vld.idx.msk [tilespmem:v19+s3+$0x0], $0xffff;
	v46 =	vsel vm2, v10, v45;
	v55 =	vand.u32 $0xFFFF0000, v11;
	v11 =	vshll.u32 v11, $0x10  }
0x178: {  	v15 =	vand.u32 $0xFFFF0000, v9;
	v9 =	vshll.u32 v9, $0x10;
	v10 =	vld.idx.msk [tilespmem:v49+s5+$0x0], $0xffff;
	v23 =	vsel vm1, v7, v17  }
0x179: {  	v24 =	vsel vm0, v21, v20;
	v33 =	vsel vm1, v8, v27;
	v34 =	vsel vm0, v31, v30;
	v38 =	vld.idx.msk [tilespmem:v29+s1+$0x0], $0xffff  }
0x17a: {  	v42 =	vld.idx.msk [tilespmem:v29+s3+$0x0], $0xffff;
	v49 =	vor.u32 $0xE, v1;
	v56 =	vsel vm2, v11, v55;
	v3 =	vadd.f32 v6, v3  }
0x17b: {  	v11 =	vld.idx.msk [tilespmem:v59+s5+$0x0], $0xffff;
	v6 =	vmul.f32 v44, v43;
	v2 =	vadd.f32 v4, v2;
	v4 =	vmul.f32 v46, v43  }
0x17c: {  	v16 =	vsel vm2, v9, v15;
	v9 =	vld.idx.msk [tilespmem:v19+s5+$0x0], $0xffff;
	v59 =	vor.u32 $0xF, v1;
	v19 =	vor.u32 $0x10, v1  }
0x17d: {  	v48 =	vld.idx.msk [tilespmem:v39+s1+$0x0], $0xffff;
	v3 =	vadd.f32 v6, v3;
	v6 =	vmul.f32 v54, v53;
	v2 =	vadd.f32 v4, v2  }
0x17e: {  	v52 =	vld.idx.msk [tilespmem:v39+s3+$0x0], $0xffff;
	v4 =	vmul.f32 v56, v53;
	v37 =	vand.u32 $0xFFFF0000, v28;
	v7 =	vshll.u32 v28, $0x10  }
0x17f: {  	v40 =	vand.u32 $0xFFFF0000, v32;
	v41 =	vshll.u32 v32, $0x10;
	v25 =	vand.u32 $0xFFFF0000, v10  }
0x180: {  	v10 =	vshll.u32 v10, $0x10;
	v43 =	vsel vm1, v7, v37;
	v44 =	vsel vm0, v41, v40  }
0x181: {  	v47 =	vand.u32 $0xFFFF0000, v38;
	v8 =	vshll.u32 v38, $0x10;
	v50 =	vand.u32 $0xFFFF0000, v42  }
0x182: {  	v51 =	vshll.u32 v42, $0x10;
	v57 =	vand.u32 $0xFFFF0000, v48;
	v7 =	vshll.u32 v48, $0x10  }
0x183: {  	v60 =	vand.u32 $0xFFFF0000, v52;
	v61 =	vshll.u32 v52, $0x10;
	v3 =	vadd.f32 v6, v3  }
0x184: {  	v58 =	vld.idx.msk [tilespmem:v49+s1+$0x0], $0xffff;
	v6 =	vmul.f32 v13, v63;
	v2 =	vadd.f32 v4, v2;
	v4 =	vmul.f32 v16, v63  }
0x185: {  	v62 =	vld.idx.msk [tilespmem:v49+s3+$0x0], $0xffff;
	v26 =	vsel vm2, v10, v25;
	v35 =	vand.u32 $0xFFFF0000, v11;
	v11 =	vshll.u32 v11, $0x10  }
0x186: {  	v45 =	vand.u32 $0xFFFF0000, v9;
	v9 =	vshll.u32 v9, $0x10;
	v10 =	vld.idx.msk [tilespmem:v29+s5+$0x0], $0xffff;
	v53 =	vsel vm1, v8, v47  }
0x187: {  	v54 =	vsel vm0, v51, v50;
	v63 =	vsel vm1, v7, v57;
	v13 =	vsel vm0, v61, v60;
	v18 =	vld.idx.msk [tilespmem:v59+s1+$0x0], $0xffff  }
0x188: {  	v22 =	vld.idx.msk [tilespmem:v59+s3+$0x0], $0xffff;
	v29 =	vor.u32 $0x11, v1;
	v36 =	vsel vm2, v11, v35;
	v3 =	vadd.f32 v6, v3  }
0x189: {  	v11 =	vld.idx.msk [tilespmem:v39+s5+$0x0], $0xffff;
	v6 =	vmul.f32 v24, v23;
	v2 =	vadd.f32 v4, v2;
	v4 =	vmul.f32 v26, v23  }
0x18a: {  	v46 =	vsel vm2, v9, v45;
	v9 =	vld.idx.msk [tilespmem:v49+s5+$0x0], $0xffff;
	v39 =	vor.u32 $0x12, v1;
	v49 =	vor.u32 $0x13, v1  }
0x18b: {  	v28 =	vld.idx.msk [tilespmem:v19+s1+$0x0], $0xffff;
	v3 =	vadd.f32 v6, v3;
	v6 =	vmul.f32 v34, v33;
	v2 =	vadd.f32 v4, v2  }
0x18c: {  	v32 =	vld.idx.msk [tilespmem:v19+s3+$0x0], $0xffff;
	v4 =	vmul.f32 v36, v33;
	v17 =	vand.u32 $0xFFFF0000, v58;
	v8 =	vshll.u32 v58, $0x10  }
0x18d: {  	v20 =	vand.u32 $0xFFFF0000, v62;
	v21 =	vshll.u32 v62, $0x10;
	v55 =	vand.u32 $0xFFFF0000, v10  }
0x18e: {  	v10 =	vshll.u32 v10, $0x10;
	v23 =	vsel vm1, v8, v17;
	v24 =	vsel vm0, v21, v20  }
0x18f: {  	v27 =	vand.u32 $0xFFFF0000, v18;
	v7 =	vshll.u32 v18, $0x10;
	v30 =	vand.u32 $0xFFFF0000, v22  }
0x190: {  	v31 =	vshll.u32 v22, $0x10;
	v37 =	vand.u32 $0xFFFF0000, v28;
	v8 =	vshll.u32 v28, $0x10  }
0x191: {  	v40 =	vand.u32 $0xFFFF0000, v32;
	v41 =	vshll.u32 v32, $0x10;
	v3 =	vadd.f32 v6, v3  }
0x192: {  	v38 =	vld.idx.msk [tilespmem:v29+s1+$0x0], $0xffff;
	v6 =	vmul.f32 v44, v43;
	v2 =	vadd.f32 v4, v2;
	v4 =	vmul.f32 v46, v43  }
0x193: {  	v42 =	vld.idx.msk [tilespmem:v29+s3+$0x0], $0xffff;
	v56 =	vsel vm2, v10, v55;
	v15 =	vand.u32 $0xFFFF0000, v11;
	v11 =	vshll.u32 v11, $0x10  }
0x194: {  	v25 =	vand.u32 $0xFFFF0000, v9;
	v9 =	vshll.u32 v9, $0x10;
	v10 =	vld.idx.msk [tilespmem:v59+s5+$0x0], $0xffff;
	v33 =	vsel vm1, v7, v27  }
0x195: {  	v34 =	vsel vm0, v31, v30;
	v43 =	vsel vm1, v8, v37;
	v44 =	vsel vm0, v41, v40;
	v48 =	vld.idx.msk [tilespmem:v39+s1+$0x0], $0xffff  }
0x196: {  	v52 =	vld.idx.msk [tilespmem:v39+s3+$0x0], $0xffff;
	v59 =	vor.u32 $0x14, v1;
	v16 =	vsel vm2, v11, v15;
	v3 =	vadd.f32 v6, v3  }
0x197: {  	v11 =	vld.idx.msk [tilespmem:v19+s5+$0x0], $0xffff;
	v6 =	vmul.f32 v54, v53;
	v2 =	vadd.f32 v4, v2;
	v4 =	vmul.f32 v56, v53  }
0x198: {  	v26 =	vsel vm2, v9, v25;
	v9 =	vld.idx.msk [tilespmem:v29+s5+$0x0], $0xffff;
	v19 =	vor.u32 $0x15, v1;
	v29 =	vor.u32 $0x16, v1  }
0x199: {  	v58 =	vld.idx.msk [tilespmem:v49+s1+$0x0], $0xffff;
	v3 =	vadd.f32 v6, v3;
	v6 =	vmul.f32 v13, v63;
	v2 =	vadd.f32 v4, v2  }
0x19a: {  	v62 =	vld.idx.msk [tilespmem:v49+s3+$0x0], $0xffff;
	v4 =	vmul.f32 v16, v63;
	v47 =	vand.u32 $0xFFFF0000, v38;
	v7 =	vshll.u32 v38, $0x10  }
0x19b: {  	v50 =	vand.u32 $0xFFFF0000, v42;
	v51 =	vshll.u32 v42, $0x10;
	v35 =	vand.u32 $0xFFFF0000, v10  }
0x19c: {  	v10 =	vshll.u32 v10, $0x10;
	v53 =	vsel vm1, v7, v47;
	v54 =	vsel vm0, v51, v50  }
0x19d: {  	v57 =	vand.u32 $0xFFFF0000, v48;
	v8 =	vshll.u32 v48, $0x10;
	v60 =	vand.u32 $0xFFFF0000, v52  }
0x19e: {  	v61 =	vshll.u32 v52, $0x10;
	v17 =	vand.u32 $0xFFFF0000, v58;
	v7 =	vshll.u32 v58, $0x10  }
0x19f: {  	v20 =	vand.u32 $0xFFFF0000, v62;
	v21 =	vshll.u32 v62, $0x10;
	v3 =	vadd.f32 v6, v3  }
0x1a0: {  	v18 =	vld.idx.msk [tilespmem:v59+s1+$0x0], $0xffff;
	v6 =	vmul.f32 v24, v23;
	v2 =	vadd.f32 v4, v2;
	v4 =	vmul.f32 v26, v23  }
0x1a1: {  	v22 =	vld.idx.msk [tilespmem:v59+s3+$0x0], $0xffff;
	v36 =	vsel vm2, v10, v35;
	v45 =	vand.u32 $0xFFFF0000, v11;
	v11 =	vshll.u32 v11, $0x10  }
0x1a2: {  	v55 =	vand.u32 $0xFFFF0000, v9;
	v9 =	vshll.u32 v9, $0x10;
	v10 =	vld.idx.msk [tilespmem:v39+s5+$0x0], $0xffff;
	v63 =	vsel vm1, v8, v57  }
0x1a3: {  	v13 =	vsel vm0, v61, v60;
	v23 =	vsel vm1, v7, v17;
	v24 =	vsel vm0, v21, v20;
	v28 =	vld.idx.msk [tilespmem:v19+s1+$0x0], $0xffff  }
0x1a4: {  	v32 =	vld.idx.msk [tilespmem:v19+s3+$0x0], $0xffff;
	v39 =	vor.u32 $0x17, v1;
	v46 =	vsel vm2, v11, v45;
	v3 =	vadd.f32 v6, v3  }
0x1a5: {  	v11 =	vld.idx.msk [tilespmem:v49+s5+$0x0], $0xffff;
	v6 =	vmul.f32 v34, v33;
	v2 =	vadd.f32 v4, v2;
	v4 =	vmul.f32 v36, v33  }
0x1a6: {  	v56 =	vsel vm2, v9, v55;
	v9 =	vld.idx.msk [tilespmem:v59+s5+$0x0], $0xffff;
	v49 =	vor.u32 $0x18, v1;
	v59 =	vor.u32 $0x19, v1  }
0x1a7: {  	v38 =	vld.idx.msk [tilespmem:v29+s1+$0x0], $0xffff;
	v3 =	vadd.f32 v6, v3;
	v6 =	vmul.f32 v44, v43;
	v2 =	vadd.f32 v4, v2  }
0x1a8: {  	v42 =	vld.idx.msk [tilespmem:v29+s3+$0x0], $0xffff;
	v4 =	vmul.f32 v46, v43;
	v27 =	vand.u32 $0xFFFF0000, v18;
	v8 =	vshll.u32 v18, $0x10  }
0x1a9: {  	v30 =	vand.u32 $0xFFFF0000, v22;
	v31 =	vshll.u32 v22, $0x10;
	v15 =	vand.u32 $0xFFFF0000, v10  }
0x1aa: {  	v10 =	vshll.u32 v10, $0x10;
	v33 =	vsel vm1, v8, v27;
	v34 =	vsel vm0, v31, v30  }
0x1ab: {  	v37 =	vand.u32 $0xFFFF0000, v28;
	v7 =	vshll.u32 v28, $0x10;
	v40 =	vand.u32 $0xFFFF0000, v32  }
0x1ac: {  	v41 =	vshll.u32 v32, $0x10;
	v47 =	vand.u32 $0xFFFF0000, v38;
	v8 =	vshll.u32 v38, $0x10  }
0x1ad: {  	v50 =	vand.u32 $0xFFFF0000, v42;
	v51 =	vshll.u32 v42, $0x10;
	v3 =	vadd.f32 v6, v3  }
0x1ae: {  	v48 =	vld.idx.msk [tilespmem:v39+s1+$0x0], $0xffff;
	v6 =	vmul.f32 v54, v53;
	v2 =	vadd.f32 v4, v2;
	v4 =	vmul.f32 v56, v53  }
0x1af: {  	v52 =	vld.idx.msk [tilespmem:v39+s3+$0x0], $0xffff;
	v16 =	vsel vm2, v10, v15;
	v25 =	vand.u32 $0xFFFF0000, v11;
	v11 =	vshll.u32 v11, $0x10  }
0x1b0: {  	v35 =	vand.u32 $0xFFFF0000, v9;
	v9 =	vshll.u32 v9, $0x10;
	v10 =	vld.idx.msk [tilespmem:v19+s5+$0x0], $0xffff;
	v43 =	vsel vm1, v7, v37  }
0x1b1: {  	v44 =	vsel vm0, v41, v40;
	v53 =	vsel vm1, v8, v47;
	v54 =	vsel vm0, v51, v50;
	v58 =	vld.idx.msk [tilespmem:v49+s1+$0x0], $0xffff  }
0x1b2: {  	v62 =	vld.idx.msk [tilespmem:v49+s3+$0x0], $0xffff;
	v19 =	vor.u32 $0x1A, v1;
	v26 =	vsel vm2, v11, v25;
	v3 =	vadd.f32 v6, v3  }
0x1b3: {  	v11 =	vld.idx.msk [tilespmem:v29+s5+$0x0], $0xffff;
	v6 =	vmul.f32 v13, v63;
	v2 =	vadd.f32 v4, v2;
	v4 =	vmul.f32 v16, v63  }
0x1b4: {  	v36 =	vsel vm2, v9, v35;
	v9 =	vld.idx.msk [tilespmem:v39+s5+$0x0], $0xffff;
	v29 =	vor.u32 $0x1B, v1;
	v39 =	vor.u32 $0x1C, v1  }
0x1b5: {  	v18 =	vld.idx.msk [tilespmem:v59+s1+$0x0], $0xffff;
	v3 =	vadd.f32 v6, v3;
	v6 =	vmul.f32 v24, v23;
	v2 =	vadd.f32 v4, v2  }
0x1b6: {  	v22 =	vld.idx.msk [tilespmem:v59+s3+$0x0], $0xffff;
	v4 =	vmul.f32 v26, v23;
	v57 =	vand.u32 $0xFFFF0000, v48;
	v7 =	vshll.u32 v48, $0x10  }
0x1b7: {  	v60 =	vand.u32 $0xFFFF0000, v52;
	v61 =	vshll.u32 v52, $0x10;
	v45 =	vand.u32 $0xFFFF0000, v10  }
0x1b8: {  	v10 =	vshll.u32 v10, $0x10;
	v63 =	vsel vm1, v7, v57;
	v13 =	vsel vm0, v61, v60  }
0x1b9: {  	v17 =	vand.u32 $0xFFFF0000, v58;
	v8 =	vshll.u32 v58, $0x10;
	v20 =	vand.u32 $0xFFFF0000, v62  }
0x1ba: {  	v21 =	vshll.u32 v62, $0x10;
	v27 =	vand.u32 $0xFFFF0000, v18;
	v7 =	vshll.u32 v18, $0x10  }
0x1bb: {  	v30 =	vand.u32 $0xFFFF0000, v22;
	v31 =	vshll.u32 v22, $0x10;
	v3 =	vadd.f32 v6, v3  }
0x1bc: {  	v28 =	vld.idx.msk [tilespmem:v19+s1+$0x0], $0xffff;
	v6 =	vmul.f32 v34, v33;
	v2 =	vadd.f32 v4, v2;
	v4 =	vmul.f32 v36, v33  }
0x1bd: {  	v32 =	vld.idx.msk [tilespmem:v19+s3+$0x0], $0xffff;
	v46 =	vsel vm2, v10, v45;
	v55 =	vand.u32 $0xFFFF0000, v11;
	v11 =	vshll.u32 v11, $0x10  }
0x1be: {  	v15 =	vand.u32 $0xFFFF0000, v9;
	v9 =	vshll.u32 v9, $0x10;
	v10 =	vld.idx.msk [tilespmem:v49+s5+$0x0], $0xffff;
	v23 =	vsel vm1, v8, v17  }
0x1bf: {  	v24 =	vsel vm0, v21, v20;
	v33 =	vsel vm1, v7, v27;
	v34 =	vsel vm0, v31, v30;
	v38 =	vld.idx.msk [tilespmem:v29+s1+$0x0], $0xffff  }
0x1c0: {  	v42 =	vld.idx.msk [tilespmem:v29+s3+$0x0], $0xffff;
	v49 =	vor.u32 $0x1D, v1;
	v56 =	vsel vm2, v11, v55;
	v3 =	vadd.f32 v6, v3  }
0x1c1: {  	v11 =	vld.idx.msk [tilespmem:v59+s5+$0x0], $0xffff;
	v6 =	vmul.f32 v44, v43;
	v2 =	vadd.f32 v4, v2;
	v4 =	vmul.f32 v46, v43  }
0x1c2: {  	v16 =	vsel vm2, v9, v15;
	v9 =	vld.idx.msk [tilespmem:v19+s5+$0x0], $0xffff;
	v59 =	vor.u32 $0x1E, v1;
	v19 =	vor.u32 $0x1F, v1  }
0x1c3: {  	v48 =	vld.idx.msk [tilespmem:v39+s1+$0x0], $0xffff;
	v3 =	vadd.f32 v6, v3;
	v6 =	vmul.f32 v54, v53;
	v2 =	vadd.f32 v4, v2  }
0x1c4: {  	v52 =	vld.idx.msk [tilespmem:v39+s3+$0x0], $0xffff;
	v4 =	vmul.f32 v56, v53;
	v37 =	vand.u32 $0xFFFF0000, v28;
	v8 =	vshll.u32 v28, $0x10  }
0x1c5: {  	v40 =	vand.u32 $0xFFFF0000, v32;
	v41 =	vshll.u32 v32, $0x10;
	v25 =	vand.u32 $0xFFFF0000, v10  }
0x1c6: {  	v10 =	vshll.u32 v10, $0x10;
	v43 =	vsel vm1, v8, v37;
	v44 =	vsel vm0, v41, v40  }
0x1c7: {  	v47 =	vand.u32 $0xFFFF0000, v38;
	v7 =	vshll.u32 v38, $0x10;
	v50 =	vand.u32 $0xFFFF0000, v42  }
0x1c8: {  	v51 =	vshll.u32 v42, $0x10;
	v57 =	vand.u32 $0xFFFF0000, v48;
	v8 =	vshll.u32 v48, $0x10  }
0x1c9: {  	v60 =	vand.u32 $0xFFFF0000, v52;
	v61 =	vshll.u32 v52, $0x10;
	v3 =	vadd.f32 v6, v3  }
0x1ca: {  	v58 =	vld.idx.msk [tilespmem:v49+s1+$0x0], $0xffff;
	v6 =	vmul.f32 v13, v63;
	v2 =	vadd.f32 v4, v2;
	v4 =	vmul.f32 v16, v63  }
0x1cb: {  	v62 =	vld.idx.msk [tilespmem:v49+s3+$0x0], $0xffff;
	v26 =	vsel vm2, v10, v25;
	v35 =	vand.u32 $0xFFFF0000, v11;
	v11 =	vshll.u32 v11, $0x10  }
0x1cc: {  	v45 =	vand.u32 $0xFFFF0000, v9;
	v9 =	vshll.u32 v9, $0x10;
	v10 =	vld.idx.msk [tilespmem:v29+s5+$0x0], $0xffff;
	v53 =	vsel vm1, v7, v47  }
0x1cd: {  	v54 =	vsel vm0, v51, v50;
	v63 =	vsel vm1, v8, v57;
	v13 =	vsel vm0, v61, v60;
	v18 =	vld.idx.msk [tilespmem:v59+s1+$0x0], $0xffff  }
0x1ce: {  	v22 =	vld.idx.msk [tilespmem:v59+s3+$0x0], $0xffff;
	v29 =	vor.u32 $0x20, v1;
	v36 =	vsel vm2, v11, v35;
	v3 =	vadd.f32 v6, v3  }
0x1cf: {  	v11 =	vld.idx.msk [tilespmem:v39+s5+$0x0], $0xffff;
	v6 =	vmul.f32 v24, v23;
	v2 =	vadd.f32 v4, v2;
	v4 =	vmul.f32 v26, v23  }
0x1d0: {  	v46 =	vsel vm2, v9, v45;
	v9 =	vld.idx.msk [tilespmem:v49+s5+$0x0], $0xffff;
	v39 =	vor.u32 $0x21, v1;
	v49 =	vor.u32 $0x22, v1  }
0x1d1: {  	v28 =	vld.idx.msk [tilespmem:v19+s1+$0x0], $0xffff;
	v3 =	vadd.f32 v6, v3;
	v6 =	vmul.f32 v34, v33;
	v2 =	vadd.f32 v4, v2  }
0x1d2: {  	v32 =	vld.idx.msk [tilespmem:v19+s3+$0x0], $0xffff;
	v4 =	vmul.f32 v36, v33;
	v17 =	vand.u32 $0xFFFF0000, v58;
	v7 =	vshll.u32 v58, $0x10  }
0x1d3: {  	v20 =	vand.u32 $0xFFFF0000, v62;
	v21 =	vshll.u32 v62, $0x10;
	v55 =	vand.u32 $0xFFFF0000, v10  }
0x1d4: {  	v10 =	vshll.u32 v10, $0x10;
	v23 =	vsel vm1, v7, v17;
	v24 =	vsel vm0, v21, v20  }
0x1d5: {  	v27 =	vand.u32 $0xFFFF0000, v18;
	v8 =	vshll.u32 v18, $0x10;
	v30 =	vand.u32 $0xFFFF0000, v22  }
0x1d6: {  	v31 =	vshll.u32 v22, $0x10;
	v37 =	vand.u32 $0xFFFF0000, v28;
	v7 =	vshll.u32 v28, $0x10  }
0x1d7: {  	v40 =	vand.u32 $0xFFFF0000, v32;
	v41 =	vshll.u32 v32, $0x10;
	v3 =	vadd.f32 v6, v3  }
0x1d8: {  	v38 =	vld.idx.msk [tilespmem:v29+s1+$0x0], $0xffff;
	v6 =	vmul.f32 v44, v43;
	v2 =	vadd.f32 v4, v2;
	v4 =	vmul.f32 v46, v43  }
0x1d9: {  	v42 =	vld.idx.msk [tilespmem:v29+s3+$0x0], $0xffff;
	v56 =	vsel vm2, v10, v55;
	v15 =	vand.u32 $0xFFFF0000, v11;
	v11 =	vshll.u32 v11, $0x10  }
0x1da: {  	v25 =	vand.u32 $0xFFFF0000, v9;
	v9 =	vshll.u32 v9, $0x10;
	v10 =	vld.idx.msk [tilespmem:v59+s5+$0x0], $0xffff;
	v33 =	vsel vm1, v8, v27  }
0x1db: {  	v34 =	vsel vm0, v31, v30;
	v43 =	vsel vm1, v7, v37;
	v44 =	vsel vm0, v41, v40;
	v48 =	vld.idx.msk [tilespmem:v39+s1+$0x0], $0xffff  }
0x1dc: {  	v52 =	vld.idx.msk [tilespmem:v39+s3+$0x0], $0xffff;
	v59 =	vor.u32 $0x23, v1;
	v16 =	vsel vm2, v11, v15;
	v3 =	vadd.f32 v6, v3  }
0x1dd: {  	v11 =	vld.idx.msk [tilespmem:v19+s5+$0x0], $0xffff;
	v6 =	vmul.f32 v54, v53;
	v2 =	vadd.f32 v4, v2;
	v4 =	vmul.f32 v56, v53  }
0x1de: {  	v26 =	vsel vm2, v9, v25;
	v9 =	vld.idx.msk [tilespmem:v29+s5+$0x0], $0xffff;
	v19 =	vor.u32 $0x24, v1;
	v29 =	vor.u32 $0x25, v1  }
0x1df: {  	v58 =	vld.idx.msk [tilespmem:v49+s1+$0x0], $0xffff;
	v3 =	vadd.f32 v6, v3;
	v6 =	vmul.f32 v13, v63;
	v2 =	vadd.f32 v4, v2  }
0x1e0: {  	v62 =	vld.idx.msk [tilespmem:v49+s3+$0x0], $0xffff;
	v4 =	vmul.f32 v16, v63;
	v47 =	vand.u32 $0xFFFF0000, v38;
	v8 =	vshll.u32 v38, $0x10  }
0x1e1: {  	v50 =	vand.u32 $0xFFFF0000, v42;
	v51 =	vshll.u32 v42, $0x10;
	v35 =	vand.u32 $0xFFFF0000, v10  }
0x1e2: {  	v10 =	vshll.u32 v10, $0x10;
	v53 =	vsel vm1, v8, v47;
	v54 =	vsel vm0, v51, v50  }
0x1e3: {  	v57 =	vand.u32 $0xFFFF0000, v48;
	v7 =	vshll.u32 v48, $0x10;
	v60 =	vand.u32 $0xFFFF0000, v52  }
0x1e4: {  	v61 =	vshll.u32 v52, $0x10;
	v17 =	vand.u32 $0xFFFF0000, v58;
	v8 =	vshll.u32 v58, $0x10  }
0x1e5: {  	v20 =	vand.u32 $0xFFFF0000, v62;
	v21 =	vshll.u32 v62, $0x10;
	v3 =	vadd.f32 v6, v3  }
0x1e6: {  	v18 =	vld.idx.msk [tilespmem:v59+s1+$0x0], $0xffff;
	v6 =	vmul.f32 v24, v23;
	v2 =	vadd.f32 v4, v2;
	v4 =	vmul.f32 v26, v23  }
0x1e7: {  	v22 =	vld.idx.msk [tilespmem:v59+s3+$0x0], $0xffff;
	v36 =	vsel vm2, v10, v35;
	v45 =	vand.u32 $0xFFFF0000, v11;
	v11 =	vshll.u32 v11, $0x10  }
0x1e8: {  	v55 =	vand.u32 $0xFFFF0000, v9;
	v9 =	vshll.u32 v9, $0x10;
	v10 =	vld.idx.msk [tilespmem:v39+s5+$0x0], $0xffff;
	v63 =	vsel vm1, v7, v57  }
0x1e9: {  	v13 =	vsel vm0, v61, v60;
	v23 =	vsel vm1, v8, v17;
	v24 =	vsel vm0, v21, v20;
	v28 =	vld.idx.msk [tilespmem:v19+s1+$0x0], $0xffff  }
0x1ea: {  	v32 =	vld.idx.msk [tilespmem:v19+s3+$0x0], $0xffff;
	v39 =	vor.u32 $0x26, v1;
	v46 =	vsel vm2, v11, v45;
	v3 =	vadd.f32 v6, v3  }
0x1eb: {  	v11 =	vld.idx.msk [tilespmem:v49+s5+$0x0], $0xffff;
	v6 =	vmul.f32 v34, v33;
	v2 =	vadd.f32 v4, v2;
	v4 =	vmul.f32 v36, v33  }
0x1ec: {  	v56 =	vsel vm2, v9, v55;
	v9 =	vld.idx.msk [tilespmem:v59+s5+$0x0], $0xffff;
	v49 =	vor.u32 $0x27, v1;
	v59 =	vor.u32 $0x28, v1  }
0x1ed: {  	v38 =	vld.idx.msk [tilespmem:v29+s1+$0x0], $0xffff;
	v3 =	vadd.f32 v6, v3;
	v6 =	vmul.f32 v44, v43;
	v2 =	vadd.f32 v4, v2  }
0x1ee: {  	v42 =	vld.idx.msk [tilespmem:v29+s3+$0x0], $0xffff;
	v4 =	vmul.f32 v46, v43;
	v27 =	vand.u32 $0xFFFF0000, v18;
	v7 =	vshll.u32 v18, $0x10  }
0x1ef: {  	v30 =	vand.u32 $0xFFFF0000, v22;
	v31 =	vshll.u32 v22, $0x10;
	v15 =	vand.u32 $0xFFFF0000, v10  }
0x1f0: {  	v10 =	vshll.u32 v10, $0x10;
	v33 =	vsel vm1, v7, v27;
	v34 =	vsel vm0, v31, v30  }
0x1f1: {  	v37 =	vand.u32 $0xFFFF0000, v28;
	v8 =	vshll.u32 v28, $0x10;
	v40 =	vand.u32 $0xFFFF0000, v32  }
0x1f2: {  	v41 =	vshll.u32 v32, $0x10;
	v47 =	vand.u32 $0xFFFF0000, v38;
	v7 =	vshll.u32 v38, $0x10  }
0x1f3: {  	v50 =	vand.u32 $0xFFFF0000, v42;
	v51 =	vshll.u32 v42, $0x10;
	v3 =	vadd.f32 v6, v3  }
0x1f4: {  	v48 =	vld.idx.msk [tilespmem:v39+s1+$0x0], $0xffff;
	v6 =	vmul.f32 v54, v53;
	v2 =	vadd.f32 v4, v2;
	v4 =	vmul.f32 v56, v53  }
0x1f5: {  	v52 =	vld.idx.msk [tilespmem:v39+s3+$0x0], $0xffff;
	v16 =	vsel vm2, v10, v15;
	v25 =	vand.u32 $0xFFFF0000, v11;
	v11 =	vshll.u32 v11, $0x10  }
0x1f6: {  	v35 =	vand.u32 $0xFFFF0000, v9;
	v9 =	vshll.u32 v9, $0x10;
	v10 =	vld.idx.msk [tilespmem:v19+s5+$0x0], $0xffff;
	v43 =	vsel vm1, v8, v37  }
0x1f7: {  	v44 =	vsel vm0, v41, v40;
	v53 =	vsel vm1, v7, v47;
	v54 =	vsel vm0, v51, v50;
	v58 =	vld.idx.msk [tilespmem:v49+s1+$0x0], $0xffff  }
0x1f8: {  	v62 =	vld.idx.msk [tilespmem:v49+s3+$0x0], $0xffff;
	v19 =	vor.u32 $0x29, v1;
	v26 =	vsel vm2, v11, v25;
	v3 =	vadd.f32 v6, v3  }
0x1f9: {  	v11 =	vld.idx.msk [tilespmem:v29+s5+$0x0], $0xffff;
	v6 =	vmul.f32 v13, v63;
	v2 =	vadd.f32 v4, v2;
	v4 =	vmul.f32 v16, v63  }
0x1fa: {  	v36 =	vsel vm2, v9, v35;
	v9 =	vld.idx.msk [tilespmem:v39+s5+$0x0], $0xffff;
	v29 =	vor.u32 $0x2A, v1;
	v39 =	vor.u32 $0x2B, v1  }
0x1fb: {  	v18 =	vld.idx.msk [tilespmem:v59+s1+$0x0], $0xffff;
	v3 =	vadd.f32 v6, v3;
	v6 =	vmul.f32 v24, v23;
	v2 =	vadd.f32 v4, v2  }
0x1fc: {  	v22 =	vld.idx.msk [tilespmem:v59+s3+$0x0], $0xffff;
	v4 =	vmul.f32 v26, v23;
	v57 =	vand.u32 $0xFFFF0000, v48;
	v8 =	vshll.u32 v48, $0x10  }
0x1fd: {  	v60 =	vand.u32 $0xFFFF0000, v52;
	v61 =	vshll.u32 v52, $0x10;
	v45 =	vand.u32 $0xFFFF0000, v10  }
0x1fe: {  	v10 =	vshll.u32 v10, $0x10;
	v63 =	vsel vm1, v8, v57;
	v13 =	vsel vm0, v61, v60  }
0x1ff: {  	v17 =	vand.u32 $0xFFFF0000, v58;
	v7 =	vshll.u32 v58, $0x10;
	v20 =	vand.u32 $0xFFFF0000, v62  }
0x200: {  	v21 =	vshll.u32 v62, $0x10;
	v27 =	vand.u32 $0xFFFF0000, v18;
	v8 =	vshll.u32 v18, $0x10  }
0x201: {  	v30 =	vand.u32 $0xFFFF0000, v22;
	v31 =	vshll.u32 v22, $0x10;
	v3 =	vadd.f32 v6, v3  }
0x202: {  	v28 =	vld.idx.msk [tilespmem:v19+s1+$0x0], $0xffff;
	v6 =	vmul.f32 v34, v33;
	v2 =	vadd.f32 v4, v2;
	v4 =	vmul.f32 v36, v33  }
0x203: {  	v32 =	vld.idx.msk [tilespmem:v19+s3+$0x0], $0xffff;
	v46 =	vsel vm2, v10, v45;
	v55 =	vand.u32 $0xFFFF0000, v11;
	v11 =	vshll.u32 v11, $0x10  }
0x204: {  	v15 =	vand.u32 $0xFFFF0000, v9;
	v9 =	vshll.u32 v9, $0x10;
	v10 =	vld.idx.msk [tilespmem:v49+s5+$0x0], $0xffff;
	v23 =	vsel vm1, v7, v17  }
0x205: {  	v24 =	vsel vm0, v21, v20;
	v33 =	vsel vm1, v8, v27;
	v34 =	vsel vm0, v31, v30;
	v38 =	vld.idx.msk [tilespmem:v29+s1+$0x0], $0xffff  }
0x206: {  	v42 =	vld.idx.msk [tilespmem:v29+s3+$0x0], $0xffff;
	v49 =	vor.u32 $0x2C, v1;
	v56 =	vsel vm2, v11, v55;
	v3 =	vadd.f32 v6, v3  }
0x207: {  	v11 =	vld.idx.msk [tilespmem:v59+s5+$0x0], $0xffff;
	v6 =	vmul.f32 v44, v43;
	v2 =	vadd.f32 v4, v2;
	v4 =	vmul.f32 v46, v43  }
0x208: {  	v16 =	vsel vm2, v9, v15;
	v9 =	vld.idx.msk [tilespmem:v19+s5+$0x0], $0xffff;
	v59 =	vor.u32 $0x2D, v1;
	v19 =	vor.u32 $0x2E, v1  }
0x209: {  	v48 =	vld.idx.msk [tilespmem:v39+s1+$0x0], $0xffff;
	v3 =	vadd.f32 v6, v3;
	v6 =	vmul.f32 v54, v53;
	v2 =	vadd.f32 v4, v2  }
0x20a: {  	v52 =	vld.idx.msk [tilespmem:v39+s3+$0x0], $0xffff;
	v4 =	vmul.f32 v56, v53;
	v37 =	vand.u32 $0xFFFF0000, v28;
	v7 =	vshll.u32 v28, $0x10  }
0x20b: {  	v40 =	vand.u32 $0xFFFF0000, v32;
	v41 =	vshll.u32 v32, $0x10;
	v25 =	vand.u32 $0xFFFF0000, v10  }
0x20c: {  	v10 =	vshll.u32 v10, $0x10;
	v43 =	vsel vm1, v7, v37;
	v44 =	vsel vm0, v41, v40  }
0x20d: {  	v47 =	vand.u32 $0xFFFF0000, v38;
	v8 =	vshll.u32 v38, $0x10;
	v50 =	vand.u32 $0xFFFF0000, v42  }
0x20e: {  	v51 =	vshll.u32 v42, $0x10;
	v57 =	vand.u32 $0xFFFF0000, v48;
	v7 =	vshll.u32 v48, $0x10  }
0x20f: {  	v60 =	vand.u32 $0xFFFF0000, v52;
	v61 =	vshll.u32 v52, $0x10;
	v3 =	vadd.f32 v6, v3  }
0x210: {  	v58 =	vld.idx.msk [tilespmem:v49+s1+$0x0], $0xffff;
	v6 =	vmul.f32 v13, v63;
	v2 =	vadd.f32 v4, v2;
	v4 =	vmul.f32 v16, v63  }
0x211: {  	v62 =	vld.idx.msk [tilespmem:v49+s3+$0x0], $0xffff;
	v26 =	vsel vm2, v10, v25;
	v35 =	vand.u32 $0xFFFF0000, v11;
	v11 =	vshll.u32 v11, $0x10  }
0x212: {  	v45 =	vand.u32 $0xFFFF0000, v9;
	v9 =	vshll.u32 v9, $0x10;
	v10 =	vld.idx.msk [tilespmem:v29+s5+$0x0], $0xffff;
	v53 =	vsel vm1, v8, v47  }
0x213: {  	v54 =	vsel vm0, v51, v50;
	v63 =	vsel vm1, v7, v57;
	v13 =	vsel vm0, v61, v60;
	v18 =	vld.idx.msk [tilespmem:v59+s1+$0x0], $0xffff  }
0x214: {  	v22 =	vld.idx.msk [tilespmem:v59+s3+$0x0], $0xffff;
	v29 =	vor.u32 $0x2F, v1;
	v36 =	vsel vm2, v11, v35;
	v3 =	vadd.f32 v6, v3  }
0x215: {  	v11 =	vld.idx.msk [tilespmem:v39+s5+$0x0], $0xffff;
	v6 =	vmul.f32 v24, v23;
	v2 =	vadd.f32 v4, v2;
	v4 =	vmul.f32 v26, v23  }
0x216: {  	v46 =	vsel vm2, v9, v45;
	v9 =	vld.idx.msk [tilespmem:v49+s5+$0x0], $0xffff;
	v39 =	vor.u32 $0x30, v1;
	v49 =	vor.u32 $0x31, v1  }
0x217: {  	v28 =	vld.idx.msk [tilespmem:v19+s1+$0x0], $0xffff;
	v3 =	vadd.f32 v6, v3;
	v6 =	vmul.f32 v34, v33;
	v2 =	vadd.f32 v4, v2  }
0x218: {  	v32 =	vld.idx.msk [tilespmem:v19+s3+$0x0], $0xffff;
	v4 =	vmul.f32 v36, v33;
	v17 =	vand.u32 $0xFFFF0000, v58;
	v8 =	vshll.u32 v58, $0x10  }
0x219: {  	v20 =	vand.u32 $0xFFFF0000, v62;
	v21 =	vshll.u32 v62, $0x10;
	v55 =	vand.u32 $0xFFFF0000, v10  }
0x21a: {  	v10 =	vshll.u32 v10, $0x10;
	v23 =	vsel vm1, v8, v17;
	v24 =	vsel vm0, v21, v20  }
0x21b: {  	v27 =	vand.u32 $0xFFFF0000, v18;
	v7 =	vshll.u32 v18, $0x10;
	v30 =	vand.u32 $0xFFFF0000, v22  }
0x21c: {  	v31 =	vshll.u32 v22, $0x10;
	v37 =	vand.u32 $0xFFFF0000, v28;
	v8 =	vshll.u32 v28, $0x10  }
0x21d: {  	v40 =	vand.u32 $0xFFFF0000, v32;
	v41 =	vshll.u32 v32, $0x10;
	v20 =	vor.u32 $0x33, v1  }
0x21e: {  	v3 =	vadd.f32 v6, v3;
	v6 =	vmul.f32 v44, v43;
	v2 =	vadd.f32 v4, v2  }
0x21f: {  	v4 =	vmul.f32 v46, v43;
	v56 =	vsel vm2, v10, v55;
	v15 =	vand.u32 $0xFFFF0000, v11  }
0x220: {  	v38 =	vld.idx.msk [tilespmem:v29+s1+$0x0], $0xffff;
	v11 =	vshll.u32 v11, $0x10;
	v25 =	vand.u32 $0xFFFF0000, v9;
	v9 =	vshll.u32 v9, $0x10  }
0x221: {  	v42 =	vld.idx.msk [tilespmem:v29+s3+$0x0], $0xffff;
	v33 =	vsel vm1, v7, v27;
	v34 =	vsel vm0, v31, v30;
	v43 =	vsel vm1, v8, v37  }
0x222: {  	v10 =	vld.idx.msk [tilespmem:v59+s5+$0x0], $0xffff;
	v44 =	vsel vm0, v41, v40;
	v59 =	vor.u32 $0x32, v1;
	v30 =	vor.u32 $0x34, v1  }
0x223: {  	v48 =	vld.idx.msk [tilespmem:v39+s1+$0x0], $0xffff;
	v40 =	vor.u32 $0x35, v1;
	v3 =	vadd.f32 v6, v3;
	v6 =	vmul.f32 v54, v53  }
0x224: {  	v52 =	vld.idx.msk [tilespmem:v39+s3+$0x0], $0xffff;
	v16 =	vsel vm2, v11, v15;
	v2 =	vadd.f32 v4, v2;
	v4 =	vmul.f32 v56, v53  }
0x225: {  	v58 =	vld.idx.msk [tilespmem:v49+s1+$0x0], $0xffff;
	v26 =	vsel vm2, v9, v25;
	v3 =	vadd.f32 v6, v3;
	v6 =	vmul.f32 v13, v63  }
0x226: {  	v62 =	vld.idx.msk [tilespmem:v49+s3+$0x0], $0xffff;
	v2 =	vadd.f32 v4, v2;
	v4 =	vmul.f32 v16, v63;
	v47 =	vand.u32 $0xFFFF0000, v38  }
0x227: {  	v7 =	vshll.u32 v38, $0x10;
	v50 =	vand.u32 $0xFFFF0000, v42;
	v51 =	vshll.u32 v42, $0x10  }
0x228: {  	v11 =	vld.idx.msk [tilespmem:v19+s5+$0x0], $0xffff;
	v35 =	vand.u32 $0xFFFF0000, v10;
	v10 =	vshll.u32 v10, $0x10;
	v53 =	vsel vm1, v7, v47  }
0x229: {  	v9 =	vld.idx.msk [tilespmem:v29+s5+$0x0], $0xffff;
	v54 =	vsel vm0, v51, v50;
	v57 =	vand.u32 $0xFFFF0000, v48;
	v8 =	vshll.u32 v48, $0x10  }
0x22a: {  	v60 =	vand.u32 $0xFFFF0000, v52;
	v61 =	vshll.u32 v52, $0x10;
	v18 =	vand.u32 $0xFFFF0000, v58  }
0x22b: {  	v7 =	vshll.u32 v58, $0x10;
	v21 =	vand.u32 $0xFFFF0000, v62;
	v22 =	vshll.u32 v62, $0x10  }
0x22c: {  	v50 =	vor.u32 $0x36, v1;
	v3 =	vadd.f32 v6, v3;
	v6 =	vmul.f32 v24, v23  }
0x22d: {  	v2 =	vadd.f32 v4, v2;
	v4 =	vmul.f32 v26, v23;
	v36 =	vsel vm2, v10, v35  }
0x22e: {  	v29 =	vld.idx.msk [tilespmem:v20+s1+$0x0], $0xffff;
	v45 =	vand.u32 $0xFFFF0000, v11;
	v11 =	vshll.u32 v11, $0x10;
	v55 =	vand.u32 $0xFFFF0000, v9  }
0x22f: {  	v9 =	vshll.u32 v9, $0x10;
	v63 =	vsel vm1, v8, v57;
	v15 =	vsel vm0, v61, v60  }
0x230: {  	v19 =	vld.idx.msk [tilespmem:v59+s1+$0x0], $0xffff;
	v24 =	vsel vm1, v7, v18;
	v25 =	vsel vm0, v22, v21;
	v60 =	vor.u32 $0x37, v1  }
0x231: {  	v10 =	vld.idx.msk [tilespmem:v39+s5+$0x0], $0xffff;
	v22 =	vor.u32 $0x38, v1;
	v46 =	vsel vm2, v11, v45;
	v3 =	vadd.f32 v6, v3  }
0x232: {  	v23 =	vld.idx.msk [tilespmem:v59+s3+$0x0], $0xffff;
	v6 =	vmul.f32 v34, v33;
	v2 =	vadd.f32 v4, v2;
	v4 =	vmul.f32 v36, v33  }
0x233: {  	v39 =	vld.idx.msk [tilespmem:v30+s1+$0x0], $0xffff;
	v56 =	vsel vm2, v9, v55;
	v38 =	vand.u32 $0xFFFF0000, v29;
	v7 =	vshll.u32 v29, $0x10  }
0x234: {  	v3 =	vadd.f32 v6, v3;
	v6 =	vmul.f32 v44, v43;
	v2 =	vadd.f32 v4, v2  }
0x235: {  	v11 =	vld.idx.msk [tilespmem:v49+s5+$0x0], $0xffff;
	v4 =	vmul.f32 v46, v43;
	v28 =	vand.u32 $0xFFFF0000, v19;
	v8 =	vshll.u32 v19, $0x10  }
0x236: {  	v9 =	vld.idx.msk [tilespmem:v59+s5+$0x0], $0xffff;
	v44 =	vsel vm1, v7, v38;
	v16 =	vand.u32 $0xFFFF0000, v10;
	v10 =	vshll.u32 v10, $0x10  }
0x237: {  	v49 =	vld.idx.msk [tilespmem:v40+s1+$0x0], $0xffff;
	v31 =	vand.u32 $0xFFFF0000, v23;
	v32 =	vshll.u32 v23, $0x10;
	v34 =	vsel vm1, v8, v28  }
0x238: {  	v48 =	vand.u32 $0xFFFF0000, v39;
	v8 =	vshll.u32 v39, $0x10;
	v3 =	vadd.f32 v6, v3  }
0x239: {  	v33 =	vld.idx.msk [tilespmem:v20+s3+$0x0], $0xffff;
	v6 =	vmul.f32 v54, v53;
	v2 =	vadd.f32 v4, v2;
	v4 =	vmul.f32 v56, v53  }
0x23a: {  	v17 =	vsel vm2, v10, v16;
	v26 =	vand.u32 $0xFFFF0000, v11;
	v11 =	vshll.u32 v11, $0x10  }
0x23b: {  	v43 =	vld.idx.msk [tilespmem:v30+s3+$0x0], $0xffff;
	v35 =	vsel vm0, v32, v31;
	v36 =	vand.u32 $0xFFFF0000, v9;
	v9 =	vshll.u32 v9, $0x10  }
0x23c: {  	v59 =	vld.idx.msk [tilespmem:v50+s1+$0x0], $0xffff;
	v54 =	vsel vm1, v8, v48;
	v58 =	vand.u32 $0xFFFF0000, v49;
	v7 =	vshll.u32 v49, $0x10  }
0x23d: {  	v32 =	vor.u32 $0x39, v1;
	v27 =	vsel vm2, v11, v26;
	v37 =	vsel vm2, v9, v36  }
0x23e: {  	v41 =	vand.u32 $0xFFFF0000, v33;
	v42 =	vshll.u32 v33, $0x10;
	v16 =	vsel vm1, v7, v58  }
0x23f: {  	v21 =	vld.idx.msk [tilespmem:v60+s1+$0x0], $0xffff;
	v3 =	vadd.f32 v6, v3;
	v6 =	vmul.f32 v15, v63;
	v2 =	vadd.f32 v4, v2  }
0x240: {  	v10 =	vld.idx.msk [tilespmem:v20+s5+$0x0], $0xffff;
	v4 =	vmul.f32 v17, v63;
	v45 =	vsel vm0, v42, v41;
	v42 =	vor.u32 $0x3A, v1  }
0x241: {  	v53 =	vld.idx.msk [tilespmem:v40+s3+$0x0], $0xffff;
	v51 =	vand.u32 $0xFFFF0000, v43;
	v52 =	vshll.u32 v43, $0x10;
	v20 =	vand.u32 $0xFFFF0000, v59  }
0x242: {  	v31 =	vld.idx.msk [tilespmem:v22+s1+$0x0], $0xffff;
	v8 =	vshll.u32 v59, $0x10;
	v3 =	vadd.f32 v6, v3;
	v6 =	vmul.f32 v25, v24  }
0x243: {  	v2 =	vadd.f32 v4, v2;
	v4 =	vmul.f32 v27, v24;
	v55 =	vsel vm0, v52, v51  }
0x244: {  	v11 =	vld.idx.msk [tilespmem:v30+s5+$0x0], $0xffff;
	v26 =	vsel vm1, v8, v20;
	v30 =	vand.u32 $0xFFFF0000, v21;
	v7 =	vshll.u32 v21, $0x10  }
0x245: {  	v9 =	vld.idx.msk [tilespmem:v40+s5+$0x0], $0xffff;
	v52 =	vor.u32 $0x3B, v1;
	v46 =	vand.u32 $0xFFFF0000, v10;
	v10 =	vshll.u32 v10, $0x10  }
0x246: {  	v61 =	vand.u32 $0xFFFF0000, v53;
	v62 =	vshll.u32 v53, $0x10;
	v36 =	vsel vm1, v7, v30  }
0x247: {  	v63 =	vld.idx.msk [tilespmem:v50+s3+$0x0], $0xffff;
	v40 =	vand.u32 $0xFFFF0000, v31;
	v8 =	vshll.u32 v31, $0x10;
	v3 =	vadd.f32 v6, v3  }
0x248: {  	v6 =	vmul.f32 v35, v34;
	v2 =	vadd.f32 v4, v2;
	v4 =	vmul.f32 v37, v34  }
0x249: {  	v47 =	vsel vm2, v10, v46;
	v56 =	vand.u32 $0xFFFF0000, v11;
	v11 =	vshll.u32 v11, $0x10  }
0x24a: {  	v25 =	vld.idx.msk [tilespmem:v60+s3+$0x0], $0xffff;
	v17 =	vsel vm0, v62, v61;
	v18 =	vand.u32 $0xFFFF0000, v9;
	v9 =	vshll.u32 v9, $0x10  }
0x24b: {  	v41 =	vld.idx.msk [tilespmem:v32+s1+$0x0], $0xffff;
	v46 =	vsel vm1, v8, v40;
	v62 =	vor.u32 $0x3C, v1;
	v57 =	vsel vm2, v11, v56  }
0x24c: {  	v10 =	vld.idx.msk [tilespmem:v50+s5+$0x0], $0xffff;
	v19 =	vsel vm2, v9, v18;
	v23 =	vand.u32 $0xFFFF0000, v63;
	v24 =	vshll.u32 v63, $0x10  }
0x24d: {  	v35 =	vld.idx.msk [tilespmem:v22+s3+$0x0], $0xffff;
	v3 =	vadd.f32 v6, v3;
	v6 =	vmul.f32 v45, v44;
	v2 =	vadd.f32 v4, v2  }
0x24e: {  	v4 =	vmul.f32 v47, v44;
	v27 =	vsel vm0, v24, v23;
	v24 =	vor.u32 $0x3D, v1  }
0x24f: {  	v33 =	vand.u32 $0xFFFF0000, v25;
	v34 =	vshll.u32 v25, $0x10;
	v3 =	vadd.f32 v6, v3  }
0x250: {  	v11 =	vld.idx.msk [tilespmem:v60+s5+$0x0], $0xffff;
	v6 =	vmul.f32 v55, v54;
	v2 =	vadd.f32 v4, v2;
	v4 =	vmul.f32 v57, v54  }
0x251: {  	v9 =	vld.idx.msk [tilespmem:v22+s5+$0x0], $0xffff;
	v37 =	vsel vm0, v34, v33;
	v50 =	vand.u32 $0xFFFF0000, v41;
	v7 =	vshll.u32 v41, $0x10  }
0x252: {  	v51 =	vld.idx.msk [tilespmem:v42+s1+$0x0], $0xffff;
	v28 =	vand.u32 $0xFFFF0000, v10;
	v10 =	vshll.u32 v10, $0x10;
	v43 =	vand.u32 $0xFFFF0000, v35  }
0x253: {  	v45 =	vld.idx.msk [tilespmem:v32+s3+$0x0], $0xffff;
	v44 =	vshll.u32 v35, $0x10;
	v56 =	vsel vm1, v7, v50;
	v3 =	vadd.f32 v6, v3  }
0x254: {  	v6 =	vmul.f32 v17, v16;
	v2 =	vadd.f32 v4, v2;
	v4 =	vmul.f32 v19, v16  }
0x255: {  	v29 =	vsel vm2, v10, v28;
	v38 =	vand.u32 $0xFFFF0000, v11;
	v11 =	vshll.u32 v11, $0x10  }
0x256: {  	v61 =	vld.idx.msk [tilespmem:v52+s1+$0x0], $0xffff;
	v47 =	vsel vm0, v44, v43;
	v48 =	vand.u32 $0xFFFF0000, v9;
	v9 =	vshll.u32 v9, $0x10  }
0x257: {  	v55 =	vld.idx.msk [tilespmem:v42+s3+$0x0], $0xffff;
	v60 =	vand.u32 $0xFFFF0000, v51;
	v8 =	vshll.u32 v51, $0x10;
	v39 =	vsel vm2, v11, v38  }
0x258: {  	v49 =	vsel vm2, v9, v48;
	v53 =	vand.u32 $0xFFFF0000, v45;
	v54 =	vshll.u32 v45, $0x10  }
0x259: {  	v23 =	vld.idx.msk [tilespmem:v62+s1+$0x0], $0xffff;
	v18 =	vsel vm1, v8, v60;
	v38 =	vor.u32 $0x3E, v1;
	v1 =	vor.u32 $0x3F, v1  }
0x25a: {  	v10 =	vld.idx.msk [tilespmem:v32+s5+$0x0], $0xffff;
	v3 =	vadd.f32 v6, v3;
	v6 =	vmul.f32 v27, v26;
	v2 =	vadd.f32 v4, v2  }
0x25b: {  	v17 =	vld.idx.msk [tilespmem:v52+s3+$0x0], $0xffff;
	v4 =	vmul.f32 v29, v26;
	v57 =	vsel vm0, v54, v53;
	v22 =	vand.u32 $0xFFFF0000, v61  }
0x25c: {  	v7 =	vshll.u32 v61, $0x10;
	v63 =	vand.u32 $0xFFFF0000, v55;
	v16 =	vshll.u32 v55, $0x10  }
0x25d: {  	v11 =	vld.idx.msk [tilespmem:v42+s5+$0x0], $0xffff;
	v28 =	vsel vm1, v7, v22;
	v3 =	vadd.f32 v6, v3;
	v6 =	vmul.f32 v37, v36  }
0x25e: {  	v9 =	vld.idx.msk [tilespmem:v52+s5+$0x0], $0xffff;
	v2 =	vadd.f32 v4, v2;
	v4 =	vmul.f32 v39, v36;
	v19 =	vsel vm0, v16, v63  }
0x25f: {  	v34 =	vld.idx.msk [tilespmem:v24+s1+$0x0], $0xffff;
	v32 =	vand.u32 $0xFFFF0000, v23;
	v33 =	vshll.u32 v23, $0x10;
	v58 =	vand.u32 $0xFFFF0000, v10  }
0x260: {  	v41 =	vld.idx.msk [tilespmem:v24+s5+$0x0], $0xffff;
	v10 =	vshll.u32 v10, $0x10;
	v25 =	vand.u32 $0xFFFF0000, v17;
	v26 =	vshll.u32 v17, $0x10  }
0x261: {  	v27 =	vld.idx.msk [tilespmem:v62+s3+$0x0], $0xffff;
	v39 =	vsel vm1, v33, v32;
	v3 =	vadd.f32 v6, v3;
	v6 =	vmul.f32 v47, v46  }
0x262: {  	v2 =	vadd.f32 v4, v2;
	v4 =	vmul.f32 v49, v46;
	v59 =	vsel vm2, v10, v58  }
0x263: {  	v20 =	vand.u32 $0xFFFF0000, v11;
	v11 =	vshll.u32 v11, $0x10;
	v29 =	vsel vm0, v26, v25  }
0x264: {  	v37 =	vld.idx.msk [tilespmem:v24+s3+$0x0], $0xffff;
	v30 =	vand.u32 $0xFFFF0000, v9;
	v9 =	vshll.u32 v9, $0x10;
	v44 =	vand.u32 $0xFFFF0000, v34  }
0x265: {  	v45 =	vshll.u32 v34, $0x10;
	v7 =	vshll.u32 v41, $0x10;
	v21 =	vsel vm2, v11, v20  }
0x266: {  	v10 =	vld.idx.msk [tilespmem:v62+s5+$0x0], $0xffff;
	v31 =	vsel vm2, v9, v30;
	v35 =	vand.u32 $0xFFFF0000, v27;
	v36 =	vshll.u32 v27, $0x10  }
0x267: {  	v47 =	vld.idx.msk [tilespmem:v38+s1+$0x0], $0xffff;
	v11 =	vand.u32 $0xFFFF0000, v41;
	v5 =	vsel vm1, v45, v44;
	v3 =	vadd.f32 v6, v3  }
0x268: {  	v49 =	vld.idx.msk [tilespmem:v38+s3+$0x0], $0xffff;
	v6 =	vmul.f32 v57, v56;
	v2 =	vadd.f32 v4, v2;
	v4 =	vmul.f32 v59, v56  }
0x269: {  	v51 =	vld.idx.msk [tilespmem:v38+s5+$0x0], $0xffff;
	v40 =	vsel vm0, v36, v35;
	v7 =	vsel vm2, v7, v11;
	v46 =	vand.u32 $0xFFFF0000, v37  }
0x26a: {  	v48 =	vshll.u32 v37, $0x10;
	v3 =	vadd.f32 v6, v3;
	v6 =	vmul.f32 v19, v18  }
0x26b: {  	v53 =	vld.idx.msk [tilespmem:v1+s1+$0x0], $0xffff;
	v2 =	vadd.f32 v4, v2;
	v4 =	vmul.f32 v21, v18;
	v50 =	vsel vm0, v48, v46  }
0x26c: {  	v55 =	vld.idx.msk [tilespmem:v1+s3+$0x0], $0xffff;
	v42 =	vand.u32 $0xFFFF0000, v10;
	v10 =	vshll.u32 v10, $0x10;
	v52 =	vmul.f32 v50, v5  }
0x26d: {  	v5 =	vmul.f32 v7, v5;
	v54 =	vand.u32 $0xFFFF0000, v47;
	v56 =	vshll.u32 v47, $0x10  }
0x26e: {  	v1 =	vld.idx.msk [tilespmem:v1+s5+$0x0], $0xffff;
	v57 =	vand.u32 $0xFFFF0000, v49;
	v58 =	vshll.u32 v49, $0x10;
	v60 =	vand.u32 $0xFFFF0000, v51  }
0x26f: {  	v8 =	vshll.u32 v51, $0x10;
	v3 =	vadd.f32 v6, v3;
	v6 =	vmul.f32 v29, v28  }
0x270: {  	v2 =	vadd.f32 v4, v2;
	v4 =	vmul.f32 v31, v28;
	v9 =	vsel vm2, v10, v42  }
0x271: {  	v61 =	vand.u32 $0xFFFF0000, v53;
	v62 =	vand.u32 $0xFFFF0000, v55;
	v43 =	vmul.f32 v9, v39  }
0x272: {  	v3 =	vadd.f32 v6, v3;
	v6 =	vmul.f32 v40, v39;
	v2 =	vadd.f32 v4, v2  }
0x273: {  	v63 =	vand.u32 $0xFFFF0000, v1;
	v1 =	vshll.u32 v1, $0x10;
	v59 =	vsel vm0, v58, v57  }
0x274: {  	v4 =	vsel vm1, v56, v54;
	v3 =	vadd.f32 v6, v3;
	v2 =	vadd.f32 v43, v2  }
0x275: {  	v8 =	vsel vm2, v8, v60;
	v7 =	vmul.f32 v59, v4;
	v6 =	vshll.u32 v53, $0x10  }
0x276: {  	v3 =	vadd.f32 v52, v3;
	v2 =	vadd.f32 v5, v2;
	v5 =	vshll.u32 v55, $0x10  }
0x277: {  	v4 =	vmul.f32 v8, v4;
	v6 =	vsel vm1, v6, v61;
	v5 =	vsel vm0, v5, v62  }
0x278: {  	p0 =	sne.s32 s0, $0x70;
	v1 =	vsel vm2, v1, v63;
	v3 =	vadd.f32 v7, v3;
	v5 =	vmul.f32 v5, v6  }
.Ltmp1:
0x279: {  	v1 =	vmul.f32 v1, v6;
	v2 =	vadd.f32 v4, v2;
	(pc) =	sbr.rel @p0 .LBB2_5-.Ltmp1, $4  }
0x27a: {  	v3 =	vadd.f32 v5, v3  }
0x27b: {  	v1 =	vadd.f32 v1, v2  }
0x27c: {  	s30 =	sadd.s32 $0x10, s30;
	s29 =	sadd.s32 $0x10, s29;
	s28 =	sadd.s32 $0x10, s28;
	[tilespmem:s31+$0x0] =	vst v3  }
0x27d: {  	s0 =	sadd.s32 $0x10, s0;
	s31 =	sadd.s32 $0x10, s31;
	[tilespmem:s23+$0x0] =	vst v1;
	s23 =	sadd.s32 $0x10, s23  }
0x27e: {  	s0 =	sld [smem:$0x7F6];
	_ =	sdelay $0x2  }
0x27f: {  	s0 =	sadd.s32 $0x1, s0  }
0x280: {  	p0 =	sne.s32 s0, $0x4  }
.Ltmp2:
0x281: {  	_ = 	snop;
	(pc) =	sbr.rel @p0 .LBB2_2-.Ltmp2, $3  }
0x282: {  	_ =	sdelay $0x1  }
0x283: {  	s9 =	sadd.s32 $0x80, s9;
	s14 =	sadd.s32 $0x80, s14  }
0x284: {  	s17 =	sadd.s32 $0x80, s17;
	s7 =	sadd.s32 $0x80, s7;
	s6 =	sadd.s32 $0x80, s6  }
0x285: {  	s0 =	rddreg [dreg:$0x1e];
	s1 =	simm.s32 $0xC600;
	s3 =	simm.s32 $0x2  }
0x286: {  	[hbm4b:s0+s18] =	stream.linear.scatter [tilespmem:s1], [sflag:$0x2], $0x200, $0x38;
	[tilespmem:$0xCA00] =	vst v63  }
0x287: {  	_ =	swait.ge [sflag:s3], $0x200  }
0x288: {  	[sflag:s3] =	ssyncset.done $0x0  }
0x289: {  	s29 =	simm.s32 $0xC800;
	s28 =	rddreg [dreg:$0x1f];
	[sflag:s3] =	ssyncadd.s32 $0xFFFFFE00  }
0x28a: {  	[hbm4b:s28+s18] =	stream.linear.scatter [tilespmem:s29], [sflag:$0x2], $0x200, $0x38;
	[tilespmem:$0xCA00] =	vst v63  }
0x28b: {  	_ =	swait.ge [sflag:s3], $0x200  }
0x28c: {  	s30 =	sld [smem:$0x7FC]  }
0x28d: {  	s31 =	sld [smem:$0x7FD];
	_ =	sdelay $0x1  }
0x28e: {  	s1 =	sadd.s32 $0x1, s30  }
0x28f: {  	p0 =	sne.s32 s1, s31  }
.Ltmp3:
0x290: {  	_ = 	snop;
	(pc) =	sbr.rel @p0 .LBB2_1-.Ltmp3, $3  }
0x291: {  	_ =	sdelay $0x1  }
0x292: {  	[sflag:s3] =	ssyncset.done $0x0  }
0x293: {  	[sflag:s3] =	ssyncadd.s32 $0xFFFFFE00  }
0x294: {  	_ =	sfence.sel $0x180000  }
0x295: {  	[bflag:$0x0] =	sbarrier.arrive $0xFFFF  }
0x296: {  	_ =	strace $0x90000047  }
0x297: {  	s0 =	stileid.u32;
	[bflag:$0x2] =	sbarrier.arrive $0xFFFF  }
0x298: {  	p0 =	sne.s32 s0, $0x0;
	s0 =	rddreg [dreg:$0x3]  }
0x299: {  	s0 =	sadd.s32 @!p0 $0x100000, s0  }
0x29a: {  	[sflag:s0] =	ssyncadd.tile.s32 @!p0 $0x1;
	_ =	shalt  }
.Lfunc_end2:
_tile_overlayer_lowered:
.L_overlay_start_2:
0x29b: {  	(tag) =	ssettag $0x2  }
0x29c: {  	s0 =	rddreg [dreg:$0x0];
	s2 =	stileid.u32  }
0x29d: {  	s1 =	rddreg [dreg:$0x1];
	p0 =	sne.s32 s2, $0x0  }
0x29e: {  	s3 =	rddreg [dreg:$0x2];
	[bflag:$0x3] =	sbarrier.arrive $0xFFFF;
	s2 =	simm.s32 @!p0 $0x1C02  }
0x29f: {  	[timem:s3], [sflag:s2] =	dma.local @!p0 [hbm:s0], s1  }
0x2a0: {  	s0 =	simm.s32 @!p0 $0x2  }
0x2a1: {  	_ =	swait.ge @!p0 [sflag:s0], s1  }
0x2a2: {  	s1 =	ssub.s32 @!p0 $0x0, s1;
	[sflag:s0] =	ssyncset.done @!p0 $0x0  }
0x2a3: {  	[sflag:s0] =	ssyncadd.s32 @!p0 s1  }
0x2a4: {  	[bflag:$0x3] =	sbarrier.arrive $0xFFFF  }
0x2a5: {  	_ =	shalt  }

</sc_bundles>
